<compile_context>
chip_gen: v7x
topology: tpu7x:2x2x1
jax: 0.10.2.dev20260603
libtpu: 0.0.44.dev20260713+nightly
codegen_flags: <defaults>
</compile_context>

<pallas_src>
import functools

import jax
import jax.numpy as jnp
from jax import lax
from jax.experimental import pallas as pl
from jax.experimental.pallas import tpu as pltpu
from jax.experimental.pallas import tpu_sc as plsc

VOCAB = 1_000_000
EMBED_DIM = 32
BATCH = 16384
HIST = 200


_C = 32256
_N_CHUNK = 31
_MAIN = _C * _N_CHUNK


_NBUF = 4


def _matvec_body(wt_ref, b_ref, embt_hbm, s_ref, buf, sem):
    i = pl.program_id(0)

    def start(step):
        slot = lax.rem(step, _NBUF)
        for r in range(EMBED_DIM // 8):
            pltpu.make_async_copy(
                embt_hbm.at[pl.ds(8 * r, 8), pl.ds(step * _C, _C)],
                buf.at[slot, pl.ds(8 * r, 8)], sem.at[slot, r]
            ).start()

    @pl.when(i == 0)
    def _():
        for k in range(_NBUF - 1):
            start(k)

    @pl.when(i + _NBUF - 1 < _N_CHUNK)
    def _():
        start(i + _NBUF - 1)

    slot = lax.rem(i, _NBUF)
    for r in range(EMBED_DIM // 8):
        pltpu.make_async_copy(
            embt_hbm.at[pl.ds(8 * r, 8), pl.ds(i * _C, _C)],
            buf.at[slot, pl.ds(8 * r, 8)], sem.at[slot, r]
        ).wait()
    vals = buf[slot] * wt_ref[...]
    red = jnp.sum(vals, axis=0) + b_ref[0, 0]
    r = lax.rem(i, _SUB)
    s_ref[pl.ds(r, 1), :] = red[None, :]


_SUB = 8


def _table_scores(emb_t, wt_scaled, b_scaled):
    s2d = pl.pallas_call(
        _matvec_body,
        grid=(_N_CHUNK,),
        in_specs=[
            pl.BlockSpec((EMBED_DIM, 1), lambda i: (0, 0)),
            pl.BlockSpec(memory_space=pltpu.SMEM),
            pl.BlockSpec(memory_space=pl.ANY),
        ],
        out_specs=pl.BlockSpec((_SUB, _C), lambda i: (i // _SUB, 0)),
        out_shape=jax.ShapeDtypeStruct((4 * _SUB, _C), jnp.float32),
        scratch_shapes=[
            pltpu.VMEM((_NBUF, EMBED_DIM, _C), jnp.float32),
            pltpu.SemaphoreType.DMA((_NBUF, EMBED_DIM // 8)),
        ],
        compiler_params=pltpu.CompilerParams(
            dimension_semantics=("arbitrary",)),
    )(wt_scaled, b_scaled, emb_t)
    return s2d.reshape(4 * _SUB * _C)[:_MAIN]



_NW = 32
_ROWS_PER_W = BATCH // _NW
_GRP = 32
_N_GRP = _ROWS_PER_W // _GRP
_IDX_PER_GRP = _GRP * HIST


_UNROLL = 8


_NPIPE = 6


def _bag_kernel(tok_hbm, s_hbm, out_hbm, tok_v0, tok_v1, tok_v2, tok_v3,
                tok_v4, tok_v5, val_v0, val_v1, val_v2, val_v3, val_v4,
                val_v5, out_v, tsem, vsem):
    nc = 2
    wid = lax.axis_index("s") * nc + lax.axis_index("c")
    base = wid * (_ROWS_PER_W * HIST)
    lane = lax.iota(jnp.int32, 16) * HIST
    tok_b = (tok_v0, tok_v1, tok_v2, tok_v3, tok_v4, tok_v5)
    val_b = (val_v0, val_v1, val_v2, val_v3, val_v4, val_v5)

    def tok_start(g):
        return pltpu.async_copy(
            tok_hbm.at[pl.ds(base + g * _IDX_PER_GRP, _IDX_PER_GRP)],
            tok_b[g % _NPIPE], tsem.at[g % _NPIPE])

    def tok_wait(g):
        pltpu.make_async_copy(
            tok_hbm.at[pl.ds(base + g * _IDX_PER_GRP, _IDX_PER_GRP)],
            tok_b[g % _NPIPE], tsem.at[g % _NPIPE]).wait()

    def gat_start(g):
        return pltpu.async_copy(s_hbm.at[tok_b[g % _NPIPE]],
                                val_b[g % _NPIPE], vsem.at[g % _NPIPE])

    def gat_wait(g):
        pltpu.make_async_copy(s_hbm.at[tok_b[g % _NPIPE]],
                              val_b[g % _NPIPE], vsem.at[g % _NPIPE]).wait()

    for k in range(6):
        tok_start(k)
    for k in range(5):
        tok_wait(k)
        gat_start(k)

    for g in range(_N_GRP):
        gat_wait(g)
        if g + 5 < _N_GRP:
            tok_wait(g + 5)
            gat_start(g + 5)
        if g + 6 < _N_GRP:
            tok_start(g + 6)

        vv = val_b[g % _NPIPE]

        def body(i, accs):
            a0, a1 = accs
            n = i * _UNROLL
            for u in range(_UNROLL):
                a0 = a0 + plsc.load_gather(vv, [lane + (n + u)])
                a1 = a1 + plsc.load_gather(vv, [lane + (16 * HIST + n + u)])
            return a0, a1

        z = jnp.zeros((16,), jnp.float32)
        a0, a1 = lax.fori_loop(0, HIST // _UNROLL, body, (z, z))
        out_v[pl.ds(g * _GRP, 16)] = a0
        out_v[pl.ds(g * _GRP + 16, 16)] = a1

    pltpu.sync_copy(out_v, out_hbm.at[pl.ds(wid * _ROWS_PER_W, _ROWS_PER_W)])


@functools.cache
def _bag():
    return pl.kernel(
        _bag_kernel,
        mesh=plsc.VectorSubcoreMesh(core_axis_name="c", subcore_axis_name="s"),
        compiler_params=pltpu.CompilerParams(needs_layout_passes=False),
        out_type=jax.ShapeDtypeStruct((BATCH,), jnp.float32),
        scratch_types=[
            pltpu.VMEM((_IDX_PER_GRP,), jnp.int32),
            pltpu.VMEM((_IDX_PER_GRP,), jnp.int32),
            pltpu.VMEM((_IDX_PER_GRP,), jnp.int32),
            pltpu.VMEM((_IDX_PER_GRP,), jnp.int32),
            pltpu.VMEM((_IDX_PER_GRP,), jnp.int32),
            pltpu.VMEM((_IDX_PER_GRP,), jnp.int32),
            pltpu.VMEM((_IDX_PER_GRP,), jnp.float32),
            pltpu.VMEM((_IDX_PER_GRP,), jnp.float32),
            pltpu.VMEM((_IDX_PER_GRP,), jnp.float32),
            pltpu.VMEM((_IDX_PER_GRP,), jnp.float32),
            pltpu.VMEM((_IDX_PER_GRP,), jnp.float32),
            pltpu.VMEM((_IDX_PER_GRP,), jnp.float32),
            pltpu.VMEM((_ROWS_PER_W,), jnp.float32),
            pltpu.SemaphoreType.DMA((_NPIPE,)),
            pltpu.SemaphoreType.DMA((_NPIPE,)),
        ],
    )


def kernel(text_tokens, emb_weight, fc_weight, fc_bias):
    inv = jnp.float32(1.0 / HIST)
    wt_scaled = fc_weight.astype(jnp.float32).T * inv
    b_scaled = (fc_bias.astype(jnp.float32) * inv).reshape(1, 1)
    s_main = _table_scores(emb_weight.T, wt_scaled, b_scaled)
    s_tail = emb_weight[_MAIN:] @ wt_scaled[:, 0] + fc_bias[0] * inv
    s = jnp.concatenate([s_main, s_tail])
    tok_flat = text_tokens.astype(jnp.int32).reshape(BATCH * HIST)
    out = _bag()(tok_flat, s)
    return out.reshape(BATCH, 1)

# --- scband reference (transcript-rebuilt; emitter-appended) ---
"""Pipeline reference for scband-binary-text-discriminator-14293651161655 (READ-ONLY COPY).

The authoritative reference and input builder live on the scoring server;
editing this copy changes nothing except your own understanding.
"""

import jax, jax.numpy as jnp
import numpy as np

VOCAB = 1000000
EMBED_DIM = 32
BATCH = 16384
HIST = 200
INIT_RANGE = 0.5


def setup_inputs(seed: int = 0) -> dict:
    key = jax.random.key(seed)
    k_idx, k_emb, k_w = jax.random.split(key, 3)
    text_tokens = jax.random.randint(k_idx, (BATCH, HIST), 0, VOCAB, dtype=jnp.int64 if jax.config.jax_enable_x64 else jnp.int32)
    emb_weight = jax.random.uniform(k_emb, (VOCAB, EMBED_DIM), minval=-INIT_RANGE, maxval=INIT_RANGE, dtype=jnp.float32)
    fc_weight = jax.random.uniform(k_w, (1, EMBED_DIM), minval=-INIT_RANGE, maxval=INIT_RANGE, dtype=jnp.float32)
    fc_bias = jnp.zeros((1,), dtype=jnp.float32)
    return {"text_tokens": text_tokens, "emb_weight": emb_weight, "fc_weight": fc_weight, "fc_bias": fc_bias}


def reference(text_tokens, emb_weight, fc_weight, fc_bias):
    # nn.EmbeddingBag(mode='mean'): gather rows then mean over bag dim
    gathered = jnp.take(emb_weight, text_tokens, axis=0)  # (B, N, D)
    pooled = jnp.mean(gathered, axis=1)  # (B, D)
    out = pooled @ fc_weight.T + fc_bias  # (B, 1)
    return out

if __name__ == "__main__":
    import jax
    _d = setup_inputs()
    print(jax.jit(kernel)(*tuple(_d.values())))

</pallas_src>

<mosaic_0001>
#map = affine_map<(d0, d1) -> (0)>
module attributes {stable_mosaic.version = 14 : i64} {
  func.func @_bag_kernel(%arg0: i32, %arg1: i32, %arg2: memref<3276800xi32, #tpu.memory_space<hbm>>, %arg3: memref<1000000xf32, #tpu.memory_space<hbm>>, %arg4: memref<16384xf32, #tpu.memory_space<hbm>>, %arg5: memref<6400xi32, #tpu.memory_space<vmem>>, %arg6: memref<6400xi32, #tpu.memory_space<vmem>>, %arg7: memref<6400xi32, #tpu.memory_space<vmem>>, %arg8: memref<6400xi32, #tpu.memory_space<vmem>>, %arg9: memref<6400xi32, #tpu.memory_space<vmem>>, %arg10: memref<6400xi32, #tpu.memory_space<vmem>>, %arg11: memref<6400xf32, #tpu.memory_space<vmem>>, %arg12: memref<6400xf32, #tpu.memory_space<vmem>>, %arg13: memref<6400xf32, #tpu.memory_space<vmem>>, %arg14: memref<6400xf32, #tpu.memory_space<vmem>>, %arg15: memref<6400xf32, #tpu.memory_space<vmem>>, %arg16: memref<6400xf32, #tpu.memory_space<vmem>>, %arg17: memref<512xf32, #tpu.memory_space<vmem>>, %arg18: memref<6x!tpu.dma_semaphore, #tpu.memory_space<semaphore_mem>>, %arg19: memref<6x!tpu.dma_semaphore, #tpu.memory_space<semaphore_mem>>) attributes {dimension_semantics = [#tpu.dimension_semantics<core_parallel>, #tpu.dimension_semantics<subcore_parallel>], iteration_bounds = array<i64: 2, 16>, scalar_prefetch = 0 : i64, scratch_operands = 15 : i64, tpu.core_type = #tpu.core_type<sc_vector_subcore>, window_params = [{transform_indices = #map}, {transform_indices = #map}, {transform_indices = #map}]} {
    %mul3A = arith.constant 2 : i32
    %mul3A_0 = arith.muli %arg1, %mul3A : i32
    %add3A = arith.addi %mul3A_0, %arg0 : i32
    %mul3A_1 = arith.constant 102400 : i32
    %mul3A_2 = arith.muli %add3A, %mul3A_1 : i32
    %iota3A = tpu.iota {dimensions = array<i32: 0>} : vector<16xi32>
    %mul3A_3 = arith.constant 200 : i32
    %mul3A_4 = vector.broadcast %mul3A_3 : i32 to vector<16xi32>
    %mul3A_5 = arith.muli %iota3A, %mul3A_4 : vector<16xi32>
    %add3A_6 = arith.constant 0 : i32
    %add3A_7 = arith.addi %mul3A_2, %add3A_6 : i32
    %dma_start3A = arith.constant 0 : i32
    %dma_start3A_8 = tpu.memref_slice %arg2[%add3A_7] : memref<3276800xi32, #tpu.memory_space<hbm>> -> memref<6400xi32, #tpu.memory_space<hbm>>
    %dma_start3A_9 = tpu.memref_slice %arg18[%dma_start3A] : memref<6x!tpu.dma_semaphore, #tpu.memory_space<semaphore_mem>> -> memref<1x!tpu.dma_semaphore, #tpu.memory_space<semaphore_mem>>
    %dma_start3A_10 = tpu.memref_squeeze %dma_start3A_9 : memref<1x!tpu.dma_semaphore, #tpu.memory_space<semaphore_mem>> -> memref<!tpu.dma_semaphore, #tpu.memory_space<semaphore_mem>>
    %dma_start3A_11 = tpu.memref_slice %arg2[%add3A_7] : memref<3276800xi32, #tpu.memory_space<hbm>> -> memref<6400xi32, #tpu.memory_space<hbm>>
    tpu.enqueue_dma source(%dma_start3A_11 : memref<6400xi32, #tpu.memory_space<hbm>>) target(%arg5 : memref<6400xi32, #tpu.memory_space<vmem>>) target_semaphore(%dma_start3A_10 : memref<!tpu.dma_semaphore, #tpu.memory_space<semaphore_mem>>)
    %add3A_12 = arith.constant 6400 : i32
    %add3A_13 = arith.addi %mul3A_2, %add3A_12 : i32
    %dma_start3A_14 = arith.constant 1 : i32
    %dma_start3A_15 = tpu.memref_slice %arg2[%add3A_13] : memref<3276800xi32, #tpu.memory_space<hbm>> -> memref<6400xi32, #tpu.memory_space<hbm>>
    %dma_start3A_16 = tpu.memref_slice %arg18[%dma_start3A_14] : memref<6x!tpu.dma_semaphore, #tpu.memory_space<semaphore_mem>> -> memref<1x!tpu.dma_semaphore, #tpu.memory_space<semaphore_mem>>
    %dma_start3A_17 = tpu.memref_squeeze %dma_start3A_16 : memref<1x!tpu.dma_semaphore, #tpu.memory_space<semaphore_mem>> -> memref<!tpu.dma_semaphore, #tpu.memory_space<semaphore_mem>>
    %dma_start3A_18 = tpu.memref_slice %arg2[%add3A_13] : memref<3276800xi32, #tpu.memory_space<hbm>> -> memref<6400xi32, #tpu.memory_space<hbm>>
    tpu.enqueue_dma source(%dma_start3A_18 : memref<6400xi32, #tpu.memory_space<hbm>>) target(%arg6 : memref<6400xi32, #tpu.memory_space<vmem>>) target_semaphore(%dma_start3A_17 : memref<!tpu.dma_semaphore, #tpu.memory_space<semaphore_mem>>)
    %add3A_19 = arith.constant 12800 : i32
    %add3A_20 = arith.addi %mul3A_2, %add3A_19 : i32
    %dma_start3A_21 = arith.constant 2 : i32
    %dma_start3A_22 = tpu.memref_slice %arg2[%add3A_20] : memref<3276800xi32, #tpu.memory_space<hbm>> -> memref<6400xi32, #tpu.memory_space<hbm>>
    %dma_start3A_23 = tpu.memref_slice %arg18[%dma_start3A_21] : memref<6x!tpu.dma_semaphore, #tpu.memory_space<semaphore_mem>> -> memref<1x!tpu.dma_semaphore, #tpu.memory_space<semaphore_mem>>
    %dma_start3A_24 = tpu.memref_squeeze %dma_start3A_23 : memref<1x!tpu.dma_semaphore, #tpu.memory_space<semaphore_mem>> -> memref<!tpu.dma_semaphore, #tpu.memory_space<semaphore_mem>>
    %dma_start3A_25 = tpu.memref_slice %arg2[%add3A_20] : memref<3276800xi32, #tpu.memory_space<hbm>> -> memref<6400xi32, #tpu.memory_space<hbm>>
    tpu.enqueue_dma source(%dma_start3A_25 : memref<6400xi32, #tpu.memory_space<hbm>>) target(%arg7 : memref<6400xi32, #tpu.memory_space<vmem>>) target_semaphore(%dma_start3A_24 : memref<!tpu.dma_semaphore, #tpu.memory_space<semaphore_mem>>)
    %add3A_26 = arith.constant 19200 : i32
    %add3A_27 = arith.addi %mul3A_2, %add3A_26 : i32
    %dma_start3A_28 = arith.constant 3 : i32
    %dma_start3A_29 = tpu.memref_slice %arg2[%add3A_27] : memref<3276800xi32, #tpu.memory_space<hbm>> -> memref<6400xi32, #tpu.memory_space<hbm>>
    %dma_start3A_30 = tpu.memref_slice %arg18[%dma_start3A_28] : memref<6x!tpu.dma_semaphore, #tpu.memory_space<semaphore_mem>> -> memref<1x!tpu.dma_semaphore, #tpu.memory_space<semaphore_mem>>
    %dma_start3A_31 = tpu.memref_squeeze %dma_start3A_30 : memref<1x!tpu.dma_semaphore, #tpu.memory_space<semaphore_mem>> -> memref<!tpu.dma_semaphore, #tpu.memory_space<semaphore_mem>>
    %dma_start3A_32 = tpu.memref_slice %arg2[%add3A_27] : memref<3276800xi32, #tpu.memory_space<hbm>> -> memref<6400xi32, #tpu.memory_space<hbm>>
    tpu.enqueue_dma source(%dma_start3A_32 : memref<6400xi32, #tpu.memory_space<hbm>>) target(%arg8 : memref<6400xi32, #tpu.memory_space<vmem>>) target_semaphore(%dma_start3A_31 : memref<!tpu.dma_semaphore, #tpu.memory_space<semaphore_mem>>)
    %add3A_33 = arith.constant 25600 : i32
    %add3A_34 = arith.addi %mul3A_2, %add3A_33 : i32
    %dma_start3A_35 = arith.constant 4 : i32
    %dma_start3A_36 = tpu.memref_slice %arg2[%add3A_34] : memref<3276800xi32, #tpu.memory_space<hbm>> -> memref<6400xi32, #tpu.memory_space<hbm>>
    %dma_start3A_37 = tpu.memref_slice %arg18[%dma_start3A_35] : memref<6x!tpu.dma_semaphore, #tpu.memory_space<semaphore_mem>> -> memref<1x!tpu.dma_semaphore, #tpu.memory_space<semaphore_mem>>
    %dma_start3A_38 = tpu.memref_squeeze %dma_start3A_37 : memref<1x!tpu.dma_semaphore, #tpu.memory_space<semaphore_mem>> -> memref<!tpu.dma_semaphore, #tpu.memory_space<semaphore_mem>>
    %dma_start3A_39 = tpu.memref_slice %arg2[%add3A_34] : memref<3276800xi32, #tpu.memory_space<hbm>> -> memref<6400xi32, #tpu.memory_space<hbm>>
    tpu.enqueue_dma source(%dma_start3A_39 : memref<6400xi32, #tpu.memory_space<hbm>>) target(%arg9 : memref<6400xi32, #tpu.memory_space<vmem>>) target_semaphore(%dma_start3A_38 : memref<!tpu.dma_semaphore, #tpu.memory_space<semaphore_mem>>)
    %add3A_40 = arith.constant 32000 : i32
    %add3A_41 = arith.addi %mul3A_2, %add3A_40 : i32
    %dma_start3A_42 = arith.constant 5 : i32
    %dma_start3A_43 = tpu.memref_slice %arg2[%add3A_41] : memref<3276800xi32, #tpu.memory_space<hbm>> -> memref<6400xi32, #tpu.memory_space<hbm>>
    %dma_start3A_44 = tpu.memref_slice %arg18[%dma_start3A_42] : memref<6x!tpu.dma_semaphore, #tpu.memory_space<semaphore_mem>> -> memref<1x!tpu.dma_semaphore, #tpu.memory_space<semaphore_mem>>
    %dma_start3A_45 = tpu.memref_squeeze %dma_start3A_44 : memref<1x!tpu.dma_semaphore, #tpu.memory_space<semaphore_mem>> -> memref<!tpu.dma_semaphore, #tpu.memory_space<semaphore_mem>>
    %dma_start3A_46 = tpu.memref_slice %arg2[%add3A_41] : memref<3276800xi32, #tpu.memory_space<hbm>> -> memref<6400xi32, #tpu.memory_space<hbm>>
    tpu.enqueue_dma source(%dma_start3A_46 : memref<6400xi32, #tpu.memory_space<hbm>>) target(%arg10 : memref<6400xi32, #tpu.memory_space<vmem>>) target_semaphore(%dma_start3A_45 : memref<!tpu.dma_semaphore, #tpu.memory_space<semaphore_mem>>)
    %add3A_47 = arith.constant 0 : i32
    %add3A_48 = arith.addi %mul3A_2, %add3A_47 : i32
    %dma_wait3A = arith.constant 0 : i32
    %dma_wait3A_49 = tpu.memref_slice %arg2[%add3A_48] : memref<3276800xi32, #tpu.memory_space<hbm>> -> memref<6400xi32, #tpu.memory_space<hbm>>
    %dma_wait3A_50 = tpu.memref_slice %arg18[%dma_wait3A] : memref<6x!tpu.dma_semaphore, #tpu.memory_space<semaphore_mem>> -> memref<1x!tpu.dma_semaphore, #tpu.memory_space<semaphore_mem>>
    %dma_wait3A_51 = tpu.memref_squeeze %dma_wait3A_50 : memref<1x!tpu.dma_semaphore, #tpu.memory_space<semaphore_mem>> -> memref<!tpu.dma_semaphore, #tpu.memory_space<semaphore_mem>>
    %dma_wait3A_52 = tpu.memref_slice %arg2[%add3A_48] : memref<3276800xi32, #tpu.memory_space<hbm>> -> memref<6400xi32, #tpu.memory_space<hbm>>
    tpu.wait_dma2 semaphore(%dma_wait3A_51 : memref<!tpu.dma_semaphore, #tpu.memory_space<semaphore_mem>>) src(%dma_wait3A_52 : memref<6400xi32, #tpu.memory_space<hbm>>) dst(%arg5 : memref<6400xi32, #tpu.memory_space<vmem>>)
    %dma_start3A_53 = arith.constant 0 : i32
    %dma_start3A_54 = arith.constant 0 : i32
    %dma_start3A_55 = tpu.memref_slice %arg3[%dma_start3A_54] : memref<1000000xf32, #tpu.memory_space<hbm>> -> memref<1000000xf32, #tpu.memory_space<hbm>>
    %dma_start3A_56 = tpu.memref_slice %arg19[%dma_start3A_53] : memref<6x!tpu.dma_semaphore, #tpu.memory_space<semaphore_mem>> -> memref<1x!tpu.dma_semaphore, #tpu.memory_space<semaphore_mem>>
    %dma_start3A_57 = tpu.memref_squeeze %dma_start3A_56 : memref<1x!tpu.dma_semaphore, #tpu.memory_space<semaphore_mem>> -> memref<!tpu.dma_semaphore, #tpu.memory_space<semaphore_mem>>
    tpu.enqueue_indirect_dma source(%dma_start3A_55 : memref<1000000xf32, #tpu.memory_space<hbm>>) target(%arg11 : memref<6400xf32, #tpu.memory_space<vmem>>) offsets(%arg5 : memref<6400xi32, #tpu.memory_space<vmem>>) semaphore(%dma_start3A_57 : memref<!tpu.dma_semaphore, #tpu.memory_space<semaphore_mem>>)
    %add3A_58 = arith.constant 6400 : i32
    %add3A_59 = arith.addi %mul3A_2, %add3A_58 : i32
    %dma_wait3A_60 = arith.constant 1 : i32
    %dma_wait3A_61 = tpu.memref_slice %arg2[%add3A_59] : memref<3276800xi32, #tpu.memory_space<hbm>> -> memref<6400xi32, #tpu.memory_space<hbm>>
    %dma_wait3A_62 = tpu.memref_slice %arg18[%dma_wait3A_60] : memref<6x!tpu.dma_semaphore, #tpu.memory_space<semaphore_mem>> -> memref<1x!tpu.dma_semaphore, #tpu.memory_space<semaphore_mem>>
    %dma_wait3A_63 = tpu.memref_squeeze %dma_wait3A_62 : memref<1x!tpu.dma_semaphore, #tpu.memory_space<semaphore_mem>> -> memref<!tpu.dma_semaphore, #tpu.memory_space<semaphore_mem>>
    %dma_wait3A_64 = tpu.memref_slice %arg2[%add3A_59] : memref<3276800xi32, #tpu.memory_space<hbm>> -> memref<6400xi32, #tpu.memory_space<hbm>>
    tpu.wait_dma2 semaphore(%dma_wait3A_63 : memref<!tpu.dma_semaphore, #tpu.memory_space<semaphore_mem>>) src(%dma_wait3A_64 : memref<6400xi32, #tpu.memory_space<hbm>>) dst(%arg6 : memref<6400xi32, #tpu.memory_space<vmem>>)
    %dma_start3A_65 = arith.constant 1 : i32
    %dma_start3A_66 = arith.constant 0 : i32
    %dma_start3A_67 = tpu.memref_slice %arg3[%dma_start3A_66] : memref<1000000xf32, #tpu.memory_space<hbm>> -> memref<1000000xf32, #tpu.memory_space<hbm>>
    %dma_start3A_68 = tpu.memref_slice %arg19[%dma_start3A_65] : memref<6x!tpu.dma_semaphore, #tpu.memory_space<semaphore_mem>> -> memref<1x!tpu.dma_semaphore, #tpu.memory_space<semaphore_mem>>
    %dma_start3A_69 = tpu.memref_squeeze %dma_start3A_68 : memref<1x!tpu.dma_semaphore, #tpu.memory_space<semaphore_mem>> -> memref<!tpu.dma_semaphore, #tpu.memory_space<semaphore_mem>>
    tpu.enqueue_indirect_dma source(%dma_start3A_67 : memref<1000000xf32, #tpu.memory_space<hbm>>) target(%arg12 : memref<6400xf32, #tpu.memory_space<vmem>>) offsets(%arg6 : memref<6400xi32, #tpu.memory_space<vmem>>) semaphore(%dma_start3A_69 : memref<!tpu.dma_semaphore, #tpu.memory_space<semaphore_mem>>)
    %add3A_70 = arith.constant 12800 : i32
    %add3A_71 = arith.addi %mul3A_2, %add3A_70 : i32
    %dma_wait3A_72 = arith.constant 2 : i32
    %dma_wait3A_73 = tpu.memref_slice %arg2[%add3A_71] : memref<3276800xi32, #tpu.memory_space<hbm>> -> memref<6400xi32, #tpu.memory_space<hbm>>
    %dma_wait3A_74 = tpu.memref_slice %arg18[%dma_wait3A_72] : memref<6x!tpu.dma_semaphore, #tpu.memory_space<semaphore_mem>> -> memref<1x!tpu.dma_semaphore, #tpu.memory_space<semaphore_mem>>
    %dma_wait3A_75 = tpu.memref_squeeze %dma_wait3A_74 : memref<1x!tpu.dma_semaphore, #tpu.memory_space<semaphore_mem>> -> memref<!tpu.dma_semaphore, #tpu.memory_space<semaphore_mem>>
    %dma_wait3A_76 = tpu.memref_slice %arg2[%add3A_71] : memref<3276800xi32, #tpu.memory_space<hbm>> -> memref<6400xi32, #tpu.memory_space<hbm>>
    tpu.wait_dma2 semaphore(%dma_wait3A_75 : memref<!tpu.dma_semaphore, #tpu.memory_space<semaphore_mem>>) src(%dma_wait3A_76 : memref<6400xi32, #tpu.memory_space<hbm>>) dst(%arg7 : memref<6400xi32, #tpu.memory_space<vmem>>)
    %dma_start3A_77 = arith.constant 2 : i32
    %dma_start3A_78 = arith.constant 0 : i32
    %dma_start3A_79 = tpu.memref_slice %arg3[%dma_start3A_78] : memref<1000000xf32, #tpu.memory_space<hbm>> -> memref<1000000xf32, #tpu.memory_space<hbm>>
    %dma_start3A_80 = tpu.memref_slice %arg19[%dma_start3A_77] : memref<6x!tpu.dma_semaphore, #tpu.memory_space<semaphore_mem>> -> memref<1x!tpu.dma_semaphore, #tpu.memory_space<semaphore_mem>>
    %dma_start3A_81 = tpu.memref_squeeze %dma_start3A_80 : memref<1x!tpu.dma_semaphore, #tpu.memory_space<semaphore_mem>> -> memref<!tpu.dma_semaphore, #tpu.memory_space<semaphore_mem>>
    tpu.enqueue_indirect_dma source(%dma_start3A_79 : memref<1000000xf32, #tpu.memory_space<hbm>>) target(%arg13 : memref<6400xf32, #tpu.memory_space<vmem>>) offsets(%arg7 : memref<6400xi32, #tpu.memory_space<vmem>>) semaphore(%dma_start3A_81 : memref<!tpu.dma_semaphore, #tpu.memory_space<semaphore_mem>>)
    %add3A_82 = arith.constant 19200 : i32
    %add3A_83 = arith.addi %mul3A_2, %add3A_82 : i32
    %dma_wait3A_84 = arith.constant 3 : i32
    %dma_wait3A_85 = tpu.memref_slice %arg2[%add3A_83] : memref<3276800xi32, #tpu.memory_space<hbm>> -> memref<6400xi32, #tpu.memory_space<hbm>>
    %dma_wait3A_86 = tpu.memref_slice %arg18[%dma_wait3A_84] : memref<6x!tpu.dma_semaphore, #tpu.memory_space<semaphore_mem>> -> memref<1x!tpu.dma_semaphore, #tpu.memory_space<semaphore_mem>>
    %dma_wait3A_87 = tpu.memref_squeeze %dma_wait3A_86 : memref<1x!tpu.dma_semaphore, #tpu.memory_space<semaphore_mem>> -> memref<!tpu.dma_semaphore, #tpu.memory_space<semaphore_mem>>
    %dma_wait3A_88 = tpu.memref_slice %arg2[%add3A_83] : memref<3276800xi32, #tpu.memory_space<hbm>> -> memref<6400xi32, #tpu.memory_space<hbm>>
    tpu.wait_dma2 semaphore(%dma_wait3A_87 : memref<!tpu.dma_semaphore, #tpu.memory_space<semaphore_mem>>) src(%dma_wait3A_88 : memref<6400xi32, #tpu.memory_space<hbm>>) dst(%arg8 : memref<6400xi32, #tpu.memory_space<vmem>>)
    %dma_start3A_89 = arith.constant 3 : i32
    %dma_start3A_90 = arith.constant 0 : i32
    %dma_start3A_91 = tpu.memref_slice %arg3[%dma_start3A_90] : memref<1000000xf32, #tpu.memory_space<hbm>> -> memref<1000000xf32, #tpu.memory_space<hbm>>
    %dma_start3A_92 = tpu.memref_slice %arg19[%dma_start3A_89] : memref<6x!tpu.dma_semaphore, #tpu.memory_space<semaphore_mem>> -> memref<1x!tpu.dma_semaphore, #tpu.memory_space<semaphore_mem>>
    %dma_start3A_93 = tpu.memref_squeeze %dma_start3A_92 : memref<1x!tpu.dma_semaphore, #tpu.memory_space<semaphore_mem>> -> memref<!tpu.dma_semaphore, #tpu.memory_space<semaphore_mem>>
    tpu.enqueue_indirect_dma source(%dma_start3A_91 : memref<1000000xf32, #tpu.memory_space<hbm>>) target(%arg14 : memref<6400xf32, #tpu.memory_space<vmem>>) offsets(%arg8 : memref<6400xi32, #tpu.memory_space<vmem>>) semaphore(%dma_start3A_93 : memref<!tpu.dma_semaphore, #tpu.memory_space<semaphore_mem>>)
    %add3A_94 = arith.constant 25600 : i32
    %add3A_95 = arith.addi %mul3A_2, %add3A_94 : i32
    %dma_wait3A_96 = arith.constant 4 : i32
    %dma_wait3A_97 = tpu.memref_slice %arg2[%add3A_95] : memref<3276800xi32, #tpu.memory_space<hbm>> -> memref<6400xi32, #tpu.memory_space<hbm>>
    %dma_wait3A_98 = tpu.memref_slice %arg18[%dma_wait3A_96] : memref<6x!tpu.dma_semaphore, #tpu.memory_space<semaphore_mem>> -> memref<1x!tpu.dma_semaphore, #tpu.memory_space<semaphore_mem>>
    %dma_wait3A_99 = tpu.memref_squeeze %dma_wait3A_98 : memref<1x!tpu.dma_semaphore, #tpu.memory_space<semaphore_mem>> -> memref<!tpu.dma_semaphore, #tpu.memory_space<semaphore_mem>>
    %dma_wait3A_100 = tpu.memref_slice %arg2[%add3A_95] : memref<3276800xi32, #tpu.memory_space<hbm>> -> memref<6400xi32, #tpu.memory_space<hbm>>
    tpu.wait_dma2 semaphore(%dma_wait3A_99 : memref<!tpu.dma_semaphore, #tpu.memory_space<semaphore_mem>>) src(%dma_wait3A_100 : memref<6400xi32, #tpu.memory_space<hbm>>) dst(%arg9 : memref<6400xi32, #tpu.memory_space<vmem>>)
    %dma_start3A_101 = arith.constant 4 : i32
    %dma_start3A_102 = arith.constant 0 : i32
    %dma_start3A_103 = tpu.memref_slice %arg3[%dma_start3A_102] : memref<1000000xf32, #tpu.memory_space<hbm>> -> memref<1000000xf32, #tpu.memory_space<hbm>>
    %dma_start3A_104 = tpu.memref_slice %arg19[%dma_start3A_101] : memref<6x!tpu.dma_semaphore, #tpu.memory_space<semaphore_mem>> -> memref<1x!tpu.dma_semaphore, #tpu.memory_space<semaphore_mem>>
    %dma_start3A_105 = tpu.memref_squeeze %dma_start3A_104 : memref<1x!tpu.dma_semaphore, #tpu.memory_space<semaphore_mem>> -> memref<!tpu.dma_semaphore, #tpu.memory_space<semaphore_mem>>
    tpu.enqueue_indirect_dma source(%dma_start3A_103 : memref<1000000xf32, #tpu.memory_space<hbm>>) target(%arg15 : memref<6400xf32, #tpu.memory_space<vmem>>) offsets(%arg9 : memref<6400xi32, #tpu.memory_space<vmem>>) semaphore(%dma_start3A_105 : memref<!tpu.dma_semaphore, #tpu.memory_space<semaphore_mem>>)
    %dma_wait3A_106 = arith.constant 0 : i32
    %dma_wait3A_107 = arith.constant 0 : i32
    %dma_wait3A_108 = tpu.memref_slice %arg3[%dma_wait3A_107] : memref<1000000xf32, #tpu.memory_space<hbm>> -> memref<1000000xf32, #tpu.memory_space<hbm>>
    %dma_wait3A_109 = tpu.memref_slice %arg19[%dma_wait3A_106] : memref<6x!tpu.dma_semaphore, #tpu.memory_space<semaphore_mem>> -> memref<1x!tpu.dma_semaphore, #tpu.memory_space<semaphore_mem>>
    %dma_wait3A_110 = tpu.memref_squeeze %dma_wait3A_109 : memref<1x!tpu.dma_semaphore, #tpu.memory_space<semaphore_mem>> -> memref<!tpu.dma_semaphore, #tpu.memory_space<semaphore_mem>>
    tpu.wait_indirect_dma semaphore(%dma_wait3A_110 : memref<!tpu.dma_semaphore, #tpu.memory_space<semaphore_mem>>) src(%dma_wait3A_108 : memref<1000000xf32, #tpu.memory_space<hbm>>) dst(%arg11 : memref<6400xf32, #tpu.memory_space<vmem>>)
    %add3A_111 = arith.constant 32000 : i32
    %add3A_112 = arith.addi %mul3A_2, %add3A_111 : i32
    %dma_wait3A_113 = arith.constant 5 : i32
    %dma_wait3A_114 = tpu.memref_slice %arg2[%add3A_112] : memref<3276800xi32, #tpu.memory_space<hbm>> -> memref<6400xi32, #tpu.memory_space<hbm>>
    %dma_wait3A_115 = tpu.memref_slice %arg18[%dma_wait3A_113] : memref<6x!tpu.dma_semaphore, #tpu.memory_space<semaphore_mem>> -> memref<1x!tpu.dma_semaphore, #tpu.memory_space<semaphore_mem>>
    %dma_wait3A_116 = tpu.memref_squeeze %dma_wait3A_115 : memref<1x!tpu.dma_semaphore, #tpu.memory_space<semaphore_mem>> -> memref<!tpu.dma_semaphore, #tpu.memory_space<semaphore_mem>>
    %dma_wait3A_117 = tpu.memref_slice %arg2[%add3A_112] : memref<3276800xi32, #tpu.memory_space<hbm>> -> memref<6400xi32, #tpu.memory_space<hbm>>
    tpu.wait_dma2 semaphore(%dma_wait3A_116 : memref<!tpu.dma_semaphore, #tpu.memory_space<semaphore_mem>>) src(%dma_wait3A_117 : memref<6400xi32, #tpu.memory_space<hbm>>) dst(%arg10 : memref<6400xi32, #tpu.memory_space<vmem>>)
    %dma_start3A_118 = arith.constant 5 : i32
    %dma_start3A_119 = arith.constant 0 : i32
    %dma_start3A_120 = tpu.memref_slice %arg3[%dma_start3A_119] : memref<1000000xf32, #tpu.memory_space<hbm>> -> memref<1000000xf32, #tpu.memory_space<hbm>>
    %dma_start3A_121 = tpu.memref_slice %arg19[%dma_start3A_118] : memref<6x!tpu.dma_semaphore, #tpu.memory_space<semaphore_mem>> -> memref<1x!tpu.dma_semaphore, #tpu.memory_space<semaphore_mem>>
    %dma_start3A_122 = tpu.memref_squeeze %dma_start3A_121 : memref<1x!tpu.dma_semaphore, #tpu.memory_space<semaphore_mem>> -> memref<!tpu.dma_semaphore, #tpu.memory_space<semaphore_mem>>
    tpu.enqueue_indirect_dma source(%dma_start3A_120 : memref<1000000xf32, #tpu.memory_space<hbm>>) target(%arg16 : memref<6400xf32, #tpu.memory_space<vmem>>) offsets(%arg10 : memref<6400xi32, #tpu.memory_space<vmem>>) semaphore(%dma_start3A_122 : memref<!tpu.dma_semaphore, #tpu.memory_space<semaphore_mem>>)
    %add3A_123 = arith.constant 38400 : i32
    %add3A_124 = arith.addi %mul3A_2, %add3A_123 : i32
    %dma_start3A_125 = arith.constant 0 : i32
    %dma_start3A_126 = tpu.memref_slice %arg2[%add3A_124] : memref<3276800xi32, #tpu.memory_space<hbm>> -> memref<6400xi32, #tpu.memory_space<hbm>>
    %dma_start3A_127 = tpu.memref_slice %arg18[%dma_start3A_125] : memref<6x!tpu.dma_semaphore, #tpu.memory_space<semaphore_mem>> -> memref<1x!tpu.dma_semaphore, #tpu.memory_space<semaphore_mem>>
    %dma_start3A_128 = tpu.memref_squeeze %dma_start3A_127 : memref<1x!tpu.dma_semaphore, #tpu.memory_space<semaphore_mem>> -> memref<!tpu.dma_semaphore, #tpu.memory_space<semaphore_mem>>
    %dma_start3A_129 = tpu.memref_slice %arg2[%add3A_124] : memref<3276800xi32, #tpu.memory_space<hbm>> -> memref<6400xi32, #tpu.memory_space<hbm>>
    tpu.enqueue_dma source(%dma_start3A_129 : memref<6400xi32, #tpu.memory_space<hbm>>) target(%arg5 : memref<6400xi32, #tpu.memory_space<vmem>>) target_semaphore(%dma_start3A_128 : memref<!tpu.dma_semaphore, #tpu.memory_space<semaphore_mem>>)
    %broadcast_in_dim3A = arith.constant 0.000000e+00 : f32
    %broadcast_in_dim3A_130 = vector.broadcast %broadcast_in_dim3A : f32 to vector<16xf32>
    %scan3A = arith.constant 0 : i32
    %scan3A_131 = arith.constant 25 : i32
    %scan3A_132 = arith.addi %scan3A, %scan3A_131 : i32
    %scan3A_133 = arith.constant 1 : i32
    %scan3A_134:2 = scf.for %scan3A_579 = %scan3A to %scan3A_132 step %scan3A_133 iter_args(%scan3A_580 = %broadcast_in_dim3A_130, %scan3A_581 = %broadcast_in_dim3A_130) -> (vector<16xf32>, vector<16xf32>)  : i32 {
      %mul3A_582 = arith.constant 8 : i32
      %mul3A_583 = arith.muli %scan3A_579, %mul3A_582 : i32
      %add3A_584 = arith.constant 0 : i32
      %add3A_585 = arith.addi %mul3A_583, %add3A_584 : i32
      %add3A_586 = vector.broadcast %add3A_585 : i32 to vector<16xi32>
      %add3A_587 = arith.addi %mul3A_5, %add3A_586 : vector<16xi32>
      %gather3A = tpu.vector_load_idx %arg11[%add3A_587] : memref<6400xf32, #tpu.memory_space<vmem>>[vector<16xi32>], vector<16xf32>,
      %add3A_588 = arith.addf %scan3A_580, %gather3A : vector<16xf32>
      %add3A_589 = arith.constant 3200 : i32
      %add3A_590 = arith.addi %add3A_589, %mul3A_583 : i32
      %add3A_591 = arith.constant 0 : i32
      %add3A_592 = arith.addi %add3A_590, %add3A_591 : i32
      %add3A_593 = vector.broadcast %add3A_592 : i32 to vector<16xi32>
      %add3A_594 = arith.addi %mul3A_5, %add3A_593 : vector<16xi32>
      %gather3A_595 = tpu.vector_load_idx %arg11[%add3A_594] : memref<6400xf32, #tpu.memory_space<vmem>>[vector<16xi32>], vector<16xf32>,
      %add3A_596 = arith.addf %scan3A_581, %gather3A_595 : vector<16xf32>
      %add3A_597 = arith.constant 1 : i32
      %add3A_598 = arith.addi %mul3A_583, %add3A_597 : i32
      %add3A_599 = vector.broadcast %add3A_598 : i32 to vector<16xi32>
      %add3A_600 = arith.addi %mul3A_5, %add3A_599 : vector<16xi32>
      %gather3A_601 = tpu.vector_load_idx %arg11[%add3A_600] : memref<6400xf32, #tpu.memory_space<vmem>>[vector<16xi32>], vector<16xf32>,
      %add3A_602 = arith.addf %add3A_588, %gather3A_601 : vector<16xf32>
      %add3A_603 = arith.constant 3200 : i32
      %add3A_604 = arith.addi %add3A_603, %mul3A_583 : i32
      %add3A_605 = arith.constant 1 : i32
      %add3A_606 = arith.addi %add3A_604, %add3A_605 : i32
      %add3A_607 = vector.broadcast %add3A_606 : i32 to vector<16xi32>
      %add3A_608 = arith.addi %mul3A_5, %add3A_607 : vector<16xi32>
      %gather3A_609 = tpu.vector_load_idx %arg11[%add3A_608] : memref<6400xf32, #tpu.memory_space<vmem>>[vector<16xi32>], vector<16xf32>,
      %add3A_610 = arith.addf %add3A_596, %gather3A_609 : vector<16xf32>
      %add3A_611 = arith.constant 2 : i32
      %add3A_612 = arith.addi %mul3A_583, %add3A_611 : i32
      %add3A_613 = vector.broadcast %add3A_612 : i32 to vector<16xi32>
      %add3A_614 = arith.addi %mul3A_5, %add3A_613 : vector<16xi32>
      %gather3A_615 = tpu.vector_load_idx %arg11[%add3A_614] : memref<6400xf32, #tpu.memory_space<vmem>>[vector<16xi32>], vector<16xf32>,
      %add3A_616 = arith.addf %add3A_602, %gather3A_615 : vector<16xf32>
      %add3A_617 = arith.constant 3200 : i32
      %add3A_618 = arith.addi %add3A_617, %mul3A_583 : i32
      %add3A_619 = arith.constant 2 : i32
      %add3A_620 = arith.addi %add3A_618, %add3A_619 : i32
      %add3A_621 = vector.broadcast %add3A_620 : i32 to vector<16xi32>
      %add3A_622 = arith.addi %mul3A_5, %add3A_621 : vector<16xi32>
      %gather3A_623 = tpu.vector_load_idx %arg11[%add3A_622] : memref<6400xf32, #tpu.memory_space<vmem>>[vector<16xi32>], vector<16xf32>,
      %add3A_624 = arith.addf %add3A_610, %gather3A_623 : vector<16xf32>
      %add3A_625 = arith.constant 3 : i32
      %add3A_626 = arith.addi %mul3A_583, %add3A_625 : i32
      %add3A_627 = vector.broadcast %add3A_626 : i32 to vector<16xi32>
      %add3A_628 = arith.addi %mul3A_5, %add3A_627 : vector<16xi32>
      %gather3A_629 = tpu.vector_load_idx %arg11[%add3A_628] : memref<6400xf32, #tpu.memory_space<vmem>>[vector<16xi32>], vector<16xf32>,
      %add3A_630 = arith.addf %add3A_616, %gather3A_629 : vector<16xf32>
      %add3A_631 = arith.constant 3200 : i32
      %add3A_632 = arith.addi %add3A_631, %mul3A_583 : i32
      %add3A_633 = arith.constant 3 : i32
      %add3A_634 = arith.addi %add3A_632, %add3A_633 : i32
      %add3A_635 = vector.broadcast %add3A_634 : i32 to vector<16xi32>
      %add3A_636 = arith.addi %mul3A_5, %add3A_635 : vector<16xi32>
      %gather3A_637 = tpu.vector_load_idx %arg11[%add3A_636] : memref<6400xf32, #tpu.memory_space<vmem>>[vector<16xi32>], vector<16xf32>,
      %add3A_638 = arith.addf %add3A_624, %gather3A_637 : vector<16xf32>
      %add3A_639 = arith.constant 4 : i32
      %add3A_640 = arith.addi %mul3A_583, %add3A_639 : i32
      %add3A_641 = vector.broadcast %add3A_640 : i32 to vector<16xi32>
      %add3A_642 = arith.addi %mul3A_5, %add3A_641 : vector<16xi32>
      %gather3A_643 = tpu.vector_load_idx %arg11[%add3A_642] : memref<6400xf32, #tpu.memory_space<vmem>>[vector<16xi32>], vector<16xf32>,
      %add3A_644 = arith.addf %add3A_630, %gather3A_643 : vector<16xf32>
      %add3A_645 = arith.constant 3200 : i32
      %add3A_646 = arith.addi %add3A_645, %mul3A_583 : i32
      %add3A_647 = arith.constant 4 : i32
      %add3A_648 = arith.addi %add3A_646, %add3A_647 : i32
      %add3A_649 = vector.broadcast %add3A_648 : i32 to vector<16xi32>
      %add3A_650 = arith.addi %mul3A_5, %add3A_649 : vector<16xi32>
      %gather3A_651 = tpu.vector_load_idx %arg11[%add3A_650] : memref<6400xf32, #tpu.memory_space<vmem>>[vector<16xi32>], vector<16xf32>,
      %add3A_652 = arith.addf %add3A_638, %gather3A_651 : vector<16xf32>
      %add3A_653 = arith.constant 5 : i32
      %add3A_654 = arith.addi %mul3A_583, %add3A_653 : i32
      %add3A_655 = vector.broadcast %add3A_654 : i32 to vector<16xi32>
      %add3A_656 = arith.addi %mul3A_5, %add3A_655 : vector<16xi32>
      %gather3A_657 = tpu.vector_load_idx %arg11[%add3A_656] : memref<6400xf32, #tpu.memory_space<vmem>>[vector<16xi32>], vector<16xf32>,
      %add3A_658 = arith.addf %add3A_644, %gather3A_657 : vector<16xf32>
      %add3A_659 = arith.constant 3200 : i32
      %add3A_660 = arith.addi %add3A_659, %mul3A_583 : i32
      %add3A_661 = arith.constant 5 : i32
      %add3A_662 = arith.addi %add3A_660, %add3A_661 : i32
      %add3A_663 = vector.broadcast %add3A_662 : i32 to vector<16xi32>
      %add3A_664 = arith.addi %mul3A_5, %add3A_663 : vector<16xi32>
      %gather3A_665 = tpu.vector_load_idx %arg11[%add3A_664] : memref<6400xf32, #tpu.memory_space<vmem>>[vector<16xi32>], vector<16xf32>,
      %add3A_666 = arith.addf %add3A_652, %gather3A_665 : vector<16xf32>
      %add3A_667 = arith.constant 6 : i32
      %add3A_668 = arith.addi %mul3A_583, %add3A_667 : i32
      %add3A_669 = vector.broadcast %add3A_668 : i32 to vector<16xi32>
      %add3A_670 = arith.addi %mul3A_5, %add3A_669 : vector<16xi32>
      %gather3A_671 = tpu.vector_load_idx %arg11[%add3A_670] : memref<6400xf32, #tpu.memory_space<vmem>>[vector<16xi32>], vector<16xf32>,
      %add3A_672 = arith.addf %add3A_658, %gather3A_671 : vector<16xf32>
      %add3A_673 = arith.constant 3200 : i32
      %add3A_674 = arith.addi %add3A_673, %mul3A_583 : i32
      %add3A_675 = arith.constant 6 : i32
      %add3A_676 = arith.addi %add3A_674, %add3A_675 : i32
      %add3A_677 = vector.broadcast %add3A_676 : i32 to vector<16xi32>
      %add3A_678 = arith.addi %mul3A_5, %add3A_677 : vector<16xi32>
      %gather3A_679 = tpu.vector_load_idx %arg11[%add3A_678] : memref<6400xf32, #tpu.memory_space<vmem>>[vector<16xi32>], vector<16xf32>,
      %add3A_680 = arith.addf %add3A_666, %gather3A_679 : vector<16xf32>
      %add3A_681 = arith.constant 7 : i32
      %add3A_682 = arith.addi %mul3A_583, %add3A_681 : i32
      %add3A_683 = vector.broadcast %add3A_682 : i32 to vector<16xi32>
      %add3A_684 = arith.addi %mul3A_5, %add3A_683 : vector<16xi32>
      %gather3A_685 = tpu.vector_load_idx %arg11[%add3A_684] : memref<6400xf32, #tpu.memory_space<vmem>>[vector<16xi32>], vector<16xf32>,
      %add3A_686 = arith.addf %add3A_672, %gather3A_685 : vector<16xf32>
      %add3A_687 = arith.constant 3200 : i32
      %add3A_688 = arith.addi %add3A_687, %mul3A_583 : i32
      %add3A_689 = arith.constant 7 : i32
      %add3A_690 = arith.addi %add3A_688, %add3A_689 : i32
      %add3A_691 = vector.broadcast %add3A_690 : i32 to vector<16xi32>
      %add3A_692 = arith.addi %mul3A_5, %add3A_691 : vector<16xi32>
      %gather3A_693 = tpu.vector_load_idx %arg11[%add3A_692] : memref<6400xf32, #tpu.memory_space<vmem>>[vector<16xi32>], vector<16xf32>,
      %add3A_694 = arith.addf %add3A_680, %gather3A_693 : vector<16xf32>
      scf.yield %add3A_686, %add3A_694 : vector<16xf32>, vector<16xf32>
    }
    %scan3A_135 = arith.constant 25 : i32
    %swap3A = arith.constant 0 : index
    %swap3A_136 = tpu.vector_load %arg17[%swap3A] {strides = array<i32>} : memref<512xf32, #tpu.memory_space<vmem>>, vector<16xf32>,
    tpu.vector_store %arg17[%swap3A], %scan3A_134#0 {strides = array<i32>} : memref<512xf32, #tpu.memory_space<vmem>>, vector<16xf32>,
    %swap3A_137 = arith.constant 16 : index
    %swap3A_138 = tpu.vector_load %arg17[%swap3A_137] {strides = array<i32>} : memref<512xf32, #tpu.memory_space<vmem>>, vector<16xf32>,
    tpu.vector_store %arg17[%swap3A_137], %scan3A_134#1 {strides = array<i32>} : memref<512xf32, #tpu.memory_space<vmem>>, vector<16xf32>,
    %dma_wait3A_139 = arith.constant 1 : i32
    %dma_wait3A_140 = arith.constant 0 : i32
    %dma_wait3A_141 = tpu.memref_slice %arg3[%dma_wait3A_140] : memref<1000000xf32, #tpu.memory_space<hbm>> -> memref<1000000xf32, #tpu.memory_space<hbm>>
    %dma_wait3A_142 = tpu.memref_slice %arg19[%dma_wait3A_139] : memref<6x!tpu.dma_semaphore, #tpu.memory_space<semaphore_mem>> -> memref<1x!tpu.dma_semaphore, #tpu.memory_space<semaphore_mem>>
    %dma_wait3A_143 = tpu.memref_squeeze %dma_wait3A_142 : memref<1x!tpu.dma_semaphore, #tpu.memory_space<semaphore_mem>> -> memref<!tpu.dma_semaphore, #tpu.memory_space<semaphore_mem>>
    tpu.wait_indirect_dma semaphore(%dma_wait3A_143 : memref<!tpu.dma_semaphore, #tpu.memory_space<semaphore_mem>>) src(%dma_wait3A_141 : memref<1000000xf32, #tpu.memory_space<hbm>>) dst(%arg12 : memref<6400xf32, #tpu.memory_space<vmem>>)
    %add3A_144 = arith.constant 38400 : i32
    %add3A_145 = arith.addi %mul3A_2, %add3A_144 : i32
    %dma_wait3A_146 = arith.constant 0 : i32
    %dma_wait3A_147 = tpu.memref_slice %arg2[%add3A_145] : memref<3276800xi32, #tpu.memory_space<hbm>> -> memref<6400xi32, #tpu.memory_space<hbm>>
    %dma_wait3A_148 = tpu.memref_slice %arg18[%dma_wait3A_146] : memref<6x!tpu.dma_semaphore, #tpu.memory_space<semaphore_mem>> -> memref<1x!tpu.dma_semaphore, #tpu.memory_space<semaphore_mem>>
    %dma_wait3A_149 = tpu.memref_squeeze %dma_wait3A_148 : memref<1x!tpu.dma_semaphore, #tpu.memory_space<semaphore_mem>> -> memref<!tpu.dma_semaphore, #tpu.memory_space<semaphore_mem>>
    %dma_wait3A_150 = tpu.memref_slice %arg2[%add3A_145] : memref<3276800xi32, #tpu.memory_space<hbm>> -> memref<6400xi32, #tpu.memory_space<hbm>>
    tpu.wait_dma2 semaphore(%dma_wait3A_149 : memref<!tpu.dma_semaphore, #tpu.memory_space<semaphore_mem>>) src(%dma_wait3A_150 : memref<6400xi32, #tpu.memory_space<hbm>>) dst(%arg5 : memref<6400xi32, #tpu.memory_space<vmem>>)
    %dma_start3A_151 = arith.constant 0 : i32
    %dma_start3A_152 = arith.constant 0 : i32
    %dma_start3A_153 = tpu.memref_slice %arg3[%dma_start3A_152] : memref<1000000xf32, #tpu.memory_space<hbm>> -> memref<1000000xf32, #tpu.memory_space<hbm>>
    %dma_start3A_154 = tpu.memref_slice %arg19[%dma_start3A_151] : memref<6x!tpu.dma_semaphore, #tpu.memory_space<semaphore_mem>> -> memref<1x!tpu.dma_semaphore, #tpu.memory_space<semaphore_mem>>
    %dma_start3A_155 = tpu.memref_squeeze %dma_start3A_154 : memref<1x!tpu.dma_semaphore, #tpu.memory_space<semaphore_mem>> -> memref<!tpu.dma_semaphore, #tpu.memory_space<semaphore_mem>>
    tpu.enqueue_indirect_dma source(%dma_start3A_153 : memref<1000000xf32, #tpu.memory_space<hbm>>) target(%arg11 : memref<6400xf32, #tpu.memory_space<vmem>>) offsets(%arg5 : memref<6400xi32, #tpu.memory_space<vmem>>) semaphore(%dma_start3A_155 : memref<!tpu.dma_semaphore, #tpu.memory_space<semaphore_mem>>)
    %add3A_156 = arith.constant 44800 : i32
    %add3A_157 = arith.addi %mul3A_2, %add3A_156 : i32
    %dma_start3A_158 = arith.constant 1 : i32
    %dma_start3A_159 = tpu.memref_slice %arg2[%add3A_157] : memref<3276800xi32, #tpu.memory_space<hbm>> -> memref<6400xi32, #tpu.memory_space<hbm>>
    %dma_start3A_160 = tpu.memref_slice %arg18[%dma_start3A_158] : memref<6x!tpu.dma_semaphore, #tpu.memory_space<semaphore_mem>> -> memref<1x!tpu.dma_semaphore, #tpu.memory_space<semaphore_mem>>
    %dma_start3A_161 = tpu.memref_squeeze %dma_start3A_160 : memref<1x!tpu.dma_semaphore, #tpu.memory_space<semaphore_mem>> -> memref<!tpu.dma_semaphore, #tpu.memory_space<semaphore_mem>>
    %dma_start3A_162 = tpu.memref_slice %arg2[%add3A_157] : memref<3276800xi32, #tpu.memory_space<hbm>> -> memref<6400xi32, #tpu.memory_space<hbm>>
    tpu.enqueue_dma source(%dma_start3A_162 : memref<6400xi32, #tpu.memory_space<hbm>>) target(%arg6 : memref<6400xi32, #tpu.memory_space<vmem>>) target_semaphore(%dma_start3A_161 : memref<!tpu.dma_semaphore, #tpu.memory_space<semaphore_mem>>)
    %broadcast_in_dim3A_163 = arith.constant 0.000000e+00 : f32
    %broadcast_in_dim3A_164 = vector.broadcast %broadcast_in_dim3A_163 : f32 to vector<16xf32>
    %scan3A_165 = arith.constant 0 : i32
    %scan3A_166 = arith.constant 25 : i32
    %scan3A_167 = arith.addi %scan3A_165, %scan3A_166 : i32
    %scan3A_168 = arith.constant 1 : i32
    %scan3A_169:2 = scf.for %scan3A_579 = %scan3A_165 to %scan3A_167 step %scan3A_168 iter_args(%scan3A_580 = %broadcast_in_dim3A_164, %scan3A_581 = %broadcast_in_dim3A_164) -> (vector<16xf32>, vector<16xf32>)  : i32 {
      %mul3A_582 = arith.constant 8 : i32
      %mul3A_583 = arith.muli %scan3A_579, %mul3A_582 : i32
      %add3A_584 = arith.constant 0 : i32
      %add3A_585 = arith.addi %mul3A_583, %add3A_584 : i32
      %add3A_586 = vector.broadcast %add3A_585 : i32 to vector<16xi32>
      %add3A_587 = arith.addi %mul3A_5, %add3A_586 : vector<16xi32>
      %gather3A = tpu.vector_load_idx %arg12[%add3A_587] : memref<6400xf32, #tpu.memory_space<vmem>>[vector<16xi32>], vector<16xf32>,
      %add3A_588 = arith.addf %scan3A_580, %gather3A : vector<16xf32>
      %add3A_589 = arith.constant 3200 : i32
      %add3A_590 = arith.addi %add3A_589, %mul3A_583 : i32
      %add3A_591 = arith.constant 0 : i32
      %add3A_592 = arith.addi %add3A_590, %add3A_591 : i32
      %add3A_593 = vector.broadcast %add3A_592 : i32 to vector<16xi32>
      %add3A_594 = arith.addi %mul3A_5, %add3A_593 : vector<16xi32>
      %gather3A_595 = tpu.vector_load_idx %arg12[%add3A_594] : memref<6400xf32, #tpu.memory_space<vmem>>[vector<16xi32>], vector<16xf32>,
      %add3A_596 = arith.addf %scan3A_581, %gather3A_595 : vector<16xf32>
      %add3A_597 = arith.constant 1 : i32
      %add3A_598 = arith.addi %mul3A_583, %add3A_597 : i32
      %add3A_599 = vector.broadcast %add3A_598 : i32 to vector<16xi32>
      %add3A_600 = arith.addi %mul3A_5, %add3A_599 : vector<16xi32>
      %gather3A_601 = tpu.vector_load_idx %arg12[%add3A_600] : memref<6400xf32, #tpu.memory_space<vmem>>[vector<16xi32>], vector<16xf32>,
      %add3A_602 = arith.addf %add3A_588, %gather3A_601 : vector<16xf32>
      %add3A_603 = arith.constant 3200 : i32
      %add3A_604 = arith.addi %add3A_603, %mul3A_583 : i32
      %add3A_605 = arith.constant 1 : i32
      %add3A_606 = arith.addi %add3A_604, %add3A_605 : i32
      %add3A_607 = vector.broadcast %add3A_606 : i32 to vector<16xi32>
      %add3A_608 = arith.addi %mul3A_5, %add3A_607 : vector<16xi32>
      %gather3A_609 = tpu.vector_load_idx %arg12[%add3A_608] : memref<6400xf32, #tpu.memory_space<vmem>>[vector<16xi32>], vector<16xf32>,
      %add3A_610 = arith.addf %add3A_596, %gather3A_609 : vector<16xf32>
      %add3A_611 = arith.constant 2 : i32
      %add3A_612 = arith.addi %mul3A_583, %add3A_611 : i32
      %add3A_613 = vector.broadcast %add3A_612 : i32 to vector<16xi32>
      %add3A_614 = arith.addi %mul3A_5, %add3A_613 : vector<16xi32>
      %gather3A_615 = tpu.vector_load_idx %arg12[%add3A_614] : memref<6400xf32, #tpu.memory_space<vmem>>[vector<16xi32>], vector<16xf32>,
      %add3A_616 = arith.addf %add3A_602, %gather3A_615 : vector<16xf32>
      %add3A_617 = arith.constant 3200 : i32
      %add3A_618 = arith.addi %add3A_617, %mul3A_583 : i32
      %add3A_619 = arith.constant 2 : i32
      %add3A_620 = arith.addi %add3A_618, %add3A_619 : i32
      %add3A_621 = vector.broadcast %add3A_620 : i32 to vector<16xi32>
      %add3A_622 = arith.addi %mul3A_5, %add3A_621 : vector<16xi32>
      %gather3A_623 = tpu.vector_load_idx %arg12[%add3A_622] : memref<6400xf32, #tpu.memory_space<vmem>>[vector<16xi32>], vector<16xf32>,
      %add3A_624 = arith.addf %add3A_610, %gather3A_623 : vector<16xf32>
      %add3A_625 = arith.constant 3 : i32
      %add3A_626 = arith.addi %mul3A_583, %add3A_625 : i32
      %add3A_627 = vector.broadcast %add3A_626 : i32 to vector<16xi32>
      %add3A_628 = arith.addi %mul3A_5, %add3A_627 : vector<16xi32>
      %gather3A_629 = tpu.vector_load_idx %arg12[%add3A_628] : memref<6400xf32, #tpu.memory_space<vmem>>[vector<16xi32>], vector<16xf32>,
      %add3A_630 = arith.addf %add3A_616, %gather3A_629 : vector<16xf32>
      %add3A_631 = arith.constant 3200 : i32
      %add3A_632 = arith.addi %add3A_631, %mul3A_583 : i32
      %add3A_633 = arith.constant 3 : i32
      %add3A_634 = arith.addi %add3A_632, %add3A_633 : i32
      %add3A_635 = vector.broadcast %add3A_634 : i32 to vector<16xi32>
      %add3A_636 = arith.addi %mul3A_5, %add3A_635 : vector<16xi32>
      %gather3A_637 = tpu.vector_load_idx %arg12[%add3A_636] : memref<6400xf32, #tpu.memory_space<vmem>>[vector<16xi32>], vector<16xf32>,
      %add3A_638 = arith.addf %add3A_624, %gather3A_637 : vector<16xf32>
      %add3A_639 = arith.constant 4 : i32
      %add3A_640 = arith.addi %mul3A_583, %add3A_639 : i32
      %add3A_641 = vector.broadcast %add3A_640 : i32 to vector<16xi32>
      %add3A_642 = arith.addi %mul3A_5, %add3A_641 : vector<16xi32>
      %gather3A_643 = tpu.vector_load_idx %arg12[%add3A_642] : memref<6400xf32, #tpu.memory_space<vmem>>[vector<16xi32>], vector<16xf32>,
      %add3A_644 = arith.addf %add3A_630, %gather3A_643 : vector<16xf32>
      %add3A_645 = arith.constant 3200 : i32
      %add3A_646 = arith.addi %add3A_645, %mul3A_583 : i32
      %add3A_647 = arith.constant 4 : i32
      %add3A_648 = arith.addi %add3A_646, %add3A_647 : i32
      %add3A_649 = vector.broadcast %add3A_648 : i32 to vector<16xi32>
      %add3A_650 = arith.addi %mul3A_5, %add3A_649 : vector<16xi32>
      %gather3A_651 = tpu.vector_load_idx %arg12[%add3A_650] : memref<6400xf32, #tpu.memory_space<vmem>>[vector<16xi32>], vector<16xf32>,
      %add3A_652 = arith.addf %add3A_638, %gather3A_651 : vector<16xf32>
      %add3A_653 = arith.constant 5 : i32
      %add3A_654 = arith.addi %mul3A_583, %add3A_653 : i32
      %add3A_655 = vector.broadcast %add3A_654 : i32 to vector<16xi32>
      %add3A_656 = arith.addi %mul3A_5, %add3A_655 : vector<16xi32>
      %gather3A_657 = tpu.vector_load_idx %arg12[%add3A_656] : memref<6400xf32, #tpu.memory_space<vmem>>[vector<16xi32>], vector<16xf32>,
      %add3A_658 = arith.addf %add3A_644, %gather3A_657 : vector<16xf32>
      %add3A_659 = arith.constant 3200 : i32
      %add3A_660 = arith.addi %add3A_659, %mul3A_583 : i32
      %add3A_661 = arith.constant 5 : i32
      %add3A_662 = arith.addi %add3A_660, %add3A_661 : i32
      %add3A_663 = vector.broadcast %add3A_662 : i32 to vector<16xi32>
      %add3A_664 = arith.addi %mul3A_5, %add3A_663 : vector<16xi32>
      %gather3A_665 = tpu.vector_load_idx %arg12[%add3A_664] : memref<6400xf32, #tpu.memory_space<vmem>>[vector<16xi32>], vector<16xf32>,
      %add3A_666 = arith.addf %add3A_652, %gather3A_665 : vector<16xf32>
      %add3A_667 = arith.constant 6 : i32
      %add3A_668 = arith.addi %mul3A_583, %add3A_667 : i32
      %add3A_669 = vector.broadcast %add3A_668 : i32 to vector<16xi32>
      %add3A_670 = arith.addi %mul3A_5, %add3A_669 : vector<16xi32>
      %gather3A_671 = tpu.vector_load_idx %arg12[%add3A_670] : memref<6400xf32, #tpu.memory_space<vmem>>[vector<16xi32>], vector<16xf32>,
      %add3A_672 = arith.addf %add3A_658, %gather3A_671 : vector<16xf32>
      %add3A_673 = arith.constant 3200 : i32
      %add3A_674 = arith.addi %add3A_673, %mul3A_583 : i32
      %add3A_675 = arith.constant 6 : i32
      %add3A_676 = arith.addi %add3A_674, %add3A_675 : i32
      %add3A_677 = vector.broadcast %add3A_676 : i32 to vector<16xi32>
      %add3A_678 = arith.addi %mul3A_5, %add3A_677 : vector<16xi32>
      %gather3A_679 = tpu.vector_load_idx %arg12[%add3A_678] : memref<6400xf32, #tpu.memory_space<vmem>>[vector<16xi32>], vector<16xf32>,
      %add3A_680 = arith.addf %add3A_666, %gather3A_679 : vector<16xf32>
      %add3A_681 = arith.constant 7 : i32
      %add3A_682 = arith.addi %mul3A_583, %add3A_681 : i32
      %add3A_683 = vector.broadcast %add3A_682 : i32 to vector<16xi32>
      %add3A_684 = arith.addi %mul3A_5, %add3A_683 : vector<16xi32>
      %gather3A_685 = tpu.vector_load_idx %arg12[%add3A_684] : memref<6400xf32, #tpu.memory_space<vmem>>[vector<16xi32>], vector<16xf32>,
      %add3A_686 = arith.addf %add3A_672, %gather3A_685 : vector<16xf32>
      %add3A_687 = arith.constant 3200 : i32
      %add3A_688 = arith.addi %add3A_687, %mul3A_583 : i32
      %add3A_689 = arith.constant 7 : i32
      %add3A_690 = arith.addi %add3A_688, %add3A_689 : i32
      %add3A_691 = vector.broadcast %add3A_690 : i32 to vector<16xi32>
      %add3A_692 = arith.addi %mul3A_5, %add3A_691 : vector<16xi32>
      %gather3A_693 = tpu.vector_load_idx %arg12[%add3A_692] : memref<6400xf32, #tpu.memory_space<vmem>>[vector<16xi32>], vector<16xf32>,
      %add3A_694 = arith.addf %add3A_680, %gather3A_693 : vector<16xf32>
      scf.yield %add3A_686, %add3A_694 : vector<16xf32>, vector<16xf32>
    }
    %scan3A_170 = arith.constant 25 : i32
    %swap3A_171 = arith.constant 32 : index
    %swap3A_172 = tpu.vector_load %arg17[%swap3A_171] {strides = array<i32>} : memref<512xf32, #tpu.memory_space<vmem>>, vector<16xf32>,
    tpu.vector_store %arg17[%swap3A_171], %scan3A_169#0 {strides = array<i32>} : memref<512xf32, #tpu.memory_space<vmem>>, vector<16xf32>,
    %swap3A_173 = arith.constant 48 : index
    %swap3A_174 = tpu.vector_load %arg17[%swap3A_173] {strides = array<i32>} : memref<512xf32, #tpu.memory_space<vmem>>, vector<16xf32>,
    tpu.vector_store %arg17[%swap3A_173], %scan3A_169#1 {strides = array<i32>} : memref<512xf32, #tpu.memory_space<vmem>>, vector<16xf32>,
    %dma_wait3A_175 = arith.constant 2 : i32
    %dma_wait3A_176 = arith.constant 0 : i32
    %dma_wait3A_177 = tpu.memref_slice %arg3[%dma_wait3A_176] : memref<1000000xf32, #tpu.memory_space<hbm>> -> memref<1000000xf32, #tpu.memory_space<hbm>>
    %dma_wait3A_178 = tpu.memref_slice %arg19[%dma_wait3A_175] : memref<6x!tpu.dma_semaphore, #tpu.memory_space<semaphore_mem>> -> memref<1x!tpu.dma_semaphore, #tpu.memory_space<semaphore_mem>>
    %dma_wait3A_179 = tpu.memref_squeeze %dma_wait3A_178 : memref<1x!tpu.dma_semaphore, #tpu.memory_space<semaphore_mem>> -> memref<!tpu.dma_semaphore, #tpu.memory_space<semaphore_mem>>
    tpu.wait_indirect_dma semaphore(%dma_wait3A_179 : memref<!tpu.dma_semaphore, #tpu.memory_space<semaphore_mem>>) src(%dma_wait3A_177 : memref<1000000xf32, #tpu.memory_space<hbm>>) dst(%arg13 : memref<6400xf32, #tpu.memory_space<vmem>>)
    %add3A_180 = arith.constant 44800 : i32
    %add3A_181 = arith.addi %mul3A_2, %add3A_180 : i32
    %dma_wait3A_182 = arith.constant 1 : i32
    %dma_wait3A_183 = tpu.memref_slice %arg2[%add3A_181] : memref<3276800xi32, #tpu.memory_space<hbm>> -> memref<6400xi32, #tpu.memory_space<hbm>>
    %dma_wait3A_184 = tpu.memref_slice %arg18[%dma_wait3A_182] : memref<6x!tpu.dma_semaphore, #tpu.memory_space<semaphore_mem>> -> memref<1x!tpu.dma_semaphore, #tpu.memory_space<semaphore_mem>>
    %dma_wait3A_185 = tpu.memref_squeeze %dma_wait3A_184 : memref<1x!tpu.dma_semaphore, #tpu.memory_space<semaphore_mem>> -> memref<!tpu.dma_semaphore, #tpu.memory_space<semaphore_mem>>
    %dma_wait3A_186 = tpu.memref_slice %arg2[%add3A_181] : memref<3276800xi32, #tpu.memory_space<hbm>> -> memref<6400xi32, #tpu.memory_space<hbm>>
    tpu.wait_dma2 semaphore(%dma_wait3A_185 : memref<!tpu.dma_semaphore, #tpu.memory_space<semaphore_mem>>) src(%dma_wait3A_186 : memref<6400xi32, #tpu.memory_space<hbm>>) dst(%arg6 : memref<6400xi32, #tpu.memory_space<vmem>>)
    %dma_start3A_187 = arith.constant 1 : i32
    %dma_start3A_188 = arith.constant 0 : i32
    %dma_start3A_189 = tpu.memref_slice %arg3[%dma_start3A_188] : memref<1000000xf32, #tpu.memory_space<hbm>> -> memref<1000000xf32, #tpu.memory_space<hbm>>
    %dma_start3A_190 = tpu.memref_slice %arg19[%dma_start3A_187] : memref<6x!tpu.dma_semaphore, #tpu.memory_space<semaphore_mem>> -> memref<1x!tpu.dma_semaphore, #tpu.memory_space<semaphore_mem>>
    %dma_start3A_191 = tpu.memref_squeeze %dma_start3A_190 : memref<1x!tpu.dma_semaphore, #tpu.memory_space<semaphore_mem>> -> memref<!tpu.dma_semaphore, #tpu.memory_space<semaphore_mem>>
    tpu.enqueue_indirect_dma source(%dma_start3A_189 : memref<1000000xf32, #tpu.memory_space<hbm>>) target(%arg12 : memref<6400xf32, #tpu.memory_space<vmem>>) offsets(%arg6 : memref<6400xi32, #tpu.memory_space<vmem>>) semaphore(%dma_start3A_191 : memref<!tpu.dma_semaphore, #tpu.memory_space<semaphore_mem>>)
    %add3A_192 = arith.constant 51200 : i32
    %add3A_193 = arith.addi %mul3A_2, %add3A_192 : i32
    %dma_start3A_194 = arith.constant 2 : i32
    %dma_start3A_195 = tpu.memref_slice %arg2[%add3A_193] : memref<3276800xi32, #tpu.memory_space<hbm>> -> memref<6400xi32, #tpu.memory_space<hbm>>
    %dma_start3A_196 = tpu.memref_slice %arg18[%dma_start3A_194] : memref<6x!tpu.dma_semaphore, #tpu.memory_space<semaphore_mem>> -> memref<1x!tpu.dma_semaphore, #tpu.memory_space<semaphore_mem>>
    %dma_start3A_197 = tpu.memref_squeeze %dma_start3A_196 : memref<1x!tpu.dma_semaphore, #tpu.memory_space<semaphore_mem>> -> memref<!tpu.dma_semaphore, #tpu.memory_space<semaphore_mem>>
    %dma_start3A_198 = tpu.memref_slice %arg2[%add3A_193] : memref<3276800xi32, #tpu.memory_space<hbm>> -> memref<6400xi32, #tpu.memory_space<hbm>>
    tpu.enqueue_dma source(%dma_start3A_198 : memref<6400xi32, #tpu.memory_space<hbm>>) target(%arg7 : memref<6400xi32, #tpu.memory_space<vmem>>) target_semaphore(%dma_start3A_197 : memref<!tpu.dma_semaphore, #tpu.memory_space<semaphore_mem>>)
    %broadcast_in_dim3A_199 = arith.constant 0.000000e+00 : f32
    %broadcast_in_dim3A_200 = vector.broadcast %broadcast_in_dim3A_199 : f32 to vector<16xf32>
    %scan3A_201 = arith.constant 0 : i32
    %scan3A_202 = arith.constant 25 : i32
    %scan3A_203 = arith.addi %scan3A_201, %scan3A_202 : i32
    %scan3A_204 = arith.constant 1 : i32
    %scan3A_205:2 = scf.for %scan3A_579 = %scan3A_201 to %scan3A_203 step %scan3A_204 iter_args(%scan3A_580 = %broadcast_in_dim3A_200, %scan3A_581 = %broadcast_in_dim3A_200) -> (vector<16xf32>, vector<16xf32>)  : i32 {
      %mul3A_582 = arith.constant 8 : i32
      %mul3A_583 = arith.muli %scan3A_579, %mul3A_582 : i32
      %add3A_584 = arith.constant 0 : i32
      %add3A_585 = arith.addi %mul3A_583, %add3A_584 : i32
      %add3A_586 = vector.broadcast %add3A_585 : i32 to vector<16xi32>
      %add3A_587 = arith.addi %mul3A_5, %add3A_586 : vector<16xi32>
      %gather3A = tpu.vector_load_idx %arg13[%add3A_587] : memref<6400xf32, #tpu.memory_space<vmem>>[vector<16xi32>], vector<16xf32>,
      %add3A_588 = arith.addf %scan3A_580, %gather3A : vector<16xf32>
      %add3A_589 = arith.constant 3200 : i32
      %add3A_590 = arith.addi %add3A_589, %mul3A_583 : i32
      %add3A_591 = arith.constant 0 : i32
      %add3A_592 = arith.addi %add3A_590, %add3A_591 : i32
      %add3A_593 = vector.broadcast %add3A_592 : i32 to vector<16xi32>
      %add3A_594 = arith.addi %mul3A_5, %add3A_593 : vector<16xi32>
      %gather3A_595 = tpu.vector_load_idx %arg13[%add3A_594] : memref<6400xf32, #tpu.memory_space<vmem>>[vector<16xi32>], vector<16xf32>,
      %add3A_596 = arith.addf %scan3A_581, %gather3A_595 : vector<16xf32>
      %add3A_597 = arith.constant 1 : i32
      %add3A_598 = arith.addi %mul3A_583, %add3A_597 : i32
      %add3A_599 = vector.broadcast %add3A_598 : i32 to vector<16xi32>
      %add3A_600 = arith.addi %mul3A_5, %add3A_599 : vector<16xi32>
      %gather3A_601 = tpu.vector_load_idx %arg13[%add3A_600] : memref<6400xf32, #tpu.memory_space<vmem>>[vector<16xi32>], vector<16xf32>,
      %add3A_602 = arith.addf %add3A_588, %gather3A_601 : vector<16xf32>
      %add3A_603 = arith.constant 3200 : i32
      %add3A_604 = arith.addi %add3A_603, %mul3A_583 : i32
      %add3A_605 = arith.constant 1 : i32
      %add3A_606 = arith.addi %add3A_604, %add3A_605 : i32
      %add3A_607 = vector.broadcast %add3A_606 : i32 to vector<16xi32>
      %add3A_608 = arith.addi %mul3A_5, %add3A_607 : vector<16xi32>
      %gather3A_609 = tpu.vector_load_idx %arg13[%add3A_608] : memref<6400xf32, #tpu.memory_space<vmem>>[vector<16xi32>], vector<16xf32>,
      %add3A_610 = arith.addf %add3A_596, %gather3A_609 : vector<16xf32>
      %add3A_611 = arith.constant 2 : i32
      %add3A_612 = arith.addi %mul3A_583, %add3A_611 : i32
      %add3A_613 = vector.broadcast %add3A_612 : i32 to vector<16xi32>
      %add3A_614 = arith.addi %mul3A_5, %add3A_613 : vector<16xi32>
      %gather3A_615 = tpu.vector_load_idx %arg13[%add3A_614] : memref<6400xf32, #tpu.memory_space<vmem>>[vector<16xi32>], vector<16xf32>,
      %add3A_616 = arith.addf %add3A_602, %gather3A_615 : vector<16xf32>
      %add3A_617 = arith.constant 3200 : i32
      %add3A_618 = arith.addi %add3A_617, %mul3A_583 : i32
      %add3A_619 = arith.constant 2 : i32
      %add3A_620 = arith.addi %add3A_618, %add3A_619 : i32
      %add3A_621 = vector.broadcast %add3A_620 : i32 to vector<16xi32>
      %add3A_622 = arith.addi %mul3A_5, %add3A_621 : vector<16xi32>
      %gather3A_623 = tpu.vector_load_idx %arg13[%add3A_622] : memref<6400xf32, #tpu.memory_space<vmem>>[vector<16xi32>], vector<16xf32>,
      %add3A_624 = arith.addf %add3A_610, %gather3A_623 : vector<16xf32>
      %add3A_625 = arith.constant 3 : i32
      %add3A_626 = arith.addi %mul3A_583, %add3A_625 : i32
      %add3A_627 = vector.broadcast %add3A_626 : i32 to vector<16xi32>
      %add3A_628 = arith.addi %mul3A_5, %add3A_627 : vector<16xi32>
      %gather3A_629 = tpu.vector_load_idx %arg13[%add3A_628] : memref<6400xf32, #tpu.memory_space<vmem>>[vector<16xi32>], vector<16xf32>,
      %add3A_630 = arith.addf %add3A_616, %gather3A_629 : vector<16xf32>
      %add3A_631 = arith.constant 3200 : i32
      %add3A_632 = arith.addi %add3A_631, %mul3A_583 : i32
      %add3A_633 = arith.constant 3 : i32
      %add3A_634 = arith.addi %add3A_632, %add3A_633 : i32
      %add3A_635 = vector.broadcast %add3A_634 : i32 to vector<16xi32>
      %add3A_636 = arith.addi %mul3A_5, %add3A_635 : vector<16xi32>
      %gather3A_637 = tpu.vector_load_idx %arg13[%add3A_636] : memref<6400xf32, #tpu.memory_space<vmem>>[vector<16xi32>], vector<16xf32>,
      %add3A_638 = arith.addf %add3A_624, %gather3A_637 : vector<16xf32>
      %add3A_639 = arith.constant 4 : i32
      %add3A_640 = arith.addi %mul3A_583, %add3A_639 : i32
      %add3A_641 = vector.broadcast %add3A_640 : i32 to vector<16xi32>
      %add3A_642 = arith.addi %mul3A_5, %add3A_641 : vector<16xi32>
      %gather3A_643 = tpu.vector_load_idx %arg13[%add3A_642] : memref<6400xf32, #tpu.memory_space<vmem>>[vector<16xi32>], vector<16xf32>,
      %add3A_644 = arith.addf %add3A_630, %gather3A_643 : vector<16xf32>
      %add3A_645 = arith.constant 3200 : i32
      %add3A_646 = arith.addi %add3A_645, %mul3A_583 : i32
      %add3A_647 = arith.constant 4 : i32
      %add3A_648 = arith.addi %add3A_646, %add3A_647 : i32
      %add3A_649 = vector.broadcast %add3A_648 : i32 to vector<16xi32>
      %add3A_650 = arith.addi %mul3A_5, %add3A_649 : vector<16xi32>
      %gather3A_651 = tpu.vector_load_idx %arg13[%add3A_650] : memref<6400xf32, #tpu.memory_space<vmem>>[vector<16xi32>], vector<16xf32>,
      %add3A_652 = arith.addf %add3A_638, %gather3A_651 : vector<16xf32>
      %add3A_653 = arith.constant 5 : i32
      %add3A_654 = arith.addi %mul3A_583, %add3A_653 : i32
      %add3A_655 = vector.broadcast %add3A_654 : i32 to vector<16xi32>
      %add3A_656 = arith.addi %mul3A_5, %add3A_655 : vector<16xi32>
      %gather3A_657 = tpu.vector_load_idx %arg13[%add3A_656] : memref<6400xf32, #tpu.memory_space<vmem>>[vector<16xi32>], vector<16xf32>,
      %add3A_658 = arith.addf %add3A_644, %gather3A_657 : vector<16xf32>
      %add3A_659 = arith.constant 3200 : i32
      %add3A_660 = arith.addi %add3A_659, %mul3A_583 : i32
      %add3A_661 = arith.constant 5 : i32
      %add3A_662 = arith.addi %add3A_660, %add3A_661 : i32
      %add3A_663 = vector.broadcast %add3A_662 : i32 to vector<16xi32>
      %add3A_664 = arith.addi %mul3A_5, %add3A_663 : vector<16xi32>
      %gather3A_665 = tpu.vector_load_idx %arg13[%add3A_664] : memref<6400xf32, #tpu.memory_space<vmem>>[vector<16xi32>], vector<16xf32>,
      %add3A_666 = arith.addf %add3A_652, %gather3A_665 : vector<16xf32>
      %add3A_667 = arith.constant 6 : i32
      %add3A_668 = arith.addi %mul3A_583, %add3A_667 : i32
      %add3A_669 = vector.broadcast %add3A_668 : i32 to vector<16xi32>
      %add3A_670 = arith.addi %mul3A_5, %add3A_669 : vector<16xi32>
      %gather3A_671 = tpu.vector_load_idx %arg13[%add3A_670] : memref<6400xf32, #tpu.memory_space<vmem>>[vector<16xi32>], vector<16xf32>,
      %add3A_672 = arith.addf %add3A_658, %gather3A_671 : vector<16xf32>
      %add3A_673 = arith.constant 3200 : i32
      %add3A_674 = arith.addi %add3A_673, %mul3A_583 : i32
      %add3A_675 = arith.constant 6 : i32
      %add3A_676 = arith.addi %add3A_674, %add3A_675 : i32
      %add3A_677 = vector.broadcast %add3A_676 : i32 to vector<16xi32>
      %add3A_678 = arith.addi %mul3A_5, %add3A_677 : vector<16xi32>
      %gather3A_679 = tpu.vector_load_idx %arg13[%add3A_678] : memref<6400xf32, #tpu.memory_space<vmem>>[vector<16xi32>], vector<16xf32>,
      %add3A_680 = arith.addf %add3A_666, %gather3A_679 : vector<16xf32>
      %add3A_681 = arith.constant 7 : i32
      %add3A_682 = arith.addi %mul3A_583, %add3A_681 : i32
      %add3A_683 = vector.broadcast %add3A_682 : i32 to vector<16xi32>
      %add3A_684 = arith.addi %mul3A_5, %add3A_683 : vector<16xi32>
      %gather3A_685 = tpu.vector_load_idx %arg13[%add3A_684] : memref<6400xf32, #tpu.memory_space<vmem>>[vector<16xi32>], vector<16xf32>,
      %add3A_686 = arith.addf %add3A_672, %gather3A_685 : vector<16xf32>
      %add3A_687 = arith.constant 3200 : i32
      %add3A_688 = arith.addi %add3A_687, %mul3A_583 : i32
      %add3A_689 = arith.constant 7 : i32
      %add3A_690 = arith.addi %add3A_688, %add3A_689 : i32
      %add3A_691 = vector.broadcast %add3A_690 : i32 to vector<16xi32>
      %add3A_692 = arith.addi %mul3A_5, %add3A_691 : vector<16xi32>
      %gather3A_693 = tpu.vector_load_idx %arg13[%add3A_692] : memref<6400xf32, #tpu.memory_space<vmem>>[vector<16xi32>], vector<16xf32>,
      %add3A_694 = arith.addf %add3A_680, %gather3A_693 : vector<16xf32>
      scf.yield %add3A_686, %add3A_694 : vector<16xf32>, vector<16xf32>
    }
    %scan3A_206 = arith.constant 25 : i32
    %swap3A_207 = arith.constant 64 : index
    %swap3A_208 = tpu.vector_load %arg17[%swap3A_207] {strides = array<i32>} : memref<512xf32, #tpu.memory_space<vmem>>, vector<16xf32>,
    tpu.vector_store %arg17[%swap3A_207], %scan3A_205#0 {strides = array<i32>} : memref<512xf32, #tpu.memory_space<vmem>>, vector<16xf32>,
    %swap3A_209 = arith.constant 80 : index
    %swap3A_210 = tpu.vector_load %arg17[%swap3A_209] {strides = array<i32>} : memref<512xf32, #tpu.memory_space<vmem>>, vector<16xf32>,
    tpu.vector_store %arg17[%swap3A_209], %scan3A_205#1 {strides = array<i32>} : memref<512xf32, #tpu.memory_space<vmem>>, vector<16xf32>,
    %dma_wait3A_211 = arith.constant 3 : i32
    %dma_wait3A_212 = arith.constant 0 : i32
    %dma_wait3A_213 = tpu.memref_slice %arg3[%dma_wait3A_212] : memref<1000000xf32, #tpu.memory_space<hbm>> -> memref<1000000xf32, #tpu.memory_space<hbm>>
    %dma_wait3A_214 = tpu.memref_slice %arg19[%dma_wait3A_211] : memref<6x!tpu.dma_semaphore, #tpu.memory_space<semaphore_mem>> -> memref<1x!tpu.dma_semaphore, #tpu.memory_space<semaphore_mem>>
    %dma_wait3A_215 = tpu.memref_squeeze %dma_wait3A_214 : memref<1x!tpu.dma_semaphore, #tpu.memory_space<semaphore_mem>> -> memref<!tpu.dma_semaphore, #tpu.memory_space<semaphore_mem>>
    tpu.wait_indirect_dma semaphore(%dma_wait3A_215 : memref<!tpu.dma_semaphore, #tpu.memory_space<semaphore_mem>>) src(%dma_wait3A_213 : memref<1000000xf32, #tpu.memory_space<hbm>>) dst(%arg14 : memref<6400xf32, #tpu.memory_space<vmem>>)
    %add3A_216 = arith.constant 51200 : i32
    %add3A_217 = arith.addi %mul3A_2, %add3A_216 : i32
    %dma_wait3A_218 = arith.constant 2 : i32
    %dma_wait3A_219 = tpu.memref_slice %arg2[%add3A_217] : memref<3276800xi32, #tpu.memory_space<hbm>> -> memref<6400xi32, #tpu.memory_space<hbm>>
    %dma_wait3A_220 = tpu.memref_slice %arg18[%dma_wait3A_218] : memref<6x!tpu.dma_semaphore, #tpu.memory_space<semaphore_mem>> -> memref<1x!tpu.dma_semaphore, #tpu.memory_space<semaphore_mem>>
    %dma_wait3A_221 = tpu.memref_squeeze %dma_wait3A_220 : memref<1x!tpu.dma_semaphore, #tpu.memory_space<semaphore_mem>> -> memref<!tpu.dma_semaphore, #tpu.memory_space<semaphore_mem>>
    %dma_wait3A_222 = tpu.memref_slice %arg2[%add3A_217] : memref<3276800xi32, #tpu.memory_space<hbm>> -> memref<6400xi32, #tpu.memory_space<hbm>>
    tpu.wait_dma2 semaphore(%dma_wait3A_221 : memref<!tpu.dma_semaphore, #tpu.memory_space<semaphore_mem>>) src(%dma_wait3A_222 : memref<6400xi32, #tpu.memory_space<hbm>>) dst(%arg7 : memref<6400xi32, #tpu.memory_space<vmem>>)
    %dma_start3A_223 = arith.constant 2 : i32
    %dma_start3A_224 = arith.constant 0 : i32
    %dma_start3A_225 = tpu.memref_slice %arg3[%dma_start3A_224] : memref<1000000xf32, #tpu.memory_space<hbm>> -> memref<1000000xf32, #tpu.memory_space<hbm>>
    %dma_start3A_226 = tpu.memref_slice %arg19[%dma_start3A_223] : memref<6x!tpu.dma_semaphore, #tpu.memory_space<semaphore_mem>> -> memref<1x!tpu.dma_semaphore, #tpu.memory_space<semaphore_mem>>
    %dma_start3A_227 = tpu.memref_squeeze %dma_start3A_226 : memref<1x!tpu.dma_semaphore, #tpu.memory_space<semaphore_mem>> -> memref<!tpu.dma_semaphore, #tpu.memory_space<semaphore_mem>>
    tpu.enqueue_indirect_dma source(%dma_start3A_225 : memref<1000000xf32, #tpu.memory_space<hbm>>) target(%arg13 : memref<6400xf32, #tpu.memory_space<vmem>>) offsets(%arg7 : memref<6400xi32, #tpu.memory_space<vmem>>) semaphore(%dma_start3A_227 : memref<!tpu.dma_semaphore, #tpu.memory_space<semaphore_mem>>)
    %add3A_228 = arith.constant 57600 : i32
    %add3A_229 = arith.addi %mul3A_2, %add3A_228 : i32
    %dma_start3A_230 = arith.constant 3 : i32
    %dma_start3A_231 = tpu.memref_slice %arg2[%add3A_229] : memref<3276800xi32, #tpu.memory_space<hbm>> -> memref<6400xi32, #tpu.memory_space<hbm>>
    %dma_start3A_232 = tpu.memref_slice %arg18[%dma_start3A_230] : memref<6x!tpu.dma_semaphore, #tpu.memory_space<semaphore_mem>> -> memref<1x!tpu.dma_semaphore, #tpu.memory_space<semaphore_mem>>
    %dma_start3A_233 = tpu.memref_squeeze %dma_start3A_232 : memref<1x!tpu.dma_semaphore, #tpu.memory_space<semaphore_mem>> -> memref<!tpu.dma_semaphore, #tpu.memory_space<semaphore_mem>>
    %dma_start3A_234 = tpu.memref_slice %arg2[%add3A_229] : memref<3276800xi32, #tpu.memory_space<hbm>> -> memref<6400xi32, #tpu.memory_space<hbm>>
    tpu.enqueue_dma source(%dma_start3A_234 : memref<6400xi32, #tpu.memory_space<hbm>>) target(%arg8 : memref<6400xi32, #tpu.memory_space<vmem>>) target_semaphore(%dma_start3A_233 : memref<!tpu.dma_semaphore, #tpu.memory_space<semaphore_mem>>)
    %broadcast_in_dim3A_235 = arith.constant 0.000000e+00 : f32
    %broadcast_in_dim3A_236 = vector.broadcast %broadcast_in_dim3A_235 : f32 to vector<16xf32>
    %scan3A_237 = arith.constant 0 : i32
    %scan3A_238 = arith.constant 25 : i32
    %scan3A_239 = arith.addi %scan3A_237, %scan3A_238 : i32
    %scan3A_240 = arith.constant 1 : i32
    %scan3A_241:2 = scf.for %scan3A_579 = %scan3A_237 to %scan3A_239 step %scan3A_240 iter_args(%scan3A_580 = %broadcast_in_dim3A_236, %scan3A_581 = %broadcast_in_dim3A_236) -> (vector<16xf32>, vector<16xf32>)  : i32 {
      %mul3A_582 = arith.constant 8 : i32
      %mul3A_583 = arith.muli %scan3A_579, %mul3A_582 : i32
      %add3A_584 = arith.constant 0 : i32
      %add3A_585 = arith.addi %mul3A_583, %add3A_584 : i32
      %add3A_586 = vector.broadcast %add3A_585 : i32 to vector<16xi32>
      %add3A_587 = arith.addi %mul3A_5, %add3A_586 : vector<16xi32>
      %gather3A = tpu.vector_load_idx %arg14[%add3A_587] : memref<6400xf32, #tpu.memory_space<vmem>>[vector<16xi32>], vector<16xf32>,
      %add3A_588 = arith.addf %scan3A_580, %gather3A : vector<16xf32>
      %add3A_589 = arith.constant 3200 : i32
      %add3A_590 = arith.addi %add3A_589, %mul3A_583 : i32
      %add3A_591 = arith.constant 0 : i32
      %add3A_592 = arith.addi %add3A_590, %add3A_591 : i32
      %add3A_593 = vector.broadcast %add3A_592 : i32 to vector<16xi32>
      %add3A_594 = arith.addi %mul3A_5, %add3A_593 : vector<16xi32>
      %gather3A_595 = tpu.vector_load_idx %arg14[%add3A_594] : memref<6400xf32, #tpu.memory_space<vmem>>[vector<16xi32>], vector<16xf32>,
      %add3A_596 = arith.addf %scan3A_581, %gather3A_595 : vector<16xf32>
      %add3A_597 = arith.constant 1 : i32
      %add3A_598 = arith.addi %mul3A_583, %add3A_597 : i32
      %add3A_599 = vector.broadcast %add3A_598 : i32 to vector<16xi32>
      %add3A_600 = arith.addi %mul3A_5, %add3A_599 : vector<16xi32>
      %gather3A_601 = tpu.vector_load_idx %arg14[%add3A_600] : memref<6400xf32, #tpu.memory_space<vmem>>[vector<16xi32>], vector<16xf32>,
      %add3A_602 = arith.addf %add3A_588, %gather3A_601 : vector<16xf32>
      %add3A_603 = arith.constant 3200 : i32
      %add3A_604 = arith.addi %add3A_603, %mul3A_583 : i32
      %add3A_605 = arith.constant 1 : i32
      %add3A_606 = arith.addi %add3A_604, %add3A_605 : i32
      %add3A_607 = vector.broadcast %add3A_606 : i32 to vector<16xi32>
      %add3A_608 = arith.addi %mul3A_5, %add3A_607 : vector<16xi32>
      %gather3A_609 = tpu.vector_load_idx %arg14[%add3A_608] : memref<6400xf32, #tpu.memory_space<vmem>>[vector<16xi32>], vector<16xf32>,
      %add3A_610 = arith.addf %add3A_596, %gather3A_609 : vector<16xf32>
      %add3A_611 = arith.constant 2 : i32
      %add3A_612 = arith.addi %mul3A_583, %add3A_611 : i32
      %add3A_613 = vector.broadcast %add3A_612 : i32 to vector<16xi32>
      %add3A_614 = arith.addi %mul3A_5, %add3A_613 : vector<16xi32>
      %gather3A_615 = tpu.vector_load_idx %arg14[%add3A_614] : memref<6400xf32, #tpu.memory_space<vmem>>[vector<16xi32>], vector<16xf32>,
      %add3A_616 = arith.addf %add3A_602, %gather3A_615 : vector<16xf32>
      %add3A_617 = arith.constant 3200 : i32
      %add3A_618 = arith.addi %add3A_617, %mul3A_583 : i32
      %add3A_619 = arith.constant 2 : i32
      %add3A_620 = arith.addi %add3A_618, %add3A_619 : i32
      %add3A_621 = vector.broadcast %add3A_620 : i32 to vector<16xi32>
      %add3A_622 = arith.addi %mul3A_5, %add3A_621 : vector<16xi32>
      %gather3A_623 = tpu.vector_load_idx %arg14[%add3A_622] : memref<6400xf32, #tpu.memory_space<vmem>>[vector<16xi32>], vector<16xf32>,
      %add3A_624 = arith.addf %add3A_610, %gather3A_623 : vector<16xf32>
      %add3A_625 = arith.constant 3 : i32
      %add3A_626 = arith.addi %mul3A_583, %add3A_625 : i32
      %add3A_627 = vector.broadcast %add3A_626 : i32 to vector<16xi32>
      %add3A_628 = arith.addi %mul3A_5, %add3A_627 : vector<16xi32>
      %gather3A_629 = tpu.vector_load_idx %arg14[%add3A_628] : memref<6400xf32, #tpu.memory_space<vmem>>[vector<16xi32>], vector<16xf32>,
      %add3A_630 = arith.addf %add3A_616, %gather3A_629 : vector<16xf32>
      %add3A_631 = arith.constant 3200 : i32
      %add3A_632 = arith.addi %add3A_631, %mul3A_583 : i32
      %add3A_633 = arith.constant 3 : i32
      %add3A_634 = arith.addi %add3A_632, %add3A_633 : i32
      %add3A_635 = vector.broadcast %add3A_634 : i32 to vector<16xi32>
      %add3A_636 = arith.addi %mul3A_5, %add3A_635 : vector<16xi32>
      %gather3A_637 = tpu.vector_load_idx %arg14[%add3A_636] : memref<6400xf32, #tpu.memory_space<vmem>>[vector<16xi32>], vector<16xf32>,
      %add3A_638 = arith.addf %add3A_624, %gather3A_637 : vector<16xf32>
      %add3A_639 = arith.constant 4 : i32
      %add3A_640 = arith.addi %mul3A_583, %add3A_639 : i32
      %add3A_641 = vector.broadcast %add3A_640 : i32 to vector<16xi32>
      %add3A_642 = arith.addi %mul3A_5, %add3A_641 : vector<16xi32>
      %gather3A_643 = tpu.vector_load_idx %arg14[%add3A_642] : memref<6400xf32, #tpu.memory_space<vmem>>[vector<16xi32>], vector<16xf32>,
      %add3A_644 = arith.addf %add3A_630, %gather3A_643 : vector<16xf32>
      %add3A_645 = arith.constant 3200 : i32
      %add3A_646 = arith.addi %add3A_645, %mul3A_583 : i32
      %add3A_647 = arith.constant 4 : i32
      %add3A_648 = arith.addi %add3A_646, %add3A_647 : i32
      %add3A_649 = vector.broadcast %add3A_648 : i32 to vector<16xi32>
      %add3A_650 = arith.addi %mul3A_5, %add3A_649 : vector<16xi32>
      %gather3A_651 = tpu.vector_load_idx %arg14[%add3A_650] : memref<6400xf32, #tpu.memory_space<vmem>>[vector<16xi32>], vector<16xf32>,
      %add3A_652 = arith.addf %add3A_638, %gather3A_651 : vector<16xf32>
      %add3A_653 = arith.constant 5 : i32
      %add3A_654 = arith.addi %mul3A_583, %add3A_653 : i32
      %add3A_655 = vector.broadcast %add3A_654 : i32 to vector<16xi32>
      %add3A_656 = arith.addi %mul3A_5, %add3A_655 : vector<16xi32>
      %gather3A_657 = tpu.vector_load_idx %arg14[%add3A_656] : memref<6400xf32, #tpu.memory_space<vmem>>[vector<16xi32>], vector<16xf32>,
      %add3A_658 = arith.addf %add3A_644, %gather3A_657 : vector<16xf32>
      %add3A_659 = arith.constant 3200 : i32
      %add3A_660 = arith.addi %add3A_659, %mul3A_583 : i32
      %add3A_661 = arith.constant 5 : i32
      %add3A_662 = arith.addi %add3A_660, %add3A_661 : i32
      %add3A_663 = vector.broadcast %add3A_662 : i32 to vector<16xi32>
      %add3A_664 = arith.addi %mul3A_5, %add3A_663 : vector<16xi32>
      %gather3A_665 = tpu.vector_load_idx %arg14[%add3A_664] : memref<6400xf32, #tpu.memory_space<vmem>>[vector<16xi32>], vector<16xf32>,
      %add3A_666 = arith.addf %add3A_652, %gather3A_665 : vector<16xf32>
      %add3A_667 = arith.constant 6 : i32
      %add3A_668 = arith.addi %mul3A_583, %add3A_667 : i32
      %add3A_669 = vector.broadcast %add3A_668 : i32 to vector<16xi32>
      %add3A_670 = arith.addi %mul3A_5, %add3A_669 : vector<16xi32>
      %gather3A_671 = tpu.vector_load_idx %arg14[%add3A_670] : memref<6400xf32, #tpu.memory_space<vmem>>[vector<16xi32>], vector<16xf32>,
      %add3A_672 = arith.addf %add3A_658, %gather3A_671 : vector<16xf32>
      %add3A_673 = arith.constant 3200 : i32
      %add3A_674 = arith.addi %add3A_673, %mul3A_583 : i32
      %add3A_675 = arith.constant 6 : i32
      %add3A_676 = arith.addi %add3A_674, %add3A_675 : i32
      %add3A_677 = vector.broadcast %add3A_676 : i32 to vector<16xi32>
      %add3A_678 = arith.addi %mul3A_5, %add3A_677 : vector<16xi32>
      %gather3A_679 = tpu.vector_load_idx %arg14[%add3A_678] : memref<6400xf32, #tpu.memory_space<vmem>>[vector<16xi32>], vector<16xf32>,
      %add3A_680 = arith.addf %add3A_666, %gather3A_679 : vector<16xf32>
      %add3A_681 = arith.constant 7 : i32
      %add3A_682 = arith.addi %mul3A_583, %add3A_681 : i32
      %add3A_683 = vector.broadcast %add3A_682 : i32 to vector<16xi32>
      %add3A_684 = arith.addi %mul3A_5, %add3A_683 : vector<16xi32>
      %gather3A_685 = tpu.vector_load_idx %arg14[%add3A_684] : memref<6400xf32, #tpu.memory_space<vmem>>[vector<16xi32>], vector<16xf32>,
      %add3A_686 = arith.addf %add3A_672, %gather3A_685 : vector<16xf32>
      %add3A_687 = arith.constant 3200 : i32
      %add3A_688 = arith.addi %add3A_687, %mul3A_583 : i32
      %add3A_689 = arith.constant 7 : i32
      %add3A_690 = arith.addi %add3A_688, %add3A_689 : i32
      %add3A_691 = vector.broadcast %add3A_690 : i32 to vector<16xi32>
      %add3A_692 = arith.addi %mul3A_5, %add3A_691 : vector<16xi32>
      %gather3A_693 = tpu.vector_load_idx %arg14[%add3A_692] : memref<6400xf32, #tpu.memory_space<vmem>>[vector<16xi32>], vector<16xf32>,
      %add3A_694 = arith.addf %add3A_680, %gather3A_693 : vector<16xf32>
      scf.yield %add3A_686, %add3A_694 : vector<16xf32>, vector<16xf32>
    }
    %scan3A_242 = arith.constant 25 : i32
    %swap3A_243 = arith.constant 96 : index
    %swap3A_244 = tpu.vector_load %arg17[%swap3A_243] {strides = array<i32>} : memref<512xf32, #tpu.memory_space<vmem>>, vector<16xf32>,
    tpu.vector_store %arg17[%swap3A_243], %scan3A_241#0 {strides = array<i32>} : memref<512xf32, #tpu.memory_space<vmem>>, vector<16xf32>,
    %swap3A_245 = arith.constant 112 : index
    %swap3A_246 = tpu.vector_load %arg17[%swap3A_245] {strides = array<i32>} : memref<512xf32, #tpu.memory_space<vmem>>, vector<16xf32>,
    tpu.vector_store %arg17[%swap3A_245], %scan3A_241#1 {strides = array<i32>} : memref<512xf32, #tpu.memory_space<vmem>>, vector<16xf32>,
    %dma_wait3A_247 = arith.constant 4 : i32
    %dma_wait3A_248 = arith.constant 0 : i32
    %dma_wait3A_249 = tpu.memref_slice %arg3[%dma_wait3A_248] : memref<1000000xf32, #tpu.memory_space<hbm>> -> memref<1000000xf32, #tpu.memory_space<hbm>>
    %dma_wait3A_250 = tpu.memref_slice %arg19[%dma_wait3A_247] : memref<6x!tpu.dma_semaphore, #tpu.memory_space<semaphore_mem>> -> memref<1x!tpu.dma_semaphore, #tpu.memory_space<semaphore_mem>>
    %dma_wait3A_251 = tpu.memref_squeeze %dma_wait3A_250 : memref<1x!tpu.dma_semaphore, #tpu.memory_space<semaphore_mem>> -> memref<!tpu.dma_semaphore, #tpu.memory_space<semaphore_mem>>
    tpu.wait_indirect_dma semaphore(%dma_wait3A_251 : memref<!tpu.dma_semaphore, #tpu.memory_space<semaphore_mem>>) src(%dma_wait3A_249 : memref<1000000xf32, #tpu.memory_space<hbm>>) dst(%arg15 : memref<6400xf32, #tpu.memory_space<vmem>>)
    %add3A_252 = arith.constant 57600 : i32
    %add3A_253 = arith.addi %mul3A_2, %add3A_252 : i32
    %dma_wait3A_254 = arith.constant 3 : i32
    %dma_wait3A_255 = tpu.memref_slice %arg2[%add3A_253] : memref<3276800xi32, #tpu.memory_space<hbm>> -> memref<6400xi32, #tpu.memory_space<hbm>>
    %dma_wait3A_256 = tpu.memref_slice %arg18[%dma_wait3A_254] : memref<6x!tpu.dma_semaphore, #tpu.memory_space<semaphore_mem>> -> memref<1x!tpu.dma_semaphore, #tpu.memory_space<semaphore_mem>>
    %dma_wait3A_257 = tpu.memref_squeeze %dma_wait3A_256 : memref<1x!tpu.dma_semaphore, #tpu.memory_space<semaphore_mem>> -> memref<!tpu.dma_semaphore, #tpu.memory_space<semaphore_mem>>
    %dma_wait3A_258 = tpu.memref_slice %arg2[%add3A_253] : memref<3276800xi32, #tpu.memory_space<hbm>> -> memref<6400xi32, #tpu.memory_space<hbm>>
    tpu.wait_dma2 semaphore(%dma_wait3A_257 : memref<!tpu.dma_semaphore, #tpu.memory_space<semaphore_mem>>) src(%dma_wait3A_258 : memref<6400xi32, #tpu.memory_space<hbm>>) dst(%arg8 : memref<6400xi32, #tpu.memory_space<vmem>>)
    %dma_start3A_259 = arith.constant 3 : i32
    %dma_start3A_260 = arith.constant 0 : i32
    %dma_start3A_261 = tpu.memref_slice %arg3[%dma_start3A_260] : memref<1000000xf32, #tpu.memory_space<hbm>> -> memref<1000000xf32, #tpu.memory_space<hbm>>
    %dma_start3A_262 = tpu.memref_slice %arg19[%dma_start3A_259] : memref<6x!tpu.dma_semaphore, #tpu.memory_space<semaphore_mem>> -> memref<1x!tpu.dma_semaphore, #tpu.memory_space<semaphore_mem>>
    %dma_start3A_263 = tpu.memref_squeeze %dma_start3A_262 : memref<1x!tpu.dma_semaphore, #tpu.memory_space<semaphore_mem>> -> memref<!tpu.dma_semaphore, #tpu.memory_space<semaphore_mem>>
    tpu.enqueue_indirect_dma source(%dma_start3A_261 : memref<1000000xf32, #tpu.memory_space<hbm>>) target(%arg14 : memref<6400xf32, #tpu.memory_space<vmem>>) offsets(%arg8 : memref<6400xi32, #tpu.memory_space<vmem>>) semaphore(%dma_start3A_263 : memref<!tpu.dma_semaphore, #tpu.memory_space<semaphore_mem>>)
    %add3A_264 = arith.constant 64000 : i32
    %add3A_265 = arith.addi %mul3A_2, %add3A_264 : i32
    %dma_start3A_266 = arith.constant 4 : i32
    %dma_start3A_267 = tpu.memref_slice %arg2[%add3A_265] : memref<3276800xi32, #tpu.memory_space<hbm>> -> memref<6400xi32, #tpu.memory_space<hbm>>
    %dma_start3A_268 = tpu.memref_slice %arg18[%dma_start3A_266] : memref<6x!tpu.dma_semaphore, #tpu.memory_space<semaphore_mem>> -> memref<1x!tpu.dma_semaphore, #tpu.memory_space<semaphore_mem>>
    %dma_start3A_269 = tpu.memref_squeeze %dma_start3A_268 : memref<1x!tpu.dma_semaphore, #tpu.memory_space<semaphore_mem>> -> memref<!tpu.dma_semaphore, #tpu.memory_space<semaphore_mem>>
    %dma_start3A_270 = tpu.memref_slice %arg2[%add3A_265] : memref<3276800xi32, #tpu.memory_space<hbm>> -> memref<6400xi32, #tpu.memory_space<hbm>>
    tpu.enqueue_dma source(%dma_start3A_270 : memref<6400xi32, #tpu.memory_space<hbm>>) target(%arg9 : memref<6400xi32, #tpu.memory_space<vmem>>) target_semaphore(%dma_start3A_269 : memref<!tpu.dma_semaphore, #tpu.memory_space<semaphore_mem>>)
    %broadcast_in_dim3A_271 = arith.constant 0.000000e+00 : f32
    %broadcast_in_dim3A_272 = vector.broadcast %broadcast_in_dim3A_271 : f32 to vector<16xf32>
    %scan3A_273 = arith.constant 0 : i32
    %scan3A_274 = arith.constant 25 : i32
    %scan3A_275 = arith.addi %scan3A_273, %scan3A_274 : i32
    %scan3A_276 = arith.constant 1 : i32
    %scan3A_277:2 = scf.for %scan3A_579 = %scan3A_273 to %scan3A_275 step %scan3A_276 iter_args(%scan3A_580 = %broadcast_in_dim3A_272, %scan3A_581 = %broadcast_in_dim3A_272) -> (vector<16xf32>, vector<16xf32>)  : i32 {
      %mul3A_582 = arith.constant 8 : i32
      %mul3A_583 = arith.muli %scan3A_579, %mul3A_582 : i32
      %add3A_584 = arith.constant 0 : i32
      %add3A_585 = arith.addi %mul3A_583, %add3A_584 : i32
      %add3A_586 = vector.broadcast %add3A_585 : i32 to vector<16xi32>
      %add3A_587 = arith.addi %mul3A_5, %add3A_586 : vector<16xi32>
      %gather3A = tpu.vector_load_idx %arg15[%add3A_587] : memref<6400xf32, #tpu.memory_space<vmem>>[vector<16xi32>], vector<16xf32>,
      %add3A_588 = arith.addf %scan3A_580, %gather3A : vector<16xf32>
      %add3A_589 = arith.constant 3200 : i32
      %add3A_590 = arith.addi %add3A_589, %mul3A_583 : i32
      %add3A_591 = arith.constant 0 : i32
      %add3A_592 = arith.addi %add3A_590, %add3A_591 : i32
      %add3A_593 = vector.broadcast %add3A_592 : i32 to vector<16xi32>
      %add3A_594 = arith.addi %mul3A_5, %add3A_593 : vector<16xi32>
      %gather3A_595 = tpu.vector_load_idx %arg15[%add3A_594] : memref<6400xf32, #tpu.memory_space<vmem>>[vector<16xi32>], vector<16xf32>,
      %add3A_596 = arith.addf %scan3A_581, %gather3A_595 : vector<16xf32>
      %add3A_597 = arith.constant 1 : i32
      %add3A_598 = arith.addi %mul3A_583, %add3A_597 : i32
      %add3A_599 = vector.broadcast %add3A_598 : i32 to vector<16xi32>
      %add3A_600 = arith.addi %mul3A_5, %add3A_599 : vector<16xi32>
      %gather3A_601 = tpu.vector_load_idx %arg15[%add3A_600] : memref<6400xf32, #tpu.memory_space<vmem>>[vector<16xi32>], vector<16xf32>,
      %add3A_602 = arith.addf %add3A_588, %gather3A_601 : vector<16xf32>
      %add3A_603 = arith.constant 3200 : i32
      %add3A_604 = arith.addi %add3A_603, %mul3A_583 : i32
      %add3A_605 = arith.constant 1 : i32
      %add3A_606 = arith.addi %add3A_604, %add3A_605 : i32
      %add3A_607 = vector.broadcast %add3A_606 : i32 to vector<16xi32>
      %add3A_608 = arith.addi %mul3A_5, %add3A_607 : vector<16xi32>
      %gather3A_609 = tpu.vector_load_idx %arg15[%add3A_608] : memref<6400xf32, #tpu.memory_space<vmem>>[vector<16xi32>], vector<16xf32>,
      %add3A_610 = arith.addf %add3A_596, %gather3A_609 : vector<16xf32>
      %add3A_611 = arith.constant 2 : i32
      %add3A_612 = arith.addi %mul3A_583, %add3A_611 : i32
      %add3A_613 = vector.broadcast %add3A_612 : i32 to vector<16xi32>
      %add3A_614 = arith.addi %mul3A_5, %add3A_613 : vector<16xi32>
      %gather3A_615 = tpu.vector_load_idx %arg15[%add3A_614] : memref<6400xf32, #tpu.memory_space<vmem>>[vector<16xi32>], vector<16xf32>,
      %add3A_616 = arith.addf %add3A_602, %gather3A_615 : vector<16xf32>
      %add3A_617 = arith.constant 3200 : i32
      %add3A_618 = arith.addi %add3A_617, %mul3A_583 : i32
      %add3A_619 = arith.constant 2 : i32
      %add3A_620 = arith.addi %add3A_618, %add3A_619 : i32
      %add3A_621 = vector.broadcast %add3A_620 : i32 to vector<16xi32>
      %add3A_622 = arith.addi %mul3A_5, %add3A_621 : vector<16xi32>
      %gather3A_623 = tpu.vector_load_idx %arg15[%add3A_622] : memref<6400xf32, #tpu.memory_space<vmem>>[vector<16xi32>], vector<16xf32>,
      %add3A_624 = arith.addf %add3A_610, %gather3A_623 : vector<16xf32>
      %add3A_625 = arith.constant 3 : i32
      %add3A_626 = arith.addi %mul3A_583, %add3A_625 : i32
      %add3A_627 = vector.broadcast %add3A_626 : i32 to vector<16xi32>
      %add3A_628 = arith.addi %mul3A_5, %add3A_627 : vector<16xi32>
      %gather3A_629 = tpu.vector_load_idx %arg15[%add3A_628] : memref<6400xf32, #tpu.memory_space<vmem>>[vector<16xi32>], vector<16xf32>,
      %add3A_630 = arith.addf %add3A_616, %gather3A_629 : vector<16xf32>
      %add3A_631 = arith.constant 3200 : i32
      %add3A_632 = arith.addi %add3A_631, %mul3A_583 : i32
      %add3A_633 = arith.constant 3 : i32
      %add3A_634 = arith.addi %add3A_632, %add3A_633 : i32
      %add3A_635 = vector.broadcast %add3A_634 : i32 to vector<16xi32>
      %add3A_636 = arith.addi %mul3A_5, %add3A_635 : vector<16xi32>
      %gather3A_637 = tpu.vector_load_idx %arg15[%add3A_636] : memref<6400xf32, #tpu.memory_space<vmem>>[vector<16xi32>], vector<16xf32>,
      %add3A_638 = arith.addf %add3A_624, %gather3A_637 : vector<16xf32>
      %add3A_639 = arith.constant 4 : i32
      %add3A_640 = arith.addi %mul3A_583, %add3A_639 : i32
      %add3A_641 = vector.broadcast %add3A_640 : i32 to vector<16xi32>
      %add3A_642 = arith.addi %mul3A_5, %add3A_641 : vector<16xi32>
      %gather3A_643 = tpu.vector_load_idx %arg15[%add3A_642] : memref<6400xf32, #tpu.memory_space<vmem>>[vector<16xi32>], vector<16xf32>,
      %add3A_644 = arith.addf %add3A_630, %gather3A_643 : vector<16xf32>
      %add3A_645 = arith.constant 3200 : i32
      %add3A_646 = arith.addi %add3A_645, %mul3A_583 : i32
      %add3A_647 = arith.constant 4 : i32
      %add3A_648 = arith.addi %add3A_646, %add3A_647 : i32
      %add3A_649 = vector.broadcast %add3A_648 : i32 to vector<16xi32>
      %add3A_650 = arith.addi %mul3A_5, %add3A_649 : vector<16xi32>
      %gather3A_651 = tpu.vector_load_idx %arg15[%add3A_650] : memref<6400xf32, #tpu.memory_space<vmem>>[vector<16xi32>], vector<16xf32>,
      %add3A_652 = arith.addf %add3A_638, %gather3A_651 : vector<16xf32>
      %add3A_653 = arith.constant 5 : i32
      %add3A_654 = arith.addi %mul3A_583, %add3A_653 : i32
      %add3A_655 = vector.broadcast %add3A_654 : i32 to vector<16xi32>
      %add3A_656 = arith.addi %mul3A_5, %add3A_655 : vector<16xi32>
      %gather3A_657 = tpu.vector_load_idx %arg15[%add3A_656] : memref<6400xf32, #tpu.memory_space<vmem>>[vector<16xi32>], vector<16xf32>,
      %add3A_658 = arith.addf %add3A_644, %gather3A_657 : vector<16xf32>
      %add3A_659 = arith.constant 3200 : i32
      %add3A_660 = arith.addi %add3A_659, %mul3A_583 : i32
      %add3A_661 = arith.constant 5 : i32
      %add3A_662 = arith.addi %add3A_660, %add3A_661 : i32
      %add3A_663 = vector.broadcast %add3A_662 : i32 to vector<16xi32>
      %add3A_664 = arith.addi %mul3A_5, %add3A_663 : vector<16xi32>
      %gather3A_665 = tpu.vector_load_idx %arg15[%add3A_664] : memref<6400xf32, #tpu.memory_space<vmem>>[vector<16xi32>], vector<16xf32>,
      %add3A_666 = arith.addf %add3A_652, %gather3A_665 : vector<16xf32>
      %add3A_667 = arith.constant 6 : i32
      %add3A_668 = arith.addi %mul3A_583, %add3A_667 : i32
      %add3A_669 = vector.broadcast %add3A_668 : i32 to vector<16xi32>
      %add3A_670 = arith.addi %mul3A_5, %add3A_669 : vector<16xi32>
      %gather3A_671 = tpu.vector_load_idx %arg15[%add3A_670] : memref<6400xf32, #tpu.memory_space<vmem>>[vector<16xi32>], vector<16xf32>,
      %add3A_672 = arith.addf %add3A_658, %gather3A_671 : vector<16xf32>
      %add3A_673 = arith.constant 3200 : i32
      %add3A_674 = arith.addi %add3A_673, %mul3A_583 : i32
      %add3A_675 = arith.constant 6 : i32
      %add3A_676 = arith.addi %add3A_674, %add3A_675 : i32
      %add3A_677 = vector.broadcast %add3A_676 : i32 to vector<16xi32>
      %add3A_678 = arith.addi %mul3A_5, %add3A_677 : vector<16xi32>
      %gather3A_679 = tpu.vector_load_idx %arg15[%add3A_678] : memref<6400xf32, #tpu.memory_space<vmem>>[vector<16xi32>], vector<16xf32>,
      %add3A_680 = arith.addf %add3A_666, %gather3A_679 : vector<16xf32>
      %add3A_681 = arith.constant 7 : i32
      %add3A_682 = arith.addi %mul3A_583, %add3A_681 : i32
      %add3A_683 = vector.broadcast %add3A_682 : i32 to vector<16xi32>
      %add3A_684 = arith.addi %mul3A_5, %add3A_683 : vector<16xi32>
      %gather3A_685 = tpu.vector_load_idx %arg15[%add3A_684] : memref<6400xf32, #tpu.memory_space<vmem>>[vector<16xi32>], vector<16xf32>,
      %add3A_686 = arith.addf %add3A_672, %gather3A_685 : vector<16xf32>
      %add3A_687 = arith.constant 3200 : i32
      %add3A_688 = arith.addi %add3A_687, %mul3A_583 : i32
      %add3A_689 = arith.constant 7 : i32
      %add3A_690 = arith.addi %add3A_688, %add3A_689 : i32
      %add3A_691 = vector.broadcast %add3A_690 : i32 to vector<16xi32>
      %add3A_692 = arith.addi %mul3A_5, %add3A_691 : vector<16xi32>
      %gather3A_693 = tpu.vector_load_idx %arg15[%add3A_692] : memref<6400xf32, #tpu.memory_space<vmem>>[vector<16xi32>], vector<16xf32>,
      %add3A_694 = arith.addf %add3A_680, %gather3A_693 : vector<16xf32>
      scf.yield %add3A_686, %add3A_694 : vector<16xf32>, vector<16xf32>
    }
    %scan3A_278 = arith.constant 25 : i32
    %swap3A_279 = arith.constant 128 : index
    %swap3A_280 = tpu.vector_load %arg17[%swap3A_279] {strides = array<i32>} : memref<512xf32, #tpu.memory_space<vmem>>, vector<16xf32>,
    tpu.vector_store %arg17[%swap3A_279], %scan3A_277#0 {strides = array<i32>} : memref<512xf32, #tpu.memory_space<vmem>>, vector<16xf32>,
    %swap3A_281 = arith.constant 144 : index
    %swap3A_282 = tpu.vector_load %arg17[%swap3A_281] {strides = array<i32>} : memref<512xf32, #tpu.memory_space<vmem>>, vector<16xf32>,
    tpu.vector_store %arg17[%swap3A_281], %scan3A_277#1 {strides = array<i32>} : memref<512xf32, #tpu.memory_space<vmem>>, vector<16xf32>,
    %dma_wait3A_283 = arith.constant 5 : i32
    %dma_wait3A_284 = arith.constant 0 : i32
    %dma_wait3A_285 = tpu.memref_slice %arg3[%dma_wait3A_284] : memref<1000000xf32, #tpu.memory_space<hbm>> -> memref<1000000xf32, #tpu.memory_space<hbm>>
    %dma_wait3A_286 = tpu.memref_slice %arg19[%dma_wait3A_283] : memref<6x!tpu.dma_semaphore, #tpu.memory_space<semaphore_mem>> -> memref<1x!tpu.dma_semaphore, #tpu.memory_space<semaphore_mem>>
    %dma_wait3A_287 = tpu.memref_squeeze %dma_wait3A_286 : memref<1x!tpu.dma_semaphore, #tpu.memory_space<semaphore_mem>> -> memref<!tpu.dma_semaphore, #tpu.memory_space<semaphore_mem>>
    tpu.wait_indirect_dma semaphore(%dma_wait3A_287 : memref<!tpu.dma_semaphore, #tpu.memory_space<semaphore_mem>>) src(%dma_wait3A_285 : memref<1000000xf32, #tpu.memory_space<hbm>>) dst(%arg16 : memref<6400xf32, #tpu.memory_space<vmem>>)
    %add3A_288 = arith.constant 64000 : i32
    %add3A_289 = arith.addi %mul3A_2, %add3A_288 : i32
    %dma_wait3A_290 = arith.constant 4 : i32
    %dma_wait3A_291 = tpu.memref_slice %arg2[%add3A_289] : memref<3276800xi32, #tpu.memory_space<hbm>> -> memref<6400xi32, #tpu.memory_space<hbm>>
    %dma_wait3A_292 = tpu.memref_slice %arg18[%dma_wait3A_290] : memref<6x!tpu.dma_semaphore, #tpu.memory_space<semaphore_mem>> -> memref<1x!tpu.dma_semaphore, #tpu.memory_space<semaphore_mem>>
    %dma_wait3A_293 = tpu.memref_squeeze %dma_wait3A_292 : memref<1x!tpu.dma_semaphore, #tpu.memory_space<semaphore_mem>> -> memref<!tpu.dma_semaphore, #tpu.memory_space<semaphore_mem>>
    %dma_wait3A_294 = tpu.memref_slice %arg2[%add3A_289] : memref<3276800xi32, #tpu.memory_space<hbm>> -> memref<6400xi32, #tpu.memory_space<hbm>>
    tpu.wait_dma2 semaphore(%dma_wait3A_293 : memref<!tpu.dma_semaphore, #tpu.memory_space<semaphore_mem>>) src(%dma_wait3A_294 : memref<6400xi32, #tpu.memory_space<hbm>>) dst(%arg9 : memref<6400xi32, #tpu.memory_space<vmem>>)
    %dma_start3A_295 = arith.constant 4 : i32
    %dma_start3A_296 = arith.constant 0 : i32
    %dma_start3A_297 = tpu.memref_slice %arg3[%dma_start3A_296] : memref<1000000xf32, #tpu.memory_space<hbm>> -> memref<1000000xf32, #tpu.memory_space<hbm>>
    %dma_start3A_298 = tpu.memref_slice %arg19[%dma_start3A_295] : memref<6x!tpu.dma_semaphore, #tpu.memory_space<semaphore_mem>> -> memref<1x!tpu.dma_semaphore, #tpu.memory_space<semaphore_mem>>
    %dma_start3A_299 = tpu.memref_squeeze %dma_start3A_298 : memref<1x!tpu.dma_semaphore, #tpu.memory_space<semaphore_mem>> -> memref<!tpu.dma_semaphore, #tpu.memory_space<semaphore_mem>>
    tpu.enqueue_indirect_dma source(%dma_start3A_297 : memref<1000000xf32, #tpu.memory_space<hbm>>) target(%arg15 : memref<6400xf32, #tpu.memory_space<vmem>>) offsets(%arg9 : memref<6400xi32, #tpu.memory_space<vmem>>) semaphore(%dma_start3A_299 : memref<!tpu.dma_semaphore, #tpu.memory_space<semaphore_mem>>)
    %add3A_300 = arith.constant 70400 : i32
    %add3A_301 = arith.addi %mul3A_2, %add3A_300 : i32
    %dma_start3A_302 = arith.constant 5 : i32
    %dma_start3A_303 = tpu.memref_slice %arg2[%add3A_301] : memref<3276800xi32, #tpu.memory_space<hbm>> -> memref<6400xi32, #tpu.memory_space<hbm>>
    %dma_start3A_304 = tpu.memref_slice %arg18[%dma_start3A_302] : memref<6x!tpu.dma_semaphore, #tpu.memory_space<semaphore_mem>> -> memref<1x!tpu.dma_semaphore, #tpu.memory_space<semaphore_mem>>
    %dma_start3A_305 = tpu.memref_squeeze %dma_start3A_304 : memref<1x!tpu.dma_semaphore, #tpu.memory_space<semaphore_mem>> -> memref<!tpu.dma_semaphore, #tpu.memory_space<semaphore_mem>>
    %dma_start3A_306 = tpu.memref_slice %arg2[%add3A_301] : memref<3276800xi32, #tpu.memory_space<hbm>> -> memref<6400xi32, #tpu.memory_space<hbm>>
    tpu.enqueue_dma source(%dma_start3A_306 : memref<6400xi32, #tpu.memory_space<hbm>>) target(%arg10 : memref<6400xi32, #tpu.memory_space<vmem>>) target_semaphore(%dma_start3A_305 : memref<!tpu.dma_semaphore, #tpu.memory_space<semaphore_mem>>)
    %broadcast_in_dim3A_307 = arith.constant 0.000000e+00 : f32
    %broadcast_in_dim3A_308 = vector.broadcast %broadcast_in_dim3A_307 : f32 to vector<16xf32>
    %scan3A_309 = arith.constant 0 : i32
    %scan3A_310 = arith.constant 25 : i32
    %scan3A_311 = arith.addi %scan3A_309, %scan3A_310 : i32
    %scan3A_312 = arith.constant 1 : i32
    %scan3A_313:2 = scf.for %scan3A_579 = %scan3A_309 to %scan3A_311 step %scan3A_312 iter_args(%scan3A_580 = %broadcast_in_dim3A_308, %scan3A_581 = %broadcast_in_dim3A_308) -> (vector<16xf32>, vector<16xf32>)  : i32 {
      %mul3A_582 = arith.constant 8 : i32
      %mul3A_583 = arith.muli %scan3A_579, %mul3A_582 : i32
      %add3A_584 = arith.constant 0 : i32
      %add3A_585 = arith.addi %mul3A_583, %add3A_584 : i32
      %add3A_586 = vector.broadcast %add3A_585 : i32 to vector<16xi32>
      %add3A_587 = arith.addi %mul3A_5, %add3A_586 : vector<16xi32>
      %gather3A = tpu.vector_load_idx %arg16[%add3A_587] : memref<6400xf32, #tpu.memory_space<vmem>>[vector<16xi32>], vector<16xf32>,
      %add3A_588 = arith.addf %scan3A_580, %gather3A : vector<16xf32>
      %add3A_589 = arith.constant 3200 : i32
      %add3A_590 = arith.addi %add3A_589, %mul3A_583 : i32
      %add3A_591 = arith.constant 0 : i32
      %add3A_592 = arith.addi %add3A_590, %add3A_591 : i32
      %add3A_593 = vector.broadcast %add3A_592 : i32 to vector<16xi32>
      %add3A_594 = arith.addi %mul3A_5, %add3A_593 : vector<16xi32>
      %gather3A_595 = tpu.vector_load_idx %arg16[%add3A_594] : memref<6400xf32, #tpu.memory_space<vmem>>[vector<16xi32>], vector<16xf32>,
      %add3A_596 = arith.addf %scan3A_581, %gather3A_595 : vector<16xf32>
      %add3A_597 = arith.constant 1 : i32
      %add3A_598 = arith.addi %mul3A_583, %add3A_597 : i32
      %add3A_599 = vector.broadcast %add3A_598 : i32 to vector<16xi32>
      %add3A_600 = arith.addi %mul3A_5, %add3A_599 : vector<16xi32>
      %gather3A_601 = tpu.vector_load_idx %arg16[%add3A_600] : memref<6400xf32, #tpu.memory_space<vmem>>[vector<16xi32>], vector<16xf32>,
      %add3A_602 = arith.addf %add3A_588, %gather3A_601 : vector<16xf32>
      %add3A_603 = arith.constant 3200 : i32
      %add3A_604 = arith.addi %add3A_603, %mul3A_583 : i32
      %add3A_605 = arith.constant 1 : i32
      %add3A_606 = arith.addi %add3A_604, %add3A_605 : i32
      %add3A_607 = vector.broadcast %add3A_606 : i32 to vector<16xi32>
      %add3A_608 = arith.addi %mul3A_5, %add3A_607 : vector<16xi32>
      %gather3A_609 = tpu.vector_load_idx %arg16[%add3A_608] : memref<6400xf32, #tpu.memory_space<vmem>>[vector<16xi32>], vector<16xf32>,
      %add3A_610 = arith.addf %add3A_596, %gather3A_609 : vector<16xf32>
      %add3A_611 = arith.constant 2 : i32
      %add3A_612 = arith.addi %mul3A_583, %add3A_611 : i32
      %add3A_613 = vector.broadcast %add3A_612 : i32 to vector<16xi32>
      %add3A_614 = arith.addi %mul3A_5, %add3A_613 : vector<16xi32>
      %gather3A_615 = tpu.vector_load_idx %arg16[%add3A_614] : memref<6400xf32, #tpu.memory_space<vmem>>[vector<16xi32>], vector<16xf32>,
      %add3A_616 = arith.addf %add3A_602, %gather3A_615 : vector<16xf32>
      %add3A_617 = arith.constant 3200 : i32
      %add3A_618 = arith.addi %add3A_617, %mul3A_583 : i32
      %add3A_619 = arith.constant 2 : i32
      %add3A_620 = arith.addi %add3A_618, %add3A_619 : i32
      %add3A_621 = vector.broadcast %add3A_620 : i32 to vector<16xi32>
      %add3A_622 = arith.addi %mul3A_5, %add3A_621 : vector<16xi32>
      %gather3A_623 = tpu.vector_load_idx %arg16[%add3A_622] : memref<6400xf32, #tpu.memory_space<vmem>>[vector<16xi32>], vector<16xf32>,
      %add3A_624 = arith.addf %add3A_610, %gather3A_623 : vector<16xf32>
      %add3A_625 = arith.constant 3 : i32
      %add3A_626 = arith.addi %mul3A_583, %add3A_625 : i32
      %add3A_627 = vector.broadcast %add3A_626 : i32 to vector<16xi32>
      %add3A_628 = arith.addi %mul3A_5, %add3A_627 : vector<16xi32>
      %gather3A_629 = tpu.vector_load_idx %arg16[%add3A_628] : memref<6400xf32, #tpu.memory_space<vmem>>[vector<16xi32>], vector<16xf32>,
      %add3A_630 = arith.addf %add3A_616, %gather3A_629 : vector<16xf32>
      %add3A_631 = arith.constant 3200 : i32
      %add3A_632 = arith.addi %add3A_631, %mul3A_583 : i32
      %add3A_633 = arith.constant 3 : i32
      %add3A_634 = arith.addi %add3A_632, %add3A_633 : i32
      %add3A_635 = vector.broadcast %add3A_634 : i32 to vector<16xi32>
      %add3A_636 = arith.addi %mul3A_5, %add3A_635 : vector<16xi32>
      %gather3A_637 = tpu.vector_load_idx %arg16[%add3A_636] : memref<6400xf32, #tpu.memory_space<vmem>>[vector<16xi32>], vector<16xf32>,
      %add3A_638 = arith.addf %add3A_624, %gather3A_637 : vector<16xf32>
      %add3A_639 = arith.constant 4 : i32
      %add3A_640 = arith.addi %mul3A_583, %add3A_639 : i32
      %add3A_641 = vector.broadcast %add3A_640 : i32 to vector<16xi32>
      %add3A_642 = arith.addi %mul3A_5, %add3A_641 : vector<16xi32>
      %gather3A_643 = tpu.vector_load_idx %arg16[%add3A_642] : memref<6400xf32, #tpu.memory_space<vmem>>[vector<16xi32>], vector<16xf32>,
      %add3A_644 = arith.addf %add3A_630, %gather3A_643 : vector<16xf32>
      %add3A_645 = arith.constant 3200 : i32
      %add3A_646 = arith.addi %add3A_645, %mul3A_583 : i32
      %add3A_647 = arith.constant 4 : i32
      %add3A_648 = arith.addi %add3A_646, %add3A_647 : i32
      %add3A_649 = vector.broadcast %add3A_648 : i32 to vector<16xi32>
      %add3A_650 = arith.addi %mul3A_5, %add3A_649 : vector<16xi32>
      %gather3A_651 = tpu.vector_load_idx %arg16[%add3A_650] : memref<6400xf32, #tpu.memory_space<vmem>>[vector<16xi32>], vector<16xf32>,
      %add3A_652 = arith.addf %add3A_638, %gather3A_651 : vector<16xf32>
      %add3A_653 = arith.constant 5 : i32
      %add3A_654 = arith.addi %mul3A_583, %add3A_653 : i32
      %add3A_655 = vector.broadcast %add3A_654 : i32 to vector<16xi32>
      %add3A_656 = arith.addi %mul3A_5, %add3A_655 : vector<16xi32>
      %gather3A_657 = tpu.vector_load_idx %arg16[%add3A_656] : memref<6400xf32, #tpu.memory_space<vmem>>[vector<16xi32>], vector<16xf32>,
      %add3A_658 = arith.addf %add3A_644, %gather3A_657 : vector<16xf32>
      %add3A_659 = arith.constant 3200 : i32
      %add3A_660 = arith.addi %add3A_659, %mul3A_583 : i32
      %add3A_661 = arith.constant 5 : i32
      %add3A_662 = arith.addi %add3A_660, %add3A_661 : i32
      %add3A_663 = vector.broadcast %add3A_662 : i32 to vector<16xi32>
      %add3A_664 = arith.addi %mul3A_5, %add3A_663 : vector<16xi32>
      %gather3A_665 = tpu.vector_load_idx %arg16[%add3A_664] : memref<6400xf32, #tpu.memory_space<vmem>>[vector<16xi32>], vector<16xf32>,
      %add3A_666 = arith.addf %add3A_652, %gather3A_665 : vector<16xf32>
      %add3A_667 = arith.constant 6 : i32
      %add3A_668 = arith.addi %mul3A_583, %add3A_667 : i32
      %add3A_669 = vector.broadcast %add3A_668 : i32 to vector<16xi32>
      %add3A_670 = arith.addi %mul3A_5, %add3A_669 : vector<16xi32>
      %gather3A_671 = tpu.vector_load_idx %arg16[%add3A_670] : memref<6400xf32, #tpu.memory_space<vmem>>[vector<16xi32>], vector<16xf32>,
      %add3A_672 = arith.addf %add3A_658, %gather3A_671 : vector<16xf32>
      %add3A_673 = arith.constant 3200 : i32
      %add3A_674 = arith.addi %add3A_673, %mul3A_583 : i32
      %add3A_675 = arith.constant 6 : i32
      %add3A_676 = arith.addi %add3A_674, %add3A_675 : i32
      %add3A_677 = vector.broadcast %add3A_676 : i32 to vector<16xi32>
      %add3A_678 = arith.addi %mul3A_5, %add3A_677 : vector<16xi32>
      %gather3A_679 = tpu.vector_load_idx %arg16[%add3A_678] : memref<6400xf32, #tpu.memory_space<vmem>>[vector<16xi32>], vector<16xf32>,
      %add3A_680 = arith.addf %add3A_666, %gather3A_679 : vector<16xf32>
      %add3A_681 = arith.constant 7 : i32
      %add3A_682 = arith.addi %mul3A_583, %add3A_681 : i32
      %add3A_683 = vector.broadcast %add3A_682 : i32 to vector<16xi32>
      %add3A_684 = arith.addi %mul3A_5, %add3A_683 : vector<16xi32>
      %gather3A_685 = tpu.vector_load_idx %arg16[%add3A_684] : memref<6400xf32, #tpu.memory_space<vmem>>[vector<16xi32>], vector<16xf32>,
      %add3A_686 = arith.addf %add3A_672, %gather3A_685 : vector<16xf32>
      %add3A_687 = arith.constant 3200 : i32
      %add3A_688 = arith.addi %add3A_687, %mul3A_583 : i32
      %add3A_689 = arith.constant 7 : i32
      %add3A_690 = arith.addi %add3A_688, %add3A_689 : i32
      %add3A_691 = vector.broadcast %add3A_690 : i32 to vector<16xi32>
      %add3A_692 = arith.addi %mul3A_5, %add3A_691 : vector<16xi32>
      %gather3A_693 = tpu.vector_load_idx %arg16[%add3A_692] : memref<6400xf32, #tpu.memory_space<vmem>>[vector<16xi32>], vector<16xf32>,
      %add3A_694 = arith.addf %add3A_680, %gather3A_693 : vector<16xf32>
      scf.yield %add3A_686, %add3A_694 : vector<16xf32>, vector<16xf32>
    }
    %scan3A_314 = arith.constant 25 : i32
    %swap3A_315 = arith.constant 160 : index
    %swap3A_316 = tpu.vector_load %arg17[%swap3A_315] {strides = array<i32>} : memref<512xf32, #tpu.memory_space<vmem>>, vector<16xf32>,
    tpu.vector_store %arg17[%swap3A_315], %scan3A_313#0 {strides = array<i32>} : memref<512xf32, #tpu.memory_space<vmem>>, vector<16xf32>,
    %swap3A_317 = arith.constant 176 : index
    %swap3A_318 = tpu.vector_load %arg17[%swap3A_317] {strides = array<i32>} : memref<512xf32, #tpu.memory_space<vmem>>, vector<16xf32>,
    tpu.vector_store %arg17[%swap3A_317], %scan3A_313#1 {strides = array<i32>} : memref<512xf32, #tpu.memory_space<vmem>>, vector<16xf32>,
    %dma_wait3A_319 = arith.constant 0 : i32
    %dma_wait3A_320 = arith.constant 0 : i32
    %dma_wait3A_321 = tpu.memref_slice %arg3[%dma_wait3A_320] : memref<1000000xf32, #tpu.memory_space<hbm>> -> memref<1000000xf32, #tpu.memory_space<hbm>>
    %dma_wait3A_322 = tpu.memref_slice %arg19[%dma_wait3A_319] : memref<6x!tpu.dma_semaphore, #tpu.memory_space<semaphore_mem>> -> memref<1x!tpu.dma_semaphore, #tpu.memory_space<semaphore_mem>>
    %dma_wait3A_323 = tpu.memref_squeeze %dma_wait3A_322 : memref<1x!tpu.dma_semaphore, #tpu.memory_space<semaphore_mem>> -> memref<!tpu.dma_semaphore, #tpu.memory_space<semaphore_mem>>
    tpu.wait_indirect_dma semaphore(%dma_wait3A_323 : memref<!tpu.dma_semaphore, #tpu.memory_space<semaphore_mem>>) src(%dma_wait3A_321 : memref<1000000xf32, #tpu.memory_space<hbm>>) dst(%arg11 : memref<6400xf32, #tpu.memory_space<vmem>>)
    %add3A_324 = arith.constant 70400 : i32
    %add3A_325 = arith.addi %mul3A_2, %add3A_324 : i32
    %dma_wait3A_326 = arith.constant 5 : i32
    %dma_wait3A_327 = tpu.memref_slice %arg2[%add3A_325] : memref<3276800xi32, #tpu.memory_space<hbm>> -> memref<6400xi32, #tpu.memory_space<hbm>>
    %dma_wait3A_328 = tpu.memref_slice %arg18[%dma_wait3A_326] : memref<6x!tpu.dma_semaphore, #tpu.memory_space<semaphore_mem>> -> memref<1x!tpu.dma_semaphore, #tpu.memory_space<semaphore_mem>>
    %dma_wait3A_329 = tpu.memref_squeeze %dma_wait3A_328 : memref<1x!tpu.dma_semaphore, #tpu.memory_space<semaphore_mem>> -> memref<!tpu.dma_semaphore, #tpu.memory_space<semaphore_mem>>
    %dma_wait3A_330 = tpu.memref_slice %arg2[%add3A_325] : memref<3276800xi32, #tpu.memory_space<hbm>> -> memref<6400xi32, #tpu.memory_space<hbm>>
    tpu.wait_dma2 semaphore(%dma_wait3A_329 : memref<!tpu.dma_semaphore, #tpu.memory_space<semaphore_mem>>) src(%dma_wait3A_330 : memref<6400xi32, #tpu.memory_space<hbm>>) dst(%arg10 : memref<6400xi32, #tpu.memory_space<vmem>>)
    %dma_start3A_331 = arith.constant 5 : i32
    %dma_start3A_332 = arith.constant 0 : i32
    %dma_start3A_333 = tpu.memref_slice %arg3[%dma_start3A_332] : memref<1000000xf32, #tpu.memory_space<hbm>> -> memref<1000000xf32, #tpu.memory_space<hbm>>
    %dma_start3A_334 = tpu.memref_slice %arg19[%dma_start3A_331] : memref<6x!tpu.dma_semaphore, #tpu.memory_space<semaphore_mem>> -> memref<1x!tpu.dma_semaphore, #tpu.memory_space<semaphore_mem>>
    %dma_start3A_335 = tpu.memref_squeeze %dma_start3A_334 : memref<1x!tpu.dma_semaphore, #tpu.memory_space<semaphore_mem>> -> memref<!tpu.dma_semaphore, #tpu.memory_space<semaphore_mem>>
    tpu.enqueue_indirect_dma source(%dma_start3A_333 : memref<1000000xf32, #tpu.memory_space<hbm>>) target(%arg16 : memref<6400xf32, #tpu.memory_space<vmem>>) offsets(%arg10 : memref<6400xi32, #tpu.memory_space<vmem>>) semaphore(%dma_start3A_335 : memref<!tpu.dma_semaphore, #tpu.memory_space<semaphore_mem>>)
    %add3A_336 = arith.constant 76800 : i32
    %add3A_337 = arith.addi %mul3A_2, %add3A_336 : i32
    %dma_start3A_338 = arith.constant 0 : i32
    %dma_start3A_339 = tpu.memref_slice %arg2[%add3A_337] : memref<3276800xi32, #tpu.memory_space<hbm>> -> memref<6400xi32, #tpu.memory_space<hbm>>
    %dma_start3A_340 = tpu.memref_slice %arg18[%dma_start3A_338] : memref<6x!tpu.dma_semaphore, #tpu.memory_space<semaphore_mem>> -> memref<1x!tpu.dma_semaphore, #tpu.memory_space<semaphore_mem>>
    %dma_start3A_341 = tpu.memref_squeeze %dma_start3A_340 : memref<1x!tpu.dma_semaphore, #tpu.memory_space<semaphore_mem>> -> memref<!tpu.dma_semaphore, #tpu.memory_space<semaphore_mem>>
    %dma_start3A_342 = tpu.memref_slice %arg2[%add3A_337] : memref<3276800xi32, #tpu.memory_space<hbm>> -> memref<6400xi32, #tpu.memory_space<hbm>>
    tpu.enqueue_dma source(%dma_start3A_342 : memref<6400xi32, #tpu.memory_space<hbm>>) target(%arg5 : memref<6400xi32, #tpu.memory_space<vmem>>) target_semaphore(%dma_start3A_341 : memref<!tpu.dma_semaphore, #tpu.memory_space<semaphore_mem>>)
    %broadcast_in_dim3A_343 = arith.constant 0.000000e+00 : f32
    %broadcast_in_dim3A_344 = vector.broadcast %broadcast_in_dim3A_343 : f32 to vector<16xf32>
    %scan3A_345 = arith.constant 0 : i32
    %scan3A_346 = arith.constant 25 : i32
    %scan3A_347 = arith.addi %scan3A_345, %scan3A_346 : i32
    %scan3A_348 = arith.constant 1 : i32
    %scan3A_349:2 = scf.for %scan3A_579 = %scan3A_345 to %scan3A_347 step %scan3A_348 iter_args(%scan3A_580 = %broadcast_in_dim3A_344, %scan3A_581 = %broadcast_in_dim3A_344) -> (vector<16xf32>, vector<16xf32>)  : i32 {
      %mul3A_582 = arith.constant 8 : i32
      %mul3A_583 = arith.muli %scan3A_579, %mul3A_582 : i32
      %add3A_584 = arith.constant 0 : i32
      %add3A_585 = arith.addi %mul3A_583, %add3A_584 : i32
      %add3A_586 = vector.broadcast %add3A_585 : i32 to vector<16xi32>
      %add3A_587 = arith.addi %mul3A_5, %add3A_586 : vector<16xi32>
      %gather3A = tpu.vector_load_idx %arg11[%add3A_587] : memref<6400xf32, #tpu.memory_space<vmem>>[vector<16xi32>], vector<16xf32>,
      %add3A_588 = arith.addf %scan3A_580, %gather3A : vector<16xf32>
      %add3A_589 = arith.constant 3200 : i32
      %add3A_590 = arith.addi %add3A_589, %mul3A_583 : i32
      %add3A_591 = arith.constant 0 : i32
      %add3A_592 = arith.addi %add3A_590, %add3A_591 : i32
      %add3A_593 = vector.broadcast %add3A_592 : i32 to vector<16xi32>
      %add3A_594 = arith.addi %mul3A_5, %add3A_593 : vector<16xi32>
      %gather3A_595 = tpu.vector_load_idx %arg11[%add3A_594] : memref<6400xf32, #tpu.memory_space<vmem>>[vector<16xi32>], vector<16xf32>,
      %add3A_596 = arith.addf %scan3A_581, %gather3A_595 : vector<16xf32>
      %add3A_597 = arith.constant 1 : i32
      %add3A_598 = arith.addi %mul3A_583, %add3A_597 : i32
      %add3A_599 = vector.broadcast %add3A_598 : i32 to vector<16xi32>
      %add3A_600 = arith.addi %mul3A_5, %add3A_599 : vector<16xi32>
      %gather3A_601 = tpu.vector_load_idx %arg11[%add3A_600] : memref<6400xf32, #tpu.memory_space<vmem>>[vector<16xi32>], vector<16xf32>,
      %add3A_602 = arith.addf %add3A_588, %gather3A_601 : vector<16xf32>
      %add3A_603 = arith.constant 3200 : i32
      %add3A_604 = arith.addi %add3A_603, %mul3A_583 : i32
      %add3A_605 = arith.constant 1 : i32
      %add3A_606 = arith.addi %add3A_604, %add3A_605 : i32
      %add3A_607 = vector.broadcast %add3A_606 : i32 to vector<16xi32>
      %add3A_608 = arith.addi %mul3A_5, %add3A_607 : vector<16xi32>
      %gather3A_609 = tpu.vector_load_idx %arg11[%add3A_608] : memref<6400xf32, #tpu.memory_space<vmem>>[vector<16xi32>], vector<16xf32>,
      %add3A_610 = arith.addf %add3A_596, %gather3A_609 : vector<16xf32>
      %add3A_611 = arith.constant 2 : i32
      %add3A_612 = arith.addi %mul3A_583, %add3A_611 : i32
      %add3A_613 = vector.broadcast %add3A_612 : i32 to vector<16xi32>
      %add3A_614 = arith.addi %mul3A_5, %add3A_613 : vector<16xi32>
      %gather3A_615 = tpu.vector_load_idx %arg11[%add3A_614] : memref<6400xf32, #tpu.memory_space<vmem>>[vector<16xi32>], vector<16xf32>,
      %add3A_616 = arith.addf %add3A_602, %gather3A_615 : vector<16xf32>
      %add3A_617 = arith.constant 3200 : i32
      %add3A_618 = arith.addi %add3A_617, %mul3A_583 : i32
      %add3A_619 = arith.constant 2 : i32
      %add3A_620 = arith.addi %add3A_618, %add3A_619 : i32
      %add3A_621 = vector.broadcast %add3A_620 : i32 to vector<16xi32>
      %add3A_622 = arith.addi %mul3A_5, %add3A_621 : vector<16xi32>
      %gather3A_623 = tpu.vector_load_idx %arg11[%add3A_622] : memref<6400xf32, #tpu.memory_space<vmem>>[vector<16xi32>], vector<16xf32>,
      %add3A_624 = arith.addf %add3A_610, %gather3A_623 : vector<16xf32>
      %add3A_625 = arith.constant 3 : i32
      %add3A_626 = arith.addi %mul3A_583, %add3A_625 : i32
      %add3A_627 = vector.broadcast %add3A_626 : i32 to vector<16xi32>
      %add3A_628 = arith.addi %mul3A_5, %add3A_627 : vector<16xi32>
      %gather3A_629 = tpu.vector_load_idx %arg11[%add3A_628] : memref<6400xf32, #tpu.memory_space<vmem>>[vector<16xi32>], vector<16xf32>,
      %add3A_630 = arith.addf %add3A_616, %gather3A_629 : vector<16xf32>
      %add3A_631 = arith.constant 3200 : i32
      %add3A_632 = arith.addi %add3A_631, %mul3A_583 : i32
      %add3A_633 = arith.constant 3 : i32
      %add3A_634 = arith.addi %add3A_632, %add3A_633 : i32
      %add3A_635 = vector.broadcast %add3A_634 : i32 to vector<16xi32>
      %add3A_636 = arith.addi %mul3A_5, %add3A_635 : vector<16xi32>
      %gather3A_637 = tpu.vector_load_idx %arg11[%add3A_636] : memref<6400xf32, #tpu.memory_space<vmem>>[vector<16xi32>], vector<16xf32>,
      %add3A_638 = arith.addf %add3A_624, %gather3A_637 : vector<16xf32>
      %add3A_639 = arith.constant 4 : i32
      %add3A_640 = arith.addi %mul3A_583, %add3A_639 : i32
      %add3A_641 = vector.broadcast %add3A_640 : i32 to vector<16xi32>
      %add3A_642 = arith.addi %mul3A_5, %add3A_641 : vector<16xi32>
      %gather3A_643 = tpu.vector_load_idx %arg11[%add3A_642] : memref<6400xf32, #tpu.memory_space<vmem>>[vector<16xi32>], vector<16xf32>,
      %add3A_644 = arith.addf %add3A_630, %gather3A_643 : vector<16xf32>
      %add3A_645 = arith.constant 3200 : i32
      %add3A_646 = arith.addi %add3A_645, %mul3A_583 : i32
      %add3A_647 = arith.constant 4 : i32
      %add3A_648 = arith.addi %add3A_646, %add3A_647 : i32
      %add3A_649 = vector.broadcast %add3A_648 : i32 to vector<16xi32>
      %add3A_650 = arith.addi %mul3A_5, %add3A_649 : vector<16xi32>
      %gather3A_651 = tpu.vector_load_idx %arg11[%add3A_650] : memref<6400xf32, #tpu.memory_space<vmem>>[vector<16xi32>], vector<16xf32>,
      %add3A_652 = arith.addf %add3A_638, %gather3A_651 : vector<16xf32>
      %add3A_653 = arith.constant 5 : i32
      %add3A_654 = arith.addi %mul3A_583, %add3A_653 : i32
      %add3A_655 = vector.broadcast %add3A_654 : i32 to vector<16xi32>
      %add3A_656 = arith.addi %mul3A_5, %add3A_655 : vector<16xi32>
      %gather3A_657 = tpu.vector_load_idx %arg11[%add3A_656] : memref<6400xf32, #tpu.memory_space<vmem>>[vector<16xi32>], vector<16xf32>,
      %add3A_658 = arith.addf %add3A_644, %gather3A_657 : vector<16xf32>
      %add3A_659 = arith.constant 3200 : i32
      %add3A_660 = arith.addi %add3A_659, %mul3A_583 : i32
      %add3A_661 = arith.constant 5 : i32
      %add3A_662 = arith.addi %add3A_660, %add3A_661 : i32
      %add3A_663 = vector.broadcast %add3A_662 : i32 to vector<16xi32>
      %add3A_664 = arith.addi %mul3A_5, %add3A_663 : vector<16xi32>
      %gather3A_665 = tpu.vector_load_idx %arg11[%add3A_664] : memref<6400xf32, #tpu.memory_space<vmem>>[vector<16xi32>], vector<16xf32>,
      %add3A_666 = arith.addf %add3A_652, %gather3A_665 : vector<16xf32>
      %add3A_667 = arith.constant 6 : i32
      %add3A_668 = arith.addi %mul3A_583, %add3A_667 : i32
      %add3A_669 = vector.broadcast %add3A_668 : i32 to vector<16xi32>
      %add3A_670 = arith.addi %mul3A_5, %add3A_669 : vector<16xi32>
      %gather3A_671 = tpu.vector_load_idx %arg11[%add3A_670] : memref<6400xf32, #tpu.memory_space<vmem>>[vector<16xi32>], vector<16xf32>,
      %add3A_672 = arith.addf %add3A_658, %gather3A_671 : vector<16xf32>
      %add3A_673 = arith.constant 3200 : i32
      %add3A_674 = arith.addi %add3A_673, %mul3A_583 : i32
      %add3A_675 = arith.constant 6 : i32
      %add3A_676 = arith.addi %add3A_674, %add3A_675 : i32
      %add3A_677 = vector.broadcast %add3A_676 : i32 to vector<16xi32>
      %add3A_678 = arith.addi %mul3A_5, %add3A_677 : vector<16xi32>
      %gather3A_679 = tpu.vector_load_idx %arg11[%add3A_678] : memref<6400xf32, #tpu.memory_space<vmem>>[vector<16xi32>], vector<16xf32>,
      %add3A_680 = arith.addf %add3A_666, %gather3A_679 : vector<16xf32>
      %add3A_681 = arith.constant 7 : i32
      %add3A_682 = arith.addi %mul3A_583, %add3A_681 : i32
      %add3A_683 = vector.broadcast %add3A_682 : i32 to vector<16xi32>
      %add3A_684 = arith.addi %mul3A_5, %add3A_683 : vector<16xi32>
      %gather3A_685 = tpu.vector_load_idx %arg11[%add3A_684] : memref<6400xf32, #tpu.memory_space<vmem>>[vector<16xi32>], vector<16xf32>,
      %add3A_686 = arith.addf %add3A_672, %gather3A_685 : vector<16xf32>
      %add3A_687 = arith.constant 3200 : i32
      %add3A_688 = arith.addi %add3A_687, %mul3A_583 : i32
      %add3A_689 = arith.constant 7 : i32
      %add3A_690 = arith.addi %add3A_688, %add3A_689 : i32
      %add3A_691 = vector.broadcast %add3A_690 : i32 to vector<16xi32>
      %add3A_692 = arith.addi %mul3A_5, %add3A_691 : vector<16xi32>
      %gather3A_693 = tpu.vector_load_idx %arg11[%add3A_692] : memref<6400xf32, #tpu.memory_space<vmem>>[vector<16xi32>], vector<16xf32>,
      %add3A_694 = arith.addf %add3A_680, %gather3A_693 : vector<16xf32>
      scf.yield %add3A_686, %add3A_694 : vector<16xf32>, vector<16xf32>
    }
    %scan3A_350 = arith.constant 25 : i32
    %swap3A_351 = arith.constant 192 : index
    %swap3A_352 = tpu.vector_load %arg17[%swap3A_351] {strides = array<i32>} : memref<512xf32, #tpu.memory_space<vmem>>, vector<16xf32>,
    tpu.vector_store %arg17[%swap3A_351], %scan3A_349#0 {strides = array<i32>} : memref<512xf32, #tpu.memory_space<vmem>>, vector<16xf32>,
    %swap3A_353 = arith.constant 208 : index
    %swap3A_354 = tpu.vector_load %arg17[%swap3A_353] {strides = array<i32>} : memref<512xf32, #tpu.memory_space<vmem>>, vector<16xf32>,
    tpu.vector_store %arg17[%swap3A_353], %scan3A_349#1 {strides = array<i32>} : memref<512xf32, #tpu.memory_space<vmem>>, vector<16xf32>,
    %dma_wait3A_355 = arith.constant 1 : i32
    %dma_wait3A_356 = arith.constant 0 : i32
    %dma_wait3A_357 = tpu.memref_slice %arg3[%dma_wait3A_356] : memref<1000000xf32, #tpu.memory_space<hbm>> -> memref<1000000xf32, #tpu.memory_space<hbm>>
    %dma_wait3A_358 = tpu.memref_slice %arg19[%dma_wait3A_355] : memref<6x!tpu.dma_semaphore, #tpu.memory_space<semaphore_mem>> -> memref<1x!tpu.dma_semaphore, #tpu.memory_space<semaphore_mem>>
    %dma_wait3A_359 = tpu.memref_squeeze %dma_wait3A_358 : memref<1x!tpu.dma_semaphore, #tpu.memory_space<semaphore_mem>> -> memref<!tpu.dma_semaphore, #tpu.memory_space<semaphore_mem>>
    tpu.wait_indirect_dma semaphore(%dma_wait3A_359 : memref<!tpu.dma_semaphore, #tpu.memory_space<semaphore_mem>>) src(%dma_wait3A_357 : memref<1000000xf32, #tpu.memory_space<hbm>>) dst(%arg12 : memref<6400xf32, #tpu.memory_space<vmem>>)
    %add3A_360 = arith.constant 76800 : i32
    %add3A_361 = arith.addi %mul3A_2, %add3A_360 : i32
    %dma_wait3A_362 = arith.constant 0 : i32
    %dma_wait3A_363 = tpu.memref_slice %arg2[%add3A_361] : memref<3276800xi32, #tpu.memory_space<hbm>> -> memref<6400xi32, #tpu.memory_space<hbm>>
    %dma_wait3A_364 = tpu.memref_slice %arg18[%dma_wait3A_362] : memref<6x!tpu.dma_semaphore, #tpu.memory_space<semaphore_mem>> -> memref<1x!tpu.dma_semaphore, #tpu.memory_space<semaphore_mem>>
    %dma_wait3A_365 = tpu.memref_squeeze %dma_wait3A_364 : memref<1x!tpu.dma_semaphore, #tpu.memory_space<semaphore_mem>> -> memref<!tpu.dma_semaphore, #tpu.memory_space<semaphore_mem>>
    %dma_wait3A_366 = tpu.memref_slice %arg2[%add3A_361] : memref<3276800xi32, #tpu.memory_space<hbm>> -> memref<6400xi32, #tpu.memory_space<hbm>>
    tpu.wait_dma2 semaphore(%dma_wait3A_365 : memref<!tpu.dma_semaphore, #tpu.memory_space<semaphore_mem>>) src(%dma_wait3A_366 : memref<6400xi32, #tpu.memory_space<hbm>>) dst(%arg5 : memref<6400xi32, #tpu.memory_space<vmem>>)
    %dma_start3A_367 = arith.constant 0 : i32
    %dma_start3A_368 = arith.constant 0 : i32
    %dma_start3A_369 = tpu.memref_slice %arg3[%dma_start3A_368] : memref<1000000xf32, #tpu.memory_space<hbm>> -> memref<1000000xf32, #tpu.memory_space<hbm>>
    %dma_start3A_370 = tpu.memref_slice %arg19[%dma_start3A_367] : memref<6x!tpu.dma_semaphore, #tpu.memory_space<semaphore_mem>> -> memref<1x!tpu.dma_semaphore, #tpu.memory_space<semaphore_mem>>
    %dma_start3A_371 = tpu.memref_squeeze %dma_start3A_370 : memref<1x!tpu.dma_semaphore, #tpu.memory_space<semaphore_mem>> -> memref<!tpu.dma_semaphore, #tpu.memory_space<semaphore_mem>>
    tpu.enqueue_indirect_dma source(%dma_start3A_369 : memref<1000000xf32, #tpu.memory_space<hbm>>) target(%arg11 : memref<6400xf32, #tpu.memory_space<vmem>>) offsets(%arg5 : memref<6400xi32, #tpu.memory_space<vmem>>) semaphore(%dma_start3A_371 : memref<!tpu.dma_semaphore, #tpu.memory_space<semaphore_mem>>)
    %add3A_372 = arith.constant 83200 : i32
    %add3A_373 = arith.addi %mul3A_2, %add3A_372 : i32
    %dma_start3A_374 = arith.constant 1 : i32
    %dma_start3A_375 = tpu.memref_slice %arg2[%add3A_373] : memref<3276800xi32, #tpu.memory_space<hbm>> -> memref<6400xi32, #tpu.memory_space<hbm>>
    %dma_start3A_376 = tpu.memref_slice %arg18[%dma_start3A_374] : memref<6x!tpu.dma_semaphore, #tpu.memory_space<semaphore_mem>> -> memref<1x!tpu.dma_semaphore, #tpu.memory_space<semaphore_mem>>
    %dma_start3A_377 = tpu.memref_squeeze %dma_start3A_376 : memref<1x!tpu.dma_semaphore, #tpu.memory_space<semaphore_mem>> -> memref<!tpu.dma_semaphore, #tpu.memory_space<semaphore_mem>>
    %dma_start3A_378 = tpu.memref_slice %arg2[%add3A_373] : memref<3276800xi32, #tpu.memory_space<hbm>> -> memref<6400xi32, #tpu.memory_space<hbm>>
    tpu.enqueue_dma source(%dma_start3A_378 : memref<6400xi32, #tpu.memory_space<hbm>>) target(%arg6 : memref<6400xi32, #tpu.memory_space<vmem>>) target_semaphore(%dma_start3A_377 : memref<!tpu.dma_semaphore, #tpu.memory_space<semaphore_mem>>)
    %broadcast_in_dim3A_379 = arith.constant 0.000000e+00 : f32
    %broadcast_in_dim3A_380 = vector.broadcast %broadcast_in_dim3A_379 : f32 to vector<16xf32>
    %scan3A_381 = arith.constant 0 : i32
    %scan3A_382 = arith.constant 25 : i32
    %scan3A_383 = arith.addi %scan3A_381, %scan3A_382 : i32
    %scan3A_384 = arith.constant 1 : i32
    %scan3A_385:2 = scf.for %scan3A_579 = %scan3A_381 to %scan3A_383 step %scan3A_384 iter_args(%scan3A_580 = %broadcast_in_dim3A_380, %scan3A_581 = %broadcast_in_dim3A_380) -> (vector<16xf32>, vector<16xf32>)  : i32 {
      %mul3A_582 = arith.constant 8 : i32
      %mul3A_583 = arith.muli %scan3A_579, %mul3A_582 : i32
      %add3A_584 = arith.constant 0 : i32
      %add3A_585 = arith.addi %mul3A_583, %add3A_584 : i32
      %add3A_586 = vector.broadcast %add3A_585 : i32 to vector<16xi32>
      %add3A_587 = arith.addi %mul3A_5, %add3A_586 : vector<16xi32>
      %gather3A = tpu.vector_load_idx %arg12[%add3A_587] : memref<6400xf32, #tpu.memory_space<vmem>>[vector<16xi32>], vector<16xf32>,
      %add3A_588 = arith.addf %scan3A_580, %gather3A : vector<16xf32>
      %add3A_589 = arith.constant 3200 : i32
      %add3A_590 = arith.addi %add3A_589, %mul3A_583 : i32
      %add3A_591 = arith.constant 0 : i32
      %add3A_592 = arith.addi %add3A_590, %add3A_591 : i32
      %add3A_593 = vector.broadcast %add3A_592 : i32 to vector<16xi32>
      %add3A_594 = arith.addi %mul3A_5, %add3A_593 : vector<16xi32>
      %gather3A_595 = tpu.vector_load_idx %arg12[%add3A_594] : memref<6400xf32, #tpu.memory_space<vmem>>[vector<16xi32>], vector<16xf32>,
      %add3A_596 = arith.addf %scan3A_581, %gather3A_595 : vector<16xf32>
      %add3A_597 = arith.constant 1 : i32
      %add3A_598 = arith.addi %mul3A_583, %add3A_597 : i32
      %add3A_599 = vector.broadcast %add3A_598 : i32 to vector<16xi32>
      %add3A_600 = arith.addi %mul3A_5, %add3A_599 : vector<16xi32>
      %gather3A_601 = tpu.vector_load_idx %arg12[%add3A_600] : memref<6400xf32, #tpu.memory_space<vmem>>[vector<16xi32>], vector<16xf32>,
      %add3A_602 = arith.addf %add3A_588, %gather3A_601 : vector<16xf32>
      %add3A_603 = arith.constant 3200 : i32
      %add3A_604 = arith.addi %add3A_603, %mul3A_583 : i32
      %add3A_605 = arith.constant 1 : i32
      %add3A_606 = arith.addi %add3A_604, %add3A_605 : i32
      %add3A_607 = vector.broadcast %add3A_606 : i32 to vector<16xi32>
      %add3A_608 = arith.addi %mul3A_5, %add3A_607 : vector<16xi32>
      %gather3A_609 = tpu.vector_load_idx %arg12[%add3A_608] : memref<6400xf32, #tpu.memory_space<vmem>>[vector<16xi32>], vector<16xf32>,
      %add3A_610 = arith.addf %add3A_596, %gather3A_609 : vector<16xf32>
      %add3A_611 = arith.constant 2 : i32
      %add3A_612 = arith.addi %mul3A_583, %add3A_611 : i32
      %add3A_613 = vector.broadcast %add3A_612 : i32 to vector<16xi32>
      %add3A_614 = arith.addi %mul3A_5, %add3A_613 : vector<16xi32>
      %gather3A_615 = tpu.vector_load_idx %arg12[%add3A_614] : memref<6400xf32, #tpu.memory_space<vmem>>[vector<16xi32>], vector<16xf32>,
      %add3A_616 = arith.addf %add3A_602, %gather3A_615 : vector<16xf32>
      %add3A_617 = arith.constant 3200 : i32
      %add3A_618 = arith.addi %add3A_617, %mul3A_583 : i32
      %add3A_619 = arith.constant 2 : i32
      %add3A_620 = arith.addi %add3A_618, %add3A_619 : i32
      %add3A_621 = vector.broadcast %add3A_620 : i32 to vector<16xi32>
      %add3A_622 = arith.addi %mul3A_5, %add3A_621 : vector<16xi32>
      %gather3A_623 = tpu.vector_load_idx %arg12[%add3A_622] : memref<6400xf32, #tpu.memory_space<vmem>>[vector<16xi32>], vector<16xf32>,
      %add3A_624 = arith.addf %add3A_610, %gather3A_623 : vector<16xf32>
      %add3A_625 = arith.constant 3 : i32
      %add3A_626 = arith.addi %mul3A_583, %add3A_625 : i32
      %add3A_627 = vector.broadcast %add3A_626 : i32 to vector<16xi32>
      %add3A_628 = arith.addi %mul3A_5, %add3A_627 : vector<16xi32>
      %gather3A_629 = tpu.vector_load_idx %arg12[%add3A_628] : memref<6400xf32, #tpu.memory_space<vmem>>[vector<16xi32>], vector<16xf32>,
      %add3A_630 = arith.addf %add3A_616, %gather3A_629 : vector<16xf32>
      %add3A_631 = arith.constant 3200 : i32
      %add3A_632 = arith.addi %add3A_631, %mul3A_583 : i32
      %add3A_633 = arith.constant 3 : i32
      %add3A_634 = arith.addi %add3A_632, %add3A_633 : i32
      %add3A_635 = vector.broadcast %add3A_634 : i32 to vector<16xi32>
      %add3A_636 = arith.addi %mul3A_5, %add3A_635 : vector<16xi32>
      %gather3A_637 = tpu.vector_load_idx %arg12[%add3A_636] : memref<6400xf32, #tpu.memory_space<vmem>>[vector<16xi32>], vector<16xf32>,
      %add3A_638 = arith.addf %add3A_624, %gather3A_637 : vector<16xf32>
      %add3A_639 = arith.constant 4 : i32
      %add3A_640 = arith.addi %mul3A_583, %add3A_639 : i32
      %add3A_641 = vector.broadcast %add3A_640 : i32 to vector<16xi32>
      %add3A_642 = arith.addi %mul3A_5, %add3A_641 : vector<16xi32>
      %gather3A_643 = tpu.vector_load_idx %arg12[%add3A_642] : memref<6400xf32, #tpu.memory_space<vmem>>[vector<16xi32>], vector<16xf32>,
      %add3A_644 = arith.addf %add3A_630, %gather3A_643 : vector<16xf32>
      %add3A_645 = arith.constant 3200 : i32
      %add3A_646 = arith.addi %add3A_645, %mul3A_583 : i32
      %add3A_647 = arith.constant 4 : i32
      %add3A_648 = arith.addi %add3A_646, %add3A_647 : i32
      %add3A_649 = vector.broadcast %add3A_648 : i32 to vector<16xi32>
      %add3A_650 = arith.addi %mul3A_5, %add3A_649 : vector<16xi32>
      %gather3A_651 = tpu.vector_load_idx %arg12[%add3A_650] : memref<6400xf32, #tpu.memory_space<vmem>>[vector<16xi32>], vector<16xf32>,
      %add3A_652 = arith.addf %add3A_638, %gather3A_651 : vector<16xf32>
      %add3A_653 = arith.constant 5 : i32
      %add3A_654 = arith.addi %mul3A_583, %add3A_653 : i32
      %add3A_655 = vector.broadcast %add3A_654 : i32 to vector<16xi32>
      %add3A_656 = arith.addi %mul3A_5, %add3A_655 : vector<16xi32>
      %gather3A_657 = tpu.vector_load_idx %arg12[%add3A_656] : memref<6400xf32, #tpu.memory_space<vmem>>[vector<16xi32>], vector<16xf32>,
      %add3A_658 = arith.addf %add3A_644, %gather3A_657 : vector<16xf32>
      %add3A_659 = arith.constant 3200 : i32
      %add3A_660 = arith.addi %add3A_659, %mul3A_583 : i32
      %add3A_661 = arith.constant 5 : i32
      %add3A_662 = arith.addi %add3A_660, %add3A_661 : i32
      %add3A_663 = vector.broadcast %add3A_662 : i32 to vector<16xi32>
      %add3A_664 = arith.addi %mul3A_5, %add3A_663 : vector<16xi32>
      %gather3A_665 = tpu.vector_load_idx %arg12[%add3A_664] : memref<6400xf32, #tpu.memory_space<vmem>>[vector<16xi32>], vector<16xf32>,
      %add3A_666 = arith.addf %add3A_652, %gather3A_665 : vector<16xf32>
      %add3A_667 = arith.constant 6 : i32
      %add3A_668 = arith.addi %mul3A_583, %add3A_667 : i32
      %add3A_669 = vector.broadcast %add3A_668 : i32 to vector<16xi32>
      %add3A_670 = arith.addi %mul3A_5, %add3A_669 : vector<16xi32>
      %gather3A_671 = tpu.vector_load_idx %arg12[%add3A_670] : memref<6400xf32, #tpu.memory_space<vmem>>[vector<16xi32>], vector<16xf32>,
      %add3A_672 = arith.addf %add3A_658, %gather3A_671 : vector<16xf32>
      %add3A_673 = arith.constant 3200 : i32
      %add3A_674 = arith.addi %add3A_673, %mul3A_583 : i32
      %add3A_675 = arith.constant 6 : i32
      %add3A_676 = arith.addi %add3A_674, %add3A_675 : i32
      %add3A_677 = vector.broadcast %add3A_676 : i32 to vector<16xi32>
      %add3A_678 = arith.addi %mul3A_5, %add3A_677 : vector<16xi32>
      %gather3A_679 = tpu.vector_load_idx %arg12[%add3A_678] : memref<6400xf32, #tpu.memory_space<vmem>>[vector<16xi32>], vector<16xf32>,
      %add3A_680 = arith.addf %add3A_666, %gather3A_679 : vector<16xf32>
      %add3A_681 = arith.constant 7 : i32
      %add3A_682 = arith.addi %mul3A_583, %add3A_681 : i32
      %add3A_683 = vector.broadcast %add3A_682 : i32 to vector<16xi32>
      %add3A_684 = arith.addi %mul3A_5, %add3A_683 : vector<16xi32>
      %gather3A_685 = tpu.vector_load_idx %arg12[%add3A_684] : memref<6400xf32, #tpu.memory_space<vmem>>[vector<16xi32>], vector<16xf32>,
      %add3A_686 = arith.addf %add3A_672, %gather3A_685 : vector<16xf32>
      %add3A_687 = arith.constant 3200 : i32
      %add3A_688 = arith.addi %add3A_687, %mul3A_583 : i32
      %add3A_689 = arith.constant 7 : i32
      %add3A_690 = arith.addi %add3A_688, %add3A_689 : i32
      %add3A_691 = vector.broadcast %add3A_690 : i32 to vector<16xi32>
      %add3A_692 = arith.addi %mul3A_5, %add3A_691 : vector<16xi32>
      %gather3A_693 = tpu.vector_load_idx %arg12[%add3A_692] : memref<6400xf32, #tpu.memory_space<vmem>>[vector<16xi32>], vector<16xf32>,
      %add3A_694 = arith.addf %add3A_680, %gather3A_693 : vector<16xf32>
      scf.yield %add3A_686, %add3A_694 : vector<16xf32>, vector<16xf32>
    }
    %scan3A_386 = arith.constant 25 : i32
    %swap3A_387 = arith.constant 224 : index
    %swap3A_388 = tpu.vector_load %arg17[%swap3A_387] {strides = array<i32>} : memref<512xf32, #tpu.memory_space<vmem>>, vector<16xf32>,
    tpu.vector_store %arg17[%swap3A_387], %scan3A_385#0 {strides = array<i32>} : memref<512xf32, #tpu.memory_space<vmem>>, vector<16xf32>,
    %swap3A_389 = arith.constant 240 : index
    %swap3A_390 = tpu.vector_load %arg17[%swap3A_389] {strides = array<i32>} : memref<512xf32, #tpu.memory_space<vmem>>, vector<16xf32>,
    tpu.vector_store %arg17[%swap3A_389], %scan3A_385#1 {strides = array<i32>} : memref<512xf32, #tpu.memory_space<vmem>>, vector<16xf32>,
    %dma_wait3A_391 = arith.constant 2 : i32
    %dma_wait3A_392 = arith.constant 0 : i32
    %dma_wait3A_393 = tpu.memref_slice %arg3[%dma_wait3A_392] : memref<1000000xf32, #tpu.memory_space<hbm>> -> memref<1000000xf32, #tpu.memory_space<hbm>>
    %dma_wait3A_394 = tpu.memref_slice %arg19[%dma_wait3A_391] : memref<6x!tpu.dma_semaphore, #tpu.memory_space<semaphore_mem>> -> memref<1x!tpu.dma_semaphore, #tpu.memory_space<semaphore_mem>>
    %dma_wait3A_395 = tpu.memref_squeeze %dma_wait3A_394 : memref<1x!tpu.dma_semaphore, #tpu.memory_space<semaphore_mem>> -> memref<!tpu.dma_semaphore, #tpu.memory_space<semaphore_mem>>
    tpu.wait_indirect_dma semaphore(%dma_wait3A_395 : memref<!tpu.dma_semaphore, #tpu.memory_space<semaphore_mem>>) src(%dma_wait3A_393 : memref<1000000xf32, #tpu.memory_space<hbm>>) dst(%arg13 : memref<6400xf32, #tpu.memory_space<vmem>>)
    %add3A_396 = arith.constant 83200 : i32
    %add3A_397 = arith.addi %mul3A_2, %add3A_396 : i32
    %dma_wait3A_398 = arith.constant 1 : i32
    %dma_wait3A_399 = tpu.memref_slice %arg2[%add3A_397] : memref<3276800xi32, #tpu.memory_space<hbm>> -> memref<6400xi32, #tpu.memory_space<hbm>>
    %dma_wait3A_400 = tpu.memref_slice %arg18[%dma_wait3A_398] : memref<6x!tpu.dma_semaphore, #tpu.memory_space<semaphore_mem>> -> memref<1x!tpu.dma_semaphore, #tpu.memory_space<semaphore_mem>>
    %dma_wait3A_401 = tpu.memref_squeeze %dma_wait3A_400 : memref<1x!tpu.dma_semaphore, #tpu.memory_space<semaphore_mem>> -> memref<!tpu.dma_semaphore, #tpu.memory_space<semaphore_mem>>
    %dma_wait3A_402 = tpu.memref_slice %arg2[%add3A_397] : memref<3276800xi32, #tpu.memory_space<hbm>> -> memref<6400xi32, #tpu.memory_space<hbm>>
    tpu.wait_dma2 semaphore(%dma_wait3A_401 : memref<!tpu.dma_semaphore, #tpu.memory_space<semaphore_mem>>) src(%dma_wait3A_402 : memref<6400xi32, #tpu.memory_space<hbm>>) dst(%arg6 : memref<6400xi32, #tpu.memory_space<vmem>>)
    %dma_start3A_403 = arith.constant 1 : i32
    %dma_start3A_404 = arith.constant 0 : i32
    %dma_start3A_405 = tpu.memref_slice %arg3[%dma_start3A_404] : memref<1000000xf32, #tpu.memory_space<hbm>> -> memref<1000000xf32, #tpu.memory_space<hbm>>
    %dma_start3A_406 = tpu.memref_slice %arg19[%dma_start3A_403] : memref<6x!tpu.dma_semaphore, #tpu.memory_space<semaphore_mem>> -> memref<1x!tpu.dma_semaphore, #tpu.memory_space<semaphore_mem>>
    %dma_start3A_407 = tpu.memref_squeeze %dma_start3A_406 : memref<1x!tpu.dma_semaphore, #tpu.memory_space<semaphore_mem>> -> memref<!tpu.dma_semaphore, #tpu.memory_space<semaphore_mem>>
    tpu.enqueue_indirect_dma source(%dma_start3A_405 : memref<1000000xf32, #tpu.memory_space<hbm>>) target(%arg12 : memref<6400xf32, #tpu.memory_space<vmem>>) offsets(%arg6 : memref<6400xi32, #tpu.memory_space<vmem>>) semaphore(%dma_start3A_407 : memref<!tpu.dma_semaphore, #tpu.memory_space<semaphore_mem>>)
    %add3A_408 = arith.constant 89600 : i32
    %add3A_409 = arith.addi %mul3A_2, %add3A_408 : i32
    %dma_start3A_410 = arith.constant 2 : i32
    %dma_start3A_411 = tpu.memref_slice %arg2[%add3A_409] : memref<3276800xi32, #tpu.memory_space<hbm>> -> memref<6400xi32, #tpu.memory_space<hbm>>
    %dma_start3A_412 = tpu.memref_slice %arg18[%dma_start3A_410] : memref<6x!tpu.dma_semaphore, #tpu.memory_space<semaphore_mem>> -> memref<1x!tpu.dma_semaphore, #tpu.memory_space<semaphore_mem>>
    %dma_start3A_413 = tpu.memref_squeeze %dma_start3A_412 : memref<1x!tpu.dma_semaphore, #tpu.memory_space<semaphore_mem>> -> memref<!tpu.dma_semaphore, #tpu.memory_space<semaphore_mem>>
    %dma_start3A_414 = tpu.memref_slice %arg2[%add3A_409] : memref<3276800xi32, #tpu.memory_space<hbm>> -> memref<6400xi32, #tpu.memory_space<hbm>>
    tpu.enqueue_dma source(%dma_start3A_414 : memref<6400xi32, #tpu.memory_space<hbm>>) target(%arg7 : memref<6400xi32, #tpu.memory_space<vmem>>) target_semaphore(%dma_start3A_413 : memref<!tpu.dma_semaphore, #tpu.memory_space<semaphore_mem>>)
    %broadcast_in_dim3A_415 = arith.constant 0.000000e+00 : f32
    %broadcast_in_dim3A_416 = vector.broadcast %broadcast_in_dim3A_415 : f32 to vector<16xf32>
    %scan3A_417 = arith.constant 0 : i32
    %scan3A_418 = arith.constant 25 : i32
    %scan3A_419 = arith.addi %scan3A_417, %scan3A_418 : i32
    %scan3A_420 = arith.constant 1 : i32
    %scan3A_421:2 = scf.for %scan3A_579 = %scan3A_417 to %scan3A_419 step %scan3A_420 iter_args(%scan3A_580 = %broadcast_in_dim3A_416, %scan3A_581 = %broadcast_in_dim3A_416) -> (vector<16xf32>, vector<16xf32>)  : i32 {
      %mul3A_582 = arith.constant 8 : i32
      %mul3A_583 = arith.muli %scan3A_579, %mul3A_582 : i32
      %add3A_584 = arith.constant 0 : i32
      %add3A_585 = arith.addi %mul3A_583, %add3A_584 : i32
      %add3A_586 = vector.broadcast %add3A_585 : i32 to vector<16xi32>
      %add3A_587 = arith.addi %mul3A_5, %add3A_586 : vector<16xi32>
      %gather3A = tpu.vector_load_idx %arg13[%add3A_587] : memref<6400xf32, #tpu.memory_space<vmem>>[vector<16xi32>], vector<16xf32>,
      %add3A_588 = arith.addf %scan3A_580, %gather3A : vector<16xf32>
      %add3A_589 = arith.constant 3200 : i32
      %add3A_590 = arith.addi %add3A_589, %mul3A_583 : i32
      %add3A_591 = arith.constant 0 : i32
      %add3A_592 = arith.addi %add3A_590, %add3A_591 : i32
      %add3A_593 = vector.broadcast %add3A_592 : i32 to vector<16xi32>
      %add3A_594 = arith.addi %mul3A_5, %add3A_593 : vector<16xi32>
      %gather3A_595 = tpu.vector_load_idx %arg13[%add3A_594] : memref<6400xf32, #tpu.memory_space<vmem>>[vector<16xi32>], vector<16xf32>,
      %add3A_596 = arith.addf %scan3A_581, %gather3A_595 : vector<16xf32>
      %add3A_597 = arith.constant 1 : i32
      %add3A_598 = arith.addi %mul3A_583, %add3A_597 : i32
      %add3A_599 = vector.broadcast %add3A_598 : i32 to vector<16xi32>
      %add3A_600 = arith.addi %mul3A_5, %add3A_599 : vector<16xi32>
      %gather3A_601 = tpu.vector_load_idx %arg13[%add3A_600] : memref<6400xf32, #tpu.memory_space<vmem>>[vector<16xi32>], vector<16xf32>,
      %add3A_602 = arith.addf %add3A_588, %gather3A_601 : vector<16xf32>
      %add3A_603 = arith.constant 3200 : i32
      %add3A_604 = arith.addi %add3A_603, %mul3A_583 : i32
      %add3A_605 = arith.constant 1 : i32
      %add3A_606 = arith.addi %add3A_604, %add3A_605 : i32
      %add3A_607 = vector.broadcast %add3A_606 : i32 to vector<16xi32>
      %add3A_608 = arith.addi %mul3A_5, %add3A_607 : vector<16xi32>
      %gather3A_609 = tpu.vector_load_idx %arg13[%add3A_608] : memref<6400xf32, #tpu.memory_space<vmem>>[vector<16xi32>], vector<16xf32>,
      %add3A_610 = arith.addf %add3A_596, %gather3A_609 : vector<16xf32>
      %add3A_611 = arith.constant 2 : i32
      %add3A_612 = arith.addi %mul3A_583, %add3A_611 : i32
      %add3A_613 = vector.broadcast %add3A_612 : i32 to vector<16xi32>
      %add3A_614 = arith.addi %mul3A_5, %add3A_613 : vector<16xi32>
      %gather3A_615 = tpu.vector_load_idx %arg13[%add3A_614] : memref<6400xf32, #tpu.memory_space<vmem>>[vector<16xi32>], vector<16xf32>,
      %add3A_616 = arith.addf %add3A_602, %gather3A_615 : vector<16xf32>
      %add3A_617 = arith.constant 3200 : i32
      %add3A_618 = arith.addi %add3A_617, %mul3A_583 : i32
      %add3A_619 = arith.constant 2 : i32
      %add3A_620 = arith.addi %add3A_618, %add3A_619 : i32
      %add3A_621 = vector.broadcast %add3A_620 : i32 to vector<16xi32>
      %add3A_622 = arith.addi %mul3A_5, %add3A_621 : vector<16xi32>
      %gather3A_623 = tpu.vector_load_idx %arg13[%add3A_622] : memref<6400xf32, #tpu.memory_space<vmem>>[vector<16xi32>], vector<16xf32>,
      %add3A_624 = arith.addf %add3A_610, %gather3A_623 : vector<16xf32>
      %add3A_625 = arith.constant 3 : i32
      %add3A_626 = arith.addi %mul3A_583, %add3A_625 : i32
      %add3A_627 = vector.broadcast %add3A_626 : i32 to vector<16xi32>
      %add3A_628 = arith.addi %mul3A_5, %add3A_627 : vector<16xi32>
      %gather3A_629 = tpu.vector_load_idx %arg13[%add3A_628] : memref<6400xf32, #tpu.memory_space<vmem>>[vector<16xi32>], vector<16xf32>,
      %add3A_630 = arith.addf %add3A_616, %gather3A_629 : vector<16xf32>
      %add3A_631 = arith.constant 3200 : i32
      %add3A_632 = arith.addi %add3A_631, %mul3A_583 : i32
      %add3A_633 = arith.constant 3 : i32
      %add3A_634 = arith.addi %add3A_632, %add3A_633 : i32
      %add3A_635 = vector.broadcast %add3A_634 : i32 to vector<16xi32>
      %add3A_636 = arith.addi %mul3A_5, %add3A_635 : vector<16xi32>
      %gather3A_637 = tpu.vector_load_idx %arg13[%add3A_636] : memref<6400xf32, #tpu.memory_space<vmem>>[vector<16xi32>], vector<16xf32>,
      %add3A_638 = arith.addf %add3A_624, %gather3A_637 : vector<16xf32>
      %add3A_639 = arith.constant 4 : i32
      %add3A_640 = arith.addi %mul3A_583, %add3A_639 : i32
      %add3A_641 = vector.broadcast %add3A_640 : i32 to vector<16xi32>
      %add3A_642 = arith.addi %mul3A_5, %add3A_641 : vector<16xi32>
      %gather3A_643 = tpu.vector_load_idx %arg13[%add3A_642] : memref<6400xf32, #tpu.memory_space<vmem>>[vector<16xi32>], vector<16xf32>,
      %add3A_644 = arith.addf %add3A_630, %gather3A_643 : vector<16xf32>
      %add3A_645 = arith.constant 3200 : i32
      %add3A_646 = arith.addi %add3A_645, %mul3A_583 : i32
      %add3A_647 = arith.constant 4 : i32
      %add3A_648 = arith.addi %add3A_646, %add3A_647 : i32
      %add3A_649 = vector.broadcast %add3A_648 : i32 to vector<16xi32>
      %add3A_650 = arith.addi %mul3A_5, %add3A_649 : vector<16xi32>
      %gather3A_651 = tpu.vector_load_idx %arg13[%add3A_650] : memref<6400xf32, #tpu.memory_space<vmem>>[vector<16xi32>], vector<16xf32>,
      %add3A_652 = arith.addf %add3A_638, %gather3A_651 : vector<16xf32>
      %add3A_653 = arith.constant 5 : i32
      %add3A_654 = arith.addi %mul3A_583, %add3A_653 : i32
      %add3A_655 = vector.broadcast %add3A_654 : i32 to vector<16xi32>
      %add3A_656 = arith.addi %mul3A_5, %add3A_655 : vector<16xi32>
      %gather3A_657 = tpu.vector_load_idx %arg13[%add3A_656] : memref<6400xf32, #tpu.memory_space<vmem>>[vector<16xi32>], vector<16xf32>,
      %add3A_658 = arith.addf %add3A_644, %gather3A_657 : vector<16xf32>
      %add3A_659 = arith.constant 3200 : i32
      %add3A_660 = arith.addi %add3A_659, %mul3A_583 : i32
      %add3A_661 = arith.constant 5 : i32
      %add3A_662 = arith.addi %add3A_660, %add3A_661 : i32
      %add3A_663 = vector.broadcast %add3A_662 : i32 to vector<16xi32>
      %add3A_664 = arith.addi %mul3A_5, %add3A_663 : vector<16xi32>
      %gather3A_665 = tpu.vector_load_idx %arg13[%add3A_664] : memref<6400xf32, #tpu.memory_space<vmem>>[vector<16xi32>], vector<16xf32>,
      %add3A_666 = arith.addf %add3A_652, %gather3A_665 : vector<16xf32>
      %add3A_667 = arith.constant 6 : i32
      %add3A_668 = arith.addi %mul3A_583, %add3A_667 : i32
      %add3A_669 = vector.broadcast %add3A_668 : i32 to vector<16xi32>
      %add3A_670 = arith.addi %mul3A_5, %add3A_669 : vector<16xi32>
      %gather3A_671 = tpu.vector_load_idx %arg13[%add3A_670] : memref<6400xf32, #tpu.memory_space<vmem>>[vector<16xi32>], vector<16xf32>,
      %add3A_672 = arith.addf %add3A_658, %gather3A_671 : vector<16xf32>
      %add3A_673 = arith.constant 3200 : i32
      %add3A_674 = arith.addi %add3A_673, %mul3A_583 : i32
      %add3A_675 = arith.constant 6 : i32
      %add3A_676 = arith.addi %add3A_674, %add3A_675 : i32
      %add3A_677 = vector.broadcast %add3A_676 : i32 to vector<16xi32>
      %add3A_678 = arith.addi %mul3A_5, %add3A_677 : vector<16xi32>
      %gather3A_679 = tpu.vector_load_idx %arg13[%add3A_678] : memref<6400xf32, #tpu.memory_space<vmem>>[vector<16xi32>], vector<16xf32>,
      %add3A_680 = arith.addf %add3A_666, %gather3A_679 : vector<16xf32>
      %add3A_681 = arith.constant 7 : i32
      %add3A_682 = arith.addi %mul3A_583, %add3A_681 : i32
      %add3A_683 = vector.broadcast %add3A_682 : i32 to vector<16xi32>
      %add3A_684 = arith.addi %mul3A_5, %add3A_683 : vector<16xi32>
      %gather3A_685 = tpu.vector_load_idx %arg13[%add3A_684] : memref<6400xf32, #tpu.memory_space<vmem>>[vector<16xi32>], vector<16xf32>,
      %add3A_686 = arith.addf %add3A_672, %gather3A_685 : vector<16xf32>
      %add3A_687 = arith.constant 3200 : i32
      %add3A_688 = arith.addi %add3A_687, %mul3A_583 : i32
      %add3A_689 = arith.constant 7 : i32
      %add3A_690 = arith.addi %add3A_688, %add3A_689 : i32
      %add3A_691 = vector.broadcast %add3A_690 : i32 to vector<16xi32>
      %add3A_692 = arith.addi %mul3A_5, %add3A_691 : vector<16xi32>
      %gather3A_693 = tpu.vector_load_idx %arg13[%add3A_692] : memref<6400xf32, #tpu.memory_space<vmem>>[vector<16xi32>], vector<16xf32>,
      %add3A_694 = arith.addf %add3A_680, %gather3A_693 : vector<16xf32>
      scf.yield %add3A_686, %add3A_694 : vector<16xf32>, vector<16xf32>
    }
    %scan3A_422 = arith.constant 25 : i32
    %swap3A_423 = arith.constant 256 : index
    %swap3A_424 = tpu.vector_load %arg17[%swap3A_423] {strides = array<i32>} : memref<512xf32, #tpu.memory_space<vmem>>, vector<16xf32>,
    tpu.vector_store %arg17[%swap3A_423], %scan3A_421#0 {strides = array<i32>} : memref<512xf32, #tpu.memory_space<vmem>>, vector<16xf32>,
    %swap3A_425 = arith.constant 272 : index
    %swap3A_426 = tpu.vector_load %arg17[%swap3A_425] {strides = array<i32>} : memref<512xf32, #tpu.memory_space<vmem>>, vector<16xf32>,
    tpu.vector_store %arg17[%swap3A_425], %scan3A_421#1 {strides = array<i32>} : memref<512xf32, #tpu.memory_space<vmem>>, vector<16xf32>,
    %dma_wait3A_427 = arith.constant 3 : i32
    %dma_wait3A_428 = arith.constant 0 : i32
    %dma_wait3A_429 = tpu.memref_slice %arg3[%dma_wait3A_428] : memref<1000000xf32, #tpu.memory_space<hbm>> -> memref<1000000xf32, #tpu.memory_space<hbm>>
    %dma_wait3A_430 = tpu.memref_slice %arg19[%dma_wait3A_427] : memref<6x!tpu.dma_semaphore, #tpu.memory_space<semaphore_mem>> -> memref<1x!tpu.dma_semaphore, #tpu.memory_space<semaphore_mem>>
    %dma_wait3A_431 = tpu.memref_squeeze %dma_wait3A_430 : memref<1x!tpu.dma_semaphore, #tpu.memory_space<semaphore_mem>> -> memref<!tpu.dma_semaphore, #tpu.memory_space<semaphore_mem>>
    tpu.wait_indirect_dma semaphore(%dma_wait3A_431 : memref<!tpu.dma_semaphore, #tpu.memory_space<semaphore_mem>>) src(%dma_wait3A_429 : memref<1000000xf32, #tpu.memory_space<hbm>>) dst(%arg14 : memref<6400xf32, #tpu.memory_space<vmem>>)
    %add3A_432 = arith.constant 89600 : i32
    %add3A_433 = arith.addi %mul3A_2, %add3A_432 : i32
    %dma_wait3A_434 = arith.constant 2 : i32
    %dma_wait3A_435 = tpu.memref_slice %arg2[%add3A_433] : memref<3276800xi32, #tpu.memory_space<hbm>> -> memref<6400xi32, #tpu.memory_space<hbm>>
    %dma_wait3A_436 = tpu.memref_slice %arg18[%dma_wait3A_434] : memref<6x!tpu.dma_semaphore, #tpu.memory_space<semaphore_mem>> -> memref<1x!tpu.dma_semaphore, #tpu.memory_space<semaphore_mem>>
    %dma_wait3A_437 = tpu.memref_squeeze %dma_wait3A_436 : memref<1x!tpu.dma_semaphore, #tpu.memory_space<semaphore_mem>> -> memref<!tpu.dma_semaphore, #tpu.memory_space<semaphore_mem>>
    %dma_wait3A_438 = tpu.memref_slice %arg2[%add3A_433] : memref<3276800xi32, #tpu.memory_space<hbm>> -> memref<6400xi32, #tpu.memory_space<hbm>>
    tpu.wait_dma2 semaphore(%dma_wait3A_437 : memref<!tpu.dma_semaphore, #tpu.memory_space<semaphore_mem>>) src(%dma_wait3A_438 : memref<6400xi32, #tpu.memory_space<hbm>>) dst(%arg7 : memref<6400xi32, #tpu.memory_space<vmem>>)
    %dma_start3A_439 = arith.constant 2 : i32
    %dma_start3A_440 = arith.constant 0 : i32
    %dma_start3A_441 = tpu.memref_slice %arg3[%dma_start3A_440] : memref<1000000xf32, #tpu.memory_space<hbm>> -> memref<1000000xf32, #tpu.memory_space<hbm>>
    %dma_start3A_442 = tpu.memref_slice %arg19[%dma_start3A_439] : memref<6x!tpu.dma_semaphore, #tpu.memory_space<semaphore_mem>> -> memref<1x!tpu.dma_semaphore, #tpu.memory_space<semaphore_mem>>
    %dma_start3A_443 = tpu.memref_squeeze %dma_start3A_442 : memref<1x!tpu.dma_semaphore, #tpu.memory_space<semaphore_mem>> -> memref<!tpu.dma_semaphore, #tpu.memory_space<semaphore_mem>>
    tpu.enqueue_indirect_dma source(%dma_start3A_441 : memref<1000000xf32, #tpu.memory_space<hbm>>) target(%arg13 : memref<6400xf32, #tpu.memory_space<vmem>>) offsets(%arg7 : memref<6400xi32, #tpu.memory_space<vmem>>) semaphore(%dma_start3A_443 : memref<!tpu.dma_semaphore, #tpu.memory_space<semaphore_mem>>)
    %add3A_444 = arith.constant 96000 : i32
    %add3A_445 = arith.addi %mul3A_2, %add3A_444 : i32
    %dma_start3A_446 = arith.constant 3 : i32
    %dma_start3A_447 = tpu.memref_slice %arg2[%add3A_445] : memref<3276800xi32, #tpu.memory_space<hbm>> -> memref<6400xi32, #tpu.memory_space<hbm>>
    %dma_start3A_448 = tpu.memref_slice %arg18[%dma_start3A_446] : memref<6x!tpu.dma_semaphore, #tpu.memory_space<semaphore_mem>> -> memref<1x!tpu.dma_semaphore, #tpu.memory_space<semaphore_mem>>
    %dma_start3A_449 = tpu.memref_squeeze %dma_start3A_448 : memref<1x!tpu.dma_semaphore, #tpu.memory_space<semaphore_mem>> -> memref<!tpu.dma_semaphore, #tpu.memory_space<semaphore_mem>>
    %dma_start3A_450 = tpu.memref_slice %arg2[%add3A_445] : memref<3276800xi32, #tpu.memory_space<hbm>> -> memref<6400xi32, #tpu.memory_space<hbm>>
    tpu.enqueue_dma source(%dma_start3A_450 : memref<6400xi32, #tpu.memory_space<hbm>>) target(%arg8 : memref<6400xi32, #tpu.memory_space<vmem>>) target_semaphore(%dma_start3A_449 : memref<!tpu.dma_semaphore, #tpu.memory_space<semaphore_mem>>)
    %broadcast_in_dim3A_451 = arith.constant 0.000000e+00 : f32
    %broadcast_in_dim3A_452 = vector.broadcast %broadcast_in_dim3A_451 : f32 to vector<16xf32>
    %scan3A_453 = arith.constant 0 : i32
    %scan3A_454 = arith.constant 25 : i32
    %scan3A_455 = arith.addi %scan3A_453, %scan3A_454 : i32
    %scan3A_456 = arith.constant 1 : i32
    %scan3A_457:2 = scf.for %scan3A_579 = %scan3A_453 to %scan3A_455 step %scan3A_456 iter_args(%scan3A_580 = %broadcast_in_dim3A_452, %scan3A_581 = %broadcast_in_dim3A_452) -> (vector<16xf32>, vector<16xf32>)  : i32 {
      %mul3A_582 = arith.constant 8 : i32
      %mul3A_583 = arith.muli %scan3A_579, %mul3A_582 : i32
      %add3A_584 = arith.constant 0 : i32
      %add3A_585 = arith.addi %mul3A_583, %add3A_584 : i32
      %add3A_586 = vector.broadcast %add3A_585 : i32 to vector<16xi32>
      %add3A_587 = arith.addi %mul3A_5, %add3A_586 : vector<16xi32>
      %gather3A = tpu.vector_load_idx %arg14[%add3A_587] : memref<6400xf32, #tpu.memory_space<vmem>>[vector<16xi32>], vector<16xf32>,
      %add3A_588 = arith.addf %scan3A_580, %gather3A : vector<16xf32>
      %add3A_589 = arith.constant 3200 : i32
      %add3A_590 = arith.addi %add3A_589, %mul3A_583 : i32
      %add3A_591 = arith.constant 0 : i32
      %add3A_592 = arith.addi %add3A_590, %add3A_591 : i32
      %add3A_593 = vector.broadcast %add3A_592 : i32 to vector<16xi32>
      %add3A_594 = arith.addi %mul3A_5, %add3A_593 : vector<16xi32>
      %gather3A_595 = tpu.vector_load_idx %arg14[%add3A_594] : memref<6400xf32, #tpu.memory_space<vmem>>[vector<16xi32>], vector<16xf32>,
      %add3A_596 = arith.addf %scan3A_581, %gather3A_595 : vector<16xf32>
      %add3A_597 = arith.constant 1 : i32
      %add3A_598 = arith.addi %mul3A_583, %add3A_597 : i32
      %add3A_599 = vector.broadcast %add3A_598 : i32 to vector<16xi32>
      %add3A_600 = arith.addi %mul3A_5, %add3A_599 : vector<16xi32>
      %gather3A_601 = tpu.vector_load_idx %arg14[%add3A_600] : memref<6400xf32, #tpu.memory_space<vmem>>[vector<16xi32>], vector<16xf32>,
      %add3A_602 = arith.addf %add3A_588, %gather3A_601 : vector<16xf32>
      %add3A_603 = arith.constant 3200 : i32
      %add3A_604 = arith.addi %add3A_603, %mul3A_583 : i32
      %add3A_605 = arith.constant 1 : i32
      %add3A_606 = arith.addi %add3A_604, %add3A_605 : i32
      %add3A_607 = vector.broadcast %add3A_606 : i32 to vector<16xi32>
      %add3A_608 = arith.addi %mul3A_5, %add3A_607 : vector<16xi32>
      %gather3A_609 = tpu.vector_load_idx %arg14[%add3A_608] : memref<6400xf32, #tpu.memory_space<vmem>>[vector<16xi32>], vector<16xf32>,
      %add3A_610 = arith.addf %add3A_596, %gather3A_609 : vector<16xf32>
      %add3A_611 = arith.constant 2 : i32
      %add3A_612 = arith.addi %mul3A_583, %add3A_611 : i32
      %add3A_613 = vector.broadcast %add3A_612 : i32 to vector<16xi32>
      %add3A_614 = arith.addi %mul3A_5, %add3A_613 : vector<16xi32>
      %gather3A_615 = tpu.vector_load_idx %arg14[%add3A_614] : memref<6400xf32, #tpu.memory_space<vmem>>[vector<16xi32>], vector<16xf32>,
      %add3A_616 = arith.addf %add3A_602, %gather3A_615 : vector<16xf32>
      %add3A_617 = arith.constant 3200 : i32
      %add3A_618 = arith.addi %add3A_617, %mul3A_583 : i32
      %add3A_619 = arith.constant 2 : i32
      %add3A_620 = arith.addi %add3A_618, %add3A_619 : i32
      %add3A_621 = vector.broadcast %add3A_620 : i32 to vector<16xi32>
      %add3A_622 = arith.addi %mul3A_5, %add3A_621 : vector<16xi32>
      %gather3A_623 = tpu.vector_load_idx %arg14[%add3A_622] : memref<6400xf32, #tpu.memory_space<vmem>>[vector<16xi32>], vector<16xf32>,
      %add3A_624 = arith.addf %add3A_610, %gather3A_623 : vector<16xf32>
      %add3A_625 = arith.constant 3 : i32
      %add3A_626 = arith.addi %mul3A_583, %add3A_625 : i32
      %add3A_627 = vector.broadcast %add3A_626 : i32 to vector<16xi32>
      %add3A_628 = arith.addi %mul3A_5, %add3A_627 : vector<16xi32>
      %gather3A_629 = tpu.vector_load_idx %arg14[%add3A_628] : memref<6400xf32, #tpu.memory_space<vmem>>[vector<16xi32>], vector<16xf32>,
      %add3A_630 = arith.addf %add3A_616, %gather3A_629 : vector<16xf32>
      %add3A_631 = arith.constant 3200 : i32
      %add3A_632 = arith.addi %add3A_631, %mul3A_583 : i32
      %add3A_633 = arith.constant 3 : i32
      %add3A_634 = arith.addi %add3A_632, %add3A_633 : i32
      %add3A_635 = vector.broadcast %add3A_634 : i32 to vector<16xi32>
      %add3A_636 = arith.addi %mul3A_5, %add3A_635 : vector<16xi32>
      %gather3A_637 = tpu.vector_load_idx %arg14[%add3A_636] : memref<6400xf32, #tpu.memory_space<vmem>>[vector<16xi32>], vector<16xf32>,
      %add3A_638 = arith.addf %add3A_624, %gather3A_637 : vector<16xf32>
      %add3A_639 = arith.constant 4 : i32
      %add3A_640 = arith.addi %mul3A_583, %add3A_639 : i32
      %add3A_641 = vector.broadcast %add3A_640 : i32 to vector<16xi32>
      %add3A_642 = arith.addi %mul3A_5, %add3A_641 : vector<16xi32>
      %gather3A_643 = tpu.vector_load_idx %arg14[%add3A_642] : memref<6400xf32, #tpu.memory_space<vmem>>[vector<16xi32>], vector<16xf32>,
      %add3A_644 = arith.addf %add3A_630, %gather3A_643 : vector<16xf32>
      %add3A_645 = arith.constant 3200 : i32
      %add3A_646 = arith.addi %add3A_645, %mul3A_583 : i32
      %add3A_647 = arith.constant 4 : i32
      %add3A_648 = arith.addi %add3A_646, %add3A_647 : i32
      %add3A_649 = vector.broadcast %add3A_648 : i32 to vector<16xi32>
      %add3A_650 = arith.addi %mul3A_5, %add3A_649 : vector<16xi32>
      %gather3A_651 = tpu.vector_load_idx %arg14[%add3A_650] : memref<6400xf32, #tpu.memory_space<vmem>>[vector<16xi32>], vector<16xf32>,
      %add3A_652 = arith.addf %add3A_638, %gather3A_651 : vector<16xf32>
      %add3A_653 = arith.constant 5 : i32
      %add3A_654 = arith.addi %mul3A_583, %add3A_653 : i32
      %add3A_655 = vector.broadcast %add3A_654 : i32 to vector<16xi32>
      %add3A_656 = arith.addi %mul3A_5, %add3A_655 : vector<16xi32>
      %gather3A_657 = tpu.vector_load_idx %arg14[%add3A_656] : memref<6400xf32, #tpu.memory_space<vmem>>[vector<16xi32>], vector<16xf32>,
      %add3A_658 = arith.addf %add3A_644, %gather3A_657 : vector<16xf32>
      %add3A_659 = arith.constant 3200 : i32
      %add3A_660 = arith.addi %add3A_659, %mul3A_583 : i32
      %add3A_661 = arith.constant 5 : i32
      %add3A_662 = arith.addi %add3A_660, %add3A_661 : i32
      %add3A_663 = vector.broadcast %add3A_662 : i32 to vector<16xi32>
      %add3A_664 = arith.addi %mul3A_5, %add3A_663 : vector<16xi32>
      %gather3A_665 = tpu.vector_load_idx %arg14[%add3A_664] : memref<6400xf32, #tpu.memory_space<vmem>>[vector<16xi32>], vector<16xf32>,
      %add3A_666 = arith.addf %add3A_652, %gather3A_665 : vector<16xf32>
      %add3A_667 = arith.constant 6 : i32
      %add3A_668 = arith.addi %mul3A_583, %add3A_667 : i32
      %add3A_669 = vector.broadcast %add3A_668 : i32 to vector<16xi32>
      %add3A_670 = arith.addi %mul3A_5, %add3A_669 : vector<16xi32>
      %gather3A_671 = tpu.vector_load_idx %arg14[%add3A_670] : memref<6400xf32, #tpu.memory_space<vmem>>[vector<16xi32>], vector<16xf32>,
      %add3A_672 = arith.addf %add3A_658, %gather3A_671 : vector<16xf32>
      %add3A_673 = arith.constant 3200 : i32
      %add3A_674 = arith.addi %add3A_673, %mul3A_583 : i32
      %add3A_675 = arith.constant 6 : i32
      %add3A_676 = arith.addi %add3A_674, %add3A_675 : i32
      %add3A_677 = vector.broadcast %add3A_676 : i32 to vector<16xi32>
      %add3A_678 = arith.addi %mul3A_5, %add3A_677 : vector<16xi32>
      %gather3A_679 = tpu.vector_load_idx %arg14[%add3A_678] : memref<6400xf32, #tpu.memory_space<vmem>>[vector<16xi32>], vector<16xf32>,
      %add3A_680 = arith.addf %add3A_666, %gather3A_679 : vector<16xf32>
      %add3A_681 = arith.constant 7 : i32
      %add3A_682 = arith.addi %mul3A_583, %add3A_681 : i32
      %add3A_683 = vector.broadcast %add3A_682 : i32 to vector<16xi32>
      %add3A_684 = arith.addi %mul3A_5, %add3A_683 : vector<16xi32>
      %gather3A_685 = tpu.vector_load_idx %arg14[%add3A_684] : memref<6400xf32, #tpu.memory_space<vmem>>[vector<16xi32>], vector<16xf32>,
      %add3A_686 = arith.addf %add3A_672, %gather3A_685 : vector<16xf32>
      %add3A_687 = arith.constant 3200 : i32
      %add3A_688 = arith.addi %add3A_687, %mul3A_583 : i32
      %add3A_689 = arith.constant 7 : i32
      %add3A_690 = arith.addi %add3A_688, %add3A_689 : i32
      %add3A_691 = vector.broadcast %add3A_690 : i32 to vector<16xi32>
      %add3A_692 = arith.addi %mul3A_5, %add3A_691 : vector<16xi32>
      %gather3A_693 = tpu.vector_load_idx %arg14[%add3A_692] : memref<6400xf32, #tpu.memory_space<vmem>>[vector<16xi32>], vector<16xf32>,
      %add3A_694 = arith.addf %add3A_680, %gather3A_693 : vector<16xf32>
      scf.yield %add3A_686, %add3A_694 : vector<16xf32>, vector<16xf32>
    }
    %scan3A_458 = arith.constant 25 : i32
    %swap3A_459 = arith.constant 288 : index
    %swap3A_460 = tpu.vector_load %arg17[%swap3A_459] {strides = array<i32>} : memref<512xf32, #tpu.memory_space<vmem>>, vector<16xf32>,
    tpu.vector_store %arg17[%swap3A_459], %scan3A_457#0 {strides = array<i32>} : memref<512xf32, #tpu.memory_space<vmem>>, vector<16xf32>,
    %swap3A_461 = arith.constant 304 : index
    %swap3A_462 = tpu.vector_load %arg17[%swap3A_461] {strides = array<i32>} : memref<512xf32, #tpu.memory_space<vmem>>, vector<16xf32>,
    tpu.vector_store %arg17[%swap3A_461], %scan3A_457#1 {strides = array<i32>} : memref<512xf32, #tpu.memory_space<vmem>>, vector<16xf32>,
    %dma_wait3A_463 = arith.constant 4 : i32
    %dma_wait3A_464 = arith.constant 0 : i32
    %dma_wait3A_465 = tpu.memref_slice %arg3[%dma_wait3A_464] : memref<1000000xf32, #tpu.memory_space<hbm>> -> memref<1000000xf32, #tpu.memory_space<hbm>>
    %dma_wait3A_466 = tpu.memref_slice %arg19[%dma_wait3A_463] : memref<6x!tpu.dma_semaphore, #tpu.memory_space<semaphore_mem>> -> memref<1x!tpu.dma_semaphore, #tpu.memory_space<semaphore_mem>>
    %dma_wait3A_467 = tpu.memref_squeeze %dma_wait3A_466 : memref<1x!tpu.dma_semaphore, #tpu.memory_space<semaphore_mem>> -> memref<!tpu.dma_semaphore, #tpu.memory_space<semaphore_mem>>
    tpu.wait_indirect_dma semaphore(%dma_wait3A_467 : memref<!tpu.dma_semaphore, #tpu.memory_space<semaphore_mem>>) src(%dma_wait3A_465 : memref<1000000xf32, #tpu.memory_space<hbm>>) dst(%arg15 : memref<6400xf32, #tpu.memory_space<vmem>>)
    %add3A_468 = arith.constant 96000 : i32
    %add3A_469 = arith.addi %mul3A_2, %add3A_468 : i32
    %dma_wait3A_470 = arith.constant 3 : i32
    %dma_wait3A_471 = tpu.memref_slice %arg2[%add3A_469] : memref<3276800xi32, #tpu.memory_space<hbm>> -> memref<6400xi32, #tpu.memory_space<hbm>>
    %dma_wait3A_472 = tpu.memref_slice %arg18[%dma_wait3A_470] : memref<6x!tpu.dma_semaphore, #tpu.memory_space<semaphore_mem>> -> memref<1x!tpu.dma_semaphore, #tpu.memory_space<semaphore_mem>>
    %dma_wait3A_473 = tpu.memref_squeeze %dma_wait3A_472 : memref<1x!tpu.dma_semaphore, #tpu.memory_space<semaphore_mem>> -> memref<!tpu.dma_semaphore, #tpu.memory_space<semaphore_mem>>
    %dma_wait3A_474 = tpu.memref_slice %arg2[%add3A_469] : memref<3276800xi32, #tpu.memory_space<hbm>> -> memref<6400xi32, #tpu.memory_space<hbm>>
    tpu.wait_dma2 semaphore(%dma_wait3A_473 : memref<!tpu.dma_semaphore, #tpu.memory_space<semaphore_mem>>) src(%dma_wait3A_474 : memref<6400xi32, #tpu.memory_space<hbm>>) dst(%arg8 : memref<6400xi32, #tpu.memory_space<vmem>>)
    %dma_start3A_475 = arith.constant 3 : i32
    %dma_start3A_476 = arith.constant 0 : i32
    %dma_start3A_477 = tpu.memref_slice %arg3[%dma_start3A_476] : memref<1000000xf32, #tpu.memory_space<hbm>> -> memref<1000000xf32, #tpu.memory_space<hbm>>
    %dma_start3A_478 = tpu.memref_slice %arg19[%dma_start3A_475] : memref<6x!tpu.dma_semaphore, #tpu.memory_space<semaphore_mem>> -> memref<1x!tpu.dma_semaphore, #tpu.memory_space<semaphore_mem>>
    %dma_start3A_479 = tpu.memref_squeeze %dma_start3A_478 : memref<1x!tpu.dma_semaphore, #tpu.memory_space<semaphore_mem>> -> memref<!tpu.dma_semaphore, #tpu.memory_space<semaphore_mem>>
    tpu.enqueue_indirect_dma source(%dma_start3A_477 : memref<1000000xf32, #tpu.memory_space<hbm>>) target(%arg14 : memref<6400xf32, #tpu.memory_space<vmem>>) offsets(%arg8 : memref<6400xi32, #tpu.memory_space<vmem>>) semaphore(%dma_start3A_479 : memref<!tpu.dma_semaphore, #tpu.memory_space<semaphore_mem>>)
    %broadcast_in_dim3A_480 = arith.constant 0.000000e+00 : f32
    %broadcast_in_dim3A_481 = vector.broadcast %broadcast_in_dim3A_480 : f32 to vector<16xf32>
    %scan3A_482 = arith.constant 0 : i32
    %scan3A_483 = arith.constant 25 : i32
    %scan3A_484 = arith.addi %scan3A_482, %scan3A_483 : i32
    %scan3A_485 = arith.constant 1 : i32
    %scan3A_486:2 = scf.for %scan3A_579 = %scan3A_482 to %scan3A_484 step %scan3A_485 iter_args(%scan3A_580 = %broadcast_in_dim3A_481, %scan3A_581 = %broadcast_in_dim3A_481) -> (vector<16xf32>, vector<16xf32>)  : i32 {
      %mul3A_582 = arith.constant 8 : i32
      %mul3A_583 = arith.muli %scan3A_579, %mul3A_582 : i32
      %add3A_584 = arith.constant 0 : i32
      %add3A_585 = arith.addi %mul3A_583, %add3A_584 : i32
      %add3A_586 = vector.broadcast %add3A_585 : i32 to vector<16xi32>
      %add3A_587 = arith.addi %mul3A_5, %add3A_586 : vector<16xi32>
      %gather3A = tpu.vector_load_idx %arg15[%add3A_587] : memref<6400xf32, #tpu.memory_space<vmem>>[vector<16xi32>], vector<16xf32>,
      %add3A_588 = arith.addf %scan3A_580, %gather3A : vector<16xf32>
      %add3A_589 = arith.constant 3200 : i32
      %add3A_590 = arith.addi %add3A_589, %mul3A_583 : i32
      %add3A_591 = arith.constant 0 : i32
      %add3A_592 = arith.addi %add3A_590, %add3A_591 : i32
      %add3A_593 = vector.broadcast %add3A_592 : i32 to vector<16xi32>
      %add3A_594 = arith.addi %mul3A_5, %add3A_593 : vector<16xi32>
      %gather3A_595 = tpu.vector_load_idx %arg15[%add3A_594] : memref<6400xf32, #tpu.memory_space<vmem>>[vector<16xi32>], vector<16xf32>,
      %add3A_596 = arith.addf %scan3A_581, %gather3A_595 : vector<16xf32>
      %add3A_597 = arith.constant 1 : i32
      %add3A_598 = arith.addi %mul3A_583, %add3A_597 : i32
      %add3A_599 = vector.broadcast %add3A_598 : i32 to vector<16xi32>
      %add3A_600 = arith.addi %mul3A_5, %add3A_599 : vector<16xi32>
      %gather3A_601 = tpu.vector_load_idx %arg15[%add3A_600] : memref<6400xf32, #tpu.memory_space<vmem>>[vector<16xi32>], vector<16xf32>,
      %add3A_602 = arith.addf %add3A_588, %gather3A_601 : vector<16xf32>
      %add3A_603 = arith.constant 3200 : i32
      %add3A_604 = arith.addi %add3A_603, %mul3A_583 : i32
      %add3A_605 = arith.constant 1 : i32
      %add3A_606 = arith.addi %add3A_604, %add3A_605 : i32
      %add3A_607 = vector.broadcast %add3A_606 : i32 to vector<16xi32>
      %add3A_608 = arith.addi %mul3A_5, %add3A_607 : vector<16xi32>
      %gather3A_609 = tpu.vector_load_idx %arg15[%add3A_608] : memref<6400xf32, #tpu.memory_space<vmem>>[vector<16xi32>], vector<16xf32>,
      %add3A_610 = arith.addf %add3A_596, %gather3A_609 : vector<16xf32>
      %add3A_611 = arith.constant 2 : i32
      %add3A_612 = arith.addi %mul3A_583, %add3A_611 : i32
      %add3A_613 = vector.broadcast %add3A_612 : i32 to vector<16xi32>
      %add3A_614 = arith.addi %mul3A_5, %add3A_613 : vector<16xi32>
      %gather3A_615 = tpu.vector_load_idx %arg15[%add3A_614] : memref<6400xf32, #tpu.memory_space<vmem>>[vector<16xi32>], vector<16xf32>,
      %add3A_616 = arith.addf %add3A_602, %gather3A_615 : vector<16xf32>
      %add3A_617 = arith.constant 3200 : i32
      %add3A_618 = arith.addi %add3A_617, %mul3A_583 : i32
      %add3A_619 = arith.constant 2 : i32
      %add3A_620 = arith.addi %add3A_618, %add3A_619 : i32
      %add3A_621 = vector.broadcast %add3A_620 : i32 to vector<16xi32>
      %add3A_622 = arith.addi %mul3A_5, %add3A_621 : vector<16xi32>
      %gather3A_623 = tpu.vector_load_idx %arg15[%add3A_622] : memref<6400xf32, #tpu.memory_space<vmem>>[vector<16xi32>], vector<16xf32>,
      %add3A_624 = arith.addf %add3A_610, %gather3A_623 : vector<16xf32>
      %add3A_625 = arith.constant 3 : i32
      %add3A_626 = arith.addi %mul3A_583, %add3A_625 : i32
      %add3A_627 = vector.broadcast %add3A_626 : i32 to vector<16xi32>
      %add3A_628 = arith.addi %mul3A_5, %add3A_627 : vector<16xi32>
      %gather3A_629 = tpu.vector_load_idx %arg15[%add3A_628] : memref<6400xf32, #tpu.memory_space<vmem>>[vector<16xi32>], vector<16xf32>,
      %add3A_630 = arith.addf %add3A_616, %gather3A_629 : vector<16xf32>
      %add3A_631 = arith.constant 3200 : i32
      %add3A_632 = arith.addi %add3A_631, %mul3A_583 : i32
      %add3A_633 = arith.constant 3 : i32
      %add3A_634 = arith.addi %add3A_632, %add3A_633 : i32
      %add3A_635 = vector.broadcast %add3A_634 : i32 to vector<16xi32>
      %add3A_636 = arith.addi %mul3A_5, %add3A_635 : vector<16xi32>
      %gather3A_637 = tpu.vector_load_idx %arg15[%add3A_636] : memref<6400xf32, #tpu.memory_space<vmem>>[vector<16xi32>], vector<16xf32>,
      %add3A_638 = arith.addf %add3A_624, %gather3A_637 : vector<16xf32>
      %add3A_639 = arith.constant 4 : i32
      %add3A_640 = arith.addi %mul3A_583, %add3A_639 : i32
      %add3A_641 = vector.broadcast %add3A_640 : i32 to vector<16xi32>
      %add3A_642 = arith.addi %mul3A_5, %add3A_641 : vector<16xi32>
      %gather3A_643 = tpu.vector_load_idx %arg15[%add3A_642] : memref<6400xf32, #tpu.memory_space<vmem>>[vector<16xi32>], vector<16xf32>,
      %add3A_644 = arith.addf %add3A_630, %gather3A_643 : vector<16xf32>
      %add3A_645 = arith.constant 3200 : i32
      %add3A_646 = arith.addi %add3A_645, %mul3A_583 : i32
      %add3A_647 = arith.constant 4 : i32
      %add3A_648 = arith.addi %add3A_646, %add3A_647 : i32
      %add3A_649 = vector.broadcast %add3A_648 : i32 to vector<16xi32>
      %add3A_650 = arith.addi %mul3A_5, %add3A_649 : vector<16xi32>
      %gather3A_651 = tpu.vector_load_idx %arg15[%add3A_650] : memref<6400xf32, #tpu.memory_space<vmem>>[vector<16xi32>], vector<16xf32>,
      %add3A_652 = arith.addf %add3A_638, %gather3A_651 : vector<16xf32>
      %add3A_653 = arith.constant 5 : i32
      %add3A_654 = arith.addi %mul3A_583, %add3A_653 : i32
      %add3A_655 = vector.broadcast %add3A_654 : i32 to vector<16xi32>
      %add3A_656 = arith.addi %mul3A_5, %add3A_655 : vector<16xi32>
      %gather3A_657 = tpu.vector_load_idx %arg15[%add3A_656] : memref<6400xf32, #tpu.memory_space<vmem>>[vector<16xi32>], vector<16xf32>,
      %add3A_658 = arith.addf %add3A_644, %gather3A_657 : vector<16xf32>
      %add3A_659 = arith.constant 3200 : i32
      %add3A_660 = arith.addi %add3A_659, %mul3A_583 : i32
      %add3A_661 = arith.constant 5 : i32
      %add3A_662 = arith.addi %add3A_660, %add3A_661 : i32
      %add3A_663 = vector.broadcast %add3A_662 : i32 to vector<16xi32>
      %add3A_664 = arith.addi %mul3A_5, %add3A_663 : vector<16xi32>
      %gather3A_665 = tpu.vector_load_idx %arg15[%add3A_664] : memref<6400xf32, #tpu.memory_space<vmem>>[vector<16xi32>], vector<16xf32>,
      %add3A_666 = arith.addf %add3A_652, %gather3A_665 : vector<16xf32>
      %add3A_667 = arith.constant 6 : i32
      %add3A_668 = arith.addi %mul3A_583, %add3A_667 : i32
      %add3A_669 = vector.broadcast %add3A_668 : i32 to vector<16xi32>
      %add3A_670 = arith.addi %mul3A_5, %add3A_669 : vector<16xi32>
      %gather3A_671 = tpu.vector_load_idx %arg15[%add3A_670] : memref<6400xf32, #tpu.memory_space<vmem>>[vector<16xi32>], vector<16xf32>,
      %add3A_672 = arith.addf %add3A_658, %gather3A_671 : vector<16xf32>
      %add3A_673 = arith.constant 3200 : i32
      %add3A_674 = arith.addi %add3A_673, %mul3A_583 : i32
      %add3A_675 = arith.constant 6 : i32
      %add3A_676 = arith.addi %add3A_674, %add3A_675 : i32
      %add3A_677 = vector.broadcast %add3A_676 : i32 to vector<16xi32>
      %add3A_678 = arith.addi %mul3A_5, %add3A_677 : vector<16xi32>
      %gather3A_679 = tpu.vector_load_idx %arg15[%add3A_678] : memref<6400xf32, #tpu.memory_space<vmem>>[vector<16xi32>], vector<16xf32>,
      %add3A_680 = arith.addf %add3A_666, %gather3A_679 : vector<16xf32>
      %add3A_681 = arith.constant 7 : i32
      %add3A_682 = arith.addi %mul3A_583, %add3A_681 : i32
      %add3A_683 = vector.broadcast %add3A_682 : i32 to vector<16xi32>
      %add3A_684 = arith.addi %mul3A_5, %add3A_683 : vector<16xi32>
      %gather3A_685 = tpu.vector_load_idx %arg15[%add3A_684] : memref<6400xf32, #tpu.memory_space<vmem>>[vector<16xi32>], vector<16xf32>,
      %add3A_686 = arith.addf %add3A_672, %gather3A_685 : vector<16xf32>
      %add3A_687 = arith.constant 3200 : i32
      %add3A_688 = arith.addi %add3A_687, %mul3A_583 : i32
      %add3A_689 = arith.constant 7 : i32
      %add3A_690 = arith.addi %add3A_688, %add3A_689 : i32
      %add3A_691 = vector.broadcast %add3A_690 : i32 to vector<16xi32>
      %add3A_692 = arith.addi %mul3A_5, %add3A_691 : vector<16xi32>
      %gather3A_693 = tpu.vector_load_idx %arg15[%add3A_692] : memref<6400xf32, #tpu.memory_space<vmem>>[vector<16xi32>], vector<16xf32>,
      %add3A_694 = arith.addf %add3A_680, %gather3A_693 : vector<16xf32>
      scf.yield %add3A_686, %add3A_694 : vector<16xf32>, vector<16xf32>
    }
    %scan3A_487 = arith.constant 25 : i32
    %swap3A_488 = arith.constant 320 : index
    %swap3A_489 = tpu.vector_load %arg17[%swap3A_488] {strides = array<i32>} : memref<512xf32, #tpu.memory_space<vmem>>, vector<16xf32>,
    tpu.vector_store %arg17[%swap3A_488], %scan3A_486#0 {strides = array<i32>} : memref<512xf32, #tpu.memory_space<vmem>>, vector<16xf32>,
    %swap3A_490 = arith.constant 336 : index
    %swap3A_491 = tpu.vector_load %arg17[%swap3A_490] {strides = array<i32>} : memref<512xf32, #tpu.memory_space<vmem>>, vector<16xf32>,
    tpu.vector_store %arg17[%swap3A_490], %scan3A_486#1 {strides = array<i32>} : memref<512xf32, #tpu.memory_space<vmem>>, vector<16xf32>,
    %dma_wait3A_492 = arith.constant 5 : i32
    %dma_wait3A_493 = arith.constant 0 : i32
    %dma_wait3A_494 = tpu.memref_slice %arg3[%dma_wait3A_493] : memref<1000000xf32, #tpu.memory_space<hbm>> -> memref<1000000xf32, #tpu.memory_space<hbm>>
    %dma_wait3A_495 = tpu.memref_slice %arg19[%dma_wait3A_492] : memref<6x!tpu.dma_semaphore, #tpu.memory_space<semaphore_mem>> -> memref<1x!tpu.dma_semaphore, #tpu.memory_space<semaphore_mem>>
    %dma_wait3A_496 = tpu.memref_squeeze %dma_wait3A_495 : memref<1x!tpu.dma_semaphore, #tpu.memory_space<semaphore_mem>> -> memref<!tpu.dma_semaphore, #tpu.memory_space<semaphore_mem>>
    tpu.wait_indirect_dma semaphore(%dma_wait3A_496 : memref<!tpu.dma_semaphore, #tpu.memory_space<semaphore_mem>>) src(%dma_wait3A_494 : memref<1000000xf32, #tpu.memory_space<hbm>>) dst(%arg16 : memref<6400xf32, #tpu.memory_space<vmem>>)
    %broadcast_in_dim3A_497 = arith.constant 0.000000e+00 : f32
    %broadcast_in_dim3A_498 = vector.broadcast %broadcast_in_dim3A_497 : f32 to vector<16xf32>
    %scan3A_499 = arith.constant 0 : i32
    %scan3A_500 = arith.constant 25 : i32
    %scan3A_501 = arith.addi %scan3A_499, %scan3A_500 : i32
    %scan3A_502 = arith.constant 1 : i32
    %scan3A_503:2 = scf.for %scan3A_579 = %scan3A_499 to %scan3A_501 step %scan3A_502 iter_args(%scan3A_580 = %broadcast_in_dim3A_498, %scan3A_581 = %broadcast_in_dim3A_498) -> (vector<16xf32>, vector<16xf32>)  : i32 {
      %mul3A_582 = arith.constant 8 : i32
      %mul3A_583 = arith.muli %scan3A_579, %mul3A_582 : i32
      %add3A_584 = arith.constant 0 : i32
      %add3A_585 = arith.addi %mul3A_583, %add3A_584 : i32
      %add3A_586 = vector.broadcast %add3A_585 : i32 to vector<16xi32>
      %add3A_587 = arith.addi %mul3A_5, %add3A_586 : vector<16xi32>
      %gather3A = tpu.vector_load_idx %arg16[%add3A_587] : memref<6400xf32, #tpu.memory_space<vmem>>[vector<16xi32>], vector<16xf32>,
      %add3A_588 = arith.addf %scan3A_580, %gather3A : vector<16xf32>
      %add3A_589 = arith.constant 3200 : i32
      %add3A_590 = arith.addi %add3A_589, %mul3A_583 : i32
      %add3A_591 = arith.constant 0 : i32
      %add3A_592 = arith.addi %add3A_590, %add3A_591 : i32
      %add3A_593 = vector.broadcast %add3A_592 : i32 to vector<16xi32>
      %add3A_594 = arith.addi %mul3A_5, %add3A_593 : vector<16xi32>
      %gather3A_595 = tpu.vector_load_idx %arg16[%add3A_594] : memref<6400xf32, #tpu.memory_space<vmem>>[vector<16xi32>], vector<16xf32>,
      %add3A_596 = arith.addf %scan3A_581, %gather3A_595 : vector<16xf32>
      %add3A_597 = arith.constant 1 : i32
      %add3A_598 = arith.addi %mul3A_583, %add3A_597 : i32
      %add3A_599 = vector.broadcast %add3A_598 : i32 to vector<16xi32>
      %add3A_600 = arith.addi %mul3A_5, %add3A_599 : vector<16xi32>
      %gather3A_601 = tpu.vector_load_idx %arg16[%add3A_600] : memref<6400xf32, #tpu.memory_space<vmem>>[vector<16xi32>], vector<16xf32>,
      %add3A_602 = arith.addf %add3A_588, %gather3A_601 : vector<16xf32>
      %add3A_603 = arith.constant 3200 : i32
      %add3A_604 = arith.addi %add3A_603, %mul3A_583 : i32
      %add3A_605 = arith.constant 1 : i32
      %add3A_606 = arith.addi %add3A_604, %add3A_605 : i32
      %add3A_607 = vector.broadcast %add3A_606 : i32 to vector<16xi32>
      %add3A_608 = arith.addi %mul3A_5, %add3A_607 : vector<16xi32>
      %gather3A_609 = tpu.vector_load_idx %arg16[%add3A_608] : memref<6400xf32, #tpu.memory_space<vmem>>[vector<16xi32>], vector<16xf32>,
      %add3A_610 = arith.addf %add3A_596, %gather3A_609 : vector<16xf32>
      %add3A_611 = arith.constant 2 : i32
      %add3A_612 = arith.addi %mul3A_583, %add3A_611 : i32
      %add3A_613 = vector.broadcast %add3A_612 : i32 to vector<16xi32>
      %add3A_614 = arith.addi %mul3A_5, %add3A_613 : vector<16xi32>
      %gather3A_615 = tpu.vector_load_idx %arg16[%add3A_614] : memref<6400xf32, #tpu.memory_space<vmem>>[vector<16xi32>], vector<16xf32>,
      %add3A_616 = arith.addf %add3A_602, %gather3A_615 : vector<16xf32>
      %add3A_617 = arith.constant 3200 : i32
      %add3A_618 = arith.addi %add3A_617, %mul3A_583 : i32
      %add3A_619 = arith.constant 2 : i32
      %add3A_620 = arith.addi %add3A_618, %add3A_619 : i32
      %add3A_621 = vector.broadcast %add3A_620 : i32 to vector<16xi32>
      %add3A_622 = arith.addi %mul3A_5, %add3A_621 : vector<16xi32>
      %gather3A_623 = tpu.vector_load_idx %arg16[%add3A_622] : memref<6400xf32, #tpu.memory_space<vmem>>[vector<16xi32>], vector<16xf32>,
      %add3A_624 = arith.addf %add3A_610, %gather3A_623 : vector<16xf32>
      %add3A_625 = arith.constant 3 : i32
      %add3A_626 = arith.addi %mul3A_583, %add3A_625 : i32
      %add3A_627 = vector.broadcast %add3A_626 : i32 to vector<16xi32>
      %add3A_628 = arith.addi %mul3A_5, %add3A_627 : vector<16xi32>
      %gather3A_629 = tpu.vector_load_idx %arg16[%add3A_628] : memref<6400xf32, #tpu.memory_space<vmem>>[vector<16xi32>], vector<16xf32>,
      %add3A_630 = arith.addf %add3A_616, %gather3A_629 : vector<16xf32>
      %add3A_631 = arith.constant 3200 : i32
      %add3A_632 = arith.addi %add3A_631, %mul3A_583 : i32
      %add3A_633 = arith.constant 3 : i32
      %add3A_634 = arith.addi %add3A_632, %add3A_633 : i32
      %add3A_635 = vector.broadcast %add3A_634 : i32 to vector<16xi32>
      %add3A_636 = arith.addi %mul3A_5, %add3A_635 : vector<16xi32>
      %gather3A_637 = tpu.vector_load_idx %arg16[%add3A_636] : memref<6400xf32, #tpu.memory_space<vmem>>[vector<16xi32>], vector<16xf32>,
      %add3A_638 = arith.addf %add3A_624, %gather3A_637 : vector<16xf32>
      %add3A_639 = arith.constant 4 : i32
      %add3A_640 = arith.addi %mul3A_583, %add3A_639 : i32
      %add3A_641 = vector.broadcast %add3A_640 : i32 to vector<16xi32>
      %add3A_642 = arith.addi %mul3A_5, %add3A_641 : vector<16xi32>
      %gather3A_643 = tpu.vector_load_idx %arg16[%add3A_642] : memref<6400xf32, #tpu.memory_space<vmem>>[vector<16xi32>], vector<16xf32>,
      %add3A_644 = arith.addf %add3A_630, %gather3A_643 : vector<16xf32>
      %add3A_645 = arith.constant 3200 : i32
      %add3A_646 = arith.addi %add3A_645, %mul3A_583 : i32
      %add3A_647 = arith.constant 4 : i32
      %add3A_648 = arith.addi %add3A_646, %add3A_647 : i32
      %add3A_649 = vector.broadcast %add3A_648 : i32 to vector<16xi32>
      %add3A_650 = arith.addi %mul3A_5, %add3A_649 : vector<16xi32>
      %gather3A_651 = tpu.vector_load_idx %arg16[%add3A_650] : memref<6400xf32, #tpu.memory_space<vmem>>[vector<16xi32>], vector<16xf32>,
      %add3A_652 = arith.addf %add3A_638, %gather3A_651 : vector<16xf32>
      %add3A_653 = arith.constant 5 : i32
      %add3A_654 = arith.addi %mul3A_583, %add3A_653 : i32
      %add3A_655 = vector.broadcast %add3A_654 : i32 to vector<16xi32>
      %add3A_656 = arith.addi %mul3A_5, %add3A_655 : vector<16xi32>
      %gather3A_657 = tpu.vector_load_idx %arg16[%add3A_656] : memref<6400xf32, #tpu.memory_space<vmem>>[vector<16xi32>], vector<16xf32>,
      %add3A_658 = arith.addf %add3A_644, %gather3A_657 : vector<16xf32>
      %add3A_659 = arith.constant 3200 : i32
      %add3A_660 = arith.addi %add3A_659, %mul3A_583 : i32
      %add3A_661 = arith.constant 5 : i32
      %add3A_662 = arith.addi %add3A_660, %add3A_661 : i32
      %add3A_663 = vector.broadcast %add3A_662 : i32 to vector<16xi32>
      %add3A_664 = arith.addi %mul3A_5, %add3A_663 : vector<16xi32>
      %gather3A_665 = tpu.vector_load_idx %arg16[%add3A_664] : memref<6400xf32, #tpu.memory_space<vmem>>[vector<16xi32>], vector<16xf32>,
      %add3A_666 = arith.addf %add3A_652, %gather3A_665 : vector<16xf32>
      %add3A_667 = arith.constant 6 : i32
      %add3A_668 = arith.addi %mul3A_583, %add3A_667 : i32
      %add3A_669 = vector.broadcast %add3A_668 : i32 to vector<16xi32>
      %add3A_670 = arith.addi %mul3A_5, %add3A_669 : vector<16xi32>
      %gather3A_671 = tpu.vector_load_idx %arg16[%add3A_670] : memref<6400xf32, #tpu.memory_space<vmem>>[vector<16xi32>], vector<16xf32>,
      %add3A_672 = arith.addf %add3A_658, %gather3A_671 : vector<16xf32>
      %add3A_673 = arith.constant 3200 : i32
      %add3A_674 = arith.addi %add3A_673, %mul3A_583 : i32
      %add3A_675 = arith.constant 6 : i32
      %add3A_676 = arith.addi %add3A_674, %add3A_675 : i32
      %add3A_677 = vector.broadcast %add3A_676 : i32 to vector<16xi32>
      %add3A_678 = arith.addi %mul3A_5, %add3A_677 : vector<16xi32>
      %gather3A_679 = tpu.vector_load_idx %arg16[%add3A_678] : memref<6400xf32, #tpu.memory_space<vmem>>[vector<16xi32>], vector<16xf32>,
      %add3A_680 = arith.addf %add3A_666, %gather3A_679 : vector<16xf32>
      %add3A_681 = arith.constant 7 : i32
      %add3A_682 = arith.addi %mul3A_583, %add3A_681 : i32
      %add3A_683 = vector.broadcast %add3A_682 : i32 to vector<16xi32>
      %add3A_684 = arith.addi %mul3A_5, %add3A_683 : vector<16xi32>
      %gather3A_685 = tpu.vector_load_idx %arg16[%add3A_684] : memref<6400xf32, #tpu.memory_space<vmem>>[vector<16xi32>], vector<16xf32>,
      %add3A_686 = arith.addf %add3A_672, %gather3A_685 : vector<16xf32>
      %add3A_687 = arith.constant 3200 : i32
      %add3A_688 = arith.addi %add3A_687, %mul3A_583 : i32
      %add3A_689 = arith.constant 7 : i32
      %add3A_690 = arith.addi %add3A_688, %add3A_689 : i32
      %add3A_691 = vector.broadcast %add3A_690 : i32 to vector<16xi32>
      %add3A_692 = arith.addi %mul3A_5, %add3A_691 : vector<16xi32>
      %gather3A_693 = tpu.vector_load_idx %arg16[%add3A_692] : memref<6400xf32, #tpu.memory_space<vmem>>[vector<16xi32>], vector<16xf32>,
      %add3A_694 = arith.addf %add3A_680, %gather3A_693 : vector<16xf32>
      scf.yield %add3A_686, %add3A_694 : vector<16xf32>, vector<16xf32>
    }
    %scan3A_504 = arith.constant 25 : i32
    %swap3A_505 = arith.constant 352 : index
    %swap3A_506 = tpu.vector_load %arg17[%swap3A_505] {strides = array<i32>} : memref<512xf32, #tpu.memory_space<vmem>>, vector<16xf32>,
    tpu.vector_store %arg17[%swap3A_505], %scan3A_503#0 {strides = array<i32>} : memref<512xf32, #tpu.memory_space<vmem>>, vector<16xf32>,
    %swap3A_507 = arith.constant 368 : index
    %swap3A_508 = tpu.vector_load %arg17[%swap3A_507] {strides = array<i32>} : memref<512xf32, #tpu.memory_space<vmem>>, vector<16xf32>,
    tpu.vector_store %arg17[%swap3A_507], %scan3A_503#1 {strides = array<i32>} : memref<512xf32, #tpu.memory_space<vmem>>, vector<16xf32>,
    %dma_wait3A_509 = arith.constant 0 : i32
    %dma_wait3A_510 = arith.constant 0 : i32
    %dma_wait3A_511 = tpu.memref_slice %arg3[%dma_wait3A_510] : memref<1000000xf32, #tpu.memory_space<hbm>> -> memref<1000000xf32, #tpu.memory_space<hbm>>
    %dma_wait3A_512 = tpu.memref_slice %arg19[%dma_wait3A_509] : memref<6x!tpu.dma_semaphore, #tpu.memory_space<semaphore_mem>> -> memref<1x!tpu.dma_semaphore, #tpu.memory_space<semaphore_mem>>
    %dma_wait3A_513 = tpu.memref_squeeze %dma_wait3A_512 : memref<1x!tpu.dma_semaphore, #tpu.memory_space<semaphore_mem>> -> memref<!tpu.dma_semaphore, #tpu.memory_space<semaphore_mem>>
    tpu.wait_indirect_dma semaphore(%dma_wait3A_513 : memref<!tpu.dma_semaphore, #tpu.memory_space<semaphore_mem>>) src(%dma_wait3A_511 : memref<1000000xf32, #tpu.memory_space<hbm>>) dst(%arg11 : memref<6400xf32, #tpu.memory_space<vmem>>)
    %broadcast_in_dim3A_514 = arith.constant 0.000000e+00 : f32
    %broadcast_in_dim3A_515 = vector.broadcast %broadcast_in_dim3A_514 : f32 to vector<16xf32>
    %scan3A_516 = arith.constant 0 : i32
    %scan3A_517 = arith.constant 25 : i32
    %scan3A_518 = arith.addi %scan3A_516, %scan3A_517 : i32
    %scan3A_519 = arith.constant 1 : i32
    %scan3A_520:2 = scf.for %scan3A_579 = %scan3A_516 to %scan3A_518 step %scan3A_519 iter_args(%scan3A_580 = %broadcast_in_dim3A_515, %scan3A_581 = %broadcast_in_dim3A_515) -> (vector<16xf32>, vector<16xf32>)  : i32 {
      %mul3A_582 = arith.constant 8 : i32
      %mul3A_583 = arith.muli %scan3A_579, %mul3A_582 : i32
      %add3A_584 = arith.constant 0 : i32
      %add3A_585 = arith.addi %mul3A_583, %add3A_584 : i32
      %add3A_586 = vector.broadcast %add3A_585 : i32 to vector<16xi32>
      %add3A_587 = arith.addi %mul3A_5, %add3A_586 : vector<16xi32>
      %gather3A = tpu.vector_load_idx %arg11[%add3A_587] : memref<6400xf32, #tpu.memory_space<vmem>>[vector<16xi32>], vector<16xf32>,
      %add3A_588 = arith.addf %scan3A_580, %gather3A : vector<16xf32>
      %add3A_589 = arith.constant 3200 : i32
      %add3A_590 = arith.addi %add3A_589, %mul3A_583 : i32
      %add3A_591 = arith.constant 0 : i32
      %add3A_592 = arith.addi %add3A_590, %add3A_591 : i32
      %add3A_593 = vector.broadcast %add3A_592 : i32 to vector<16xi32>
      %add3A_594 = arith.addi %mul3A_5, %add3A_593 : vector<16xi32>
      %gather3A_595 = tpu.vector_load_idx %arg11[%add3A_594] : memref<6400xf32, #tpu.memory_space<vmem>>[vector<16xi32>], vector<16xf32>,
      %add3A_596 = arith.addf %scan3A_581, %gather3A_595 : vector<16xf32>
      %add3A_597 = arith.constant 1 : i32
      %add3A_598 = arith.addi %mul3A_583, %add3A_597 : i32
      %add3A_599 = vector.broadcast %add3A_598 : i32 to vector<16xi32>
      %add3A_600 = arith.addi %mul3A_5, %add3A_599 : vector<16xi32>
      %gather3A_601 = tpu.vector_load_idx %arg11[%add3A_600] : memref<6400xf32, #tpu.memory_space<vmem>>[vector<16xi32>], vector<16xf32>,
      %add3A_602 = arith.addf %add3A_588, %gather3A_601 : vector<16xf32>
      %add3A_603 = arith.constant 3200 : i32
      %add3A_604 = arith.addi %add3A_603, %mul3A_583 : i32
      %add3A_605 = arith.constant 1 : i32
      %add3A_606 = arith.addi %add3A_604, %add3A_605 : i32
      %add3A_607 = vector.broadcast %add3A_606 : i32 to vector<16xi32>
      %add3A_608 = arith.addi %mul3A_5, %add3A_607 : vector<16xi32>
      %gather3A_609 = tpu.vector_load_idx %arg11[%add3A_608] : memref<6400xf32, #tpu.memory_space<vmem>>[vector<16xi32>], vector<16xf32>,
      %add3A_610 = arith.addf %add3A_596, %gather3A_609 : vector<16xf32>
      %add3A_611 = arith.constant 2 : i32
      %add3A_612 = arith.addi %mul3A_583, %add3A_611 : i32
      %add3A_613 = vector.broadcast %add3A_612 : i32 to vector<16xi32>
      %add3A_614 = arith.addi %mul3A_5, %add3A_613 : vector<16xi32>
      %gather3A_615 = tpu.vector_load_idx %arg11[%add3A_614] : memref<6400xf32, #tpu.memory_space<vmem>>[vector<16xi32>], vector<16xf32>,
      %add3A_616 = arith.addf %add3A_602, %gather3A_615 : vector<16xf32>
      %add3A_617 = arith.constant 3200 : i32
      %add3A_618 = arith.addi %add3A_617, %mul3A_583 : i32
      %add3A_619 = arith.constant 2 : i32
      %add3A_620 = arith.addi %add3A_618, %add3A_619 : i32
      %add3A_621 = vector.broadcast %add3A_620 : i32 to vector<16xi32>
      %add3A_622 = arith.addi %mul3A_5, %add3A_621 : vector<16xi32>
      %gather3A_623 = tpu.vector_load_idx %arg11[%add3A_622] : memref<6400xf32, #tpu.memory_space<vmem>>[vector<16xi32>], vector<16xf32>,
      %add3A_624 = arith.addf %add3A_610, %gather3A_623 : vector<16xf32>
      %add3A_625 = arith.constant 3 : i32
      %add3A_626 = arith.addi %mul3A_583, %add3A_625 : i32
      %add3A_627 = vector.broadcast %add3A_626 : i32 to vector<16xi32>
      %add3A_628 = arith.addi %mul3A_5, %add3A_627 : vector<16xi32>
      %gather3A_629 = tpu.vector_load_idx %arg11[%add3A_628] : memref<6400xf32, #tpu.memory_space<vmem>>[vector<16xi32>], vector<16xf32>,
      %add3A_630 = arith.addf %add3A_616, %gather3A_629 : vector<16xf32>
      %add3A_631 = arith.constant 3200 : i32
      %add3A_632 = arith.addi %add3A_631, %mul3A_583 : i32
      %add3A_633 = arith.constant 3 : i32
      %add3A_634 = arith.addi %add3A_632, %add3A_633 : i32
      %add3A_635 = vector.broadcast %add3A_634 : i32 to vector<16xi32>
      %add3A_636 = arith.addi %mul3A_5, %add3A_635 : vector<16xi32>
      %gather3A_637 = tpu.vector_load_idx %arg11[%add3A_636] : memref<6400xf32, #tpu.memory_space<vmem>>[vector<16xi32>], vector<16xf32>,
      %add3A_638 = arith.addf %add3A_624, %gather3A_637 : vector<16xf32>
      %add3A_639 = arith.constant 4 : i32
      %add3A_640 = arith.addi %mul3A_583, %add3A_639 : i32
      %add3A_641 = vector.broadcast %add3A_640 : i32 to vector<16xi32>
      %add3A_642 = arith.addi %mul3A_5, %add3A_641 : vector<16xi32>
      %gather3A_643 = tpu.vector_load_idx %arg11[%add3A_642] : memref<6400xf32, #tpu.memory_space<vmem>>[vector<16xi32>], vector<16xf32>,
      %add3A_644 = arith.addf %add3A_630, %gather3A_643 : vector<16xf32>
      %add3A_645 = arith.constant 3200 : i32
      %add3A_646 = arith.addi %add3A_645, %mul3A_583 : i32
      %add3A_647 = arith.constant 4 : i32
      %add3A_648 = arith.addi %add3A_646, %add3A_647 : i32
      %add3A_649 = vector.broadcast %add3A_648 : i32 to vector<16xi32>
      %add3A_650 = arith.addi %mul3A_5, %add3A_649 : vector<16xi32>
      %gather3A_651 = tpu.vector_load_idx %arg11[%add3A_650] : memref<6400xf32, #tpu.memory_space<vmem>>[vector<16xi32>], vector<16xf32>,
      %add3A_652 = arith.addf %add3A_638, %gather3A_651 : vector<16xf32>
      %add3A_653 = arith.constant 5 : i32
      %add3A_654 = arith.addi %mul3A_583, %add3A_653 : i32
      %add3A_655 = vector.broadcast %add3A_654 : i32 to vector<16xi32>
      %add3A_656 = arith.addi %mul3A_5, %add3A_655 : vector<16xi32>
      %gather3A_657 = tpu.vector_load_idx %arg11[%add3A_656] : memref<6400xf32, #tpu.memory_space<vmem>>[vector<16xi32>], vector<16xf32>,
      %add3A_658 = arith.addf %add3A_644, %gather3A_657 : vector<16xf32>
      %add3A_659 = arith.constant 3200 : i32
      %add3A_660 = arith.addi %add3A_659, %mul3A_583 : i32
      %add3A_661 = arith.constant 5 : i32
      %add3A_662 = arith.addi %add3A_660, %add3A_661 : i32
      %add3A_663 = vector.broadcast %add3A_662 : i32 to vector<16xi32>
      %add3A_664 = arith.addi %mul3A_5, %add3A_663 : vector<16xi32>
      %gather3A_665 = tpu.vector_load_idx %arg11[%add3A_664] : memref<6400xf32, #tpu.memory_space<vmem>>[vector<16xi32>], vector<16xf32>,
      %add3A_666 = arith.addf %add3A_652, %gather3A_665 : vector<16xf32>
      %add3A_667 = arith.constant 6 : i32
      %add3A_668 = arith.addi %mul3A_583, %add3A_667 : i32
      %add3A_669 = vector.broadcast %add3A_668 : i32 to vector<16xi32>
      %add3A_670 = arith.addi %mul3A_5, %add3A_669 : vector<16xi32>
      %gather3A_671 = tpu.vector_load_idx %arg11[%add3A_670] : memref<6400xf32, #tpu.memory_space<vmem>>[vector<16xi32>], vector<16xf32>,
      %add3A_672 = arith.addf %add3A_658, %gather3A_671 : vector<16xf32>
      %add3A_673 = arith.constant 3200 : i32
      %add3A_674 = arith.addi %add3A_673, %mul3A_583 : i32
      %add3A_675 = arith.constant 6 : i32
      %add3A_676 = arith.addi %add3A_674, %add3A_675 : i32
      %add3A_677 = vector.broadcast %add3A_676 : i32 to vector<16xi32>
      %add3A_678 = arith.addi %mul3A_5, %add3A_677 : vector<16xi32>
      %gather3A_679 = tpu.vector_load_idx %arg11[%add3A_678] : memref<6400xf32, #tpu.memory_space<vmem>>[vector<16xi32>], vector<16xf32>,
      %add3A_680 = arith.addf %add3A_666, %gather3A_679 : vector<16xf32>
      %add3A_681 = arith.constant 7 : i32
      %add3A_682 = arith.addi %mul3A_583, %add3A_681 : i32
      %add3A_683 = vector.broadcast %add3A_682 : i32 to vector<16xi32>
      %add3A_684 = arith.addi %mul3A_5, %add3A_683 : vector<16xi32>
      %gather3A_685 = tpu.vector_load_idx %arg11[%add3A_684] : memref<6400xf32, #tpu.memory_space<vmem>>[vector<16xi32>], vector<16xf32>,
      %add3A_686 = arith.addf %add3A_672, %gather3A_685 : vector<16xf32>
      %add3A_687 = arith.constant 3200 : i32
      %add3A_688 = arith.addi %add3A_687, %mul3A_583 : i32
      %add3A_689 = arith.constant 7 : i32
      %add3A_690 = arith.addi %add3A_688, %add3A_689 : i32
      %add3A_691 = vector.broadcast %add3A_690 : i32 to vector<16xi32>
      %add3A_692 = arith.addi %mul3A_5, %add3A_691 : vector<16xi32>
      %gather3A_693 = tpu.vector_load_idx %arg11[%add3A_692] : memref<6400xf32, #tpu.memory_space<vmem>>[vector<16xi32>], vector<16xf32>,
      %add3A_694 = arith.addf %add3A_680, %gather3A_693 : vector<16xf32>
      scf.yield %add3A_686, %add3A_694 : vector<16xf32>, vector<16xf32>
    }
    %scan3A_521 = arith.constant 25 : i32
    %swap3A_522 = arith.constant 384 : index
    %swap3A_523 = tpu.vector_load %arg17[%swap3A_522] {strides = array<i32>} : memref<512xf32, #tpu.memory_space<vmem>>, vector<16xf32>,
    tpu.vector_store %arg17[%swap3A_522], %scan3A_520#0 {strides = array<i32>} : memref<512xf32, #tpu.memory_space<vmem>>, vector<16xf32>,
    %swap3A_524 = arith.constant 400 : index
    %swap3A_525 = tpu.vector_load %arg17[%swap3A_524] {strides = array<i32>} : memref<512xf32, #tpu.memory_space<vmem>>, vector<16xf32>,
    tpu.vector_store %arg17[%swap3A_524], %scan3A_520#1 {strides = array<i32>} : memref<512xf32, #tpu.memory_space<vmem>>, vector<16xf32>,
    %dma_wait3A_526 = arith.constant 1 : i32
    %dma_wait3A_527 = arith.constant 0 : i32
    %dma_wait3A_528 = tpu.memref_slice %arg3[%dma_wait3A_527] : memref<1000000xf32, #tpu.memory_space<hbm>> -> memref<1000000xf32, #tpu.memory_space<hbm>>
    %dma_wait3A_529 = tpu.memref_slice %arg19[%dma_wait3A_526] : memref<6x!tpu.dma_semaphore, #tpu.memory_space<semaphore_mem>> -> memref<1x!tpu.dma_semaphore, #tpu.memory_space<semaphore_mem>>
    %dma_wait3A_530 = tpu.memref_squeeze %dma_wait3A_529 : memref<1x!tpu.dma_semaphore, #tpu.memory_space<semaphore_mem>> -> memref<!tpu.dma_semaphore, #tpu.memory_space<semaphore_mem>>
    tpu.wait_indirect_dma semaphore(%dma_wait3A_530 : memref<!tpu.dma_semaphore, #tpu.memory_space<semaphore_mem>>) src(%dma_wait3A_528 : memref<1000000xf32, #tpu.memory_space<hbm>>) dst(%arg12 : memref<6400xf32, #tpu.memory_space<vmem>>)
    %broadcast_in_dim3A_531 = arith.constant 0.000000e+00 : f32
    %broadcast_in_dim3A_532 = vector.broadcast %broadcast_in_dim3A_531 : f32 to vector<16xf32>
    %scan3A_533 = arith.constant 0 : i32
    %scan3A_534 = arith.constant 25 : i32
    %scan3A_535 = arith.addi %scan3A_533, %scan3A_534 : i32
    %scan3A_536 = arith.constant 1 : i32
    %scan3A_537:2 = scf.for %scan3A_579 = %scan3A_533 to %scan3A_535 step %scan3A_536 iter_args(%scan3A_580 = %broadcast_in_dim3A_532, %scan3A_581 = %broadcast_in_dim3A_532) -> (vector<16xf32>, vector<16xf32>)  : i32 {
      %mul3A_582 = arith.constant 8 : i32
      %mul3A_583 = arith.muli %scan3A_579, %mul3A_582 : i32
      %add3A_584 = arith.constant 0 : i32
      %add3A_585 = arith.addi %mul3A_583, %add3A_584 : i32
      %add3A_586 = vector.broadcast %add3A_585 : i32 to vector<16xi32>
      %add3A_587 = arith.addi %mul3A_5, %add3A_586 : vector<16xi32>
      %gather3A = tpu.vector_load_idx %arg12[%add3A_587] : memref<6400xf32, #tpu.memory_space<vmem>>[vector<16xi32>], vector<16xf32>,
      %add3A_588 = arith.addf %scan3A_580, %gather3A : vector<16xf32>
      %add3A_589 = arith.constant 3200 : i32
      %add3A_590 = arith.addi %add3A_589, %mul3A_583 : i32
      %add3A_591 = arith.constant 0 : i32
      %add3A_592 = arith.addi %add3A_590, %add3A_591 : i32
      %add3A_593 = vector.broadcast %add3A_592 : i32 to vector<16xi32>
      %add3A_594 = arith.addi %mul3A_5, %add3A_593 : vector<16xi32>
      %gather3A_595 = tpu.vector_load_idx %arg12[%add3A_594] : memref<6400xf32, #tpu.memory_space<vmem>>[vector<16xi32>], vector<16xf32>,
      %add3A_596 = arith.addf %scan3A_581, %gather3A_595 : vector<16xf32>
      %add3A_597 = arith.constant 1 : i32
      %add3A_598 = arith.addi %mul3A_583, %add3A_597 : i32
      %add3A_599 = vector.broadcast %add3A_598 : i32 to vector<16xi32>
      %add3A_600 = arith.addi %mul3A_5, %add3A_599 : vector<16xi32>
      %gather3A_601 = tpu.vector_load_idx %arg12[%add3A_600] : memref<6400xf32, #tpu.memory_space<vmem>>[vector<16xi32>], vector<16xf32>,
      %add3A_602 = arith.addf %add3A_588, %gather3A_601 : vector<16xf32>
      %add3A_603 = arith.constant 3200 : i32
      %add3A_604 = arith.addi %add3A_603, %mul3A_583 : i32
      %add3A_605 = arith.constant 1 : i32
      %add3A_606 = arith.addi %add3A_604, %add3A_605 : i32
      %add3A_607 = vector.broadcast %add3A_606 : i32 to vector<16xi32>
      %add3A_608 = arith.addi %mul3A_5, %add3A_607 : vector<16xi32>
      %gather3A_609 = tpu.vector_load_idx %arg12[%add3A_608] : memref<6400xf32, #tpu.memory_space<vmem>>[vector<16xi32>], vector<16xf32>,
      %add3A_610 = arith.addf %add3A_596, %gather3A_609 : vector<16xf32>
      %add3A_611 = arith.constant 2 : i32
      %add3A_612 = arith.addi %mul3A_583, %add3A_611 : i32
      %add3A_613 = vector.broadcast %add3A_612 : i32 to vector<16xi32>
      %add3A_614 = arith.addi %mul3A_5, %add3A_613 : vector<16xi32>
      %gather3A_615 = tpu.vector_load_idx %arg12[%add3A_614] : memref<6400xf32, #tpu.memory_space<vmem>>[vector<16xi32>], vector<16xf32>,
      %add3A_616 = arith.addf %add3A_602, %gather3A_615 : vector<16xf32>
      %add3A_617 = arith.constant 3200 : i32
      %add3A_618 = arith.addi %add3A_617, %mul3A_583 : i32
      %add3A_619 = arith.constant 2 : i32
      %add3A_620 = arith.addi %add3A_618, %add3A_619 : i32
      %add3A_621 = vector.broadcast %add3A_620 : i32 to vector<16xi32>
      %add3A_622 = arith.addi %mul3A_5, %add3A_621 : vector<16xi32>
      %gather3A_623 = tpu.vector_load_idx %arg12[%add3A_622] : memref<6400xf32, #tpu.memory_space<vmem>>[vector<16xi32>], vector<16xf32>,
      %add3A_624 = arith.addf %add3A_610, %gather3A_623 : vector<16xf32>
      %add3A_625 = arith.constant 3 : i32
      %add3A_626 = arith.addi %mul3A_583, %add3A_625 : i32
      %add3A_627 = vector.broadcast %add3A_626 : i32 to vector<16xi32>
      %add3A_628 = arith.addi %mul3A_5, %add3A_627 : vector<16xi32>
      %gather3A_629 = tpu.vector_load_idx %arg12[%add3A_628] : memref<6400xf32, #tpu.memory_space<vmem>>[vector<16xi32>], vector<16xf32>,
      %add3A_630 = arith.addf %add3A_616, %gather3A_629 : vector<16xf32>
      %add3A_631 = arith.constant 3200 : i32
      %add3A_632 = arith.addi %add3A_631, %mul3A_583 : i32
      %add3A_633 = arith.constant 3 : i32
      %add3A_634 = arith.addi %add3A_632, %add3A_633 : i32
      %add3A_635 = vector.broadcast %add3A_634 : i32 to vector<16xi32>
      %add3A_636 = arith.addi %mul3A_5, %add3A_635 : vector<16xi32>
      %gather3A_637 = tpu.vector_load_idx %arg12[%add3A_636] : memref<6400xf32, #tpu.memory_space<vmem>>[vector<16xi32>], vector<16xf32>,
      %add3A_638 = arith.addf %add3A_624, %gather3A_637 : vector<16xf32>
      %add3A_639 = arith.constant 4 : i32
      %add3A_640 = arith.addi %mul3A_583, %add3A_639 : i32
      %add3A_641 = vector.broadcast %add3A_640 : i32 to vector<16xi32>
      %add3A_642 = arith.addi %mul3A_5, %add3A_641 : vector<16xi32>
      %gather3A_643 = tpu.vector_load_idx %arg12[%add3A_642] : memref<6400xf32, #tpu.memory_space<vmem>>[vector<16xi32>], vector<16xf32>,
      %add3A_644 = arith.addf %add3A_630, %gather3A_643 : vector<16xf32>
      %add3A_645 = arith.constant 3200 : i32
      %add3A_646 = arith.addi %add3A_645, %mul3A_583 : i32
      %add3A_647 = arith.constant 4 : i32
      %add3A_648 = arith.addi %add3A_646, %add3A_647 : i32
      %add3A_649 = vector.broadcast %add3A_648 : i32 to vector<16xi32>
      %add3A_650 = arith.addi %mul3A_5, %add3A_649 : vector<16xi32>
      %gather3A_651 = tpu.vector_load_idx %arg12[%add3A_650] : memref<6400xf32, #tpu.memory_space<vmem>>[vector<16xi32>], vector<16xf32>,
      %add3A_652 = arith.addf %add3A_638, %gather3A_651 : vector<16xf32>
      %add3A_653 = arith.constant 5 : i32
      %add3A_654 = arith.addi %mul3A_583, %add3A_653 : i32
      %add3A_655 = vector.broadcast %add3A_654 : i32 to vector<16xi32>
      %add3A_656 = arith.addi %mul3A_5, %add3A_655 : vector<16xi32>
      %gather3A_657 = tpu.vector_load_idx %arg12[%add3A_656] : memref<6400xf32, #tpu.memory_space<vmem>>[vector<16xi32>], vector<16xf32>,
      %add3A_658 = arith.addf %add3A_644, %gather3A_657 : vector<16xf32>
      %add3A_659 = arith.constant 3200 : i32
      %add3A_660 = arith.addi %add3A_659, %mul3A_583 : i32
      %add3A_661 = arith.constant 5 : i32
      %add3A_662 = arith.addi %add3A_660, %add3A_661 : i32
      %add3A_663 = vector.broadcast %add3A_662 : i32 to vector<16xi32>
      %add3A_664 = arith.addi %mul3A_5, %add3A_663 : vector<16xi32>
      %gather3A_665 = tpu.vector_load_idx %arg12[%add3A_664] : memref<6400xf32, #tpu.memory_space<vmem>>[vector<16xi32>], vector<16xf32>,
      %add3A_666 = arith.addf %add3A_652, %gather3A_665 : vector<16xf32>
      %add3A_667 = arith.constant 6 : i32
      %add3A_668 = arith.addi %mul3A_583, %add3A_667 : i32
      %add3A_669 = vector.broadcast %add3A_668 : i32 to vector<16xi32>
      %add3A_670 = arith.addi %mul3A_5, %add3A_669 : vector<16xi32>
      %gather3A_671 = tpu.vector_load_idx %arg12[%add3A_670] : memref<6400xf32, #tpu.memory_space<vmem>>[vector<16xi32>], vector<16xf32>,
      %add3A_672 = arith.addf %add3A_658, %gather3A_671 : vector<16xf32>
      %add3A_673 = arith.constant 3200 : i32
      %add3A_674 = arith.addi %add3A_673, %mul3A_583 : i32
      %add3A_675 = arith.constant 6 : i32
      %add3A_676 = arith.addi %add3A_674, %add3A_675 : i32
      %add3A_677 = vector.broadcast %add3A_676 : i32 to vector<16xi32>
      %add3A_678 = arith.addi %mul3A_5, %add3A_677 : vector<16xi32>
      %gather3A_679 = tpu.vector_load_idx %arg12[%add3A_678] : memref<6400xf32, #tpu.memory_space<vmem>>[vector<16xi32>], vector<16xf32>,
      %add3A_680 = arith.addf %add3A_666, %gather3A_679 : vector<16xf32>
      %add3A_681 = arith.constant 7 : i32
      %add3A_682 = arith.addi %mul3A_583, %add3A_681 : i32
      %add3A_683 = vector.broadcast %add3A_682 : i32 to vector<16xi32>
      %add3A_684 = arith.addi %mul3A_5, %add3A_683 : vector<16xi32>
      %gather3A_685 = tpu.vector_load_idx %arg12[%add3A_684] : memref<6400xf32, #tpu.memory_space<vmem>>[vector<16xi32>], vector<16xf32>,
      %add3A_686 = arith.addf %add3A_672, %gather3A_685 : vector<16xf32>
      %add3A_687 = arith.constant 3200 : i32
      %add3A_688 = arith.addi %add3A_687, %mul3A_583 : i32
      %add3A_689 = arith.constant 7 : i32
      %add3A_690 = arith.addi %add3A_688, %add3A_689 : i32
      %add3A_691 = vector.broadcast %add3A_690 : i32 to vector<16xi32>
      %add3A_692 = arith.addi %mul3A_5, %add3A_691 : vector<16xi32>
      %gather3A_693 = tpu.vector_load_idx %arg12[%add3A_692] : memref<6400xf32, #tpu.memory_space<vmem>>[vector<16xi32>], vector<16xf32>,
      %add3A_694 = arith.addf %add3A_680, %gather3A_693 : vector<16xf32>
      scf.yield %add3A_686, %add3A_694 : vector<16xf32>, vector<16xf32>
    }
    %scan3A_538 = arith.constant 25 : i32
    %swap3A_539 = arith.constant 416 : index
    %swap3A_540 = tpu.vector_load %arg17[%swap3A_539] {strides = array<i32>} : memref<512xf32, #tpu.memory_space<vmem>>, vector<16xf32>,
    tpu.vector_store %arg17[%swap3A_539], %scan3A_537#0 {strides = array<i32>} : memref<512xf32, #tpu.memory_space<vmem>>, vector<16xf32>,
    %swap3A_541 = arith.constant 432 : index
    %swap3A_542 = tpu.vector_load %arg17[%swap3A_541] {strides = array<i32>} : memref<512xf32, #tpu.memory_space<vmem>>, vector<16xf32>,
    tpu.vector_store %arg17[%swap3A_541], %scan3A_537#1 {strides = array<i32>} : memref<512xf32, #tpu.memory_space<vmem>>, vector<16xf32>,
    %dma_wait3A_543 = arith.constant 2 : i32
    %dma_wait3A_544 = arith.constant 0 : i32
    %dma_wait3A_545 = tpu.memref_slice %arg3[%dma_wait3A_544] : memref<1000000xf32, #tpu.memory_space<hbm>> -> memref<1000000xf32, #tpu.memory_space<hbm>>
    %dma_wait3A_546 = tpu.memref_slice %arg19[%dma_wait3A_543] : memref<6x!tpu.dma_semaphore, #tpu.memory_space<semaphore_mem>> -> memref<1x!tpu.dma_semaphore, #tpu.memory_space<semaphore_mem>>
    %dma_wait3A_547 = tpu.memref_squeeze %dma_wait3A_546 : memref<1x!tpu.dma_semaphore, #tpu.memory_space<semaphore_mem>> -> memref<!tpu.dma_semaphore, #tpu.memory_space<semaphore_mem>>
    tpu.wait_indirect_dma semaphore(%dma_wait3A_547 : memref<!tpu.dma_semaphore, #tpu.memory_space<semaphore_mem>>) src(%dma_wait3A_545 : memref<1000000xf32, #tpu.memory_space<hbm>>) dst(%arg13 : memref<6400xf32, #tpu.memory_space<vmem>>)
    %broadcast_in_dim3A_548 = arith.constant 0.000000e+00 : f32
    %broadcast_in_dim3A_549 = vector.broadcast %broadcast_in_dim3A_548 : f32 to vector<16xf32>
    %scan3A_550 = arith.constant 0 : i32
    %scan3A_551 = arith.constant 25 : i32
    %scan3A_552 = arith.addi %scan3A_550, %scan3A_551 : i32
    %scan3A_553 = arith.constant 1 : i32
    %scan3A_554:2 = scf.for %scan3A_579 = %scan3A_550 to %scan3A_552 step %scan3A_553 iter_args(%scan3A_580 = %broadcast_in_dim3A_549, %scan3A_581 = %broadcast_in_dim3A_549) -> (vector<16xf32>, vector<16xf32>)  : i32 {
      %mul3A_582 = arith.constant 8 : i32
      %mul3A_583 = arith.muli %scan3A_579, %mul3A_582 : i32
      %add3A_584 = arith.constant 0 : i32
      %add3A_585 = arith.addi %mul3A_583, %add3A_584 : i32
      %add3A_586 = vector.broadcast %add3A_585 : i32 to vector<16xi32>
      %add3A_587 = arith.addi %mul3A_5, %add3A_586 : vector<16xi32>
      %gather3A = tpu.vector_load_idx %arg13[%add3A_587] : memref<6400xf32, #tpu.memory_space<vmem>>[vector<16xi32>], vector<16xf32>,
      %add3A_588 = arith.addf %scan3A_580, %gather3A : vector<16xf32>
      %add3A_589 = arith.constant 3200 : i32
      %add3A_590 = arith.addi %add3A_589, %mul3A_583 : i32
      %add3A_591 = arith.constant 0 : i32
      %add3A_592 = arith.addi %add3A_590, %add3A_591 : i32
      %add3A_593 = vector.broadcast %add3A_592 : i32 to vector<16xi32>
      %add3A_594 = arith.addi %mul3A_5, %add3A_593 : vector<16xi32>
      %gather3A_595 = tpu.vector_load_idx %arg13[%add3A_594] : memref<6400xf32, #tpu.memory_space<vmem>>[vector<16xi32>], vector<16xf32>,
      %add3A_596 = arith.addf %scan3A_581, %gather3A_595 : vector<16xf32>
      %add3A_597 = arith.constant 1 : i32
      %add3A_598 = arith.addi %mul3A_583, %add3A_597 : i32
      %add3A_599 = vector.broadcast %add3A_598 : i32 to vector<16xi32>
      %add3A_600 = arith.addi %mul3A_5, %add3A_599 : vector<16xi32>
      %gather3A_601 = tpu.vector_load_idx %arg13[%add3A_600] : memref<6400xf32, #tpu.memory_space<vmem>>[vector<16xi32>], vector<16xf32>,
      %add3A_602 = arith.addf %add3A_588, %gather3A_601 : vector<16xf32>
      %add3A_603 = arith.constant 3200 : i32
      %add3A_604 = arith.addi %add3A_603, %mul3A_583 : i32
      %add3A_605 = arith.constant 1 : i32
      %add3A_606 = arith.addi %add3A_604, %add3A_605 : i32
      %add3A_607 = vector.broadcast %add3A_606 : i32 to vector<16xi32>
      %add3A_608 = arith.addi %mul3A_5, %add3A_607 : vector<16xi32>
      %gather3A_609 = tpu.vector_load_idx %arg13[%add3A_608] : memref<6400xf32, #tpu.memory_space<vmem>>[vector<16xi32>], vector<16xf32>,
      %add3A_610 = arith.addf %add3A_596, %gather3A_609 : vector<16xf32>
      %add3A_611 = arith.constant 2 : i32
      %add3A_612 = arith.addi %mul3A_583, %add3A_611 : i32
      %add3A_613 = vector.broadcast %add3A_612 : i32 to vector<16xi32>
      %add3A_614 = arith.addi %mul3A_5, %add3A_613 : vector<16xi32>
      %gather3A_615 = tpu.vector_load_idx %arg13[%add3A_614] : memref<6400xf32, #tpu.memory_space<vmem>>[vector<16xi32>], vector<16xf32>,
      %add3A_616 = arith.addf %add3A_602, %gather3A_615 : vector<16xf32>
      %add3A_617 = arith.constant 3200 : i32
      %add3A_618 = arith.addi %add3A_617, %mul3A_583 : i32
      %add3A_619 = arith.constant 2 : i32
      %add3A_620 = arith.addi %add3A_618, %add3A_619 : i32
      %add3A_621 = vector.broadcast %add3A_620 : i32 to vector<16xi32>
      %add3A_622 = arith.addi %mul3A_5, %add3A_621 : vector<16xi32>
      %gather3A_623 = tpu.vector_load_idx %arg13[%add3A_622] : memref<6400xf32, #tpu.memory_space<vmem>>[vector<16xi32>], vector<16xf32>,
      %add3A_624 = arith.addf %add3A_610, %gather3A_623 : vector<16xf32>
      %add3A_625 = arith.constant 3 : i32
      %add3A_626 = arith.addi %mul3A_583, %add3A_625 : i32
      %add3A_627 = vector.broadcast %add3A_626 : i32 to vector<16xi32>
      %add3A_628 = arith.addi %mul3A_5, %add3A_627 : vector<16xi32>
      %gather3A_629 = tpu.vector_load_idx %arg13[%add3A_628] : memref<6400xf32, #tpu.memory_space<vmem>>[vector<16xi32>], vector<16xf32>,
      %add3A_630 = arith.addf %add3A_616, %gather3A_629 : vector<16xf32>
      %add3A_631 = arith.constant 3200 : i32
      %add3A_632 = arith.addi %add3A_631, %mul3A_583 : i32
      %add3A_633 = arith.constant 3 : i32
      %add3A_634 = arith.addi %add3A_632, %add3A_633 : i32
      %add3A_635 = vector.broadcast %add3A_634 : i32 to vector<16xi32>
      %add3A_636 = arith.addi %mul3A_5, %add3A_635 : vector<16xi32>
      %gather3A_637 = tpu.vector_load_idx %arg13[%add3A_636] : memref<6400xf32, #tpu.memory_space<vmem>>[vector<16xi32>], vector<16xf32>,
      %add3A_638 = arith.addf %add3A_624, %gather3A_637 : vector<16xf32>
      %add3A_639 = arith.constant 4 : i32
      %add3A_640 = arith.addi %mul3A_583, %add3A_639 : i32
      %add3A_641 = vector.broadcast %add3A_640 : i32 to vector<16xi32>
      %add3A_642 = arith.addi %mul3A_5, %add3A_641 : vector<16xi32>
      %gather3A_643 = tpu.vector_load_idx %arg13[%add3A_642] : memref<6400xf32, #tpu.memory_space<vmem>>[vector<16xi32>], vector<16xf32>,
      %add3A_644 = arith.addf %add3A_630, %gather3A_643 : vector<16xf32>
      %add3A_645 = arith.constant 3200 : i32
      %add3A_646 = arith.addi %add3A_645, %mul3A_583 : i32
      %add3A_647 = arith.constant 4 : i32
      %add3A_648 = arith.addi %add3A_646, %add3A_647 : i32
      %add3A_649 = vector.broadcast %add3A_648 : i32 to vector<16xi32>
      %add3A_650 = arith.addi %mul3A_5, %add3A_649 : vector<16xi32>
      %gather3A_651 = tpu.vector_load_idx %arg13[%add3A_650] : memref<6400xf32, #tpu.memory_space<vmem>>[vector<16xi32>], vector<16xf32>,
      %add3A_652 = arith.addf %add3A_638, %gather3A_651 : vector<16xf32>
      %add3A_653 = arith.constant 5 : i32
      %add3A_654 = arith.addi %mul3A_583, %add3A_653 : i32
      %add3A_655 = vector.broadcast %add3A_654 : i32 to vector<16xi32>
      %add3A_656 = arith.addi %mul3A_5, %add3A_655 : vector<16xi32>
      %gather3A_657 = tpu.vector_load_idx %arg13[%add3A_656] : memref<6400xf32, #tpu.memory_space<vmem>>[vector<16xi32>], vector<16xf32>,
      %add3A_658 = arith.addf %add3A_644, %gather3A_657 : vector<16xf32>
      %add3A_659 = arith.constant 3200 : i32
      %add3A_660 = arith.addi %add3A_659, %mul3A_583 : i32
      %add3A_661 = arith.constant 5 : i32
      %add3A_662 = arith.addi %add3A_660, %add3A_661 : i32
      %add3A_663 = vector.broadcast %add3A_662 : i32 to vector<16xi32>
      %add3A_664 = arith.addi %mul3A_5, %add3A_663 : vector<16xi32>
      %gather3A_665 = tpu.vector_load_idx %arg13[%add3A_664] : memref<6400xf32, #tpu.memory_space<vmem>>[vector<16xi32>], vector<16xf32>,
      %add3A_666 = arith.addf %add3A_652, %gather3A_665 : vector<16xf32>
      %add3A_667 = arith.constant 6 : i32
      %add3A_668 = arith.addi %mul3A_583, %add3A_667 : i32
      %add3A_669 = vector.broadcast %add3A_668 : i32 to vector<16xi32>
      %add3A_670 = arith.addi %mul3A_5, %add3A_669 : vector<16xi32>
      %gather3A_671 = tpu.vector_load_idx %arg13[%add3A_670] : memref<6400xf32, #tpu.memory_space<vmem>>[vector<16xi32>], vector<16xf32>,
      %add3A_672 = arith.addf %add3A_658, %gather3A_671 : vector<16xf32>
      %add3A_673 = arith.constant 3200 : i32
      %add3A_674 = arith.addi %add3A_673, %mul3A_583 : i32
      %add3A_675 = arith.constant 6 : i32
      %add3A_676 = arith.addi %add3A_674, %add3A_675 : i32
      %add3A_677 = vector.broadcast %add3A_676 : i32 to vector<16xi32>
      %add3A_678 = arith.addi %mul3A_5, %add3A_677 : vector<16xi32>
      %gather3A_679 = tpu.vector_load_idx %arg13[%add3A_678] : memref<6400xf32, #tpu.memory_space<vmem>>[vector<16xi32>], vector<16xf32>,
      %add3A_680 = arith.addf %add3A_666, %gather3A_679 : vector<16xf32>
      %add3A_681 = arith.constant 7 : i32
      %add3A_682 = arith.addi %mul3A_583, %add3A_681 : i32
      %add3A_683 = vector.broadcast %add3A_682 : i32 to vector<16xi32>
      %add3A_684 = arith.addi %mul3A_5, %add3A_683 : vector<16xi32>
      %gather3A_685 = tpu.vector_load_idx %arg13[%add3A_684] : memref<6400xf32, #tpu.memory_space<vmem>>[vector<16xi32>], vector<16xf32>,
      %add3A_686 = arith.addf %add3A_672, %gather3A_685 : vector<16xf32>
      %add3A_687 = arith.constant 3200 : i32
      %add3A_688 = arith.addi %add3A_687, %mul3A_583 : i32
      %add3A_689 = arith.constant 7 : i32
      %add3A_690 = arith.addi %add3A_688, %add3A_689 : i32
      %add3A_691 = vector.broadcast %add3A_690 : i32 to vector<16xi32>
      %add3A_692 = arith.addi %mul3A_5, %add3A_691 : vector<16xi32>
      %gather3A_693 = tpu.vector_load_idx %arg13[%add3A_692] : memref<6400xf32, #tpu.memory_space<vmem>>[vector<16xi32>], vector<16xf32>,
      %add3A_694 = arith.addf %add3A_680, %gather3A_693 : vector<16xf32>
      scf.yield %add3A_686, %add3A_694 : vector<16xf32>, vector<16xf32>
    }
    %scan3A_555 = arith.constant 25 : i32
    %swap3A_556 = arith.constant 448 : index
    %swap3A_557 = tpu.vector_load %arg17[%swap3A_556] {strides = array<i32>} : memref<512xf32, #tpu.memory_space<vmem>>, vector<16xf32>,
    tpu.vector_store %arg17[%swap3A_556], %scan3A_554#0 {strides = array<i32>} : memref<512xf32, #tpu.memory_space<vmem>>, vector<16xf32>,
    %swap3A_558 = arith.constant 464 : index
    %swap3A_559 = tpu.vector_load %arg17[%swap3A_558] {strides = array<i32>} : memref<512xf32, #tpu.memory_space<vmem>>, vector<16xf32>,
    tpu.vector_store %arg17[%swap3A_558], %scan3A_554#1 {strides = array<i32>} : memref<512xf32, #tpu.memory_space<vmem>>, vector<16xf32>,
    %dma_wait3A_560 = arith.constant 3 : i32
    %dma_wait3A_561 = arith.constant 0 : i32
    %dma_wait3A_562 = tpu.memref_slice %arg3[%dma_wait3A_561] : memref<1000000xf32, #tpu.memory_space<hbm>> -> memref<1000000xf32, #tpu.memory_space<hbm>>
    %dma_wait3A_563 = tpu.memref_slice %arg19[%dma_wait3A_560] : memref<6x!tpu.dma_semaphore, #tpu.memory_space<semaphore_mem>> -> memref<1x!tpu.dma_semaphore, #tpu.memory_space<semaphore_mem>>
    %dma_wait3A_564 = tpu.memref_squeeze %dma_wait3A_563 : memref<1x!tpu.dma_semaphore, #tpu.memory_space<semaphore_mem>> -> memref<!tpu.dma_semaphore, #tpu.memory_space<semaphore_mem>>
    tpu.wait_indirect_dma semaphore(%dma_wait3A_564 : memref<!tpu.dma_semaphore, #tpu.memory_space<semaphore_mem>>) src(%dma_wait3A_562 : memref<1000000xf32, #tpu.memory_space<hbm>>) dst(%arg14 : memref<6400xf32, #tpu.memory_space<vmem>>)
    %broadcast_in_dim3A_565 = arith.constant 0.000000e+00 : f32
    %broadcast_in_dim3A_566 = vector.broadcast %broadcast_in_dim3A_565 : f32 to vector<16xf32>
    %scan3A_567 = arith.constant 0 : i32
    %scan3A_568 = arith.constant 25 : i32
    %scan3A_569 = arith.addi %scan3A_567, %scan3A_568 : i32
    %scan3A_570 = arith.constant 1 : i32
    %scan3A_571:2 = scf.for %scan3A_579 = %scan3A_567 to %scan3A_569 step %scan3A_570 iter_args(%scan3A_580 = %broadcast_in_dim3A_566, %scan3A_581 = %broadcast_in_dim3A_566) -> (vector<16xf32>, vector<16xf32>)  : i32 {
      %mul3A_582 = arith.constant 8 : i32
      %mul3A_583 = arith.muli %scan3A_579, %mul3A_582 : i32
      %add3A_584 = arith.constant 0 : i32
      %add3A_585 = arith.addi %mul3A_583, %add3A_584 : i32
      %add3A_586 = vector.broadcast %add3A_585 : i32 to vector<16xi32>
      %add3A_587 = arith.addi %mul3A_5, %add3A_586 : vector<16xi32>
      %gather3A = tpu.vector_load_idx %arg14[%add3A_587] : memref<6400xf32, #tpu.memory_space<vmem>>[vector<16xi32>], vector<16xf32>,
      %add3A_588 = arith.addf %scan3A_580, %gather3A : vector<16xf32>
      %add3A_589 = arith.constant 3200 : i32
      %add3A_590 = arith.addi %add3A_589, %mul3A_583 : i32
      %add3A_591 = arith.constant 0 : i32
      %add3A_592 = arith.addi %add3A_590, %add3A_591 : i32
      %add3A_593 = vector.broadcast %add3A_592 : i32 to vector<16xi32>
      %add3A_594 = arith.addi %mul3A_5, %add3A_593 : vector<16xi32>
      %gather3A_595 = tpu.vector_load_idx %arg14[%add3A_594] : memref<6400xf32, #tpu.memory_space<vmem>>[vector<16xi32>], vector<16xf32>,
      %add3A_596 = arith.addf %scan3A_581, %gather3A_595 : vector<16xf32>
      %add3A_597 = arith.constant 1 : i32
      %add3A_598 = arith.addi %mul3A_583, %add3A_597 : i32
      %add3A_599 = vector.broadcast %add3A_598 : i32 to vector<16xi32>
      %add3A_600 = arith.addi %mul3A_5, %add3A_599 : vector<16xi32>
      %gather3A_601 = tpu.vector_load_idx %arg14[%add3A_600] : memref<6400xf32, #tpu.memory_space<vmem>>[vector<16xi32>], vector<16xf32>,
      %add3A_602 = arith.addf %add3A_588, %gather3A_601 : vector<16xf32>
      %add3A_603 = arith.constant 3200 : i32
      %add3A_604 = arith.addi %add3A_603, %mul3A_583 : i32
      %add3A_605 = arith.constant 1 : i32
      %add3A_606 = arith.addi %add3A_604, %add3A_605 : i32
      %add3A_607 = vector.broadcast %add3A_606 : i32 to vector<16xi32>
      %add3A_608 = arith.addi %mul3A_5, %add3A_607 : vector<16xi32>
      %gather3A_609 = tpu.vector_load_idx %arg14[%add3A_608] : memref<6400xf32, #tpu.memory_space<vmem>>[vector<16xi32>], vector<16xf32>,
      %add3A_610 = arith.addf %add3A_596, %gather3A_609 : vector<16xf32>
      %add3A_611 = arith.constant 2 : i32
      %add3A_612 = arith.addi %mul3A_583, %add3A_611 : i32
      %add3A_613 = vector.broadcast %add3A_612 : i32 to vector<16xi32>
      %add3A_614 = arith.addi %mul3A_5, %add3A_613 : vector<16xi32>
      %gather3A_615 = tpu.vector_load_idx %arg14[%add3A_614] : memref<6400xf32, #tpu.memory_space<vmem>>[vector<16xi32>], vector<16xf32>,
      %add3A_616 = arith.addf %add3A_602, %gather3A_615 : vector<16xf32>
      %add3A_617 = arith.constant 3200 : i32
      %add3A_618 = arith.addi %add3A_617, %mul3A_583 : i32
      %add3A_619 = arith.constant 2 : i32
      %add3A_620 = arith.addi %add3A_618, %add3A_619 : i32
      %add3A_621 = vector.broadcast %add3A_620 : i32 to vector<16xi32>
      %add3A_622 = arith.addi %mul3A_5, %add3A_621 : vector<16xi32>
      %gather3A_623 = tpu.vector_load_idx %arg14[%add3A_622] : memref<6400xf32, #tpu.memory_space<vmem>>[vector<16xi32>], vector<16xf32>,
      %add3A_624 = arith.addf %add3A_610, %gather3A_623 : vector<16xf32>
      %add3A_625 = arith.constant 3 : i32
      %add3A_626 = arith.addi %mul3A_583, %add3A_625 : i32
      %add3A_627 = vector.broadcast %add3A_626 : i32 to vector<16xi32>
      %add3A_628 = arith.addi %mul3A_5, %add3A_627 : vector<16xi32>
      %gather3A_629 = tpu.vector_load_idx %arg14[%add3A_628] : memref<6400xf32, #tpu.memory_space<vmem>>[vector<16xi32>], vector<16xf32>,
      %add3A_630 = arith.addf %add3A_616, %gather3A_629 : vector<16xf32>
      %add3A_631 = arith.constant 3200 : i32
      %add3A_632 = arith.addi %add3A_631, %mul3A_583 : i32
      %add3A_633 = arith.constant 3 : i32
      %add3A_634 = arith.addi %add3A_632, %add3A_633 : i32
      %add3A_635 = vector.broadcast %add3A_634 : i32 to vector<16xi32>
      %add3A_636 = arith.addi %mul3A_5, %add3A_635 : vector<16xi32>
      %gather3A_637 = tpu.vector_load_idx %arg14[%add3A_636] : memref<6400xf32, #tpu.memory_space<vmem>>[vector<16xi32>], vector<16xf32>,
      %add3A_638 = arith.addf %add3A_624, %gather3A_637 : vector<16xf32>
      %add3A_639 = arith.constant 4 : i32
      %add3A_640 = arith.addi %mul3A_583, %add3A_639 : i32
      %add3A_641 = vector.broadcast %add3A_640 : i32 to vector<16xi32>
      %add3A_642 = arith.addi %mul3A_5, %add3A_641 : vector<16xi32>
      %gather3A_643 = tpu.vector_load_idx %arg14[%add3A_642] : memref<6400xf32, #tpu.memory_space<vmem>>[vector<16xi32>], vector<16xf32>,
      %add3A_644 = arith.addf %add3A_630, %gather3A_643 : vector<16xf32>
      %add3A_645 = arith.constant 3200 : i32
      %add3A_646 = arith.addi %add3A_645, %mul3A_583 : i32
      %add3A_647 = arith.constant 4 : i32
      %add3A_648 = arith.addi %add3A_646, %add3A_647 : i32
      %add3A_649 = vector.broadcast %add3A_648 : i32 to vector<16xi32>
      %add3A_650 = arith.addi %mul3A_5, %add3A_649 : vector<16xi32>
      %gather3A_651 = tpu.vector_load_idx %arg14[%add3A_650] : memref<6400xf32, #tpu.memory_space<vmem>>[vector<16xi32>], vector<16xf32>,
      %add3A_652 = arith.addf %add3A_638, %gather3A_651 : vector<16xf32>
      %add3A_653 = arith.constant 5 : i32
      %add3A_654 = arith.addi %mul3A_583, %add3A_653 : i32
      %add3A_655 = vector.broadcast %add3A_654 : i32 to vector<16xi32>
      %add3A_656 = arith.addi %mul3A_5, %add3A_655 : vector<16xi32>
      %gather3A_657 = tpu.vector_load_idx %arg14[%add3A_656] : memref<6400xf32, #tpu.memory_space<vmem>>[vector<16xi32>], vector<16xf32>,
      %add3A_658 = arith.addf %add3A_644, %gather3A_657 : vector<16xf32>
      %add3A_659 = arith.constant 3200 : i32
      %add3A_660 = arith.addi %add3A_659, %mul3A_583 : i32
      %add3A_661 = arith.constant 5 : i32
      %add3A_662 = arith.addi %add3A_660, %add3A_661 : i32
      %add3A_663 = vector.broadcast %add3A_662 : i32 to vector<16xi32>
      %add3A_664 = arith.addi %mul3A_5, %add3A_663 : vector<16xi32>
      %gather3A_665 = tpu.vector_load_idx %arg14[%add3A_664] : memref<6400xf32, #tpu.memory_space<vmem>>[vector<16xi32>], vector<16xf32>,
      %add3A_666 = arith.addf %add3A_652, %gather3A_665 : vector<16xf32>
      %add3A_667 = arith.constant 6 : i32
      %add3A_668 = arith.addi %mul3A_583, %add3A_667 : i32
      %add3A_669 = vector.broadcast %add3A_668 : i32 to vector<16xi32>
      %add3A_670 = arith.addi %mul3A_5, %add3A_669 : vector<16xi32>
      %gather3A_671 = tpu.vector_load_idx %arg14[%add3A_670] : memref<6400xf32, #tpu.memory_space<vmem>>[vector<16xi32>], vector<16xf32>,
      %add3A_672 = arith.addf %add3A_658, %gather3A_671 : vector<16xf32>
      %add3A_673 = arith.constant 3200 : i32
      %add3A_674 = arith.addi %add3A_673, %mul3A_583 : i32
      %add3A_675 = arith.constant 6 : i32
      %add3A_676 = arith.addi %add3A_674, %add3A_675 : i32
      %add3A_677 = vector.broadcast %add3A_676 : i32 to vector<16xi32>
      %add3A_678 = arith.addi %mul3A_5, %add3A_677 : vector<16xi32>
      %gather3A_679 = tpu.vector_load_idx %arg14[%add3A_678] : memref<6400xf32, #tpu.memory_space<vmem>>[vector<16xi32>], vector<16xf32>,
      %add3A_680 = arith.addf %add3A_666, %gather3A_679 : vector<16xf32>
      %add3A_681 = arith.constant 7 : i32
      %add3A_682 = arith.addi %mul3A_583, %add3A_681 : i32
      %add3A_683 = vector.broadcast %add3A_682 : i32 to vector<16xi32>
      %add3A_684 = arith.addi %mul3A_5, %add3A_683 : vector<16xi32>
      %gather3A_685 = tpu.vector_load_idx %arg14[%add3A_684] : memref<6400xf32, #tpu.memory_space<vmem>>[vector<16xi32>], vector<16xf32>,
      %add3A_686 = arith.addf %add3A_672, %gather3A_685 : vector<16xf32>
      %add3A_687 = arith.constant 3200 : i32
      %add3A_688 = arith.addi %add3A_687, %mul3A_583 : i32
      %add3A_689 = arith.constant 7 : i32
      %add3A_690 = arith.addi %add3A_688, %add3A_689 : i32
      %add3A_691 = vector.broadcast %add3A_690 : i32 to vector<16xi32>
      %add3A_692 = arith.addi %mul3A_5, %add3A_691 : vector<16xi32>
      %gather3A_693 = tpu.vector_load_idx %arg14[%add3A_692] : memref<6400xf32, #tpu.memory_space<vmem>>[vector<16xi32>], vector<16xf32>,
      %add3A_694 = arith.addf %add3A_680, %gather3A_693 : vector<16xf32>
      scf.yield %add3A_686, %add3A_694 : vector<16xf32>, vector<16xf32>
    }
    %scan3A_572 = arith.constant 25 : i32
    %swap3A_573 = arith.constant 480 : index
    %swap3A_574 = tpu.vector_load %arg17[%swap3A_573] {strides = array<i32>} : memref<512xf32, #tpu.memory_space<vmem>>, vector<16xf32>,
    tpu.vector_store %arg17[%swap3A_573], %scan3A_571#0 {strides = array<i32>} : memref<512xf32, #tpu.memory_space<vmem>>, vector<16xf32>,
    %swap3A_575 = arith.constant 496 : index
    %swap3A_576 = tpu.vector_load %arg17[%swap3A_575] {strides = array<i32>} : memref<512xf32, #tpu.memory_space<vmem>>, vector<16xf32>,
    tpu.vector_store %arg17[%swap3A_575], %scan3A_571#1 {strides = array<i32>} : memref<512xf32, #tpu.memory_space<vmem>>, vector<16xf32>,
    %mul3A_577 = arith.constant 512 : i32
    %mul3A_578 = arith.muli %add3A, %mul3A_577 : i32
    "tpu.region"() ({
      %run_scoped3A = tpu.sem_alloc : memref<!tpu.dma_semaphore, #tpu.memory_space<semaphore_mem>>
      %dma_start3A_579 = tpu.memref_slice %arg4[%mul3A_578] : memref<16384xf32, #tpu.memory_space<hbm>> -> memref<512xf32, #tpu.memory_space<hbm>>
      %dma_start3A_580 = tpu.memref_slice %arg4[%mul3A_578] : memref<16384xf32, #tpu.memory_space<hbm>> -> memref<512xf32, #tpu.memory_space<hbm>>
      tpu.enqueue_dma source(%arg17 : memref<512xf32, #tpu.memory_space<vmem>>) target(%dma_start3A_580 : memref<512xf32, #tpu.memory_space<hbm>>) target_semaphore(%run_scoped3A : memref<!tpu.dma_semaphore, #tpu.memory_space<semaphore_mem>>)
      %dma_wait3A_581 = tpu.memref_slice %arg4[%mul3A_578] : memref<16384xf32, #tpu.memory_space<hbm>> -> memref<512xf32, #tpu.memory_space<hbm>>
      %dma_wait3A_582 = tpu.memref_slice %arg4[%mul3A_578] : memref<16384xf32, #tpu.memory_space<hbm>> -> memref<512xf32, #tpu.memory_space<hbm>>
      tpu.wait_dma2 semaphore(%run_scoped3A : memref<!tpu.dma_semaphore, #tpu.memory_space<semaphore_mem>>) src(%arg17 : memref<512xf32, #tpu.memory_space<vmem>>) dst(%dma_wait3A_582 : memref<512xf32, #tpu.memory_space<hbm>>)
      tpu.yield
    }) : () -> ()
    return
  }
}

module attributes {stable_mosaic.version = 14 : i64} {
  func.func @_matvec_body(%arg0: i32, %arg1: memref<32x1xf32, #tpu.memory_space<vmem>>, %arg2: memref<1x1xf32, #tpu.memory_space<smem>>, %arg3: memref<32x1000000xf32, #tpu.memory_space<any>>, %arg4: memref<8x32256xf32, #tpu.memory_space<vmem>>, %arg5: memref<4x32x32256xf32, #tpu.memory_space<vmem>>, %arg6: memref<4x4x!tpu.dma_semaphore, #tpu.memory_space<semaphore_mem>>) attributes {dimension_semantics = [#tpu.dimension_semantics<arbitrary>], iteration_bounds = array<i64: 31>, scalar_prefetch = 0 : i64, scratch_operands = 2 : i64, tpu.core_type = #tpu.core_type<tc>, window_params = [{pipeline_mode = #tpu.pipeline_mode<synchronous>, transform_indices = @transform_0, window_bounds = array<i64: 32, 1>}, {transform_indices = @transform_1, window_bounds = array<i64: 1, 1>}, {}, {transform_indices = @transform_3, window_bounds = array<i64: 8, 32256>}]} {
    %eq3A = arith.constant 0 : i32
    %eq3A_0 = arith.cmpi eq, %arg0, %eq3A : i32
    %convert_element_type3A = arith.extui %eq3A_0 : i1 to i32
    %cond3A = arith.constant 0 : i32
    %cond3A_1 = arith.cmpi ne, %convert_element_type3A, %cond3A : i32
    scf.if %cond3A_1 {
      %rem3A_70 = arith.constant 0 : i32
      %rem3A_71 = arith.constant 4 : i32
      %rem3A_72 = arith.remsi %rem3A_70, %rem3A_71 : i32
      %dma_start3A = arith.constant 0 : i32
      %dma_start3A_73 = tpu.memref_slice %arg6[%rem3A_72, %dma_start3A] : memref<4x4x!tpu.dma_semaphore, #tpu.memory_space<semaphore_mem>> -> memref<1x1x!tpu.dma_semaphore, #tpu.memory_space<semaphore_mem>>
      %dma_start3A_74 = tpu.memref_squeeze %dma_start3A_73 : memref<1x1x!tpu.dma_semaphore, #tpu.memory_space<semaphore_mem>> -> memref<!tpu.dma_semaphore, #tpu.memory_space<semaphore_mem>>
      %dma_start3A_75 = arith.constant 0 : i32
      %dma_start3A_76 = arith.constant 0 : i32
      %dma_start3A_77 = tpu.memref_slice %arg5[%rem3A_72, %dma_start3A_75, %dma_start3A_76] : memref<4x32x32256xf32, #tpu.memory_space<vmem>> -> memref<1x8x32256xf32, #tpu.memory_space<vmem>>
      %dma_start3A_78 = tpu.memref_squeeze %dma_start3A_77 : memref<1x8x32256xf32, #tpu.memory_space<vmem>> -> memref<8x32256xf32, #tpu.memory_space<vmem>>
      %dma_start3A_79 = arith.constant 0 : i32
      %dma_start3A_80 = arith.constant 0 : i32
      %dma_start3A_81 = tpu.memref_slice %arg3[%dma_start3A_79, %dma_start3A_80] : memref<32x1000000xf32, #tpu.memory_space<any>> -> memref<8x32256xf32, #tpu.memory_space<any>>
      tpu.enqueue_dma source(%dma_start3A_81 : memref<8x32256xf32, #tpu.memory_space<any>>) target(%dma_start3A_78 : memref<8x32256xf32, #tpu.memory_space<vmem>>) target_semaphore(%dma_start3A_74 : memref<!tpu.dma_semaphore, #tpu.memory_space<semaphore_mem>>)
      %dma_start3A_82 = arith.constant 1 : i32
      %dma_start3A_83 = tpu.memref_slice %arg6[%rem3A_72, %dma_start3A_82] : memref<4x4x!tpu.dma_semaphore, #tpu.memory_space<semaphore_mem>> -> memref<1x1x!tpu.dma_semaphore, #tpu.memory_space<semaphore_mem>>
      %dma_start3A_84 = tpu.memref_squeeze %dma_start3A_83 : memref<1x1x!tpu.dma_semaphore, #tpu.memory_space<semaphore_mem>> -> memref<!tpu.dma_semaphore, #tpu.memory_space<semaphore_mem>>
      %dma_start3A_85 = arith.constant 8 : i32
      %dma_start3A_86 = arith.constant 0 : i32
      %dma_start3A_87 = tpu.memref_slice %arg5[%rem3A_72, %dma_start3A_85, %dma_start3A_86] : memref<4x32x32256xf32, #tpu.memory_space<vmem>> -> memref<1x8x32256xf32, #tpu.memory_space<vmem>>
      %dma_start3A_88 = tpu.memref_squeeze %dma_start3A_87 : memref<1x8x32256xf32, #tpu.memory_space<vmem>> -> memref<8x32256xf32, #tpu.memory_space<vmem>>
      %dma_start3A_89 = arith.constant 8 : i32
      %dma_start3A_90 = arith.constant 0 : i32
      %dma_start3A_91 = tpu.memref_slice %arg3[%dma_start3A_89, %dma_start3A_90] : memref<32x1000000xf32, #tpu.memory_space<any>> -> memref<8x32256xf32, #tpu.memory_space<any>>
      tpu.enqueue_dma source(%dma_start3A_91 : memref<8x32256xf32, #tpu.memory_space<any>>) target(%dma_start3A_88 : memref<8x32256xf32, #tpu.memory_space<vmem>>) target_semaphore(%dma_start3A_84 : memref<!tpu.dma_semaphore, #tpu.memory_space<semaphore_mem>>)
      %dma_start3A_92 = arith.constant 2 : i32
      %dma_start3A_93 = tpu.memref_slice %arg6[%rem3A_72, %dma_start3A_92] : memref<4x4x!tpu.dma_semaphore, #tpu.memory_space<semaphore_mem>> -> memref<1x1x!tpu.dma_semaphore, #tpu.memory_space<semaphore_mem>>
      %dma_start3A_94 = tpu.memref_squeeze %dma_start3A_93 : memref<1x1x!tpu.dma_semaphore, #tpu.memory_space<semaphore_mem>> -> memref<!tpu.dma_semaphore, #tpu.memory_space<semaphore_mem>>
      %dma_start3A_95 = arith.constant 16 : i32
      %dma_start3A_96 = arith.constant 0 : i32
      %dma_start3A_97 = tpu.memref_slice %arg5[%rem3A_72, %dma_start3A_95, %dma_start3A_96] : memref<4x32x32256xf32, #tpu.memory_space<vmem>> -> memref<1x8x32256xf32, #tpu.memory_space<vmem>>
      %dma_start3A_98 = tpu.memref_squeeze %dma_start3A_97 : memref<1x8x32256xf32, #tpu.memory_space<vmem>> -> memref<8x32256xf32, #tpu.memory_space<vmem>>
      %dma_start3A_99 = arith.constant 16 : i32
      %dma_start3A_100 = arith.constant 0 : i32
      %dma_start3A_101 = tpu.memref_slice %arg3[%dma_start3A_99, %dma_start3A_100] : memref<32x1000000xf32, #tpu.memory_space<any>> -> memref<8x32256xf32, #tpu.memory_space<any>>
      tpu.enqueue_dma source(%dma_start3A_101 : memref<8x32256xf32, #tpu.memory_space<any>>) target(%dma_start3A_98 : memref<8x32256xf32, #tpu.memory_space<vmem>>) target_semaphore(%dma_start3A_94 : memref<!tpu.dma_semaphore, #tpu.memory_space<semaphore_mem>>)
      %dma_start3A_102 = arith.constant 3 : i32
      %dma_start3A_103 = tpu.memref_slice %arg6[%rem3A_72, %dma_start3A_102] : memref<4x4x!tpu.dma_semaphore, #tpu.memory_space<semaphore_mem>> -> memref<1x1x!tpu.dma_semaphore, #tpu.memory_space<semaphore_mem>>
      %dma_start3A_104 = tpu.memref_squeeze %dma_start3A_103 : memref<1x1x!tpu.dma_semaphore, #tpu.memory_space<semaphore_mem>> -> memref<!tpu.dma_semaphore, #tpu.memory_space<semaphore_mem>>
      %dma_start3A_105 = arith.constant 24 : i32
      %dma_start3A_106 = arith.constant 0 : i32
      %dma_start3A_107 = tpu.memref_slice %arg5[%rem3A_72, %dma_start3A_105, %dma_start3A_106] : memref<4x32x32256xf32, #tpu.memory_space<vmem>> -> memref<1x8x32256xf32, #tpu.memory_space<vmem>>
      %dma_start3A_108 = tpu.memref_squeeze %dma_start3A_107 : memref<1x8x32256xf32, #tpu.memory_space<vmem>> -> memref<8x32256xf32, #tpu.memory_space<vmem>>
      %dma_start3A_109 = arith.constant 24 : i32
      %dma_start3A_110 = arith.constant 0 : i32
      %dma_start3A_111 = tpu.memref_slice %arg3[%dma_start3A_109, %dma_start3A_110] : memref<32x1000000xf32, #tpu.memory_space<any>> -> memref<8x32256xf32, #tpu.memory_space<any>>
      tpu.enqueue_dma source(%dma_start3A_111 : memref<8x32256xf32, #tpu.memory_space<any>>) target(%dma_start3A_108 : memref<8x32256xf32, #tpu.memory_space<vmem>>) target_semaphore(%dma_start3A_104 : memref<!tpu.dma_semaphore, #tpu.memory_space<semaphore_mem>>)
      %rem3A_112 = arith.constant 1 : i32
      %rem3A_113 = arith.constant 4 : i32
      %rem3A_114 = arith.remsi %rem3A_112, %rem3A_113 : i32
      %dma_start3A_115 = arith.constant 0 : i32
      %dma_start3A_116 = tpu.memref_slice %arg6[%rem3A_114, %dma_start3A_115] : memref<4x4x!tpu.dma_semaphore, #tpu.memory_space<semaphore_mem>> -> memref<1x1x!tpu.dma_semaphore, #tpu.memory_space<semaphore_mem>>
      %dma_start3A_117 = tpu.memref_squeeze %dma_start3A_116 : memref<1x1x!tpu.dma_semaphore, #tpu.memory_space<semaphore_mem>> -> memref<!tpu.dma_semaphore, #tpu.memory_space<semaphore_mem>>
      %dma_start3A_118 = arith.constant 0 : i32
      %dma_start3A_119 = arith.constant 0 : i32
      %dma_start3A_120 = tpu.memref_slice %arg5[%rem3A_114, %dma_start3A_118, %dma_start3A_119] : memref<4x32x32256xf32, #tpu.memory_space<vmem>> -> memref<1x8x32256xf32, #tpu.memory_space<vmem>>
      %dma_start3A_121 = tpu.memref_squeeze %dma_start3A_120 : memref<1x8x32256xf32, #tpu.memory_space<vmem>> -> memref<8x32256xf32, #tpu.memory_space<vmem>>
      %dma_start3A_122 = arith.constant 0 : i32
      %dma_start3A_123 = arith.constant 32256 : i32
      %dma_start3A_124 = tpu.memref_slice %arg3[%dma_start3A_122, %dma_start3A_123] : memref<32x1000000xf32, #tpu.memory_space<any>> -> memref<8x32256xf32, #tpu.memory_space<any>>
      tpu.enqueue_dma source(%dma_start3A_124 : memref<8x32256xf32, #tpu.memory_space<any>>) target(%dma_start3A_121 : memref<8x32256xf32, #tpu.memory_space<vmem>>) target_semaphore(%dma_start3A_117 : memref<!tpu.dma_semaphore, #tpu.memory_space<semaphore_mem>>)
      %dma_start3A_125 = arith.constant 1 : i32
      %dma_start3A_126 = tpu.memref_slice %arg6[%rem3A_114, %dma_start3A_125] : memref<4x4x!tpu.dma_semaphore, #tpu.memory_space<semaphore_mem>> -> memref<1x1x!tpu.dma_semaphore, #tpu.memory_space<semaphore_mem>>
      %dma_start3A_127 = tpu.memref_squeeze %dma_start3A_126 : memref<1x1x!tpu.dma_semaphore, #tpu.memory_space<semaphore_mem>> -> memref<!tpu.dma_semaphore, #tpu.memory_space<semaphore_mem>>
      %dma_start3A_128 = arith.constant 8 : i32
      %dma_start3A_129 = arith.constant 0 : i32
      %dma_start3A_130 = tpu.memref_slice %arg5[%rem3A_114, %dma_start3A_128, %dma_start3A_129] : memref<4x32x32256xf32, #tpu.memory_space<vmem>> -> memref<1x8x32256xf32, #tpu.memory_space<vmem>>
      %dma_start3A_131 = tpu.memref_squeeze %dma_start3A_130 : memref<1x8x32256xf32, #tpu.memory_space<vmem>> -> memref<8x32256xf32, #tpu.memory_space<vmem>>
      %dma_start3A_132 = arith.constant 8 : i32
      %dma_start3A_133 = arith.constant 32256 : i32
      %dma_start3A_134 = tpu.memref_slice %arg3[%dma_start3A_132, %dma_start3A_133] : memref<32x1000000xf32, #tpu.memory_space<any>> -> memref<8x32256xf32, #tpu.memory_space<any>>
      tpu.enqueue_dma source(%dma_start3A_134 : memref<8x32256xf32, #tpu.memory_space<any>>) target(%dma_start3A_131 : memref<8x32256xf32, #tpu.memory_space<vmem>>) target_semaphore(%dma_start3A_127 : memref<!tpu.dma_semaphore, #tpu.memory_space<semaphore_mem>>)
      %dma_start3A_135 = arith.constant 2 : i32
      %dma_start3A_136 = tpu.memref_slice %arg6[%rem3A_114, %dma_start3A_135] : memref<4x4x!tpu.dma_semaphore, #tpu.memory_space<semaphore_mem>> -> memref<1x1x!tpu.dma_semaphore, #tpu.memory_space<semaphore_mem>>
      %dma_start3A_137 = tpu.memref_squeeze %dma_start3A_136 : memref<1x1x!tpu.dma_semaphore, #tpu.memory_space<semaphore_mem>> -> memref<!tpu.dma_semaphore, #tpu.memory_space<semaphore_mem>>
      %dma_start3A_138 = arith.constant 16 : i32
      %dma_start3A_139 = arith.constant 0 : i32
      %dma_start3A_140 = tpu.memref_slice %arg5[%rem3A_114, %dma_start3A_138, %dma_start3A_139] : memref<4x32x32256xf32, #tpu.memory_space<vmem>> -> memref<1x8x32256xf32, #tpu.memory_space<vmem>>
      %dma_start3A_141 = tpu.memref_squeeze %dma_start3A_140 : memref<1x8x32256xf32, #tpu.memory_space<vmem>> -> memref<8x32256xf32, #tpu.memory_space<vmem>>
      %dma_start3A_142 = arith.constant 16 : i32
      %dma_start3A_143 = arith.constant 32256 : i32
      %dma_start3A_144 = tpu.memref_slice %arg3[%dma_start3A_142, %dma_start3A_143] : memref<32x1000000xf32, #tpu.memory_space<any>> -> memref<8x32256xf32, #tpu.memory_space<any>>
      tpu.enqueue_dma source(%dma_start3A_144 : memref<8x32256xf32, #tpu.memory_space<any>>) target(%dma_start3A_141 : memref<8x32256xf32, #tpu.memory_space<vmem>>) target_semaphore(%dma_start3A_137 : memref<!tpu.dma_semaphore, #tpu.memory_space<semaphore_mem>>)
      %dma_start3A_145 = arith.constant 3 : i32
      %dma_start3A_146 = tpu.memref_slice %arg6[%rem3A_114, %dma_start3A_145] : memref<4x4x!tpu.dma_semaphore, #tpu.memory_space<semaphore_mem>> -> memref<1x1x!tpu.dma_semaphore, #tpu.memory_space<semaphore_mem>>
      %dma_start3A_147 = tpu.memref_squeeze %dma_start3A_146 : memref<1x1x!tpu.dma_semaphore, #tpu.memory_space<semaphore_mem>> -> memref<!tpu.dma_semaphore, #tpu.memory_space<semaphore_mem>>
      %dma_start3A_148 = arith.constant 24 : i32
      %dma_start3A_149 = arith.constant 0 : i32
      %dma_start3A_150 = tpu.memref_slice %arg5[%rem3A_114, %dma_start3A_148, %dma_start3A_149] : memref<4x32x32256xf32, #tpu.memory_space<vmem>> -> memref<1x8x32256xf32, #tpu.memory_space<vmem>>
      %dma_start3A_151 = tpu.memref_squeeze %dma_start3A_150 : memref<1x8x32256xf32, #tpu.memory_space<vmem>> -> memref<8x32256xf32, #tpu.memory_space<vmem>>
      %dma_start3A_152 = arith.constant 24 : i32
      %dma_start3A_153 = arith.constant 32256 : i32
      %dma_start3A_154 = tpu.memref_slice %arg3[%dma_start3A_152, %dma_start3A_153] : memref<32x1000000xf32, #tpu.memory_space<any>> -> memref<8x32256xf32, #tpu.memory_space<any>>
      tpu.enqueue_dma source(%dma_start3A_154 : memref<8x32256xf32, #tpu.memory_space<any>>) target(%dma_start3A_151 : memref<8x32256xf32, #tpu.memory_space<vmem>>) target_semaphore(%dma_start3A_147 : memref<!tpu.dma_semaphore, #tpu.memory_space<semaphore_mem>>)
      %rem3A_155 = arith.constant 2 : i32
      %rem3A_156 = arith.constant 4 : i32
      %rem3A_157 = arith.remsi %rem3A_155, %rem3A_156 : i32
      %dma_start3A_158 = arith.constant 0 : i32
      %dma_start3A_159 = tpu.memref_slice %arg6[%rem3A_157, %dma_start3A_158] : memref<4x4x!tpu.dma_semaphore, #tpu.memory_space<semaphore_mem>> -> memref<1x1x!tpu.dma_semaphore, #tpu.memory_space<semaphore_mem>>
      %dma_start3A_160 = tpu.memref_squeeze %dma_start3A_159 : memref<1x1x!tpu.dma_semaphore, #tpu.memory_space<semaphore_mem>> -> memref<!tpu.dma_semaphore, #tpu.memory_space<semaphore_mem>>
      %dma_start3A_161 = arith.constant 0 : i32
      %dma_start3A_162 = arith.constant 0 : i32
      %dma_start3A_163 = tpu.memref_slice %arg5[%rem3A_157, %dma_start3A_161, %dma_start3A_162] : memref<4x32x32256xf32, #tpu.memory_space<vmem>> -> memref<1x8x32256xf32, #tpu.memory_space<vmem>>
      %dma_start3A_164 = tpu.memref_squeeze %dma_start3A_163 : memref<1x8x32256xf32, #tpu.memory_space<vmem>> -> memref<8x32256xf32, #tpu.memory_space<vmem>>
      %dma_start3A_165 = arith.constant 0 : i32
      %dma_start3A_166 = arith.constant 64512 : i32
      %dma_start3A_167 = tpu.memref_slice %arg3[%dma_start3A_165, %dma_start3A_166] : memref<32x1000000xf32, #tpu.memory_space<any>> -> memref<8x32256xf32, #tpu.memory_space<any>>
      tpu.enqueue_dma source(%dma_start3A_167 : memref<8x32256xf32, #tpu.memory_space<any>>) target(%dma_start3A_164 : memref<8x32256xf32, #tpu.memory_space<vmem>>) target_semaphore(%dma_start3A_160 : memref<!tpu.dma_semaphore, #tpu.memory_space<semaphore_mem>>)
      %dma_start3A_168 = arith.constant 1 : i32
      %dma_start3A_169 = tpu.memref_slice %arg6[%rem3A_157, %dma_start3A_168] : memref<4x4x!tpu.dma_semaphore, #tpu.memory_space<semaphore_mem>> -> memref<1x1x!tpu.dma_semaphore, #tpu.memory_space<semaphore_mem>>
      %dma_start3A_170 = tpu.memref_squeeze %dma_start3A_169 : memref<1x1x!tpu.dma_semaphore, #tpu.memory_space<semaphore_mem>> -> memref<!tpu.dma_semaphore, #tpu.memory_space<semaphore_mem>>
      %dma_start3A_171 = arith.constant 8 : i32
      %dma_start3A_172 = arith.constant 0 : i32
      %dma_start3A_173 = tpu.memref_slice %arg5[%rem3A_157, %dma_start3A_171, %dma_start3A_172] : memref<4x32x32256xf32, #tpu.memory_space<vmem>> -> memref<1x8x32256xf32, #tpu.memory_space<vmem>>
      %dma_start3A_174 = tpu.memref_squeeze %dma_start3A_173 : memref<1x8x32256xf32, #tpu.memory_space<vmem>> -> memref<8x32256xf32, #tpu.memory_space<vmem>>
      %dma_start3A_175 = arith.constant 8 : i32
      %dma_start3A_176 = arith.constant 64512 : i32
      %dma_start3A_177 = tpu.memref_slice %arg3[%dma_start3A_175, %dma_start3A_176] : memref<32x1000000xf32, #tpu.memory_space<any>> -> memref<8x32256xf32, #tpu.memory_space<any>>
      tpu.enqueue_dma source(%dma_start3A_177 : memref<8x32256xf32, #tpu.memory_space<any>>) target(%dma_start3A_174 : memref<8x32256xf32, #tpu.memory_space<vmem>>) target_semaphore(%dma_start3A_170 : memref<!tpu.dma_semaphore, #tpu.memory_space<semaphore_mem>>)
      %dma_start3A_178 = arith.constant 2 : i32
      %dma_start3A_179 = tpu.memref_slice %arg6[%rem3A_157, %dma_start3A_178] : memref<4x4x!tpu.dma_semaphore, #tpu.memory_space<semaphore_mem>> -> memref<1x1x!tpu.dma_semaphore, #tpu.memory_space<semaphore_mem>>
      %dma_start3A_180 = tpu.memref_squeeze %dma_start3A_179 : memref<1x1x!tpu.dma_semaphore, #tpu.memory_space<semaphore_mem>> -> memref<!tpu.dma_semaphore, #tpu.memory_space<semaphore_mem>>
      %dma_start3A_181 = arith.constant 16 : i32
      %dma_start3A_182 = arith.constant 0 : i32
      %dma_start3A_183 = tpu.memref_slice %arg5[%rem3A_157, %dma_start3A_181, %dma_start3A_182] : memref<4x32x32256xf32, #tpu.memory_space<vmem>> -> memref<1x8x32256xf32, #tpu.memory_space<vmem>>
      %dma_start3A_184 = tpu.memref_squeeze %dma_start3A_183 : memref<1x8x32256xf32, #tpu.memory_space<vmem>> -> memref<8x32256xf32, #tpu.memory_space<vmem>>
      %dma_start3A_185 = arith.constant 16 : i32
      %dma_start3A_186 = arith.constant 64512 : i32
      %dma_start3A_187 = tpu.memref_slice %arg3[%dma_start3A_185, %dma_start3A_186] : memref<32x1000000xf32, #tpu.memory_space<any>> -> memref<8x32256xf32, #tpu.memory_space<any>>
      tpu.enqueue_dma source(%dma_start3A_187 : memref<8x32256xf32, #tpu.memory_space<any>>) target(%dma_start3A_184 : memref<8x32256xf32, #tpu.memory_space<vmem>>) target_semaphore(%dma_start3A_180 : memref<!tpu.dma_semaphore, #tpu.memory_space<semaphore_mem>>)
      %dma_start3A_188 = arith.constant 3 : i32
      %dma_start3A_189 = tpu.memref_slice %arg6[%rem3A_157, %dma_start3A_188] : memref<4x4x!tpu.dma_semaphore, #tpu.memory_space<semaphore_mem>> -> memref<1x1x!tpu.dma_semaphore, #tpu.memory_space<semaphore_mem>>
      %dma_start3A_190 = tpu.memref_squeeze %dma_start3A_189 : memref<1x1x!tpu.dma_semaphore, #tpu.memory_space<semaphore_mem>> -> memref<!tpu.dma_semaphore, #tpu.memory_space<semaphore_mem>>
      %dma_start3A_191 = arith.constant 24 : i32
      %dma_start3A_192 = arith.constant 0 : i32
      %dma_start3A_193 = tpu.memref_slice %arg5[%rem3A_157, %dma_start3A_191, %dma_start3A_192] : memref<4x32x32256xf32, #tpu.memory_space<vmem>> -> memref<1x8x32256xf32, #tpu.memory_space<vmem>>
      %dma_start3A_194 = tpu.memref_squeeze %dma_start3A_193 : memref<1x8x32256xf32, #tpu.memory_space<vmem>> -> memref<8x32256xf32, #tpu.memory_space<vmem>>
      %dma_start3A_195 = arith.constant 24 : i32
      %dma_start3A_196 = arith.constant 64512 : i32
      %dma_start3A_197 = tpu.memref_slice %arg3[%dma_start3A_195, %dma_start3A_196] : memref<32x1000000xf32, #tpu.memory_space<any>> -> memref<8x32256xf32, #tpu.memory_space<any>>
      tpu.enqueue_dma source(%dma_start3A_197 : memref<8x32256xf32, #tpu.memory_space<any>>) target(%dma_start3A_194 : memref<8x32256xf32, #tpu.memory_space<vmem>>) target_semaphore(%dma_start3A_190 : memref<!tpu.dma_semaphore, #tpu.memory_space<semaphore_mem>>)
    } else {
    }
    %add3A = arith.constant 4 : i32
    %add3A_2 = arith.addi %arg0, %add3A : i32
    %sub3A = arith.constant 1 : i32
    %sub3A_3 = arith.subi %add3A_2, %sub3A : i32
    %lt3A = arith.constant 31 : i32
    %lt3A_4 = arith.cmpi slt, %sub3A_3, %lt3A : i32
    %convert_element_type3A_5 = arith.extui %lt3A_4 : i1 to i32
    %cond3A_6 = arith.constant 0 : i32
    %cond3A_7 = arith.cmpi ne, %convert_element_type3A_5, %cond3A_6 : i32
    scf.if %cond3A_7 {
      %add3A_70 = arith.constant 4 : i32
      %add3A_71 = arith.addi %arg0, %add3A_70 : i32
      %sub3A_72 = arith.constant 1 : i32
      %sub3A_73 = arith.subi %add3A_71, %sub3A_72 : i32
      %rem3A_74 = arith.constant 4 : i32
      %rem3A_75 = arith.remsi %sub3A_73, %rem3A_74 : i32
      %mul3A_76 = arith.constant 32256 : i32
      %mul3A_77 = arith.muli %sub3A_73, %mul3A_76 : i32
      %dma_start3A = arith.constant 0 : i32
      %dma_start3A_78 = tpu.memref_slice %arg6[%rem3A_75, %dma_start3A] : memref<4x4x!tpu.dma_semaphore, #tpu.memory_space<semaphore_mem>> -> memref<1x1x!tpu.dma_semaphore, #tpu.memory_space<semaphore_mem>>
      %dma_start3A_79 = tpu.memref_squeeze %dma_start3A_78 : memref<1x1x!tpu.dma_semaphore, #tpu.memory_space<semaphore_mem>> -> memref<!tpu.dma_semaphore, #tpu.memory_space<semaphore_mem>>
      %dma_start3A_80 = arith.constant 0 : i32
      %dma_start3A_81 = arith.constant 0 : i32
      %dma_start3A_82 = tpu.memref_slice %arg5[%rem3A_75, %dma_start3A_80, %dma_start3A_81] : memref<4x32x32256xf32, #tpu.memory_space<vmem>> -> memref<1x8x32256xf32, #tpu.memory_space<vmem>>
      %dma_start3A_83 = tpu.memref_squeeze %dma_start3A_82 : memref<1x8x32256xf32, #tpu.memory_space<vmem>> -> memref<8x32256xf32, #tpu.memory_space<vmem>>
      %dma_start3A_84 = arith.constant 0 : i32
      %dma_start3A_85 = tpu.memref_slice %arg3[%dma_start3A_84, %mul3A_77] : memref<32x1000000xf32, #tpu.memory_space<any>> -> memref<8x32256xf32, #tpu.memory_space<any>>
      tpu.enqueue_dma source(%dma_start3A_85 : memref<8x32256xf32, #tpu.memory_space<any>>) target(%dma_start3A_83 : memref<8x32256xf32, #tpu.memory_space<vmem>>) target_semaphore(%dma_start3A_79 : memref<!tpu.dma_semaphore, #tpu.memory_space<semaphore_mem>>)
      %mul3A_86 = arith.constant 32256 : i32
      %mul3A_87 = arith.muli %sub3A_73, %mul3A_86 : i32
      %dma_start3A_88 = arith.constant 1 : i32
      %dma_start3A_89 = tpu.memref_slice %arg6[%rem3A_75, %dma_start3A_88] : memref<4x4x!tpu.dma_semaphore, #tpu.memory_space<semaphore_mem>> -> memref<1x1x!tpu.dma_semaphore, #tpu.memory_space<semaphore_mem>>
      %dma_start3A_90 = tpu.memref_squeeze %dma_start3A_89 : memref<1x1x!tpu.dma_semaphore, #tpu.memory_space<semaphore_mem>> -> memref<!tpu.dma_semaphore, #tpu.memory_space<semaphore_mem>>
      %dma_start3A_91 = arith.constant 8 : i32
      %dma_start3A_92 = arith.constant 0 : i32
      %dma_start3A_93 = tpu.memref_slice %arg5[%rem3A_75, %dma_start3A_91, %dma_start3A_92] : memref<4x32x32256xf32, #tpu.memory_space<vmem>> -> memref<1x8x32256xf32, #tpu.memory_space<vmem>>
      %dma_start3A_94 = tpu.memref_squeeze %dma_start3A_93 : memref<1x8x32256xf32, #tpu.memory_space<vmem>> -> memref<8x32256xf32, #tpu.memory_space<vmem>>
      %dma_start3A_95 = arith.constant 8 : i32
      %dma_start3A_96 = tpu.memref_slice %arg3[%dma_start3A_95, %mul3A_87] : memref<32x1000000xf32, #tpu.memory_space<any>> -> memref<8x32256xf32, #tpu.memory_space<any>>
      tpu.enqueue_dma source(%dma_start3A_96 : memref<8x32256xf32, #tpu.memory_space<any>>) target(%dma_start3A_94 : memref<8x32256xf32, #tpu.memory_space<vmem>>) target_semaphore(%dma_start3A_90 : memref<!tpu.dma_semaphore, #tpu.memory_space<semaphore_mem>>)
      %mul3A_97 = arith.constant 32256 : i32
      %mul3A_98 = arith.muli %sub3A_73, %mul3A_97 : i32
      %dma_start3A_99 = arith.constant 2 : i32
      %dma_start3A_100 = tpu.memref_slice %arg6[%rem3A_75, %dma_start3A_99] : memref<4x4x!tpu.dma_semaphore, #tpu.memory_space<semaphore_mem>> -> memref<1x1x!tpu.dma_semaphore, #tpu.memory_space<semaphore_mem>>
      %dma_start3A_101 = tpu.memref_squeeze %dma_start3A_100 : memref<1x1x!tpu.dma_semaphore, #tpu.memory_space<semaphore_mem>> -> memref<!tpu.dma_semaphore, #tpu.memory_space<semaphore_mem>>
      %dma_start3A_102 = arith.constant 16 : i32
      %dma_start3A_103 = arith.constant 0 : i32
      %dma_start3A_104 = tpu.memref_slice %arg5[%rem3A_75, %dma_start3A_102, %dma_start3A_103] : memref<4x32x32256xf32, #tpu.memory_space<vmem>> -> memref<1x8x32256xf32, #tpu.memory_space<vmem>>
      %dma_start3A_105 = tpu.memref_squeeze %dma_start3A_104 : memref<1x8x32256xf32, #tpu.memory_space<vmem>> -> memref<8x32256xf32, #tpu.memory_space<vmem>>
      %dma_start3A_106 = arith.constant 16 : i32
      %dma_start3A_107 = tpu.memref_slice %arg3[%dma_start3A_106, %mul3A_98] : memref<32x1000000xf32, #tpu.memory_space<any>> -> memref<8x32256xf32, #tpu.memory_space<any>>
      tpu.enqueue_dma source(%dma_start3A_107 : memref<8x32256xf32, #tpu.memory_space<any>>) target(%dma_start3A_105 : memref<8x32256xf32, #tpu.memory_space<vmem>>) target_semaphore(%dma_start3A_101 : memref<!tpu.dma_semaphore, #tpu.memory_space<semaphore_mem>>)
      %mul3A_108 = arith.constant 32256 : i32
      %mul3A_109 = arith.muli %sub3A_73, %mul3A_108 : i32
      %dma_start3A_110 = arith.constant 3 : i32
      %dma_start3A_111 = tpu.memref_slice %arg6[%rem3A_75, %dma_start3A_110] : memref<4x4x!tpu.dma_semaphore, #tpu.memory_space<semaphore_mem>> -> memref<1x1x!tpu.dma_semaphore, #tpu.memory_space<semaphore_mem>>
      %dma_start3A_112 = tpu.memref_squeeze %dma_start3A_111 : memref<1x1x!tpu.dma_semaphore, #tpu.memory_space<semaphore_mem>> -> memref<!tpu.dma_semaphore, #tpu.memory_space<semaphore_mem>>
      %dma_start3A_113 = arith.constant 24 : i32
      %dma_start3A_114 = arith.constant 0 : i32
      %dma_start3A_115 = tpu.memref_slice %arg5[%rem3A_75, %dma_start3A_113, %dma_start3A_114] : memref<4x32x32256xf32, #tpu.memory_space<vmem>> -> memref<1x8x32256xf32, #tpu.memory_space<vmem>>
      %dma_start3A_116 = tpu.memref_squeeze %dma_start3A_115 : memref<1x8x32256xf32, #tpu.memory_space<vmem>> -> memref<8x32256xf32, #tpu.memory_space<vmem>>
      %dma_start3A_117 = arith.constant 24 : i32
      %dma_start3A_118 = tpu.memref_slice %arg3[%dma_start3A_117, %mul3A_109] : memref<32x1000000xf32, #tpu.memory_space<any>> -> memref<8x32256xf32, #tpu.memory_space<any>>
      tpu.enqueue_dma source(%dma_start3A_118 : memref<8x32256xf32, #tpu.memory_space<any>>) target(%dma_start3A_116 : memref<8x32256xf32, #tpu.memory_space<vmem>>) target_semaphore(%dma_start3A_112 : memref<!tpu.dma_semaphore, #tpu.memory_space<semaphore_mem>>)
    } else {
    }
    %rem3A = arith.constant 4 : i32
    %rem3A_8 = arith.remsi %arg0, %rem3A : i32
    %mul3A = arith.constant 32256 : i32
    %mul3A_9 = arith.muli %arg0, %mul3A : i32
    %dma_wait3A = arith.constant 0 : i32
    %dma_wait3A_10 = tpu.memref_slice %arg6[%rem3A_8, %dma_wait3A] : memref<4x4x!tpu.dma_semaphore, #tpu.memory_space<semaphore_mem>> -> memref<1x1x!tpu.dma_semaphore, #tpu.memory_space<semaphore_mem>>
    %dma_wait3A_11 = tpu.memref_squeeze %dma_wait3A_10 : memref<1x1x!tpu.dma_semaphore, #tpu.memory_space<semaphore_mem>> -> memref<!tpu.dma_semaphore, #tpu.memory_space<semaphore_mem>>
    %dma_wait3A_12 = arith.constant 0 : i32
    %dma_wait3A_13 = arith.constant 0 : i32
    %dma_wait3A_14 = tpu.memref_slice %arg5[%rem3A_8, %dma_wait3A_12, %dma_wait3A_13] : memref<4x32x32256xf32, #tpu.memory_space<vmem>> -> memref<1x8x32256xf32, #tpu.memory_space<vmem>>
    %dma_wait3A_15 = tpu.memref_squeeze %dma_wait3A_14 : memref<1x8x32256xf32, #tpu.memory_space<vmem>> -> memref<8x32256xf32, #tpu.memory_space<vmem>>
    %dma_wait3A_16 = arith.constant 0 : i32
    %dma_wait3A_17 = tpu.memref_slice %arg3[%dma_wait3A_16, %mul3A_9] : memref<32x1000000xf32, #tpu.memory_space<any>> -> memref<8x32256xf32, #tpu.memory_space<any>>
    tpu.wait_dma2 semaphore(%dma_wait3A_11 : memref<!tpu.dma_semaphore, #tpu.memory_space<semaphore_mem>>) src(%dma_wait3A_17 : memref<8x32256xf32, #tpu.memory_space<any>>) dst(%dma_wait3A_15 : memref<8x32256xf32, #tpu.memory_space<vmem>>)
    %mul3A_18 = arith.constant 32256 : i32
    %mul3A_19 = arith.muli %arg0, %mul3A_18 : i32
    %dma_wait3A_20 = arith.constant 1 : i32
    %dma_wait3A_21 = tpu.memref_slice %arg6[%rem3A_8, %dma_wait3A_20] : memref<4x4x!tpu.dma_semaphore, #tpu.memory_space<semaphore_mem>> -> memref<1x1x!tpu.dma_semaphore, #tpu.memory_space<semaphore_mem>>
    %dma_wait3A_22 = tpu.memref_squeeze %dma_wait3A_21 : memref<1x1x!tpu.dma_semaphore, #tpu.memory_space<semaphore_mem>> -> memref<!tpu.dma_semaphore, #tpu.memory_space<semaphore_mem>>
    %dma_wait3A_23 = arith.constant 8 : i32
    %dma_wait3A_24 = arith.constant 0 : i32
    %dma_wait3A_25 = tpu.memref_slice %arg5[%rem3A_8, %dma_wait3A_23, %dma_wait3A_24] : memref<4x32x32256xf32, #tpu.memory_space<vmem>> -> memref<1x8x32256xf32, #tpu.memory_space<vmem>>
    %dma_wait3A_26 = tpu.memref_squeeze %dma_wait3A_25 : memref<1x8x32256xf32, #tpu.memory_space<vmem>> -> memref<8x32256xf32, #tpu.memory_space<vmem>>
    %dma_wait3A_27 = arith.constant 8 : i32
    %dma_wait3A_28 = tpu.memref_slice %arg3[%dma_wait3A_27, %mul3A_19] : memref<32x1000000xf32, #tpu.memory_space<any>> -> memref<8x32256xf32, #tpu.memory_space<any>>
    tpu.wait_dma2 semaphore(%dma_wait3A_22 : memref<!tpu.dma_semaphore, #tpu.memory_space<semaphore_mem>>) src(%dma_wait3A_28 : memref<8x32256xf32, #tpu.memory_space<any>>) dst(%dma_wait3A_26 : memref<8x32256xf32, #tpu.memory_space<vmem>>)
    %mul3A_29 = arith.constant 32256 : i32
    %mul3A_30 = arith.muli %arg0, %mul3A_29 : i32
    %dma_wait3A_31 = arith.constant 2 : i32
    %dma_wait3A_32 = tpu.memref_slice %arg6[%rem3A_8, %dma_wait3A_31] : memref<4x4x!tpu.dma_semaphore, #tpu.memory_space<semaphore_mem>> -> memref<1x1x!tpu.dma_semaphore, #tpu.memory_space<semaphore_mem>>
    %dma_wait3A_33 = tpu.memref_squeeze %dma_wait3A_32 : memref<1x1x!tpu.dma_semaphore, #tpu.memory_space<semaphore_mem>> -> memref<!tpu.dma_semaphore, #tpu.memory_space<semaphore_mem>>
    %dma_wait3A_34 = arith.constant 16 : i32
    %dma_wait3A_35 = arith.constant 0 : i32
    %dma_wait3A_36 = tpu.memref_slice %arg5[%rem3A_8, %dma_wait3A_34, %dma_wait3A_35] : memref<4x32x32256xf32, #tpu.memory_space<vmem>> -> memref<1x8x32256xf32, #tpu.memory_space<vmem>>
    %dma_wait3A_37 = tpu.memref_squeeze %dma_wait3A_36 : memref<1x8x32256xf32, #tpu.memory_space<vmem>> -> memref<8x32256xf32, #tpu.memory_space<vmem>>
    %dma_wait3A_38 = arith.constant 16 : i32
    %dma_wait3A_39 = tpu.memref_slice %arg3[%dma_wait3A_38, %mul3A_30] : memref<32x1000000xf32, #tpu.memory_space<any>> -> memref<8x32256xf32, #tpu.memory_space<any>>
    tpu.wait_dma2 semaphore(%dma_wait3A_33 : memref<!tpu.dma_semaphore, #tpu.memory_space<semaphore_mem>>) src(%dma_wait3A_39 : memref<8x32256xf32, #tpu.memory_space<any>>) dst(%dma_wait3A_37 : memref<8x32256xf32, #tpu.memory_space<vmem>>)
    %mul3A_40 = arith.constant 32256 : i32
    %mul3A_41 = arith.muli %arg0, %mul3A_40 : i32
    %dma_wait3A_42 = arith.constant 3 : i32
    %dma_wait3A_43 = tpu.memref_slice %arg6[%rem3A_8, %dma_wait3A_42] : memref<4x4x!tpu.dma_semaphore, #tpu.memory_space<semaphore_mem>> -> memref<1x1x!tpu.dma_semaphore, #tpu.memory_space<semaphore_mem>>
    %dma_wait3A_44 = tpu.memref_squeeze %dma_wait3A_43 : memref<1x1x!tpu.dma_semaphore, #tpu.memory_space<semaphore_mem>> -> memref<!tpu.dma_semaphore, #tpu.memory_space<semaphore_mem>>
    %dma_wait3A_45 = arith.constant 24 : i32
    %dma_wait3A_46 = arith.constant 0 : i32
    %dma_wait3A_47 = tpu.memref_slice %arg5[%rem3A_8, %dma_wait3A_45, %dma_wait3A_46] : memref<4x32x32256xf32, #tpu.memory_space<vmem>> -> memref<1x8x32256xf32, #tpu.memory_space<vmem>>
    %dma_wait3A_48 = tpu.memref_squeeze %dma_wait3A_47 : memref<1x8x32256xf32, #tpu.memory_space<vmem>> -> memref<8x32256xf32, #tpu.memory_space<vmem>>
    %dma_wait3A_49 = arith.constant 24 : i32
    %dma_wait3A_50 = tpu.memref_slice %arg3[%dma_wait3A_49, %mul3A_41] : memref<32x1000000xf32, #tpu.memory_space<any>> -> memref<8x32256xf32, #tpu.memory_space<any>>
    tpu.wait_dma2 semaphore(%dma_wait3A_44 : memref<!tpu.dma_semaphore, #tpu.memory_space<semaphore_mem>>) src(%dma_wait3A_50 : memref<8x32256xf32, #tpu.memory_space<any>>) dst(%dma_wait3A_48 : memref<8x32256xf32, #tpu.memory_space<vmem>>)
    %get3A = arith.index_cast %rem3A_8 : i32 to index
    %get3A_51 = arith.constant 0 : index
    %get3A_52 = arith.constant 0 : index
    %get3A_53 = vector.load %arg5[%get3A, %get3A_51, %get3A_52] : memref<4x32x32256xf32, #tpu.memory_space<vmem>>, vector<1x32x32256xf32>
    %get3A_54 = vector.shape_cast %get3A_53 : vector<1x32x32256xf32> to vector<32x32256xf32>
    %get3A_55 = arith.constant 0 : index
    %get3A_56 = arith.constant 0 : index
    %get3A_57 = vector.load %arg1[%get3A_55, %get3A_56] : memref<32x1xf32, #tpu.memory_space<vmem>>, vector<32x1xf32>
    %mul3A_58 = vector.broadcast %get3A_57 : vector<32x1xf32> to vector<32x32256xf32>
    %mul3A_59 = arith.mulf %get3A_54, %mul3A_58 : vector<32x32256xf32>
    %reduce_sum3A = arith.constant dense<0.000000e+00> : vector<32256xf32>
    %reduce_sum3A_60 = vector.multi_reduction <add>, %mul3A_59, %reduce_sum3A [0] : vector<32x32256xf32> to vector<32256xf32>
    %get3A_61 = arith.constant 0 : index
    %get3A_62 = arith.constant 0 : index
    %get3A_63 = memref.load %arg2[%get3A_61, %get3A_62] : memref<1x1xf32, #tpu.memory_space<smem>>
    %add3A_64 = vector.broadcast %get3A_63 : f32 to vector<32256xf32>
    %add3A_65 = arith.addf %reduce_sum3A_60, %add3A_64 : vector<32256xf32>
    %rem3A_66 = arith.constant 8 : i32
    %rem3A_67 = arith.remsi %arg0, %rem3A_66 : i32
    %broadcast_in_dim3A = vector.shape_cast %add3A_65 : vector<32256xf32> to vector<1x32256xf32>
    %swap3A = arith.index_cast %rem3A_67 : i32 to index
    %swap3A_68 = arith.constant 0 : index
    %swap3A_69 = vector.load %arg4[%swap3A, %swap3A_68] : memref<8x32256xf32, #tpu.memory_space<vmem>>, vector<1x32256xf32>
    tpu.vector_store %arg4[%swap3A, %swap3A_68], %broadcast_in_dim3A {strides = array<i32>} : memref<8x32256xf32, #tpu.memory_space<vmem>>, vector<1x32256xf32>,
    return
  }
  func.func @transform_0(%arg0: i32) -> (i32, i32) {
    %c0_i32 = arith.constant 0 : i32
    %c0_i32_0 = arith.constant 0 : i32
    %c0_i32_1 = arith.constant 0 : i32
    return %c0_i32, %c0_i32_0 : i32, i32
  }
  func.func @transform_1(%arg0: i32) -> (i32, i32) {
    %c0_i32 = arith.constant 0 : i32
    %c0_i32_0 = arith.constant 0 : i32
    %c0_i32_1 = arith.constant 0 : i32
    return %c0_i32, %c0_i32_0 : i32, i32
  }
  func.func @transform_3(%arg0: i32) -> (i32, i32) {
    %jit3A = arith.constant 8 : i32
    %div3A = arith.divsi %arg0, %jit3A : i32
    %sign3A = arith.constant 0 : i32
    %sign3A_0 = arith.cmpi sgt, %arg0, %sign3A : i32
    %sign3A_1 = arith.extui %sign3A_0 : i1 to i32
    %sign3A_2 = arith.constant 0 : i32
    %sign3A_3 = arith.cmpi slt, %arg0, %sign3A_2 : i32
    %sign3A_4 = arith.extui %sign3A_3 : i1 to i32
    %sign3A_5 = arith.subi %sign3A_1, %sign3A_4 : i32
    %sign3A_6 = arith.constant 0 : i32
    %sign3A_7 = arith.cmpi sgt, %jit3A, %sign3A_6 : i32
    %sign3A_8 = arith.extui %sign3A_7 : i1 to i32
    %sign3A_9 = arith.constant 0 : i32
    %sign3A_10 = arith.cmpi slt, %jit3A, %sign3A_9 : i32
    %sign3A_11 = arith.extui %sign3A_10 : i1 to i32
    %sign3A_12 = arith.subi %sign3A_8, %sign3A_11 : i32
    %ne3A = arith.cmpi ne, %sign3A_5, %sign3A_12 : i32
    %rem3A = arith.remsi %arg0, %jit3A : i32
    %ne3A_13 = arith.constant 0 : i32
    %ne3A_14 = arith.cmpi ne, %rem3A, %ne3A_13 : i32
    %and3A = arith.andi %ne3A, %ne3A_14 : i1
    %sub3A = arith.constant 1 : i32
    %sub3A_15 = arith.subi %div3A, %sub3A : i32
    %select_n3A = arith.select %and3A, %sub3A_15, %div3A : i32
    %c0_i32 = arith.constant 0 : i32
    %c0_i32_16 = arith.constant 0 : i32
    return %select_n3A, %c0_i32 : i32, i32
  }
}

</mosaic_0001>

<sc_bundles>
// kernel: kernel.4.cloned.1.call-start
scs
__scs_entry_jumppad:
0x0: {  	(pc) =	sbr.rel $0x88, $3  }
0x1: {  	(tag) =	ssettag $0x0;
	lr =	simm.s32 $0x1  }
0x2: {  	[smem:$0x3F9D] =	sst lr;
	_ =	strace $0xD0000000  }
0x3: {  	_ = 	snop  }
0x4: {  	_ = 	snop  }
0x5: {  	_ = 	snop  }
0x6: {  	_ = 	snop  }
0x7: {  	_ = 	snop  }
__scs_overlays_trampoline_lowered:
0x8: {  	[smem:$0x3FAC] =	sst s0  }
0x9: {  	[smem:$0x3FAD] =	sst s1  }
0xa: {  	[smem:$0x3FAE] =	sst s2  }
0xb: {  	[smem:$0x3FAF] =	sst s3  }
0xc: {  	[smem:$0x3FB0] =	sst s4  }
0xd: {  	[smem:$0x3FB1] =	sst s5  }
0xe: {  	[smem:$0x3FB2] =	sst s6  }
0xf: {  	[smem:$0x3FB3] =	sst s7  }
0x10: {  	[smem:$0x3FB4] =	sst s8  }
0x11: {  	[smem:$0x3FB5] =	sst s9;
	s0 =	simm.s32 @!p0 $0x0  }
0x12: {  	s1 =	sld [smem:$0x3F9B];
	s0 =	simm.s32 @p0 $0x1  }
0x13: {  	[smem:$0x3FB6] =	sst s0;
	s0 =	simm.s32 @!p1 $0x0  }
0x14: {  	s2 =	sld [smem:$0x3F9A];
	s0 =	simm.s32 @p1 $0x1  }
0x15: {  	[smem:$0x3FB7] =	sst s0;
	s0 =	simm.s32 @!p2 $0x0  }
0x16: {  	s3 =	sld [smem:$0x3FDB];
	s0 =	simm.s32 @p2 $0x1  }
0x17: {  	s4 =	simm.s32 $0x1BF5;
	[smem:$0x3FB9] =	sst s0  }
0x18: {  	s0 =	sld [smem:$0x3F9C];
	_ =	swait.ge [sflag:s4], $0x0  }
0x19: {  	s7 =	sld [smem:$0x3F9D]  }
0x1a: {  	s8 =	sadd.s32 $0xFFFFE003, lr  }
0x1b: {  	s9 =	sadd.s32 $0xFFFFFEF7, lr;
	s5 =	simm.s32 $0xFFFFFFFF;
	p2 =	slt.u32 s8, $0xFFFFF086  }
0x1c: {  	p1 =	slt.u32 s9, $0xF7A;
	s5 =	simm.s32 @!p2 $0x0  }
0x1d: {  	s5 =	simm.s32 @p1 $0x1;
	p0 =	seq.s32 s7, s2  }
0x1e: {  	s7 =	smul.u32 @!p0 $0xF7A, s2;
	p2 =	seq.s32 @!p0 s5, $0x0  }
0x1f: {  	s9 =	smul.u32 $0xF7A, s1;
	s8 =	simm.s32 @!p0 $0x1BF5;
	p2 =	por !p2, p0  }
0x20: {  	[sflag:s8] =	ssyncset.s32 @!p0 $0xFFFFF086;
	s6 =	sadd.s32 @!p0 s3, s7;
	s7 =	simm.s32 @!p0 $0x108  }
0x21: {  	s3 =	sadd.s32 s3, s9;
	s6 =	sadd.s32 @!p0 $0x88, s6;
	s7 =	simm.s32 @p2 $0x1082  }
0x22: {  	[simem:s7], [sflag:s8] =	dma.local @!p0 [hbm:s6], $0xF7A  }
0x23: {  	s9 =	sor.u32 $0xD0000000, s2;
	s6 =	simm.s32 $0x108;
	_ =	swait.ge @!p0 [sflag:s8], $0x0  }
0x24: {  	s3 =	sadd.s32 $0x88, s3;
	s6 =	simm.s32 @!p1 $0x1082;
	[sflag:s4] =	ssyncset.s32 $0xFFFFF086  }
0x25: {  	[simem:s6], [sflag:s4] =	dma.local [hbm:s3], $0xF7A  }
0x26: {  	[smem:$0x3F9D] =	sst s1;
	(tag) =	ssettag s2;
	_ =	strace s9  }
0x27: {  	s1 =	sld [smem:$0x3FAD]  }
0x28: {  	s2 =	sld [smem:$0x3FAE]  }
0x29: {  	s4 =	sld [smem:$0x3FB0]  }
0x2a: {  	p0 =	seq.s32 s5, $0x0;
	s5 =	sld [smem:$0x3FB1]  }
0x2b: {  	s6 =	sld [smem:$0x3FB2]  }
0x2c: {  	s7 =	sld [smem:$0x3FB3]  }
0x2d: {  	s3 =	simm.s32 $0x108;
	s8 =	sld [smem:$0x3FB4]  }
0x2e: {  	s3 =	simm.s32 @!p0 $0x1082;
	s9 =	sld [smem:$0x3FB5]  }
0x2f: {  	lr =	sadd.s32 s0, s3;
	s0 =	sld [smem:$0x3FAC]  }
0x30: {  	s3 =	sld [smem:$0x3FAF]  }
0x31: {  	[smem:$0x3FB8] =	sst s10  }
0x32: {  	s10 =	sld [smem:$0x3FB6];
	_ =	sdelay $0x3  }
0x33: {  	p0 =	seq.s32 s10, $0x1;
	s10 =	sld [smem:$0x3FB8];
	_ =	sdelay $0x3  }
0x34: {  	[smem:$0x3FB8] =	sst s10  }
0x35: {  	s10 =	sld [smem:$0x3FB7];
	_ =	sdelay $0x3  }
0x36: {  	p1 =	seq.s32 s10, $0x1;
	s10 =	sld [smem:$0x3FB8];
	_ =	sdelay $0x3  }
0x37: {  	[smem:$0x3FB8] =	sst s10  }
0x38: {  	s10 =	sld [smem:$0x3FB9]  }
0x39: {  	_ = 	snop;
	(pc) =	sbr.ind lr, $3  }
0x3a: {  	_ = 	snop  }
0x3b: {  	_ = 	snop  }
0x3c: {  	p2 =	seq.s32 s10, $0x1;
	s10 =	sld [smem:$0x3FB8]  }
0x3d: {  	_ =	shalt  }
0x3e: {  	_ =	shalt  }
0x3f: {  	_ =	shalt  }
0x40: {  	_ =	shalt  }
0x41: {  	_ =	shalt  }
0x42: {  	_ =	shalt  }
0x43: {  	_ =	shalt  }
0x44: {  	_ =	shalt  }
0x45: {  	_ =	shalt  }
0x46: {  	_ =	shalt  }
0x47: {  	_ =	shalt  }
0x48: {  	_ =	shalt  }
0x49: {  	_ =	shalt  }
0x4a: {  	_ =	shalt  }
0x4b: {  	_ =	shalt  }
0x4c: {  	_ =	shalt  }
0x4d: {  	_ =	shalt  }
0x4e: {  	_ =	shalt  }
0x4f: {  	_ =	shalt  }
0x50: {  	_ =	shalt  }
0x51: {  	_ =	shalt  }
0x52: {  	_ =	shalt  }
0x53: {  	_ =	shalt  }
0x54: {  	_ =	shalt  }
0x55: {  	_ =	shalt  }
0x56: {  	_ =	shalt  }
0x57: {  	_ =	shalt  }
0x58: {  	_ =	shalt  }
0x59: {  	_ =	shalt  }
0x5a: {  	_ =	shalt  }
0x5b: {  	_ =	shalt  }
0x5c: {  	_ =	shalt  }
0x5d: {  	_ =	shalt  }
0x5e: {  	_ =	shalt  }
0x5f: {  	_ =	shalt  }
0x60: {  	_ =	shalt  }
0x61: {  	_ =	shalt  }
0x62: {  	_ =	shalt  }
0x63: {  	_ =	shalt  }
0x64: {  	_ =	shalt  }
0x65: {  	_ =	shalt  }
0x66: {  	_ =	shalt  }
0x67: {  	_ =	shalt  }
0x68: {  	_ =	shalt  }
0x69: {  	_ =	shalt  }
0x6a: {  	_ =	shalt  }
0x6b: {  	_ =	shalt  }
0x6c: {  	_ =	shalt  }
0x6d: {  	_ =	shalt  }
0x6e: {  	_ =	shalt  }
0x6f: {  	_ =	shalt  }
0x70: {  	_ =	shalt  }
0x71: {  	_ =	shalt  }
0x72: {  	_ =	shalt  }
0x73: {  	_ =	shalt  }
0x74: {  	_ =	shalt  }
0x75: {  	_ =	shalt  }
0x76: {  	_ =	shalt  }
0x77: {  	_ =	shalt  }
0x78: {  	_ =	shalt  }
0x79: {  	_ =	shalt  }
0x7a: {  	_ =	shalt  }
0x7b: {  	_ =	shalt  }
0x7c: {  	_ =	shalt  }
0x7d: {  	_ =	shalt  }
0x7e: {  	_ =	shalt  }
0x7f: {  	_ =	shalt  }
0x80: {  	_ =	shalt  }
0x81: {  	_ =	shalt  }
0x82: {  	_ =	shalt  }
0x83: {  	_ =	shalt  }
0x84: {  	_ =	shalt  }
0x85: {  	_ =	shalt  }
0x86: {  	_ =	shalt  }
0x87: {  	_ =	shalt  }
.Lfunc_end0:
.L_simem_size_0:
called_computation_lowered:
.L_overlay_start_0:
0x88: {  	s2 =	sld [smem:$0x3FD9]  }
0x89: {  	s3 =	sld [smem:$0x3FFE];
	_ =	sdelay $0x1  }
0x8a: {  	s1 =	srdreg.scid  }
0x8b: {  	s0 =	sand.u32 $0x1, s1  }
0x8c: {  	s17 =	sshll.u32 s0, $0xA;
	s2 =	sadd.s32 s3, s2  }
0x8d: {  	s2 =	sadd.s32 s2, s17  }
0x8e: {  	[smem:$0x3FC4] =	sst s2  }
0x8f: {  	_ = 	snop  }
0x90: {  	s2 =	sld [smem:$0x3FD0];
	(tm) =	ssettm $0x1  }
0x91: {  	s18 =	sld [smem:$0x3FFB];
	_ =	sdelay $0x3  }
0x92: {  	_ =	strace s18  }
0x93: {  	s3 =	sld [smem:$0x3FFC];
	_ =	sdelay $0x3  }
0x94: {  	_ =	strace s3  }
0x95: {  	s3 =	sld [smem:$0x3FFD];
	_ =	sdelay $0x3  }
0x96: {  	_ =	strace s3  }
0x97: {  	_ =	strace $0x8FFFFFFF  }
0x98: {  	s19 =	sld [smem:$0x3FDB];
	_ =	sdelay $0x1  }
0x99: {  	s4 =	simm.s32 $_scs_section_size  }
0x9a: {  	s5 =	simm.s32 $_size__tile_overlayer_lowered;
	s6 =	simm.s32 $_tile_overlayer_lowered  }
0x9b: {  	s22 =	simm.s32 $0x1BFF;
	s21 =	sshll.u32 s6, $0x1;
	s3 =	sadd.s32 s4, s19  }
0x9c: {  	s7 =	simm.s32 $0x0;
	s20 =	sshll.u32 s5, $0x1;
	s5 =	sadd.s32 s21, s3  }
0x9d: {  	[timem:s7], [sflag:s22] =	dma.local [hbm:s5], s20  }
0x9e: {  	_ =	swait.ge [sflag:s22], s20  }
0x9f: {  	s4 =	ssub.s32 $0x0, s20;
	[sflag:s22] =	ssyncset.done $0x0  }
0xa0: {  	[sflag:s22] =	ssyncadd.s32 s4;
	_ =	sdelay $0x1  }
0xa1: {  	s23 =	simm.s32 $0x1B8B  }
0xa2: {  	_ =	swait.ge [sflag:s23], $0x1  }
0xa3: {  	[sflag:s23] =	ssyncset.done $0x0  }
0xa4: {  	s25 =	simm.s32 $0x1B8E;
	s24 =	sld [smem:$0x3FFE];
	[sflag:s23] =	ssyncadd.s32 $0xFFFFFFFF  }
0xa5: {  	s26 =	simm.s32 $execute0_lowered;
	[smem:$0x3FD2] =	sst s25  }
0xa6: {  	s5 =	sshll.u32 s26, $0x1;
	_ =	strace $0x80000046;
	[dreg:$0x1] =	wrdreg $0xFFFFFFFF  }
0xa7: {  	s28 =	simm.s32 $_size_execute0_lowered;
	s3 =	sadd.s32 s3, s5;
	[dreg:$0x0] =	wrdreg $0x0  }
0xa8: {  	s5 =	sshll.u32 s28, $0x1;
	[dreg:$0x2] =	wrdreg s3  }
0xa9: {  	[dreg:$0x3] =	wrdreg s5  }
0xaa: {  	[dreg:$0x4] =	wrdreg $0xC0  }
0xab: {  	_ =	task [dreg:s7], $0x5FFFF  }
0xac: {  	[dreg:$0x1] =	wrdreg $0xFFFFFFFF  }
0xad: {  	[dreg:$0x0] =	wrdreg $0x60  }
0xae: {  	[dreg:$0x2] =	wrdreg s24  }
0xaf: {  	[dreg:$0x3] =	wrdreg s2  }
0xb0: {  	[dreg:$0x4] =	wrdreg $0x9  }
0xb1: {  	_ =	task.clear_ibuf [dreg:s7], $0x5FFFF;
	_ =	strace $0x90000046  }
0xb2: {  	s29 =	simm.s32 $0x9;
	_ =	strace $0x80000048  }
0xb3: {  	_ =	swait.ge [sflag:s29], $0x1  }
0xb4: {  	[sflag:s29] =	ssyncadd.s32 $0xFFFFFFFF  }
0xb5: {  	_ =	strace $0x90000048  }
0xb6: {  	_ =	sfence  }
0xb7: {  	s30 =	sld [smem:$0x0];
	_ =	sdelay $0x2  }
0xb8: {  	s31 =	sshll.u32 s1, $0xD;
	s1 =	sshrl.u32 s1, $0x2  }
0xb9: {  	s3 =	sand.u32 $0x4000, s31;
	s1 =	sadd.s32 s1, s30  }
0xba: {  	s0 =	sor.u32 s3, s0;
	s1 =	sshll.u32 s1, $0x11  }
0xbb: {  	s0 =	sor.u32 s1, s0  }
0xbc: {  	s0 =	sadd.s32 $0x8F2B, s0  }
0xbd: {  	[sflag:s0] =	ssyncadd.remote.s32 $0x1  }
0xbe: {  	_ =	sfence.sel $0xFFFF  }
0xbf: {  	[dreg:$0x0] =	wrdreg $0xFFFFFFFF;
	(pc) =	sbr.abs _section_cstart, $3  }
0xc0: {  	[dreg:$0x1] =	wrdreg $0xFFFFFFFF  }
0xc1: {  	_ =	task.clear_ibuf [dreg:s7], $0x2FFFF;
	_ =	strace $0x9FFFFFFF  }
0xc2: {  	(tm) =	ssettm $0x7FFFFFFF  }
0xc3: {  	_ =	shalt  }
tec
execute0_lowered:
.L_overlay_start_1:
0x0: {  	(tag) =	ssettag $0x1  }
0x1: {  	s0 =	srdreg.scid;
	s2 =	stileid.u32  }
0x2: {  	s0 =	sand.u32 $0x1, s0;
	s2 =	sshll.u32 s2, $0x1  }
0x3: {  	s5 =	sor.u32 s0, s2  }
0x4: {  	s1 =	rddreg [dreg:$0x0];
	s3 =	smul.u32 $0x19000, s5  }
0x5: {  	s4 =	rddreg [dreg:$0x1];
	s2 =	simm.s32 $0x0  }
0x6: {  	[smem:$0x7FF] =	sst s2;
	s24 =	sshll.u32 s5, $0x6;
	s3 =	sshrl.u32 s3, $0x3  }
0x7: {  	s7 =	sadd.s32 s3, s1;
	s3 =	sadd.s32 $0x64600, s1;
	s1 =	sadd.s32 s4, s24  }
0x8: {  	_ =	strace $0x80000047;
	s10 =	sadd.s32 $0x600, s7;
	[dreg:$0x13] =	wrdreg s1  }
0x9: {  	s28 =	simm.s32 $0x1;
	s11 =	sadd.s32 $0x920, s7;
	[dreg:$0x3] =	wrdreg s10  }
0xa: {  	s29 =	simm.s32 $0x9600;
	s12 =	sadd.s32 $0xC40, s7;
	[dreg:$0x4] =	wrdreg s11  }
0xb: {  	s30 =	simm.s32 $0x2;
	s13 =	sadd.s32 $0xF60, s7;
	[dreg:$0x5] =	wrdreg s12  }
0xc: {  	s31 =	simm.s32 $0xAF00;
	s14 =	sadd.s32 $0x1280, s7;
	[dreg:$0x6] =	wrdreg s13  }
0xd: {  	s8 =	simm.s32 $0x7;
	s15 =	sadd.s32 $0x15A0, s7;
	[dreg:$0x7] =	wrdreg s14  }
0xe: {  	s9 =	simm.s32 $0x6;
	s16 =	sadd.s32 $0x18C0, s7;
	[dreg:$0x8] =	wrdreg s15  }
0xf: {  	s0 =	ssub.s32 $0x2, s0;
	s17 =	sadd.s32 $0x1BE0, s7;
	[dreg:$0x9] =	wrdreg s16  }
0x10: {  	s6 =	sshrl.u32 s0, $0x1;
	s18 =	sadd.s32 $0x1F00, s7;
	[dreg:$0xa] =	wrdreg s17  }
0x11: {  	s5 =	simm.s32 $0xE100;
	s19 =	sadd.s32 $0x2220, s7;
	[dreg:$0xb] =	wrdreg s18  }
0x12: {  	s0 =	ssub.s32 s0, s6;
	s20 =	sadd.s32 $0x2540, s7;
	[dreg:$0xc] =	wrdreg s19  }
0x13: {  	s6 =	simm.s32 $0x5;
	s21 =	sadd.s32 $0x2860, s7;
	[dreg:$0xd] =	wrdreg s20  }
0x14: {  	s24 =	simm.s32 $0x4B00;
	s22 =	sadd.s32 $0x2B80, s7;
	[dreg:$0xe] =	wrdreg s21  }
0x15: {  	s4 =	simm.s32 $0x4;
	s23 =	sadd.s32 $0x2EA0, s7;
	[dreg:$0xf] =	wrdreg s22  }
0x16: {  	s25 =	sadd.s32 $0x31C0, s7;
	s26 =	sadd.s32 $0x34E0, s7;
	[dreg:$0x10] =	wrdreg s23  }
0x17: {  	s1 =	simm.s32 $0x3;
	s7 =	simm.s32 $0xFA00;
	[dreg:$0x11] =	wrdreg s25  }
0x18: {  	[dreg:$0x12] =	wrdreg s26;
	s21 =	smax.u32 s0, $0x1;
	s22 =	simm.s32 $0x1900  }
0x19: {  	s23 =	simm.s32 $0x3200;
	s25 =	simm.s32 $0x6400;
	s26 =	simm.s32 $0x7D00  }
0x1a: {  	v0 =	vlaneseq.u32;
	s0 =	simm.s32 $0xC800;
	s10 =	simm.s32 $0x11300;
	s11 =	simm.s32 $0x8  }
0x1b: {  	v0 =	vmul.u32 $0xC8, v0;
	s12 =	simm.s32 $0x9;
	s13 =	simm.s32 $0xA;
	s14 =	simm.s32 $0xB  }
0x1c: {  	s15 =	simm.s32 $0xC;
	s16 =	simm.s32 $0xD;
	s17 =	simm.s32 $0x0  }
.LBB2_1:
0x1d: {  	s18 =	rddreg [dreg:$0x3]  }
0x1e: {  	[tilespmem:s2], [sflag:$0x1] =	stream.linear.gather [hbm4b:s18+s2], $0x1900, $0x38;
	[tilespmem:$0x12E00] =	vst v63  }
0x1f: {  	s19 =	rddreg [dreg:$0x4]  }
0x20: {  	[tilespmem:s22], [sflag:$0x2] =	stream.linear.gather [hbm4b:s19+s2], $0x1900, $0x38;
	[tilespmem:$0x12E00] =	vst v63  }
0x21: {  	s20 =	rddreg [dreg:$0x5]  }
0x22: {  	[tilespmem:s23], [sflag:$0x3] =	stream.linear.gather [hbm4b:s20+s2], $0x1900, $0x38;
	[tilespmem:$0x12E00] =	vst v63  }
0x23: {  	s19 =	rddreg [dreg:$0x6]  }
0x24: {  	[tilespmem:s24], [sflag:$0x4] =	stream.linear.gather [hbm4b:s19+s2], $0x1900, $0x38;
	[tilespmem:$0x12E00] =	vst v63  }
0x25: {  	s20 =	rddreg [dreg:$0x7]  }
0x26: {  	[tilespmem:s25], [sflag:$0x5] =	stream.linear.gather [hbm4b:s20+s2], $0x1900, $0x38;
	[tilespmem:$0x12E00] =	vst v63  }
0x27: {  	s19 =	rddreg [dreg:$0x8]  }
0x28: {  	[tilespmem:s26], [sflag:$0x6] =	stream.linear.gather [hbm4b:s19+s2], $0x1900, $0x38;
	[tilespmem:$0x12E00] =	vst v63  }
0x29: {  	_ =	swait.ge [sflag:s28], $0x1900  }
0x2a: {  	[sflag:s28] =	ssyncset.done $0x0  }
0x2b: {  	[sflag:s28] =	ssyncadd.s32 $0xFFFFE700  }
0x2c: {  	[tilespmem:s29], [sflag:$0x7] =	stream.indirect.gather [hbm4b:s3+s22], $0x1, s2, s22, $0xb8;
	[tilespmem:$0x12E00] =	vst v63  }
0x2d: {  	_ =	swait.ge [sflag:s30], $0x1900  }
0x2e: {  	[sflag:s30] =	ssyncset.done $0x0  }
0x2f: {  	[sflag:s30] =	ssyncadd.s32 $0xFFFFE700  }
0x30: {  	[tilespmem:s31], [sflag:$0x8] =	stream.indirect.gather [hbm4b:s3+s22], $0x1, s22, s22, $0xb8;
	[tilespmem:$0x12E00] =	vst v63  }
0x31: {  	_ =	swait.ge [sflag:s1], $0x1900  }
0x32: {  	[sflag:s1] =	ssyncset.done $0x0  }
0x33: {  	[sflag:s1] =	ssyncadd.s32 $0xFFFFE700  }
0x34: {  	[tilespmem:s0], [sflag:$0x9] =	stream.indirect.gather [hbm4b:s3+s22], $0x1, s23, s22, $0xb8;
	[tilespmem:$0x12E00] =	vst v63  }
0x35: {  	_ =	swait.ge [sflag:s4], $0x1900  }
0x36: {  	[sflag:s4] =	ssyncset.done $0x0  }
0x37: {  	[sflag:s4] =	ssyncadd.s32 $0xFFFFE700  }
0x38: {  	[tilespmem:s5], [sflag:$0xA] =	stream.indirect.gather [hbm4b:s3+s22], $0x1, s24, s22, $0xb8;
	[tilespmem:$0x12E00] =	vst v63  }
0x39: {  	_ =	swait.ge [sflag:s6], $0x1900  }
0x3a: {  	[sflag:s6] =	ssyncset.done $0x0  }
0x3b: {  	[sflag:s6] =	ssyncadd.s32 $0xFFFFE700  }
0x3c: {  	[tilespmem:s7], [sflag:$0xB] =	stream.indirect.gather [hbm4b:s3+s22], $0x1, s25, s22, $0xb8;
	[tilespmem:$0x12E00] =	vst v63  }
0x3d: {  	_ =	swait.ge [sflag:s8], $0x1900  }
0x3e: {  	[sflag:s8] =	ssyncset.done $0x0  }
0x3f: {  	[sflag:s8] =	ssyncadd.s32 $0xFFFFE700  }
0x40: {  	_ =	swait.ge [sflag:s9], $0x1900  }
0x41: {  	s19 =	simm.s32 $0xC80;
	[sflag:s9] =	ssyncset.done $0x0  }
0x42: {  	v2 =	vadd.s32 s19, v0;
	s19 =	simm.s32 $0xC81;
	[sflag:s9] =	ssyncadd.s32 $0xFFFFE700  }
0x43: {  	v1 =	vadd.s32 s2, v0;
	[tilespmem:s10], [sflag:$0xC] =	stream.indirect.gather [hbm4b:s3+s22], $0x1, s26, s22, $0xb8;
	[tilespmem:$0x12E00] =	vst v63  }
0x44: {  	v4 =	vadd.s32 s19, v0;
	s19 =	simm.s32 $0xC82;
	s20 =	rddreg [dreg:$0x9]  }
0x45: {  	[tilespmem:s2], [sflag:$0x1] =	stream.linear.gather [hbm4b:s20+s2], $0x1900, $0x38;
	[tilespmem:$0x12E00] =	vst v63  }
0x46: {  	v6 =	vadd.s32 s19, v0;
	s20 =	simm.s32 $0x1  }
0x47: {  	v3 =	vadd.s32 s20, v0;
	s20 =	simm.s32 $0x2  }
0x48: {  	s19 =	simm.s32 $0xC83;
	v1 =	vld.idx.msk [tilespmem:v1+s29+$0x0], $0xffff;
	v5 =	vadd.s32 s20, v0;
	s20 =	simm.s32 $0x3  }
0x49: {  	v8 =	vadd.s32 s19, v0;
	v7 =	vld.idx.msk [tilespmem:v2+s29+$0x0], $0xffff;
	v2 =	vadd.s32 s20, v0;
	s20 =	simm.s32 $0x4  }
0x4a: {  	v10 =	vld.idx.msk [tilespmem:v4+s29+$0x0], $0xffff;
	v9 =	vadd.s32 s20, v0  }
0x4b: {  	v6 =	vld.idx.msk [tilespmem:v6+s29+$0x0], $0xffff;
	s20 =	simm.s32 $0x5  }
0x4c: {  	s19 =	simm.s32 $0xC84;
	v13 =	vadd.s32 s20, v0;
	v3 =	vld.idx.msk [tilespmem:v3+s29+$0x0], $0xffff  }
0x4d: {  	v4 =	vimm.f32 $0.0e+00;
	v12 =	vld.idx.msk [tilespmem:v5+s29+$0x0], $0xffff;
	v5 =	vadd.s32 s19, v0;
	s19 =	simm.s32 $0xC85  }
0x4e: {  	s20 =	simm.s32 $0x6;
	v11 =	vadd.f32 v1, v4;
	v7 =	vadd.f32 v7, v4;
	v4 =	vld.idx.msk [tilespmem:v8+s29+$0x0], $0xffff;
	v14 =	vadd.s32 s19, v0  }
0x4f: {  	s18 =	simm.s32 $0xC86;
	v1 =	vld.idx.msk [tilespmem:v9+s29+$0x0], $0xffff;
	v9 =	vadd.s32 s20, v0  }
0x50: {  	v2 =	vld.idx.msk [tilespmem:v2+s29+$0x0], $0xffff;
	s19 =	simm.s32 $0x7;
	v16 =	vadd.f32 v10, v7;
	v10 =	vadd.s32 s18, v0  }
0x51: {  	s20 =	simm.s32 $0xC87;
	v15 =	vadd.f32 v3, v11;
	v11 =	vadd.s32 s19, v0;
	v3 =	vld.idx.msk [tilespmem:v13+s29+$0x0], $0xffff  }
0x52: {  	s18 =	simm.s32 $0x8;
	v8 =	vadd.s32 s20, v0;
	v5 =	vld.idx.msk [tilespmem:v5+s29+$0x0], $0xffff  }
0x53: {  	v7 =	vadd.s32 s18, v0;
	s20 =	simm.s32 $0xC88;
	s19 =	simm.s32 $0x10;
	v13 =	vadd.f32 v12, v15;
	v12 =	vadd.f32 v6, v16;
	v6 =	vld.idx.msk [tilespmem:v14+s29+$0x0], $0xffff  }
.LBB2_2:
0x54: {  	p0 =	sne.s32 s19, $0xC0;
	v14 =	vadd.s32 s20, v0;
	s20 =	sadd.s32 $0x1, s18;
	v9 =	vld.idx.msk [tilespmem:v9+s29+$0x0], $0xffff  }
0x55: {  	v15 =	vadd.s32 s20, v0;
	s20 =	sadd.s32 $0xC81, s18;
	v2 =	vadd.f32 v2, v13;
	v4 =	vadd.f32 v4, v12;
	v10 =	vld.idx.msk [tilespmem:v10+s29+$0x0], $0xffff  }
0x56: {  	v12 =	vadd.s32 s20, v0;
	s20 =	sadd.s32 $0x2, s18;
	v11 =	vld.idx.msk [tilespmem:v11+s29+$0x0], $0xffff  }
0x57: {  	v13 =	vadd.s32 s20, v0;
	s20 =	sadd.s32 $0xC82, s18;
	v1 =	vadd.f32 v1, v2;
	v2 =	vadd.f32 v5, v4;
	v4 =	vld.idx.msk [tilespmem:v8+s29+$0x0], $0xffff  }
0x58: {  	v5 =	vld.idx.msk [tilespmem:v7+s29+$0x0], $0xffff;
	v7 =	vadd.s32 s20, v0;
	s20 =	sadd.s32 $0x3, s18  }
0x59: {  	v8 =	vld.idx.msk [tilespmem:v14+s29+$0x0], $0xffff;
	v14 =	vadd.s32 s20, v0;
	s20 =	sadd.s32 $0xC83, s18;
	v1 =	vadd.f32 v3, v1;
	v2 =	vadd.f32 v6, v2  }
0x5a: {  	v3 =	vld.idx.msk [tilespmem:v15+s29+$0x0], $0xffff;
	v6 =	vadd.s32 s20, v0;
	s20 =	sadd.s32 $0x4, s18  }
0x5b: {  	v12 =	vld.idx.msk [tilespmem:v12+s29+$0x0], $0xffff;
	v15 =	vadd.s32 s20, v0;
	s20 =	sadd.s32 $0xC84, s18;
	v1 =	vadd.f32 v9, v1;
	v2 =	vadd.f32 v10, v2  }
0x5c: {  	v13 =	vld.idx.msk [tilespmem:v13+s29+$0x0], $0xffff;
	v16 =	vadd.s32 s20, v0;
	s20 =	sadd.s32 $0x5, s18  }
0x5d: {  	v17 =	vld.idx.msk [tilespmem:v7+s29+$0x0], $0xffff;
	v7 =	vadd.s32 s20, v0;
	s20 =	sadd.s32 $0xC85, s18;
	v1 =	vadd.f32 v11, v1;
	v4 =	vadd.f32 v4, v2  }
0x5e: {  	v2 =	vld.idx.msk [tilespmem:v14+s29+$0x0], $0xffff;
	v14 =	vadd.s32 s20, v0;
	s20 =	sadd.s32 $0x6, s18  }
.Ltmp0:
0x5f: {  	v5 =	vadd.f32 v5, v1;
	v8 =	vadd.f32 v8, v4;
	v4 =	vld.idx.msk [tilespmem:v6+s29+$0x0], $0xffff;
	v9 =	vadd.s32 s20, v0;
	s20 =	sadd.s32 $0xC86, s18;
	(pc) =	sbr.rel @p0 .LBB2_2-.Ltmp0, $4  }
0x60: {  	v1 =	vld.idx.msk [tilespmem:v15+s29+$0x0], $0xffff;
	v10 =	vadd.s32 s20, v0;
	s20 =	sadd.s32 $0x7, s18  }
0x61: {  	v6 =	vadd.f32 v3, v5;
	v12 =	vadd.f32 v12, v8;
	v5 =	vld.idx.msk [tilespmem:v16+s29+$0x0], $0xffff;
	v11 =	vadd.s32 s20, v0;
	s20 =	sadd.s32 $0xC87, s18;
	s18 =	smov.u32 s19  }
0x62: {  	v3 =	vld.idx.msk [tilespmem:v7+s29+$0x0], $0xffff;
	v8 =	vadd.s32 s20, v0  }
0x63: {  	s19 =	sadd.s32 $0x8, s19;
	v7 =	vadd.s32 s18, v0;
	s20 =	sadd.s32 $0xC80, s18;
	v13 =	vadd.f32 v13, v6;
	v12 =	vadd.f32 v17, v12;
	v6 =	vld.idx.msk [tilespmem:v14+s29+$0x0], $0xffff  }
0x64: {  	_ =	sdelay $0x2  }
0x65: {  	v2 =	vadd.f32 v2, v13  }
0x66: {  	s19 =	sadd.s32 $0x1, s18;
	v9 =	vld.idx.msk [tilespmem:v9+s29+$0x0], $0xffff;
	v13 =	vadd.s32 s20, v0;
	v4 =	vadd.f32 v4, v12  }
0x67: {  	v10 =	vld.idx.msk [tilespmem:v10+s29+$0x0], $0xffff;
	v12 =	vadd.s32 s19, v0;
	s20 =	sadd.s32 $0xC81, s18;
	v1 =	vadd.f32 v1, v2  }
0x68: {  	v11 =	vld.idx.msk [tilespmem:v11+s29+$0x0], $0xffff;
	v2 =	vadd.s32 s20, v0;
	s20 =	sadd.s32 $0x2, s18;
	v4 =	vadd.f32 v5, v4  }
0x69: {  	v8 =	vld.idx.msk [tilespmem:v8+s29+$0x0], $0xffff;
	v5 =	vadd.s32 s20, v0;
	s20 =	sadd.s32 $0xC82, s18;
	v1 =	vadd.f32 v3, v1  }
0x6a: {  	v3 =	vld.idx.msk [tilespmem:v7+s29+$0x0], $0xffff;
	v7 =	vadd.s32 s20, v0;
	s20 =	sadd.s32 $0x3, s18;
	v4 =	vadd.f32 v6, v4  }
0x6b: {  	v6 =	vld.idx.msk [tilespmem:v13+s29+$0x0], $0xffff;
	v13 =	vadd.s32 s20, v0;
	s20 =	sadd.s32 $0xC83, s18;
	v1 =	vadd.f32 v9, v1  }
0x6c: {  	v9 =	vld.idx.msk [tilespmem:v12+s29+$0x0], $0xffff;
	v12 =	vadd.s32 s20, v0;
	s20 =	sadd.s32 $0x4, s18;
	v4 =	vadd.f32 v10, v4  }
0x6d: {  	v2 =	vld.idx.msk [tilespmem:v2+s29+$0x0], $0xffff;
	v10 =	vadd.s32 s20, v0;
	s20 =	sadd.s32 $0xC84, s18;
	v1 =	vadd.f32 v11, v1  }
0x6e: {  	v5 =	vld.idx.msk [tilespmem:v5+s29+$0x0], $0xffff;
	v11 =	vadd.s32 s20, v0;
	s20 =	sadd.s32 $0x5, s18;
	v4 =	vadd.f32 v8, v4  }
0x6f: {  	v7 =	vld.idx.msk [tilespmem:v7+s29+$0x0], $0xffff;
	v8 =	vadd.s32 s20, v0;
	s20 =	sadd.s32 $0xC85, s18;
	v1 =	vadd.f32 v3, v1  }
0x70: {  	v3 =	vld.idx.msk [tilespmem:v13+s29+$0x0], $0xffff;
	v13 =	vadd.s32 s20, v0;
	s20 =	sadd.s32 $0x6, s18;
	v4 =	vadd.f32 v6, v4  }
0x71: {  	v6 =	vld.idx.msk [tilespmem:v12+s29+$0x0], $0xffff;
	v12 =	vadd.s32 s20, v0;
	s20 =	sadd.s32 $0xC86, s18;
	v1 =	vadd.f32 v9, v1  }
0x72: {  	v9 =	vld.idx.msk [tilespmem:v10+s29+$0x0], $0xffff;
	v10 =	vadd.s32 s20, v0;
	s20 =	sadd.s32 $0x7, s18;
	v2 =	vadd.f32 v2, v4  }
0x73: {  	s19 =	sadd.s32 $0xC87, s18;
	v4 =	vld.idx.msk [tilespmem:v11+s29+$0x0], $0xffff;
	v11 =	vadd.s32 s20, v0;
	v1 =	vadd.f32 v5, v1  }
0x74: {  	v5 =	vld.idx.msk [tilespmem:v8+s29+$0x0], $0xffff;
	v8 =	vadd.s32 s19, v0;
	v2 =	vadd.f32 v7, v2  }
0x75: {  	v7 =	vld.idx.msk [tilespmem:v13+s29+$0x0], $0xffff;
	v1 =	vadd.f32 v3, v1  }
0x76: {  	v3 =	vld.idx.msk [tilespmem:v12+s29+$0x0], $0xffff;
	v2 =	vadd.f32 v6, v2  }
0x77: {  	v6 =	vld.idx.msk [tilespmem:v10+s29+$0x0], $0xffff;
	v1 =	vadd.f32 v9, v1  }
0x78: {  	v9 =	vld.idx.msk [tilespmem:v11+s29+$0x0], $0xffff;
	v2 =	vadd.f32 v4, v2  }
0x79: {  	v4 =	vld.idx.msk [tilespmem:v8+s29+$0x0], $0xffff;
	v1 =	vadd.f32 v5, v1  }
0x7a: {  	v2 =	vadd.f32 v7, v2  }
0x7b: {  	v1 =	vadd.f32 v3, v1  }
0x7c: {  	v2 =	vadd.f32 v6, v2  }
0x7d: {  	v1 =	vadd.f32 v9, v1  }
0x7e: {  	v2 =	vadd.f32 v4, v2  }
0x7f: {  	[tilespmem:$0x12C00] =	vst v1  }
0x80: {  	[tilespmem:$0x12C10] =	vst v2  }
0x81: {  	_ =	swait.ge [sflag:s11], $0x1900  }
0x82: {  	[sflag:s11] =	ssyncset.done $0x0  }
0x83: {  	[sflag:s11] =	ssyncadd.s32 $0xFFFFE700  }
0x84: {  	_ =	swait.ge [sflag:s28], $0x1900  }
0x85: {  	s19 =	simm.s32 $0xC80;
	[sflag:s28] =	ssyncset.done $0x0  }
0x86: {  	s18 =	simm.s32 $0x0;
	v2 =	vadd.s32 s19, v0;
	s19 =	simm.s32 $0xC81;
	[sflag:s28] =	ssyncadd.s32 $0xFFFFE700  }
0x87: {  	v1 =	vadd.s32 s18, v0;
	[tilespmem:s29], [sflag:$0x7] =	stream.indirect.gather [hbm4b:s3+s22], $0x1, s18, s22, $0xb8;
	[tilespmem:$0x12E00] =	vst v63  }
0x88: {  	v4 =	vadd.s32 s19, v0;
	s19 =	simm.s32 $0xC82;
	s20 =	rddreg [dreg:$0xa]  }
0x89: {  	[tilespmem:s22], [sflag:$0x2] =	stream.linear.gather [hbm4b:s20+s18], $0x1900, $0x38;
	[tilespmem:$0x12E00] =	vst v63  }
0x8a: {  	v6 =	vadd.s32 s19, v0;
	s20 =	simm.s32 $0x1  }
0x8b: {  	v3 =	vadd.s32 s20, v0;
	s20 =	simm.s32 $0x2  }
0x8c: {  	s19 =	simm.s32 $0xC83;
	v1 =	vld.idx.msk [tilespmem:v1+s31+$0x0], $0xffff;
	v5 =	vadd.s32 s20, v0;
	s20 =	simm.s32 $0x3  }
0x8d: {  	v8 =	vadd.s32 s19, v0;
	v7 =	vld.idx.msk [tilespmem:v2+s31+$0x0], $0xffff;
	v2 =	vadd.s32 s20, v0;
	s20 =	simm.s32 $0x4  }
0x8e: {  	v10 =	vld.idx.msk [tilespmem:v4+s31+$0x0], $0xffff;
	v9 =	vadd.s32 s20, v0  }
0x8f: {  	v6 =	vld.idx.msk [tilespmem:v6+s31+$0x0], $0xffff;
	s20 =	simm.s32 $0x5  }
0x90: {  	s19 =	simm.s32 $0xC84;
	v13 =	vadd.s32 s20, v0;
	v3 =	vld.idx.msk [tilespmem:v3+s31+$0x0], $0xffff  }
0x91: {  	v4 =	vimm.f32 $0.0e+00;
	v12 =	vld.idx.msk [tilespmem:v5+s31+$0x0], $0xffff;
	v5 =	vadd.s32 s19, v0;
	s19 =	simm.s32 $0xC85  }
0x92: {  	s20 =	simm.s32 $0x6;
	v11 =	vadd.f32 v1, v4;
	v7 =	vadd.f32 v7, v4;
	v4 =	vld.idx.msk [tilespmem:v8+s31+$0x0], $0xffff;
	v14 =	vadd.s32 s19, v0  }
0x93: {  	s18 =	simm.s32 $0xC86;
	v1 =	vld.idx.msk [tilespmem:v9+s31+$0x0], $0xffff;
	v9 =	vadd.s32 s20, v0  }
0x94: {  	v2 =	vld.idx.msk [tilespmem:v2+s31+$0x0], $0xffff;
	s19 =	simm.s32 $0x7;
	v16 =	vadd.f32 v10, v7;
	v10 =	vadd.s32 s18, v0  }
0x95: {  	s20 =	simm.s32 $0xC87;
	v15 =	vadd.f32 v3, v11;
	v11 =	vadd.s32 s19, v0;
	v3 =	vld.idx.msk [tilespmem:v13+s31+$0x0], $0xffff  }
0x96: {  	s18 =	simm.s32 $0x8;
	v8 =	vadd.s32 s20, v0;
	v5 =	vld.idx.msk [tilespmem:v5+s31+$0x0], $0xffff  }
0x97: {  	v7 =	vadd.s32 s18, v0;
	s20 =	simm.s32 $0xC88;
	s19 =	simm.s32 $0x10;
	v13 =	vadd.f32 v12, v15;
	v12 =	vadd.f32 v6, v16;
	v6 =	vld.idx.msk [tilespmem:v14+s31+$0x0], $0xffff  }
.LBB2_4:
0x98: {  	p0 =	sne.s32 s19, $0xC0;
	v14 =	vadd.s32 s20, v0;
	s20 =	sadd.s32 $0x1, s18;
	v9 =	vld.idx.msk [tilespmem:v9+s31+$0x0], $0xffff  }
0x99: {  	v15 =	vadd.s32 s20, v0;
	s20 =	sadd.s32 $0xC81, s18;
	v2 =	vadd.f32 v2, v13;
	v4 =	vadd.f32 v4, v12;
	v10 =	vld.idx.msk [tilespmem:v10+s31+$0x0], $0xffff  }
0x9a: {  	v12 =	vadd.s32 s20, v0;
	s20 =	sadd.s32 $0x2, s18;
	v11 =	vld.idx.msk [tilespmem:v11+s31+$0x0], $0xffff  }
0x9b: {  	v13 =	vadd.s32 s20, v0;
	s20 =	sadd.s32 $0xC82, s18;
	v1 =	vadd.f32 v1, v2;
	v2 =	vadd.f32 v5, v4;
	v4 =	vld.idx.msk [tilespmem:v8+s31+$0x0], $0xffff  }
0x9c: {  	v5 =	vld.idx.msk [tilespmem:v7+s31+$0x0], $0xffff;
	v7 =	vadd.s32 s20, v0;
	s20 =	sadd.s32 $0x3, s18  }
0x9d: {  	v8 =	vld.idx.msk [tilespmem:v14+s31+$0x0], $0xffff;
	v14 =	vadd.s32 s20, v0;
	s20 =	sadd.s32 $0xC83, s18;
	v1 =	vadd.f32 v3, v1;
	v2 =	vadd.f32 v6, v2  }
0x9e: {  	v3 =	vld.idx.msk [tilespmem:v15+s31+$0x0], $0xffff;
	v6 =	vadd.s32 s20, v0;
	s20 =	sadd.s32 $0x4, s18  }
0x9f: {  	v12 =	vld.idx.msk [tilespmem:v12+s31+$0x0], $0xffff;
	v15 =	vadd.s32 s20, v0;
	s20 =	sadd.s32 $0xC84, s18;
	v1 =	vadd.f32 v9, v1;
	v2 =	vadd.f32 v10, v2  }
0xa0: {  	v13 =	vld.idx.msk [tilespmem:v13+s31+$0x0], $0xffff;
	v16 =	vadd.s32 s20, v0;
	s20 =	sadd.s32 $0x5, s18  }
0xa1: {  	v17 =	vld.idx.msk [tilespmem:v7+s31+$0x0], $0xffff;
	v7 =	vadd.s32 s20, v0;
	s20 =	sadd.s32 $0xC85, s18;
	v1 =	vadd.f32 v11, v1;
	v4 =	vadd.f32 v4, v2  }
0xa2: {  	v2 =	vld.idx.msk [tilespmem:v14+s31+$0x0], $0xffff;
	v14 =	vadd.s32 s20, v0;
	s20 =	sadd.s32 $0x6, s18  }
.Ltmp1:
0xa3: {  	v5 =	vadd.f32 v5, v1;
	v8 =	vadd.f32 v8, v4;
	v4 =	vld.idx.msk [tilespmem:v6+s31+$0x0], $0xffff;
	v9 =	vadd.s32 s20, v0;
	s20 =	sadd.s32 $0xC86, s18;
	(pc) =	sbr.rel @p0 .LBB2_4-.Ltmp1, $4  }
0xa4: {  	v1 =	vld.idx.msk [tilespmem:v15+s31+$0x0], $0xffff;
	v10 =	vadd.s32 s20, v0;
	s20 =	sadd.s32 $0x7, s18  }
0xa5: {  	v6 =	vadd.f32 v3, v5;
	v12 =	vadd.f32 v12, v8;
	v5 =	vld.idx.msk [tilespmem:v16+s31+$0x0], $0xffff;
	v11 =	vadd.s32 s20, v0;
	s20 =	sadd.s32 $0xC87, s18;
	s18 =	smov.u32 s19  }
0xa6: {  	v3 =	vld.idx.msk [tilespmem:v7+s31+$0x0], $0xffff;
	v8 =	vadd.s32 s20, v0  }
0xa7: {  	s19 =	sadd.s32 $0x8, s19;
	v7 =	vadd.s32 s18, v0;
	s20 =	sadd.s32 $0xC80, s18;
	v13 =	vadd.f32 v13, v6;
	v12 =	vadd.f32 v17, v12;
	v6 =	vld.idx.msk [tilespmem:v14+s31+$0x0], $0xffff  }
0xa8: {  	_ =	sdelay $0x2  }
0xa9: {  	v2 =	vadd.f32 v2, v13  }
0xaa: {  	s19 =	sadd.s32 $0x1, s18;
	v9 =	vld.idx.msk [tilespmem:v9+s31+$0x0], $0xffff;
	v13 =	vadd.s32 s20, v0;
	v4 =	vadd.f32 v4, v12  }
0xab: {  	v10 =	vld.idx.msk [tilespmem:v10+s31+$0x0], $0xffff;
	v12 =	vadd.s32 s19, v0;
	s20 =	sadd.s32 $0xC81, s18;
	v1 =	vadd.f32 v1, v2  }
0xac: {  	v11 =	vld.idx.msk [tilespmem:v11+s31+$0x0], $0xffff;
	v2 =	vadd.s32 s20, v0;
	s20 =	sadd.s32 $0x2, s18;
	v4 =	vadd.f32 v5, v4  }
0xad: {  	v8 =	vld.idx.msk [tilespmem:v8+s31+$0x0], $0xffff;
	v5 =	vadd.s32 s20, v0;
	s20 =	sadd.s32 $0xC82, s18;
	v1 =	vadd.f32 v3, v1  }
0xae: {  	v3 =	vld.idx.msk [tilespmem:v7+s31+$0x0], $0xffff;
	v7 =	vadd.s32 s20, v0;
	s20 =	sadd.s32 $0x3, s18;
	v4 =	vadd.f32 v6, v4  }
0xaf: {  	v6 =	vld.idx.msk [tilespmem:v13+s31+$0x0], $0xffff;
	v13 =	vadd.s32 s20, v0;
	s20 =	sadd.s32 $0xC83, s18;
	v1 =	vadd.f32 v9, v1  }
0xb0: {  	v9 =	vld.idx.msk [tilespmem:v12+s31+$0x0], $0xffff;
	v12 =	vadd.s32 s20, v0;
	s20 =	sadd.s32 $0x4, s18;
	v4 =	vadd.f32 v10, v4  }
0xb1: {  	v2 =	vld.idx.msk [tilespmem:v2+s31+$0x0], $0xffff;
	v10 =	vadd.s32 s20, v0;
	s20 =	sadd.s32 $0xC84, s18;
	v1 =	vadd.f32 v11, v1  }
0xb2: {  	v5 =	vld.idx.msk [tilespmem:v5+s31+$0x0], $0xffff;
	v11 =	vadd.s32 s20, v0;
	s20 =	sadd.s32 $0x5, s18;
	v4 =	vadd.f32 v8, v4  }
0xb3: {  	v7 =	vld.idx.msk [tilespmem:v7+s31+$0x0], $0xffff;
	v8 =	vadd.s32 s20, v0;
	s20 =	sadd.s32 $0xC85, s18;
	v1 =	vadd.f32 v3, v1  }
0xb4: {  	v3 =	vld.idx.msk [tilespmem:v13+s31+$0x0], $0xffff;
	v13 =	vadd.s32 s20, v0;
	s20 =	sadd.s32 $0x6, s18;
	v4 =	vadd.f32 v6, v4  }
0xb5: {  	v6 =	vld.idx.msk [tilespmem:v12+s31+$0x0], $0xffff;
	v12 =	vadd.s32 s20, v0;
	s20 =	sadd.s32 $0xC86, s18;
	v1 =	vadd.f32 v9, v1  }
0xb6: {  	v9 =	vld.idx.msk [tilespmem:v10+s31+$0x0], $0xffff;
	v10 =	vadd.s32 s20, v0;
	s20 =	sadd.s32 $0x7, s18;
	v2 =	vadd.f32 v2, v4  }
0xb7: {  	s19 =	sadd.s32 $0xC87, s18;
	v4 =	vld.idx.msk [tilespmem:v11+s31+$0x0], $0xffff;
	v11 =	vadd.s32 s20, v0;
	v1 =	vadd.f32 v5, v1  }
0xb8: {  	v5 =	vld.idx.msk [tilespmem:v8+s31+$0x0], $0xffff;
	v8 =	vadd.s32 s19, v0;
	v2 =	vadd.f32 v7, v2  }
0xb9: {  	v7 =	vld.idx.msk [tilespmem:v13+s31+$0x0], $0xffff;
	v1 =	vadd.f32 v3, v1  }
0xba: {  	v3 =	vld.idx.msk [tilespmem:v12+s31+$0x0], $0xffff;
	v2 =	vadd.f32 v6, v2  }
0xbb: {  	v6 =	vld.idx.msk [tilespmem:v10+s31+$0x0], $0xffff;
	v1 =	vadd.f32 v9, v1  }
0xbc: {  	v9 =	vld.idx.msk [tilespmem:v11+s31+$0x0], $0xffff;
	v2 =	vadd.f32 v4, v2  }
0xbd: {  	v4 =	vld.idx.msk [tilespmem:v8+s31+$0x0], $0xffff;
	v1 =	vadd.f32 v5, v1  }
0xbe: {  	v2 =	vadd.f32 v7, v2  }
0xbf: {  	v1 =	vadd.f32 v3, v1  }
0xc0: {  	v2 =	vadd.f32 v6, v2  }
0xc1: {  	v1 =	vadd.f32 v9, v1  }
0xc2: {  	v2 =	vadd.f32 v4, v2  }
0xc3: {  	[tilespmem:$0x12C20] =	vst v1  }
0xc4: {  	[tilespmem:$0x12C30] =	vst v2  }
0xc5: {  	_ =	swait.ge [sflag:s12], $0x1900  }
0xc6: {  	[sflag:s12] =	ssyncset.done $0x0  }
0xc7: {  	[sflag:s12] =	ssyncadd.s32 $0xFFFFE700  }
0xc8: {  	_ =	swait.ge [sflag:s30], $0x1900  }
0xc9: {  	s19 =	simm.s32 $0xC80;
	[sflag:s30] =	ssyncset.done $0x0  }
0xca: {  	s18 =	simm.s32 $0x0;
	v2 =	vadd.s32 s19, v0;
	s19 =	simm.s32 $0xC81;
	[sflag:s30] =	ssyncadd.s32 $0xFFFFE700  }
0xcb: {  	v1 =	vadd.s32 s18, v0;
	[tilespmem:s31], [sflag:$0x8] =	stream.indirect.gather [hbm4b:s3+s22], $0x1, s22, s22, $0xb8;
	[tilespmem:$0x12E00] =	vst v63  }
0xcc: {  	v4 =	vadd.s32 s19, v0;
	s19 =	simm.s32 $0xC82;
	s20 =	rddreg [dreg:$0xb]  }
0xcd: {  	[tilespmem:s23], [sflag:$0x3] =	stream.linear.gather [hbm4b:s20+s18], $0x1900, $0x38;
	[tilespmem:$0x12E00] =	vst v63  }
0xce: {  	v6 =	vadd.s32 s19, v0;
	s20 =	simm.s32 $0x1  }
0xcf: {  	v3 =	vadd.s32 s20, v0;
	s20 =	simm.s32 $0x2  }
0xd0: {  	s19 =	simm.s32 $0xC83;
	v1 =	vld.idx.msk [tilespmem:v1+s0+$0x0], $0xffff;
	v5 =	vadd.s32 s20, v0;
	s20 =	simm.s32 $0x3  }
0xd1: {  	v8 =	vadd.s32 s19, v0;
	v7 =	vld.idx.msk [tilespmem:v2+s0+$0x0], $0xffff;
	v2 =	vadd.s32 s20, v0;
	s20 =	simm.s32 $0x4  }
0xd2: {  	v10 =	vld.idx.msk [tilespmem:v4+s0+$0x0], $0xffff;
	v9 =	vadd.s32 s20, v0  }
0xd3: {  	v6 =	vld.idx.msk [tilespmem:v6+s0+$0x0], $0xffff;
	s20 =	simm.s32 $0x5  }
0xd4: {  	s19 =	simm.s32 $0xC84;
	v13 =	vadd.s32 s20, v0;
	v3 =	vld.idx.msk [tilespmem:v3+s0+$0x0], $0xffff  }
0xd5: {  	v4 =	vimm.f32 $0.0e+00;
	v12 =	vld.idx.msk [tilespmem:v5+s0+$0x0], $0xffff;
	v5 =	vadd.s32 s19, v0;
	s19 =	simm.s32 $0xC85  }
0xd6: {  	s20 =	simm.s32 $0x6;
	v11 =	vadd.f32 v1, v4;
	v7 =	vadd.f32 v7, v4;
	v4 =	vld.idx.msk [tilespmem:v8+s0+$0x0], $0xffff;
	v14 =	vadd.s32 s19, v0  }
0xd7: {  	s18 =	simm.s32 $0xC86;
	v1 =	vld.idx.msk [tilespmem:v9+s0+$0x0], $0xffff;
	v9 =	vadd.s32 s20, v0  }
0xd8: {  	v2 =	vld.idx.msk [tilespmem:v2+s0+$0x0], $0xffff;
	s19 =	simm.s32 $0x7;
	v16 =	vadd.f32 v10, v7;
	v10 =	vadd.s32 s18, v0  }
0xd9: {  	s20 =	simm.s32 $0xC87;
	v15 =	vadd.f32 v3, v11;
	v11 =	vadd.s32 s19, v0;
	v3 =	vld.idx.msk [tilespmem:v13+s0+$0x0], $0xffff  }
0xda: {  	s18 =	simm.s32 $0x8;
	v8 =	vadd.s32 s20, v0;
	v5 =	vld.idx.msk [tilespmem:v5+s0+$0x0], $0xffff  }
0xdb: {  	v7 =	vadd.s32 s18, v0;
	s20 =	simm.s32 $0xC88;
	s19 =	simm.s32 $0x10;
	v13 =	vadd.f32 v12, v15;
	v12 =	vadd.f32 v6, v16;
	v6 =	vld.idx.msk [tilespmem:v14+s0+$0x0], $0xffff  }
.LBB2_6:
0xdc: {  	p0 =	sne.s32 s19, $0xC0;
	v14 =	vadd.s32 s20, v0;
	s20 =	sadd.s32 $0x1, s18;
	v9 =	vld.idx.msk [tilespmem:v9+s0+$0x0], $0xffff  }
0xdd: {  	v15 =	vadd.s32 s20, v0;
	s20 =	sadd.s32 $0xC81, s18;
	v2 =	vadd.f32 v2, v13;
	v4 =	vadd.f32 v4, v12;
	v10 =	vld.idx.msk [tilespmem:v10+s0+$0x0], $0xffff  }
0xde: {  	v12 =	vadd.s32 s20, v0;
	s20 =	sadd.s32 $0x2, s18;
	v11 =	vld.idx.msk [tilespmem:v11+s0+$0x0], $0xffff  }
0xdf: {  	v13 =	vadd.s32 s20, v0;
	s20 =	sadd.s32 $0xC82, s18;
	v1 =	vadd.f32 v1, v2;
	v2 =	vadd.f32 v5, v4;
	v4 =	vld.idx.msk [tilespmem:v8+s0+$0x0], $0xffff  }
0xe0: {  	v5 =	vld.idx.msk [tilespmem:v7+s0+$0x0], $0xffff;
	v7 =	vadd.s32 s20, v0;
	s20 =	sadd.s32 $0x3, s18  }
0xe1: {  	v8 =	vld.idx.msk [tilespmem:v14+s0+$0x0], $0xffff;
	v14 =	vadd.s32 s20, v0;
	s20 =	sadd.s32 $0xC83, s18;
	v1 =	vadd.f32 v3, v1;
	v2 =	vadd.f32 v6, v2  }
0xe2: {  	v3 =	vld.idx.msk [tilespmem:v15+s0+$0x0], $0xffff;
	v6 =	vadd.s32 s20, v0;
	s20 =	sadd.s32 $0x4, s18  }
0xe3: {  	v12 =	vld.idx.msk [tilespmem:v12+s0+$0x0], $0xffff;
	v15 =	vadd.s32 s20, v0;
	s20 =	sadd.s32 $0xC84, s18;
	v1 =	vadd.f32 v9, v1;
	v2 =	vadd.f32 v10, v2  }
0xe4: {  	v13 =	vld.idx.msk [tilespmem:v13+s0+$0x0], $0xffff;
	v16 =	vadd.s32 s20, v0;
	s20 =	sadd.s32 $0x5, s18  }
0xe5: {  	v17 =	vld.idx.msk [tilespmem:v7+s0+$0x0], $0xffff;
	v7 =	vadd.s32 s20, v0;
	s20 =	sadd.s32 $0xC85, s18;
	v1 =	vadd.f32 v11, v1;
	v4 =	vadd.f32 v4, v2  }
0xe6: {  	v2 =	vld.idx.msk [tilespmem:v14+s0+$0x0], $0xffff;
	v14 =	vadd.s32 s20, v0;
	s20 =	sadd.s32 $0x6, s18  }
.Ltmp2:
0xe7: {  	v5 =	vadd.f32 v5, v1;
	v8 =	vadd.f32 v8, v4;
	v4 =	vld.idx.msk [tilespmem:v6+s0+$0x0], $0xffff;
	v9 =	vadd.s32 s20, v0;
	s20 =	sadd.s32 $0xC86, s18;
	(pc) =	sbr.rel @p0 .LBB2_6-.Ltmp2, $4  }
0xe8: {  	v1 =	vld.idx.msk [tilespmem:v15+s0+$0x0], $0xffff;
	v10 =	vadd.s32 s20, v0;
	s20 =	sadd.s32 $0x7, s18  }
0xe9: {  	v6 =	vadd.f32 v3, v5;
	v12 =	vadd.f32 v12, v8;
	v5 =	vld.idx.msk [tilespmem:v16+s0+$0x0], $0xffff;
	v11 =	vadd.s32 s20, v0;
	s20 =	sadd.s32 $0xC87, s18;
	s18 =	smov.u32 s19  }
0xea: {  	v3 =	vld.idx.msk [tilespmem:v7+s0+$0x0], $0xffff;
	v8 =	vadd.s32 s20, v0  }
0xeb: {  	s19 =	sadd.s32 $0x8, s19;
	v7 =	vadd.s32 s18, v0;
	s20 =	sadd.s32 $0xC80, s18;
	v13 =	vadd.f32 v13, v6;
	v12 =	vadd.f32 v17, v12;
	v6 =	vld.idx.msk [tilespmem:v14+s0+$0x0], $0xffff  }
0xec: {  	_ =	sdelay $0x2  }
0xed: {  	v2 =	vadd.f32 v2, v13  }
0xee: {  	s19 =	sadd.s32 $0x1, s18;
	v9 =	vld.idx.msk [tilespmem:v9+s0+$0x0], $0xffff;
	v13 =	vadd.s32 s20, v0;
	v4 =	vadd.f32 v4, v12  }
0xef: {  	v10 =	vld.idx.msk [tilespmem:v10+s0+$0x0], $0xffff;
	v12 =	vadd.s32 s19, v0;
	s20 =	sadd.s32 $0xC81, s18;
	v1 =	vadd.f32 v1, v2  }
0xf0: {  	v11 =	vld.idx.msk [tilespmem:v11+s0+$0x0], $0xffff;
	v2 =	vadd.s32 s20, v0;
	s20 =	sadd.s32 $0x2, s18;
	v4 =	vadd.f32 v5, v4  }
0xf1: {  	v8 =	vld.idx.msk [tilespmem:v8+s0+$0x0], $0xffff;
	v5 =	vadd.s32 s20, v0;
	s20 =	sadd.s32 $0xC82, s18;
	v1 =	vadd.f32 v3, v1  }
0xf2: {  	v3 =	vld.idx.msk [tilespmem:v7+s0+$0x0], $0xffff;
	v7 =	vadd.s32 s20, v0;
	s20 =	sadd.s32 $0x3, s18;
	v4 =	vadd.f32 v6, v4  }
0xf3: {  	v6 =	vld.idx.msk [tilespmem:v13+s0+$0x0], $0xffff;
	v13 =	vadd.s32 s20, v0;
	s20 =	sadd.s32 $0xC83, s18;
	v1 =	vadd.f32 v9, v1  }
0xf4: {  	v9 =	vld.idx.msk [tilespmem:v12+s0+$0x0], $0xffff;
	v12 =	vadd.s32 s20, v0;
	s20 =	sadd.s32 $0x4, s18;
	v4 =	vadd.f32 v10, v4  }
0xf5: {  	v2 =	vld.idx.msk [tilespmem:v2+s0+$0x0], $0xffff;
	v10 =	vadd.s32 s20, v0;
	s20 =	sadd.s32 $0xC84, s18;
	v1 =	vadd.f32 v11, v1  }
0xf6: {  	v5 =	vld.idx.msk [tilespmem:v5+s0+$0x0], $0xffff;
	v11 =	vadd.s32 s20, v0;
	s20 =	sadd.s32 $0x5, s18;
	v4 =	vadd.f32 v8, v4  }
0xf7: {  	v7 =	vld.idx.msk [tilespmem:v7+s0+$0x0], $0xffff;
	v8 =	vadd.s32 s20, v0;
	s20 =	sadd.s32 $0xC85, s18;
	v1 =	vadd.f32 v3, v1  }
0xf8: {  	v3 =	vld.idx.msk [tilespmem:v13+s0+$0x0], $0xffff;
	v13 =	vadd.s32 s20, v0;
	s20 =	sadd.s32 $0x6, s18;
	v4 =	vadd.f32 v6, v4  }
0xf9: {  	v6 =	vld.idx.msk [tilespmem:v12+s0+$0x0], $0xffff;
	v12 =	vadd.s32 s20, v0;
	s20 =	sadd.s32 $0xC86, s18;
	v1 =	vadd.f32 v9, v1  }
0xfa: {  	v9 =	vld.idx.msk [tilespmem:v10+s0+$0x0], $0xffff;
	v10 =	vadd.s32 s20, v0;
	s20 =	sadd.s32 $0x7, s18;
	v2 =	vadd.f32 v2, v4  }
0xfb: {  	s19 =	sadd.s32 $0xC87, s18;
	v4 =	vld.idx.msk [tilespmem:v11+s0+$0x0], $0xffff;
	v11 =	vadd.s32 s20, v0;
	v1 =	vadd.f32 v5, v1  }
0xfc: {  	v5 =	vld.idx.msk [tilespmem:v8+s0+$0x0], $0xffff;
	v8 =	vadd.s32 s19, v0;
	v2 =	vadd.f32 v7, v2  }
0xfd: {  	v7 =	vld.idx.msk [tilespmem:v13+s0+$0x0], $0xffff;
	v1 =	vadd.f32 v3, v1  }
0xfe: {  	v3 =	vld.idx.msk [tilespmem:v12+s0+$0x0], $0xffff;
	v2 =	vadd.f32 v6, v2  }
0xff: {  	v6 =	vld.idx.msk [tilespmem:v10+s0+$0x0], $0xffff;
	v1 =	vadd.f32 v9, v1  }
0x100: {  	v9 =	vld.idx.msk [tilespmem:v11+s0+$0x0], $0xffff;
	v2 =	vadd.f32 v4, v2  }
0x101: {  	v4 =	vld.idx.msk [tilespmem:v8+s0+$0x0], $0xffff;
	v1 =	vadd.f32 v5, v1  }
0x102: {  	v2 =	vadd.f32 v7, v2  }
0x103: {  	v1 =	vadd.f32 v3, v1  }
0x104: {  	v2 =	vadd.f32 v6, v2  }
0x105: {  	v1 =	vadd.f32 v9, v1  }
0x106: {  	v2 =	vadd.f32 v4, v2  }
0x107: {  	[tilespmem:$0x12C40] =	vst v1  }
0x108: {  	[tilespmem:$0x12C50] =	vst v2  }
0x109: {  	_ =	swait.ge [sflag:s13], $0x1900  }
0x10a: {  	[sflag:s13] =	ssyncset.done $0x0  }
0x10b: {  	[sflag:s13] =	ssyncadd.s32 $0xFFFFE700  }
0x10c: {  	_ =	swait.ge [sflag:s1], $0x1900  }
0x10d: {  	s19 =	simm.s32 $0xC80;
	[sflag:s1] =	ssyncset.done $0x0  }
0x10e: {  	s18 =	simm.s32 $0x0;
	v2 =	vadd.s32 s19, v0;
	s19 =	simm.s32 $0xC81;
	[sflag:s1] =	ssyncadd.s32 $0xFFFFE700  }
0x10f: {  	v1 =	vadd.s32 s18, v0;
	[tilespmem:s0], [sflag:$0x9] =	stream.indirect.gather [hbm4b:s3+s22], $0x1, s23, s22, $0xb8;
	[tilespmem:$0x12E00] =	vst v63  }
0x110: {  	v4 =	vadd.s32 s19, v0;
	s19 =	simm.s32 $0xC82;
	s20 =	rddreg [dreg:$0xc]  }
0x111: {  	[tilespmem:s24], [sflag:$0x4] =	stream.linear.gather [hbm4b:s20+s18], $0x1900, $0x38;
	[tilespmem:$0x12E00] =	vst v63  }
0x112: {  	v6 =	vadd.s32 s19, v0;
	s20 =	simm.s32 $0x1  }
0x113: {  	v3 =	vadd.s32 s20, v0;
	s20 =	simm.s32 $0x2  }
0x114: {  	s19 =	simm.s32 $0xC83;
	v1 =	vld.idx.msk [tilespmem:v1+s5+$0x0], $0xffff;
	v5 =	vadd.s32 s20, v0;
	s20 =	simm.s32 $0x3  }
0x115: {  	v8 =	vadd.s32 s19, v0;
	v7 =	vld.idx.msk [tilespmem:v2+s5+$0x0], $0xffff;
	v2 =	vadd.s32 s20, v0;
	s20 =	simm.s32 $0x4  }
0x116: {  	v10 =	vld.idx.msk [tilespmem:v4+s5+$0x0], $0xffff;
	v9 =	vadd.s32 s20, v0  }
0x117: {  	v6 =	vld.idx.msk [tilespmem:v6+s5+$0x0], $0xffff;
	s20 =	simm.s32 $0x5  }
0x118: {  	s19 =	simm.s32 $0xC84;
	v13 =	vadd.s32 s20, v0;
	v3 =	vld.idx.msk [tilespmem:v3+s5+$0x0], $0xffff  }
0x119: {  	v4 =	vimm.f32 $0.0e+00;
	v12 =	vld.idx.msk [tilespmem:v5+s5+$0x0], $0xffff;
	v5 =	vadd.s32 s19, v0;
	s19 =	simm.s32 $0xC85  }
0x11a: {  	s20 =	simm.s32 $0x6;
	v11 =	vadd.f32 v1, v4;
	v7 =	vadd.f32 v7, v4;
	v4 =	vld.idx.msk [tilespmem:v8+s5+$0x0], $0xffff;
	v14 =	vadd.s32 s19, v0  }
0x11b: {  	s18 =	simm.s32 $0xC86;
	v1 =	vld.idx.msk [tilespmem:v9+s5+$0x0], $0xffff;
	v9 =	vadd.s32 s20, v0  }
0x11c: {  	v2 =	vld.idx.msk [tilespmem:v2+s5+$0x0], $0xffff;
	s19 =	simm.s32 $0x7;
	v16 =	vadd.f32 v10, v7;
	v10 =	vadd.s32 s18, v0  }
0x11d: {  	s20 =	simm.s32 $0xC87;
	v15 =	vadd.f32 v3, v11;
	v11 =	vadd.s32 s19, v0;
	v3 =	vld.idx.msk [tilespmem:v13+s5+$0x0], $0xffff  }
0x11e: {  	s18 =	simm.s32 $0x8;
	v8 =	vadd.s32 s20, v0;
	v5 =	vld.idx.msk [tilespmem:v5+s5+$0x0], $0xffff  }
0x11f: {  	v7 =	vadd.s32 s18, v0;
	s20 =	simm.s32 $0xC88;
	s19 =	simm.s32 $0x10;
	v13 =	vadd.f32 v12, v15;
	v12 =	vadd.f32 v6, v16;
	v6 =	vld.idx.msk [tilespmem:v14+s5+$0x0], $0xffff  }
.LBB2_8:
0x120: {  	p0 =	sne.s32 s19, $0xC0;
	v14 =	vadd.s32 s20, v0;
	s20 =	sadd.s32 $0x1, s18;
	v9 =	vld.idx.msk [tilespmem:v9+s5+$0x0], $0xffff  }
0x121: {  	v15 =	vadd.s32 s20, v0;
	s20 =	sadd.s32 $0xC81, s18;
	v2 =	vadd.f32 v2, v13;
	v4 =	vadd.f32 v4, v12;
	v10 =	vld.idx.msk [tilespmem:v10+s5+$0x0], $0xffff  }
0x122: {  	v12 =	vadd.s32 s20, v0;
	s20 =	sadd.s32 $0x2, s18;
	v11 =	vld.idx.msk [tilespmem:v11+s5+$0x0], $0xffff  }
0x123: {  	v13 =	vadd.s32 s20, v0;
	s20 =	sadd.s32 $0xC82, s18;
	v1 =	vadd.f32 v1, v2;
	v2 =	vadd.f32 v5, v4;
	v4 =	vld.idx.msk [tilespmem:v8+s5+$0x0], $0xffff  }
0x124: {  	v5 =	vld.idx.msk [tilespmem:v7+s5+$0x0], $0xffff;
	v7 =	vadd.s32 s20, v0;
	s20 =	sadd.s32 $0x3, s18  }
0x125: {  	v8 =	vld.idx.msk [tilespmem:v14+s5+$0x0], $0xffff;
	v14 =	vadd.s32 s20, v0;
	s20 =	sadd.s32 $0xC83, s18;
	v1 =	vadd.f32 v3, v1;
	v2 =	vadd.f32 v6, v2  }
0x126: {  	v3 =	vld.idx.msk [tilespmem:v15+s5+$0x0], $0xffff;
	v6 =	vadd.s32 s20, v0;
	s20 =	sadd.s32 $0x4, s18  }
0x127: {  	v12 =	vld.idx.msk [tilespmem:v12+s5+$0x0], $0xffff;
	v15 =	vadd.s32 s20, v0;
	s20 =	sadd.s32 $0xC84, s18;
	v1 =	vadd.f32 v9, v1;
	v2 =	vadd.f32 v10, v2  }
0x128: {  	v13 =	vld.idx.msk [tilespmem:v13+s5+$0x0], $0xffff;
	v16 =	vadd.s32 s20, v0;
	s20 =	sadd.s32 $0x5, s18  }
0x129: {  	v17 =	vld.idx.msk [tilespmem:v7+s5+$0x0], $0xffff;
	v7 =	vadd.s32 s20, v0;
	s20 =	sadd.s32 $0xC85, s18;
	v1 =	vadd.f32 v11, v1;
	v4 =	vadd.f32 v4, v2  }
0x12a: {  	v2 =	vld.idx.msk [tilespmem:v14+s5+$0x0], $0xffff;
	v14 =	vadd.s32 s20, v0;
	s20 =	sadd.s32 $0x6, s18  }
.Ltmp3:
0x12b: {  	v5 =	vadd.f32 v5, v1;
	v8 =	vadd.f32 v8, v4;
	v4 =	vld.idx.msk [tilespmem:v6+s5+$0x0], $0xffff;
	v9 =	vadd.s32 s20, v0;
	s20 =	sadd.s32 $0xC86, s18;
	(pc) =	sbr.rel @p0 .LBB2_8-.Ltmp3, $4  }
0x12c: {  	v1 =	vld.idx.msk [tilespmem:v15+s5+$0x0], $0xffff;
	v10 =	vadd.s32 s20, v0;
	s20 =	sadd.s32 $0x7, s18  }
0x12d: {  	v6 =	vadd.f32 v3, v5;
	v12 =	vadd.f32 v12, v8;
	v5 =	vld.idx.msk [tilespmem:v16+s5+$0x0], $0xffff;
	v11 =	vadd.s32 s20, v0;
	s20 =	sadd.s32 $0xC87, s18;
	s18 =	smov.u32 s19  }
0x12e: {  	v3 =	vld.idx.msk [tilespmem:v7+s5+$0x0], $0xffff;
	v8 =	vadd.s32 s20, v0  }
0x12f: {  	s19 =	sadd.s32 $0x8, s19;
	v7 =	vadd.s32 s18, v0;
	s20 =	sadd.s32 $0xC80, s18;
	v13 =	vadd.f32 v13, v6;
	v12 =	vadd.f32 v17, v12;
	v6 =	vld.idx.msk [tilespmem:v14+s5+$0x0], $0xffff  }
0x130: {  	_ =	sdelay $0x2  }
0x131: {  	v2 =	vadd.f32 v2, v13  }
0x132: {  	s19 =	sadd.s32 $0x1, s18;
	v9 =	vld.idx.msk [tilespmem:v9+s5+$0x0], $0xffff;
	v13 =	vadd.s32 s20, v0;
	v4 =	vadd.f32 v4, v12  }
0x133: {  	v10 =	vld.idx.msk [tilespmem:v10+s5+$0x0], $0xffff;
	v12 =	vadd.s32 s19, v0;
	s20 =	sadd.s32 $0xC81, s18;
	v1 =	vadd.f32 v1, v2  }
0x134: {  	v11 =	vld.idx.msk [tilespmem:v11+s5+$0x0], $0xffff;
	v2 =	vadd.s32 s20, v0;
	s20 =	sadd.s32 $0x2, s18;
	v4 =	vadd.f32 v5, v4  }
0x135: {  	v8 =	vld.idx.msk [tilespmem:v8+s5+$0x0], $0xffff;
	v5 =	vadd.s32 s20, v0;
	s20 =	sadd.s32 $0xC82, s18;
	v1 =	vadd.f32 v3, v1  }
0x136: {  	v3 =	vld.idx.msk [tilespmem:v7+s5+$0x0], $0xffff;
	v7 =	vadd.s32 s20, v0;
	s20 =	sadd.s32 $0x3, s18;
	v4 =	vadd.f32 v6, v4  }
0x137: {  	v6 =	vld.idx.msk [tilespmem:v13+s5+$0x0], $0xffff;
	v13 =	vadd.s32 s20, v0;
	s20 =	sadd.s32 $0xC83, s18;
	v1 =	vadd.f32 v9, v1  }
0x138: {  	v9 =	vld.idx.msk [tilespmem:v12+s5+$0x0], $0xffff;
	v12 =	vadd.s32 s20, v0;
	s20 =	sadd.s32 $0x4, s18;
	v4 =	vadd.f32 v10, v4  }
0x139: {  	v2 =	vld.idx.msk [tilespmem:v2+s5+$0x0], $0xffff;
	v10 =	vadd.s32 s20, v0;
	s20 =	sadd.s32 $0xC84, s18;
	v1 =	vadd.f32 v11, v1  }
0x13a: {  	v5 =	vld.idx.msk [tilespmem:v5+s5+$0x0], $0xffff;
	v11 =	vadd.s32 s20, v0;
	s20 =	sadd.s32 $0x5, s18;
	v4 =	vadd.f32 v8, v4  }
0x13b: {  	v7 =	vld.idx.msk [tilespmem:v7+s5+$0x0], $0xffff;
	v8 =	vadd.s32 s20, v0;
	s20 =	sadd.s32 $0xC85, s18;
	v1 =	vadd.f32 v3, v1  }
0x13c: {  	v3 =	vld.idx.msk [tilespmem:v13+s5+$0x0], $0xffff;
	v13 =	vadd.s32 s20, v0;
	s20 =	sadd.s32 $0x6, s18;
	v4 =	vadd.f32 v6, v4  }
0x13d: {  	v6 =	vld.idx.msk [tilespmem:v12+s5+$0x0], $0xffff;
	v12 =	vadd.s32 s20, v0;
	s20 =	sadd.s32 $0xC86, s18;
	v1 =	vadd.f32 v9, v1  }
0x13e: {  	v9 =	vld.idx.msk [tilespmem:v10+s5+$0x0], $0xffff;
	v10 =	vadd.s32 s20, v0;
	s20 =	sadd.s32 $0x7, s18;
	v2 =	vadd.f32 v2, v4  }
0x13f: {  	s19 =	sadd.s32 $0xC87, s18;
	v4 =	vld.idx.msk [tilespmem:v11+s5+$0x0], $0xffff;
	v11 =	vadd.s32 s20, v0;
	v1 =	vadd.f32 v5, v1  }
0x140: {  	v5 =	vld.idx.msk [tilespmem:v8+s5+$0x0], $0xffff;
	v8 =	vadd.s32 s19, v0;
	v2 =	vadd.f32 v7, v2  }
0x141: {  	v7 =	vld.idx.msk [tilespmem:v13+s5+$0x0], $0xffff;
	v1 =	vadd.f32 v3, v1  }
0x142: {  	v3 =	vld.idx.msk [tilespmem:v12+s5+$0x0], $0xffff;
	v2 =	vadd.f32 v6, v2  }
0x143: {  	v6 =	vld.idx.msk [tilespmem:v10+s5+$0x0], $0xffff;
	v1 =	vadd.f32 v9, v1  }
0x144: {  	v9 =	vld.idx.msk [tilespmem:v11+s5+$0x0], $0xffff;
	v2 =	vadd.f32 v4, v2  }
0x145: {  	v4 =	vld.idx.msk [tilespmem:v8+s5+$0x0], $0xffff;
	v1 =	vadd.f32 v5, v1  }
0x146: {  	v2 =	vadd.f32 v7, v2  }
0x147: {  	v1 =	vadd.f32 v3, v1  }
0x148: {  	v2 =	vadd.f32 v6, v2  }
0x149: {  	v1 =	vadd.f32 v9, v1  }
0x14a: {  	v2 =	vadd.f32 v4, v2  }
0x14b: {  	[tilespmem:$0x12C60] =	vst v1  }
0x14c: {  	[tilespmem:$0x12C70] =	vst v2  }
0x14d: {  	_ =	swait.ge [sflag:s14], $0x1900  }
0x14e: {  	[sflag:s14] =	ssyncset.done $0x0  }
0x14f: {  	[sflag:s14] =	ssyncadd.s32 $0xFFFFE700  }
0x150: {  	_ =	swait.ge [sflag:s4], $0x1900  }
0x151: {  	s19 =	simm.s32 $0xC80;
	[sflag:s4] =	ssyncset.done $0x0  }
0x152: {  	s18 =	simm.s32 $0x0;
	v2 =	vadd.s32 s19, v0;
	s19 =	simm.s32 $0xC81;
	[sflag:s4] =	ssyncadd.s32 $0xFFFFE700  }
0x153: {  	v1 =	vadd.s32 s18, v0;
	[tilespmem:s5], [sflag:$0xA] =	stream.indirect.gather [hbm4b:s3+s22], $0x1, s24, s22, $0xb8;
	[tilespmem:$0x12E00] =	vst v63  }
0x154: {  	v4 =	vadd.s32 s19, v0;
	s19 =	simm.s32 $0xC82;
	s20 =	rddreg [dreg:$0xd]  }
0x155: {  	[tilespmem:s25], [sflag:$0x5] =	stream.linear.gather [hbm4b:s20+s18], $0x1900, $0x38;
	[tilespmem:$0x12E00] =	vst v63  }
0x156: {  	v6 =	vadd.s32 s19, v0;
	s20 =	simm.s32 $0x1  }
0x157: {  	v3 =	vadd.s32 s20, v0;
	s20 =	simm.s32 $0x2  }
0x158: {  	s19 =	simm.s32 $0xC83;
	v1 =	vld.idx.msk [tilespmem:v1+s7+$0x0], $0xffff;
	v5 =	vadd.s32 s20, v0;
	s20 =	simm.s32 $0x3  }
0x159: {  	v8 =	vadd.s32 s19, v0;
	v7 =	vld.idx.msk [tilespmem:v2+s7+$0x0], $0xffff;
	v2 =	vadd.s32 s20, v0;
	s20 =	simm.s32 $0x4  }
0x15a: {  	v10 =	vld.idx.msk [tilespmem:v4+s7+$0x0], $0xffff;
	v9 =	vadd.s32 s20, v0  }
0x15b: {  	v6 =	vld.idx.msk [tilespmem:v6+s7+$0x0], $0xffff;
	s20 =	simm.s32 $0x5  }
0x15c: {  	s19 =	simm.s32 $0xC84;
	v13 =	vadd.s32 s20, v0;
	v3 =	vld.idx.msk [tilespmem:v3+s7+$0x0], $0xffff  }
0x15d: {  	v4 =	vimm.f32 $0.0e+00;
	v12 =	vld.idx.msk [tilespmem:v5+s7+$0x0], $0xffff;
	v5 =	vadd.s32 s19, v0;
	s19 =	simm.s32 $0xC85  }
0x15e: {  	s20 =	simm.s32 $0x6;
	v11 =	vadd.f32 v1, v4;
	v7 =	vadd.f32 v7, v4;
	v4 =	vld.idx.msk [tilespmem:v8+s7+$0x0], $0xffff;
	v14 =	vadd.s32 s19, v0  }
0x15f: {  	s18 =	simm.s32 $0xC86;
	v1 =	vld.idx.msk [tilespmem:v9+s7+$0x0], $0xffff;
	v9 =	vadd.s32 s20, v0  }
0x160: {  	v2 =	vld.idx.msk [tilespmem:v2+s7+$0x0], $0xffff;
	s19 =	simm.s32 $0x7;
	v16 =	vadd.f32 v10, v7;
	v10 =	vadd.s32 s18, v0  }
0x161: {  	s20 =	simm.s32 $0xC87;
	v15 =	vadd.f32 v3, v11;
	v11 =	vadd.s32 s19, v0;
	v3 =	vld.idx.msk [tilespmem:v13+s7+$0x0], $0xffff  }
0x162: {  	s18 =	simm.s32 $0x8;
	v8 =	vadd.s32 s20, v0;
	v5 =	vld.idx.msk [tilespmem:v5+s7+$0x0], $0xffff  }
0x163: {  	v7 =	vadd.s32 s18, v0;
	s20 =	simm.s32 $0xC88;
	s19 =	simm.s32 $0x10;
	v13 =	vadd.f32 v12, v15;
	v12 =	vadd.f32 v6, v16;
	v6 =	vld.idx.msk [tilespmem:v14+s7+$0x0], $0xffff  }
.LBB2_10:
0x164: {  	p0 =	sne.s32 s19, $0xC0;
	v14 =	vadd.s32 s20, v0;
	s20 =	sadd.s32 $0x1, s18;
	v9 =	vld.idx.msk [tilespmem:v9+s7+$0x0], $0xffff  }
0x165: {  	v15 =	vadd.s32 s20, v0;
	s20 =	sadd.s32 $0xC81, s18;
	v2 =	vadd.f32 v2, v13;
	v4 =	vadd.f32 v4, v12;
	v10 =	vld.idx.msk [tilespmem:v10+s7+$0x0], $0xffff  }
0x166: {  	v12 =	vadd.s32 s20, v0;
	s20 =	sadd.s32 $0x2, s18;
	v11 =	vld.idx.msk [tilespmem:v11+s7+$0x0], $0xffff  }
0x167: {  	v13 =	vadd.s32 s20, v0;
	s20 =	sadd.s32 $0xC82, s18;
	v1 =	vadd.f32 v1, v2;
	v2 =	vadd.f32 v5, v4;
	v4 =	vld.idx.msk [tilespmem:v8+s7+$0x0], $0xffff  }
0x168: {  	v5 =	vld.idx.msk [tilespmem:v7+s7+$0x0], $0xffff;
	v7 =	vadd.s32 s20, v0;
	s20 =	sadd.s32 $0x3, s18  }
0x169: {  	v8 =	vld.idx.msk [tilespmem:v14+s7+$0x0], $0xffff;
	v14 =	vadd.s32 s20, v0;
	s20 =	sadd.s32 $0xC83, s18;
	v1 =	vadd.f32 v3, v1;
	v2 =	vadd.f32 v6, v2  }
0x16a: {  	v3 =	vld.idx.msk [tilespmem:v15+s7+$0x0], $0xffff;
	v6 =	vadd.s32 s20, v0;
	s20 =	sadd.s32 $0x4, s18  }
0x16b: {  	v12 =	vld.idx.msk [tilespmem:v12+s7+$0x0], $0xffff;
	v15 =	vadd.s32 s20, v0;
	s20 =	sadd.s32 $0xC84, s18;
	v1 =	vadd.f32 v9, v1;
	v2 =	vadd.f32 v10, v2  }
0x16c: {  	v13 =	vld.idx.msk [tilespmem:v13+s7+$0x0], $0xffff;
	v16 =	vadd.s32 s20, v0;
	s20 =	sadd.s32 $0x5, s18  }
0x16d: {  	v17 =	vld.idx.msk [tilespmem:v7+s7+$0x0], $0xffff;
	v7 =	vadd.s32 s20, v0;
	s20 =	sadd.s32 $0xC85, s18;
	v1 =	vadd.f32 v11, v1;
	v4 =	vadd.f32 v4, v2  }
0x16e: {  	v2 =	vld.idx.msk [tilespmem:v14+s7+$0x0], $0xffff;
	v14 =	vadd.s32 s20, v0;
	s20 =	sadd.s32 $0x6, s18  }
.Ltmp4:
0x16f: {  	v5 =	vadd.f32 v5, v1;
	v8 =	vadd.f32 v8, v4;
	v4 =	vld.idx.msk [tilespmem:v6+s7+$0x0], $0xffff;
	v9 =	vadd.s32 s20, v0;
	s20 =	sadd.s32 $0xC86, s18;
	(pc) =	sbr.rel @p0 .LBB2_10-.Ltmp4, $4  }
0x170: {  	v1 =	vld.idx.msk [tilespmem:v15+s7+$0x0], $0xffff;
	v10 =	vadd.s32 s20, v0;
	s20 =	sadd.s32 $0x7, s18  }
0x171: {  	v6 =	vadd.f32 v3, v5;
	v12 =	vadd.f32 v12, v8;
	v5 =	vld.idx.msk [tilespmem:v16+s7+$0x0], $0xffff;
	v11 =	vadd.s32 s20, v0;
	s20 =	sadd.s32 $0xC87, s18;
	s18 =	smov.u32 s19  }
0x172: {  	v3 =	vld.idx.msk [tilespmem:v7+s7+$0x0], $0xffff;
	v8 =	vadd.s32 s20, v0  }
0x173: {  	s19 =	sadd.s32 $0x8, s19;
	v7 =	vadd.s32 s18, v0;
	s20 =	sadd.s32 $0xC80, s18;
	v13 =	vadd.f32 v13, v6;
	v12 =	vadd.f32 v17, v12;
	v6 =	vld.idx.msk [tilespmem:v14+s7+$0x0], $0xffff  }
0x174: {  	_ =	sdelay $0x2  }
0x175: {  	v2 =	vadd.f32 v2, v13  }
0x176: {  	s19 =	sadd.s32 $0x1, s18;
	v9 =	vld.idx.msk [tilespmem:v9+s7+$0x0], $0xffff;
	v13 =	vadd.s32 s20, v0;
	v4 =	vadd.f32 v4, v12  }
0x177: {  	v10 =	vld.idx.msk [tilespmem:v10+s7+$0x0], $0xffff;
	v12 =	vadd.s32 s19, v0;
	s20 =	sadd.s32 $0xC81, s18;
	v1 =	vadd.f32 v1, v2  }
0x178: {  	v11 =	vld.idx.msk [tilespmem:v11+s7+$0x0], $0xffff;
	v2 =	vadd.s32 s20, v0;
	s20 =	sadd.s32 $0x2, s18;
	v4 =	vadd.f32 v5, v4  }
0x179: {  	v8 =	vld.idx.msk [tilespmem:v8+s7+$0x0], $0xffff;
	v5 =	vadd.s32 s20, v0;
	s20 =	sadd.s32 $0xC82, s18;
	v1 =	vadd.f32 v3, v1  }
0x17a: {  	v3 =	vld.idx.msk [tilespmem:v7+s7+$0x0], $0xffff;
	v7 =	vadd.s32 s20, v0;
	s20 =	sadd.s32 $0x3, s18;
	v4 =	vadd.f32 v6, v4  }
0x17b: {  	v6 =	vld.idx.msk [tilespmem:v13+s7+$0x0], $0xffff;
	v13 =	vadd.s32 s20, v0;
	s20 =	sadd.s32 $0xC83, s18;
	v1 =	vadd.f32 v9, v1  }
0x17c: {  	v9 =	vld.idx.msk [tilespmem:v12+s7+$0x0], $0xffff;
	v12 =	vadd.s32 s20, v0;
	s20 =	sadd.s32 $0x4, s18;
	v4 =	vadd.f32 v10, v4  }
0x17d: {  	v2 =	vld.idx.msk [tilespmem:v2+s7+$0x0], $0xffff;
	v10 =	vadd.s32 s20, v0;
	s20 =	sadd.s32 $0xC84, s18;
	v1 =	vadd.f32 v11, v1  }
0x17e: {  	v5 =	vld.idx.msk [tilespmem:v5+s7+$0x0], $0xffff;
	v11 =	vadd.s32 s20, v0;
	s20 =	sadd.s32 $0x5, s18;
	v4 =	vadd.f32 v8, v4  }
0x17f: {  	v7 =	vld.idx.msk [tilespmem:v7+s7+$0x0], $0xffff;
	v8 =	vadd.s32 s20, v0;
	s20 =	sadd.s32 $0xC85, s18;
	v1 =	vadd.f32 v3, v1  }
0x180: {  	v3 =	vld.idx.msk [tilespmem:v13+s7+$0x0], $0xffff;
	v13 =	vadd.s32 s20, v0;
	s20 =	sadd.s32 $0x6, s18;
	v4 =	vadd.f32 v6, v4  }
0x181: {  	v6 =	vld.idx.msk [tilespmem:v12+s7+$0x0], $0xffff;
	v12 =	vadd.s32 s20, v0;
	s20 =	sadd.s32 $0xC86, s18;
	v1 =	vadd.f32 v9, v1  }
0x182: {  	v9 =	vld.idx.msk [tilespmem:v10+s7+$0x0], $0xffff;
	v10 =	vadd.s32 s20, v0;
	s20 =	sadd.s32 $0x7, s18;
	v2 =	vadd.f32 v2, v4  }
0x183: {  	s19 =	sadd.s32 $0xC87, s18;
	v4 =	vld.idx.msk [tilespmem:v11+s7+$0x0], $0xffff;
	v11 =	vadd.s32 s20, v0;
	v1 =	vadd.f32 v5, v1  }
0x184: {  	v5 =	vld.idx.msk [tilespmem:v8+s7+$0x0], $0xffff;
	v8 =	vadd.s32 s19, v0;
	v2 =	vadd.f32 v7, v2  }
0x185: {  	v7 =	vld.idx.msk [tilespmem:v13+s7+$0x0], $0xffff;
	v1 =	vadd.f32 v3, v1  }
0x186: {  	v3 =	vld.idx.msk [tilespmem:v12+s7+$0x0], $0xffff;
	v2 =	vadd.f32 v6, v2  }
0x187: {  	v6 =	vld.idx.msk [tilespmem:v10+s7+$0x0], $0xffff;
	v1 =	vadd.f32 v9, v1  }
0x188: {  	v9 =	vld.idx.msk [tilespmem:v11+s7+$0x0], $0xffff;
	v2 =	vadd.f32 v4, v2  }
0x189: {  	v4 =	vld.idx.msk [tilespmem:v8+s7+$0x0], $0xffff;
	v1 =	vadd.f32 v5, v1  }
0x18a: {  	v2 =	vadd.f32 v7, v2  }
0x18b: {  	v1 =	vadd.f32 v3, v1  }
0x18c: {  	v2 =	vadd.f32 v6, v2  }
0x18d: {  	v1 =	vadd.f32 v9, v1  }
0x18e: {  	v2 =	vadd.f32 v4, v2  }
0x18f: {  	[tilespmem:$0x12C80] =	vst v1  }
0x190: {  	[tilespmem:$0x12C90] =	vst v2  }
0x191: {  	_ =	swait.ge [sflag:s15], $0x1900  }
0x192: {  	[sflag:s15] =	ssyncset.done $0x0  }
0x193: {  	[sflag:s15] =	ssyncadd.s32 $0xFFFFE700  }
0x194: {  	_ =	swait.ge [sflag:s6], $0x1900  }
0x195: {  	s19 =	simm.s32 $0xC80;
	[sflag:s6] =	ssyncset.done $0x0  }
0x196: {  	s18 =	simm.s32 $0x0;
	v2 =	vadd.s32 s19, v0;
	s19 =	simm.s32 $0xC81;
	[sflag:s6] =	ssyncadd.s32 $0xFFFFE700  }
0x197: {  	v1 =	vadd.s32 s18, v0;
	[tilespmem:s7], [sflag:$0xB] =	stream.indirect.gather [hbm4b:s3+s22], $0x1, s25, s22, $0xb8;
	[tilespmem:$0x12E00] =	vst v63  }
0x198: {  	v4 =	vadd.s32 s19, v0;
	s19 =	simm.s32 $0xC82;
	s20 =	rddreg [dreg:$0xe]  }
0x199: {  	[tilespmem:s26], [sflag:$0x6] =	stream.linear.gather [hbm4b:s20+s18], $0x1900, $0x38;
	[tilespmem:$0x12E00] =	vst v63  }
0x19a: {  	v6 =	vadd.s32 s19, v0;
	s20 =	simm.s32 $0x1  }
0x19b: {  	v3 =	vadd.s32 s20, v0;
	s20 =	simm.s32 $0x2  }
0x19c: {  	s19 =	simm.s32 $0xC83;
	v1 =	vld.idx.msk [tilespmem:v1+s10+$0x0], $0xffff;
	v5 =	vadd.s32 s20, v0;
	s20 =	simm.s32 $0x3  }
0x19d: {  	v8 =	vadd.s32 s19, v0;
	v7 =	vld.idx.msk [tilespmem:v2+s10+$0x0], $0xffff;
	v2 =	vadd.s32 s20, v0;
	s20 =	simm.s32 $0x4  }
0x19e: {  	v10 =	vld.idx.msk [tilespmem:v4+s10+$0x0], $0xffff;
	v9 =	vadd.s32 s20, v0  }
0x19f: {  	v6 =	vld.idx.msk [tilespmem:v6+s10+$0x0], $0xffff;
	s20 =	simm.s32 $0x5  }
0x1a0: {  	s19 =	simm.s32 $0xC84;
	v13 =	vadd.s32 s20, v0;
	v3 =	vld.idx.msk [tilespmem:v3+s10+$0x0], $0xffff  }
0x1a1: {  	v4 =	vimm.f32 $0.0e+00;
	v12 =	vld.idx.msk [tilespmem:v5+s10+$0x0], $0xffff;
	v5 =	vadd.s32 s19, v0;
	s19 =	simm.s32 $0xC85  }
0x1a2: {  	s20 =	simm.s32 $0x6;
	v11 =	vadd.f32 v1, v4;
	v7 =	vadd.f32 v7, v4;
	v4 =	vld.idx.msk [tilespmem:v8+s10+$0x0], $0xffff;
	v14 =	vadd.s32 s19, v0  }
0x1a3: {  	s18 =	simm.s32 $0xC86;
	v1 =	vld.idx.msk [tilespmem:v9+s10+$0x0], $0xffff;
	v9 =	vadd.s32 s20, v0  }
0x1a4: {  	v2 =	vld.idx.msk [tilespmem:v2+s10+$0x0], $0xffff;
	s19 =	simm.s32 $0x7;
	v16 =	vadd.f32 v10, v7;
	v10 =	vadd.s32 s18, v0  }
0x1a5: {  	s20 =	simm.s32 $0xC87;
	v15 =	vadd.f32 v3, v11;
	v11 =	vadd.s32 s19, v0;
	v3 =	vld.idx.msk [tilespmem:v13+s10+$0x0], $0xffff  }
0x1a6: {  	s18 =	simm.s32 $0x8;
	v8 =	vadd.s32 s20, v0;
	v5 =	vld.idx.msk [tilespmem:v5+s10+$0x0], $0xffff  }
0x1a7: {  	v7 =	vadd.s32 s18, v0;
	s20 =	simm.s32 $0xC88;
	s19 =	simm.s32 $0x10;
	v13 =	vadd.f32 v12, v15;
	v12 =	vadd.f32 v6, v16;
	v6 =	vld.idx.msk [tilespmem:v14+s10+$0x0], $0xffff  }
.LBB2_12:
0x1a8: {  	p0 =	sne.s32 s19, $0xC0;
	v14 =	vadd.s32 s20, v0;
	s20 =	sadd.s32 $0x1, s18;
	v9 =	vld.idx.msk [tilespmem:v9+s10+$0x0], $0xffff  }
0x1a9: {  	v15 =	vadd.s32 s20, v0;
	s20 =	sadd.s32 $0xC81, s18;
	v2 =	vadd.f32 v2, v13;
	v4 =	vadd.f32 v4, v12;
	v10 =	vld.idx.msk [tilespmem:v10+s10+$0x0], $0xffff  }
0x1aa: {  	v12 =	vadd.s32 s20, v0;
	s20 =	sadd.s32 $0x2, s18;
	v11 =	vld.idx.msk [tilespmem:v11+s10+$0x0], $0xffff  }
0x1ab: {  	v13 =	vadd.s32 s20, v0;
	s20 =	sadd.s32 $0xC82, s18;
	v1 =	vadd.f32 v1, v2;
	v2 =	vadd.f32 v5, v4;
	v4 =	vld.idx.msk [tilespmem:v8+s10+$0x0], $0xffff  }
0x1ac: {  	v5 =	vld.idx.msk [tilespmem:v7+s10+$0x0], $0xffff;
	v7 =	vadd.s32 s20, v0;
	s20 =	sadd.s32 $0x3, s18  }
0x1ad: {  	v8 =	vld.idx.msk [tilespmem:v14+s10+$0x0], $0xffff;
	v14 =	vadd.s32 s20, v0;
	s20 =	sadd.s32 $0xC83, s18;
	v1 =	vadd.f32 v3, v1;
	v2 =	vadd.f32 v6, v2  }
0x1ae: {  	v3 =	vld.idx.msk [tilespmem:v15+s10+$0x0], $0xffff;
	v6 =	vadd.s32 s20, v0;
	s20 =	sadd.s32 $0x4, s18  }
0x1af: {  	v12 =	vld.idx.msk [tilespmem:v12+s10+$0x0], $0xffff;
	v15 =	vadd.s32 s20, v0;
	s20 =	sadd.s32 $0xC84, s18;
	v1 =	vadd.f32 v9, v1;
	v2 =	vadd.f32 v10, v2  }
0x1b0: {  	v13 =	vld.idx.msk [tilespmem:v13+s10+$0x0], $0xffff;
	v16 =	vadd.s32 s20, v0;
	s20 =	sadd.s32 $0x5, s18  }
0x1b1: {  	v17 =	vld.idx.msk [tilespmem:v7+s10+$0x0], $0xffff;
	v7 =	vadd.s32 s20, v0;
	s20 =	sadd.s32 $0xC85, s18;
	v1 =	vadd.f32 v11, v1;
	v4 =	vadd.f32 v4, v2  }
0x1b2: {  	v2 =	vld.idx.msk [tilespmem:v14+s10+$0x0], $0xffff;
	v14 =	vadd.s32 s20, v0;
	s20 =	sadd.s32 $0x6, s18  }
.Ltmp5:
0x1b3: {  	v5 =	vadd.f32 v5, v1;
	v8 =	vadd.f32 v8, v4;
	v4 =	vld.idx.msk [tilespmem:v6+s10+$0x0], $0xffff;
	v9 =	vadd.s32 s20, v0;
	s20 =	sadd.s32 $0xC86, s18;
	(pc) =	sbr.rel @p0 .LBB2_12-.Ltmp5, $4  }
0x1b4: {  	v1 =	vld.idx.msk [tilespmem:v15+s10+$0x0], $0xffff;
	v10 =	vadd.s32 s20, v0;
	s20 =	sadd.s32 $0x7, s18  }
0x1b5: {  	v6 =	vadd.f32 v3, v5;
	v12 =	vadd.f32 v12, v8;
	v5 =	vld.idx.msk [tilespmem:v16+s10+$0x0], $0xffff;
	v11 =	vadd.s32 s20, v0;
	s20 =	sadd.s32 $0xC87, s18;
	s18 =	smov.u32 s19  }
0x1b6: {  	v3 =	vld.idx.msk [tilespmem:v7+s10+$0x0], $0xffff;
	v8 =	vadd.s32 s20, v0  }
0x1b7: {  	s19 =	sadd.s32 $0x8, s19;
	v7 =	vadd.s32 s18, v0;
	s20 =	sadd.s32 $0xC80, s18;
	v13 =	vadd.f32 v13, v6;
	v12 =	vadd.f32 v17, v12;
	v6 =	vld.idx.msk [tilespmem:v14+s10+$0x0], $0xffff  }
0x1b8: {  	_ =	sdelay $0x2  }
0x1b9: {  	v2 =	vadd.f32 v2, v13  }
0x1ba: {  	s19 =	sadd.s32 $0x1, s18;
	v9 =	vld.idx.msk [tilespmem:v9+s10+$0x0], $0xffff;
	v13 =	vadd.s32 s20, v0;
	v4 =	vadd.f32 v4, v12  }
0x1bb: {  	v10 =	vld.idx.msk [tilespmem:v10+s10+$0x0], $0xffff;
	v12 =	vadd.s32 s19, v0;
	s20 =	sadd.s32 $0xC81, s18;
	v1 =	vadd.f32 v1, v2  }
0x1bc: {  	v11 =	vld.idx.msk [tilespmem:v11+s10+$0x0], $0xffff;
	v2 =	vadd.s32 s20, v0;
	s20 =	sadd.s32 $0x2, s18;
	v4 =	vadd.f32 v5, v4  }
0x1bd: {  	v8 =	vld.idx.msk [tilespmem:v8+s10+$0x0], $0xffff;
	v5 =	vadd.s32 s20, v0;
	s20 =	sadd.s32 $0xC82, s18;
	v1 =	vadd.f32 v3, v1  }
0x1be: {  	v3 =	vld.idx.msk [tilespmem:v7+s10+$0x0], $0xffff;
	v7 =	vadd.s32 s20, v0;
	s20 =	sadd.s32 $0x3, s18;
	v4 =	vadd.f32 v6, v4  }
0x1bf: {  	v6 =	vld.idx.msk [tilespmem:v13+s10+$0x0], $0xffff;
	v13 =	vadd.s32 s20, v0;
	s20 =	sadd.s32 $0xC83, s18;
	v1 =	vadd.f32 v9, v1  }
0x1c0: {  	v9 =	vld.idx.msk [tilespmem:v12+s10+$0x0], $0xffff;
	v12 =	vadd.s32 s20, v0;
	s20 =	sadd.s32 $0x4, s18;
	v4 =	vadd.f32 v10, v4  }
0x1c1: {  	v2 =	vld.idx.msk [tilespmem:v2+s10+$0x0], $0xffff;
	v10 =	vadd.s32 s20, v0;
	s20 =	sadd.s32 $0xC84, s18;
	v1 =	vadd.f32 v11, v1  }
0x1c2: {  	v5 =	vld.idx.msk [tilespmem:v5+s10+$0x0], $0xffff;
	v11 =	vadd.s32 s20, v0;
	s20 =	sadd.s32 $0x5, s18;
	v4 =	vadd.f32 v8, v4  }
0x1c3: {  	v7 =	vld.idx.msk [tilespmem:v7+s10+$0x0], $0xffff;
	v8 =	vadd.s32 s20, v0;
	s20 =	sadd.s32 $0xC85, s18;
	v1 =	vadd.f32 v3, v1  }
0x1c4: {  	v3 =	vld.idx.msk [tilespmem:v13+s10+$0x0], $0xffff;
	v13 =	vadd.s32 s20, v0;
	s20 =	sadd.s32 $0x6, s18;
	v4 =	vadd.f32 v6, v4  }
0x1c5: {  	v6 =	vld.idx.msk [tilespmem:v12+s10+$0x0], $0xffff;
	v12 =	vadd.s32 s20, v0;
	s20 =	sadd.s32 $0xC86, s18;
	v1 =	vadd.f32 v9, v1  }
0x1c6: {  	v9 =	vld.idx.msk [tilespmem:v10+s10+$0x0], $0xffff;
	v10 =	vadd.s32 s20, v0;
	s20 =	sadd.s32 $0x7, s18;
	v2 =	vadd.f32 v2, v4  }
0x1c7: {  	s19 =	sadd.s32 $0xC87, s18;
	v4 =	vld.idx.msk [tilespmem:v11+s10+$0x0], $0xffff;
	v11 =	vadd.s32 s20, v0;
	v1 =	vadd.f32 v5, v1  }
0x1c8: {  	v5 =	vld.idx.msk [tilespmem:v8+s10+$0x0], $0xffff;
	v8 =	vadd.s32 s19, v0;
	v2 =	vadd.f32 v7, v2  }
0x1c9: {  	v7 =	vld.idx.msk [tilespmem:v13+s10+$0x0], $0xffff;
	v1 =	vadd.f32 v3, v1  }
0x1ca: {  	v3 =	vld.idx.msk [tilespmem:v12+s10+$0x0], $0xffff;
	v2 =	vadd.f32 v6, v2  }
0x1cb: {  	v6 =	vld.idx.msk [tilespmem:v10+s10+$0x0], $0xffff;
	v1 =	vadd.f32 v9, v1  }
0x1cc: {  	v9 =	vld.idx.msk [tilespmem:v11+s10+$0x0], $0xffff;
	v2 =	vadd.f32 v4, v2  }
0x1cd: {  	v4 =	vld.idx.msk [tilespmem:v8+s10+$0x0], $0xffff;
	v1 =	vadd.f32 v5, v1  }
0x1ce: {  	v2 =	vadd.f32 v7, v2  }
0x1cf: {  	v1 =	vadd.f32 v3, v1  }
0x1d0: {  	v2 =	vadd.f32 v6, v2  }
0x1d1: {  	v1 =	vadd.f32 v9, v1  }
0x1d2: {  	v2 =	vadd.f32 v4, v2  }
0x1d3: {  	[tilespmem:$0x12CA0] =	vst v1  }
0x1d4: {  	[tilespmem:$0x12CB0] =	vst v2  }
0x1d5: {  	_ =	swait.ge [sflag:s8], $0x1900  }
0x1d6: {  	[sflag:s8] =	ssyncset.done $0x0  }
0x1d7: {  	[sflag:s8] =	ssyncadd.s32 $0xFFFFE700  }
0x1d8: {  	_ =	swait.ge [sflag:s9], $0x1900  }
0x1d9: {  	s19 =	simm.s32 $0xC80;
	[sflag:s9] =	ssyncset.done $0x0  }
0x1da: {  	s18 =	simm.s32 $0x0;
	v2 =	vadd.s32 s19, v0;
	s19 =	simm.s32 $0xC81;
	[sflag:s9] =	ssyncadd.s32 $0xFFFFE700  }
0x1db: {  	v1 =	vadd.s32 s18, v0;
	[tilespmem:s10], [sflag:$0xC] =	stream.indirect.gather [hbm4b:s3+s22], $0x1, s26, s22, $0xb8;
	[tilespmem:$0x12E00] =	vst v63  }
0x1dc: {  	v4 =	vadd.s32 s19, v0;
	s19 =	simm.s32 $0xC82;
	s20 =	rddreg [dreg:$0xf]  }
0x1dd: {  	[tilespmem:s18], [sflag:$0x1] =	stream.linear.gather [hbm4b:s20+s18], $0x1900, $0x38;
	[tilespmem:$0x12E00] =	vst v63  }
0x1de: {  	v6 =	vadd.s32 s19, v0;
	s20 =	simm.s32 $0x1  }
0x1df: {  	v3 =	vadd.s32 s20, v0;
	s20 =	simm.s32 $0x2  }
0x1e0: {  	s19 =	simm.s32 $0xC83;
	v1 =	vld.idx.msk [tilespmem:v1+s29+$0x0], $0xffff;
	v5 =	vadd.s32 s20, v0;
	s20 =	simm.s32 $0x3  }
0x1e1: {  	v8 =	vadd.s32 s19, v0;
	v7 =	vld.idx.msk [tilespmem:v2+s29+$0x0], $0xffff;
	v2 =	vadd.s32 s20, v0;
	s20 =	simm.s32 $0x4  }
0x1e2: {  	v10 =	vld.idx.msk [tilespmem:v4+s29+$0x0], $0xffff;
	v9 =	vadd.s32 s20, v0  }
0x1e3: {  	v6 =	vld.idx.msk [tilespmem:v6+s29+$0x0], $0xffff;
	s20 =	simm.s32 $0x5  }
0x1e4: {  	s19 =	simm.s32 $0xC84;
	v13 =	vadd.s32 s20, v0;
	v3 =	vld.idx.msk [tilespmem:v3+s29+$0x0], $0xffff  }
0x1e5: {  	v4 =	vimm.f32 $0.0e+00;
	v12 =	vld.idx.msk [tilespmem:v5+s29+$0x0], $0xffff;
	v5 =	vadd.s32 s19, v0;
	s19 =	simm.s32 $0xC85  }
0x1e6: {  	s20 =	simm.s32 $0x6;
	v11 =	vadd.f32 v1, v4;
	v7 =	vadd.f32 v7, v4;
	v4 =	vld.idx.msk [tilespmem:v8+s29+$0x0], $0xffff;
	v14 =	vadd.s32 s19, v0  }
0x1e7: {  	s18 =	simm.s32 $0xC86;
	v1 =	vld.idx.msk [tilespmem:v9+s29+$0x0], $0xffff;
	v9 =	vadd.s32 s20, v0  }
0x1e8: {  	v2 =	vld.idx.msk [tilespmem:v2+s29+$0x0], $0xffff;
	s19 =	simm.s32 $0x7;
	v16 =	vadd.f32 v10, v7;
	v10 =	vadd.s32 s18, v0  }
0x1e9: {  	s20 =	simm.s32 $0xC87;
	v15 =	vadd.f32 v3, v11;
	v11 =	vadd.s32 s19, v0;
	v3 =	vld.idx.msk [tilespmem:v13+s29+$0x0], $0xffff  }
0x1ea: {  	s18 =	simm.s32 $0x8;
	v8 =	vadd.s32 s20, v0;
	v5 =	vld.idx.msk [tilespmem:v5+s29+$0x0], $0xffff  }
0x1eb: {  	v7 =	vadd.s32 s18, v0;
	s20 =	simm.s32 $0xC88;
	s19 =	simm.s32 $0x10;
	v13 =	vadd.f32 v12, v15;
	v12 =	vadd.f32 v6, v16;
	v6 =	vld.idx.msk [tilespmem:v14+s29+$0x0], $0xffff  }
.LBB2_14:
0x1ec: {  	p0 =	sne.s32 s19, $0xC0;
	v14 =	vadd.s32 s20, v0;
	s20 =	sadd.s32 $0x1, s18;
	v9 =	vld.idx.msk [tilespmem:v9+s29+$0x0], $0xffff  }
0x1ed: {  	v15 =	vadd.s32 s20, v0;
	s20 =	sadd.s32 $0xC81, s18;
	v2 =	vadd.f32 v2, v13;
	v4 =	vadd.f32 v4, v12;
	v10 =	vld.idx.msk [tilespmem:v10+s29+$0x0], $0xffff  }
0x1ee: {  	v12 =	vadd.s32 s20, v0;
	s20 =	sadd.s32 $0x2, s18;
	v11 =	vld.idx.msk [tilespmem:v11+s29+$0x0], $0xffff  }
0x1ef: {  	v13 =	vadd.s32 s20, v0;
	s20 =	sadd.s32 $0xC82, s18;
	v1 =	vadd.f32 v1, v2;
	v2 =	vadd.f32 v5, v4;
	v4 =	vld.idx.msk [tilespmem:v8+s29+$0x0], $0xffff  }
0x1f0: {  	v5 =	vld.idx.msk [tilespmem:v7+s29+$0x0], $0xffff;
	v7 =	vadd.s32 s20, v0;
	s20 =	sadd.s32 $0x3, s18  }
0x1f1: {  	v8 =	vld.idx.msk [tilespmem:v14+s29+$0x0], $0xffff;
	v14 =	vadd.s32 s20, v0;
	s20 =	sadd.s32 $0xC83, s18;
	v1 =	vadd.f32 v3, v1;
	v2 =	vadd.f32 v6, v2  }
0x1f2: {  	v3 =	vld.idx.msk [tilespmem:v15+s29+$0x0], $0xffff;
	v6 =	vadd.s32 s20, v0;
	s20 =	sadd.s32 $0x4, s18  }
0x1f3: {  	v12 =	vld.idx.msk [tilespmem:v12+s29+$0x0], $0xffff;
	v15 =	vadd.s32 s20, v0;
	s20 =	sadd.s32 $0xC84, s18;
	v1 =	vadd.f32 v9, v1;
	v2 =	vadd.f32 v10, v2  }
0x1f4: {  	v13 =	vld.idx.msk [tilespmem:v13+s29+$0x0], $0xffff;
	v16 =	vadd.s32 s20, v0;
	s20 =	sadd.s32 $0x5, s18  }
0x1f5: {  	v17 =	vld.idx.msk [tilespmem:v7+s29+$0x0], $0xffff;
	v7 =	vadd.s32 s20, v0;
	s20 =	sadd.s32 $0xC85, s18;
	v1 =	vadd.f32 v11, v1;
	v4 =	vadd.f32 v4, v2  }
0x1f6: {  	v2 =	vld.idx.msk [tilespmem:v14+s29+$0x0], $0xffff;
	v14 =	vadd.s32 s20, v0;
	s20 =	sadd.s32 $0x6, s18  }
.Ltmp6:
0x1f7: {  	v5 =	vadd.f32 v5, v1;
	v8 =	vadd.f32 v8, v4;
	v4 =	vld.idx.msk [tilespmem:v6+s29+$0x0], $0xffff;
	v9 =	vadd.s32 s20, v0;
	s20 =	sadd.s32 $0xC86, s18;
	(pc) =	sbr.rel @p0 .LBB2_14-.Ltmp6, $4  }
0x1f8: {  	v1 =	vld.idx.msk [tilespmem:v15+s29+$0x0], $0xffff;
	v10 =	vadd.s32 s20, v0;
	s20 =	sadd.s32 $0x7, s18  }
0x1f9: {  	v6 =	vadd.f32 v3, v5;
	v12 =	vadd.f32 v12, v8;
	v5 =	vld.idx.msk [tilespmem:v16+s29+$0x0], $0xffff;
	v11 =	vadd.s32 s20, v0;
	s20 =	sadd.s32 $0xC87, s18;
	s18 =	smov.u32 s19  }
0x1fa: {  	v3 =	vld.idx.msk [tilespmem:v7+s29+$0x0], $0xffff;
	v8 =	vadd.s32 s20, v0  }
0x1fb: {  	s19 =	sadd.s32 $0x8, s19;
	v7 =	vadd.s32 s18, v0;
	s20 =	sadd.s32 $0xC80, s18;
	v13 =	vadd.f32 v13, v6;
	v12 =	vadd.f32 v17, v12;
	v6 =	vld.idx.msk [tilespmem:v14+s29+$0x0], $0xffff  }
0x1fc: {  	_ =	sdelay $0x2  }
0x1fd: {  	v2 =	vadd.f32 v2, v13  }
0x1fe: {  	s19 =	sadd.s32 $0x1, s18;
	v9 =	vld.idx.msk [tilespmem:v9+s29+$0x0], $0xffff;
	v13 =	vadd.s32 s20, v0;
	v4 =	vadd.f32 v4, v12  }
0x1ff: {  	v10 =	vld.idx.msk [tilespmem:v10+s29+$0x0], $0xffff;
	v12 =	vadd.s32 s19, v0;
	s20 =	sadd.s32 $0xC81, s18;
	v1 =	vadd.f32 v1, v2  }
0x200: {  	v11 =	vld.idx.msk [tilespmem:v11+s29+$0x0], $0xffff;
	v2 =	vadd.s32 s20, v0;
	s20 =	sadd.s32 $0x2, s18;
	v4 =	vadd.f32 v5, v4  }
0x201: {  	v8 =	vld.idx.msk [tilespmem:v8+s29+$0x0], $0xffff;
	v5 =	vadd.s32 s20, v0;
	s20 =	sadd.s32 $0xC82, s18;
	v1 =	vadd.f32 v3, v1  }
0x202: {  	v3 =	vld.idx.msk [tilespmem:v7+s29+$0x0], $0xffff;
	v7 =	vadd.s32 s20, v0;
	s20 =	sadd.s32 $0x3, s18;
	v4 =	vadd.f32 v6, v4  }
0x203: {  	v6 =	vld.idx.msk [tilespmem:v13+s29+$0x0], $0xffff;
	v13 =	vadd.s32 s20, v0;
	s20 =	sadd.s32 $0xC83, s18;
	v1 =	vadd.f32 v9, v1  }
0x204: {  	v9 =	vld.idx.msk [tilespmem:v12+s29+$0x0], $0xffff;
	v12 =	vadd.s32 s20, v0;
	s20 =	sadd.s32 $0x4, s18;
	v4 =	vadd.f32 v10, v4  }
0x205: {  	v2 =	vld.idx.msk [tilespmem:v2+s29+$0x0], $0xffff;
	v10 =	vadd.s32 s20, v0;
	s20 =	sadd.s32 $0xC84, s18;
	v1 =	vadd.f32 v11, v1  }
0x206: {  	v5 =	vld.idx.msk [tilespmem:v5+s29+$0x0], $0xffff;
	v11 =	vadd.s32 s20, v0;
	s20 =	sadd.s32 $0x5, s18;
	v4 =	vadd.f32 v8, v4  }
0x207: {  	v7 =	vld.idx.msk [tilespmem:v7+s29+$0x0], $0xffff;
	v8 =	vadd.s32 s20, v0;
	s20 =	sadd.s32 $0xC85, s18;
	v1 =	vadd.f32 v3, v1  }
0x208: {  	v3 =	vld.idx.msk [tilespmem:v13+s29+$0x0], $0xffff;
	v13 =	vadd.s32 s20, v0;
	s20 =	sadd.s32 $0x6, s18;
	v4 =	vadd.f32 v6, v4  }
0x209: {  	v6 =	vld.idx.msk [tilespmem:v12+s29+$0x0], $0xffff;
	v12 =	vadd.s32 s20, v0;
	s20 =	sadd.s32 $0xC86, s18;
	v1 =	vadd.f32 v9, v1  }
0x20a: {  	v9 =	vld.idx.msk [tilespmem:v10+s29+$0x0], $0xffff;
	v10 =	vadd.s32 s20, v0;
	s20 =	sadd.s32 $0x7, s18;
	v2 =	vadd.f32 v2, v4  }
0x20b: {  	s19 =	sadd.s32 $0xC87, s18;
	v4 =	vld.idx.msk [tilespmem:v11+s29+$0x0], $0xffff;
	v11 =	vadd.s32 s20, v0;
	v1 =	vadd.f32 v5, v1  }
0x20c: {  	v5 =	vld.idx.msk [tilespmem:v8+s29+$0x0], $0xffff;
	v8 =	vadd.s32 s19, v0;
	v2 =	vadd.f32 v7, v2  }
0x20d: {  	v7 =	vld.idx.msk [tilespmem:v13+s29+$0x0], $0xffff;
	v1 =	vadd.f32 v3, v1  }
0x20e: {  	v3 =	vld.idx.msk [tilespmem:v12+s29+$0x0], $0xffff;
	v2 =	vadd.f32 v6, v2  }
0x20f: {  	v6 =	vld.idx.msk [tilespmem:v10+s29+$0x0], $0xffff;
	v1 =	vadd.f32 v9, v1  }
0x210: {  	v9 =	vld.idx.msk [tilespmem:v11+s29+$0x0], $0xffff;
	v2 =	vadd.f32 v4, v2  }
0x211: {  	v4 =	vld.idx.msk [tilespmem:v8+s29+$0x0], $0xffff;
	v1 =	vadd.f32 v5, v1  }
0x212: {  	v2 =	vadd.f32 v7, v2  }
0x213: {  	v1 =	vadd.f32 v3, v1  }
0x214: {  	v2 =	vadd.f32 v6, v2  }
0x215: {  	v1 =	vadd.f32 v9, v1  }
0x216: {  	v2 =	vadd.f32 v4, v2  }
0x217: {  	[tilespmem:$0x12CC0] =	vst v1  }
0x218: {  	[tilespmem:$0x12CD0] =	vst v2  }
0x219: {  	_ =	swait.ge [sflag:s11], $0x1900  }
0x21a: {  	[sflag:s11] =	ssyncset.done $0x0  }
0x21b: {  	[sflag:s11] =	ssyncadd.s32 $0xFFFFE700  }
0x21c: {  	_ =	swait.ge [sflag:s28], $0x1900  }
0x21d: {  	s19 =	simm.s32 $0xC80;
	[sflag:s28] =	ssyncset.done $0x0  }
0x21e: {  	s18 =	simm.s32 $0x0;
	v2 =	vadd.s32 s19, v0;
	s19 =	simm.s32 $0xC81;
	[sflag:s28] =	ssyncadd.s32 $0xFFFFE700  }
0x21f: {  	v1 =	vadd.s32 s18, v0;
	[tilespmem:s29], [sflag:$0x7] =	stream.indirect.gather [hbm4b:s3+s22], $0x1, s18, s22, $0xb8;
	[tilespmem:$0x12E00] =	vst v63  }
0x220: {  	v4 =	vadd.s32 s19, v0;
	s19 =	simm.s32 $0xC82;
	s20 =	rddreg [dreg:$0x10]  }
0x221: {  	[tilespmem:s22], [sflag:$0x2] =	stream.linear.gather [hbm4b:s20+s18], $0x1900, $0x38;
	[tilespmem:$0x12E00] =	vst v63  }
0x222: {  	v6 =	vadd.s32 s19, v0;
	s20 =	simm.s32 $0x1  }
0x223: {  	v3 =	vadd.s32 s20, v0;
	s20 =	simm.s32 $0x2  }
0x224: {  	s19 =	simm.s32 $0xC83;
	v1 =	vld.idx.msk [tilespmem:v1+s31+$0x0], $0xffff;
	v5 =	vadd.s32 s20, v0;
	s20 =	simm.s32 $0x3  }
0x225: {  	v8 =	vadd.s32 s19, v0;
	v7 =	vld.idx.msk [tilespmem:v2+s31+$0x0], $0xffff;
	v2 =	vadd.s32 s20, v0;
	s20 =	simm.s32 $0x4  }
0x226: {  	v10 =	vld.idx.msk [tilespmem:v4+s31+$0x0], $0xffff;
	v9 =	vadd.s32 s20, v0  }
0x227: {  	v6 =	vld.idx.msk [tilespmem:v6+s31+$0x0], $0xffff;
	s20 =	simm.s32 $0x5  }
0x228: {  	s19 =	simm.s32 $0xC84;
	v13 =	vadd.s32 s20, v0;
	v3 =	vld.idx.msk [tilespmem:v3+s31+$0x0], $0xffff  }
0x229: {  	v4 =	vimm.f32 $0.0e+00;
	v12 =	vld.idx.msk [tilespmem:v5+s31+$0x0], $0xffff;
	v5 =	vadd.s32 s19, v0;
	s19 =	simm.s32 $0xC85  }
0x22a: {  	s20 =	simm.s32 $0x6;
	v11 =	vadd.f32 v1, v4;
	v7 =	vadd.f32 v7, v4;
	v4 =	vld.idx.msk [tilespmem:v8+s31+$0x0], $0xffff;
	v14 =	vadd.s32 s19, v0  }
0x22b: {  	s18 =	simm.s32 $0xC86;
	v1 =	vld.idx.msk [tilespmem:v9+s31+$0x0], $0xffff;
	v9 =	vadd.s32 s20, v0  }
0x22c: {  	v2 =	vld.idx.msk [tilespmem:v2+s31+$0x0], $0xffff;
	s19 =	simm.s32 $0x7;
	v16 =	vadd.f32 v10, v7;
	v10 =	vadd.s32 s18, v0  }
0x22d: {  	s20 =	simm.s32 $0xC87;
	v15 =	vadd.f32 v3, v11;
	v11 =	vadd.s32 s19, v0;
	v3 =	vld.idx.msk [tilespmem:v13+s31+$0x0], $0xffff  }
0x22e: {  	s18 =	simm.s32 $0x8;
	v8 =	vadd.s32 s20, v0;
	v5 =	vld.idx.msk [tilespmem:v5+s31+$0x0], $0xffff  }
0x22f: {  	v7 =	vadd.s32 s18, v0;
	s20 =	simm.s32 $0xC88;
	s19 =	simm.s32 $0x10;
	v13 =	vadd.f32 v12, v15;
	v12 =	vadd.f32 v6, v16;
	v6 =	vld.idx.msk [tilespmem:v14+s31+$0x0], $0xffff  }
.LBB2_16:
0x230: {  	p0 =	sne.s32 s19, $0xC0;
	v14 =	vadd.s32 s20, v0;
	s20 =	sadd.s32 $0x1, s18;
	v9 =	vld.idx.msk [tilespmem:v9+s31+$0x0], $0xffff  }
0x231: {  	v15 =	vadd.s32 s20, v0;
	s20 =	sadd.s32 $0xC81, s18;
	v2 =	vadd.f32 v2, v13;
	v4 =	vadd.f32 v4, v12;
	v10 =	vld.idx.msk [tilespmem:v10+s31+$0x0], $0xffff  }
0x232: {  	v12 =	vadd.s32 s20, v0;
	s20 =	sadd.s32 $0x2, s18;
	v11 =	vld.idx.msk [tilespmem:v11+s31+$0x0], $0xffff  }
0x233: {  	v13 =	vadd.s32 s20, v0;
	s20 =	sadd.s32 $0xC82, s18;
	v1 =	vadd.f32 v1, v2;
	v2 =	vadd.f32 v5, v4;
	v4 =	vld.idx.msk [tilespmem:v8+s31+$0x0], $0xffff  }
0x234: {  	v5 =	vld.idx.msk [tilespmem:v7+s31+$0x0], $0xffff;
	v7 =	vadd.s32 s20, v0;
	s20 =	sadd.s32 $0x3, s18  }
0x235: {  	v8 =	vld.idx.msk [tilespmem:v14+s31+$0x0], $0xffff;
	v14 =	vadd.s32 s20, v0;
	s20 =	sadd.s32 $0xC83, s18;
	v1 =	vadd.f32 v3, v1;
	v2 =	vadd.f32 v6, v2  }
0x236: {  	v3 =	vld.idx.msk [tilespmem:v15+s31+$0x0], $0xffff;
	v6 =	vadd.s32 s20, v0;
	s20 =	sadd.s32 $0x4, s18  }
0x237: {  	v12 =	vld.idx.msk [tilespmem:v12+s31+$0x0], $0xffff;
	v15 =	vadd.s32 s20, v0;
	s20 =	sadd.s32 $0xC84, s18;
	v1 =	vadd.f32 v9, v1;
	v2 =	vadd.f32 v10, v2  }
0x238: {  	v13 =	vld.idx.msk [tilespmem:v13+s31+$0x0], $0xffff;
	v16 =	vadd.s32 s20, v0;
	s20 =	sadd.s32 $0x5, s18  }
0x239: {  	v17 =	vld.idx.msk [tilespmem:v7+s31+$0x0], $0xffff;
	v7 =	vadd.s32 s20, v0;
	s20 =	sadd.s32 $0xC85, s18;
	v1 =	vadd.f32 v11, v1;
	v4 =	vadd.f32 v4, v2  }
0x23a: {  	v2 =	vld.idx.msk [tilespmem:v14+s31+$0x0], $0xffff;
	v14 =	vadd.s32 s20, v0;
	s20 =	sadd.s32 $0x6, s18  }
.Ltmp7:
0x23b: {  	v5 =	vadd.f32 v5, v1;
	v8 =	vadd.f32 v8, v4;
	v4 =	vld.idx.msk [tilespmem:v6+s31+$0x0], $0xffff;
	v9 =	vadd.s32 s20, v0;
	s20 =	sadd.s32 $0xC86, s18;
	(pc) =	sbr.rel @p0 .LBB2_16-.Ltmp7, $4  }
0x23c: {  	v1 =	vld.idx.msk [tilespmem:v15+s31+$0x0], $0xffff;
	v10 =	vadd.s32 s20, v0;
	s20 =	sadd.s32 $0x7, s18  }
0x23d: {  	v6 =	vadd.f32 v3, v5;
	v12 =	vadd.f32 v12, v8;
	v5 =	vld.idx.msk [tilespmem:v16+s31+$0x0], $0xffff;
	v11 =	vadd.s32 s20, v0;
	s20 =	sadd.s32 $0xC87, s18;
	s18 =	smov.u32 s19  }
0x23e: {  	v3 =	vld.idx.msk [tilespmem:v7+s31+$0x0], $0xffff;
	v8 =	vadd.s32 s20, v0  }
0x23f: {  	s19 =	sadd.s32 $0x8, s19;
	v7 =	vadd.s32 s18, v0;
	s20 =	sadd.s32 $0xC80, s18;
	v13 =	vadd.f32 v13, v6;
	v12 =	vadd.f32 v17, v12;
	v6 =	vld.idx.msk [tilespmem:v14+s31+$0x0], $0xffff  }
0x240: {  	_ =	sdelay $0x2  }
0x241: {  	v2 =	vadd.f32 v2, v13  }
0x242: {  	s19 =	sadd.s32 $0x1, s18;
	v9 =	vld.idx.msk [tilespmem:v9+s31+$0x0], $0xffff;
	v13 =	vadd.s32 s20, v0;
	v4 =	vadd.f32 v4, v12  }
0x243: {  	v10 =	vld.idx.msk [tilespmem:v10+s31+$0x0], $0xffff;
	v12 =	vadd.s32 s19, v0;
	s20 =	sadd.s32 $0xC81, s18;
	v1 =	vadd.f32 v1, v2  }
0x244: {  	v11 =	vld.idx.msk [tilespmem:v11+s31+$0x0], $0xffff;
	v2 =	vadd.s32 s20, v0;
	s20 =	sadd.s32 $0x2, s18;
	v4 =	vadd.f32 v5, v4  }
0x245: {  	v8 =	vld.idx.msk [tilespmem:v8+s31+$0x0], $0xffff;
	v5 =	vadd.s32 s20, v0;
	s20 =	sadd.s32 $0xC82, s18;
	v1 =	vadd.f32 v3, v1  }
0x246: {  	v3 =	vld.idx.msk [tilespmem:v7+s31+$0x0], $0xffff;
	v7 =	vadd.s32 s20, v0;
	s20 =	sadd.s32 $0x3, s18;
	v4 =	vadd.f32 v6, v4  }
0x247: {  	v6 =	vld.idx.msk [tilespmem:v13+s31+$0x0], $0xffff;
	v13 =	vadd.s32 s20, v0;
	s20 =	sadd.s32 $0xC83, s18;
	v1 =	vadd.f32 v9, v1  }
0x248: {  	v9 =	vld.idx.msk [tilespmem:v12+s31+$0x0], $0xffff;
	v12 =	vadd.s32 s20, v0;
	s20 =	sadd.s32 $0x4, s18;
	v4 =	vadd.f32 v10, v4  }
0x249: {  	v2 =	vld.idx.msk [tilespmem:v2+s31+$0x0], $0xffff;
	v10 =	vadd.s32 s20, v0;
	s20 =	sadd.s32 $0xC84, s18;
	v1 =	vadd.f32 v11, v1  }
0x24a: {  	v5 =	vld.idx.msk [tilespmem:v5+s31+$0x0], $0xffff;
	v11 =	vadd.s32 s20, v0;
	s20 =	sadd.s32 $0x5, s18;
	v4 =	vadd.f32 v8, v4  }
0x24b: {  	v7 =	vld.idx.msk [tilespmem:v7+s31+$0x0], $0xffff;
	v8 =	vadd.s32 s20, v0;
	s20 =	sadd.s32 $0xC85, s18;
	v1 =	vadd.f32 v3, v1  }
0x24c: {  	v3 =	vld.idx.msk [tilespmem:v13+s31+$0x0], $0xffff;
	v13 =	vadd.s32 s20, v0;
	s20 =	sadd.s32 $0x6, s18;
	v4 =	vadd.f32 v6, v4  }
0x24d: {  	v6 =	vld.idx.msk [tilespmem:v12+s31+$0x0], $0xffff;
	v12 =	vadd.s32 s20, v0;
	s20 =	sadd.s32 $0xC86, s18;
	v1 =	vadd.f32 v9, v1  }
0x24e: {  	v9 =	vld.idx.msk [tilespmem:v10+s31+$0x0], $0xffff;
	v10 =	vadd.s32 s20, v0;
	s20 =	sadd.s32 $0x7, s18;
	v2 =	vadd.f32 v2, v4  }
0x24f: {  	s19 =	sadd.s32 $0xC87, s18;
	v4 =	vld.idx.msk [tilespmem:v11+s31+$0x0], $0xffff;
	v11 =	vadd.s32 s20, v0;
	v1 =	vadd.f32 v5, v1  }
0x250: {  	v5 =	vld.idx.msk [tilespmem:v8+s31+$0x0], $0xffff;
	v8 =	vadd.s32 s19, v0;
	v2 =	vadd.f32 v7, v2  }
0x251: {  	v7 =	vld.idx.msk [tilespmem:v13+s31+$0x0], $0xffff;
	v1 =	vadd.f32 v3, v1  }
0x252: {  	v3 =	vld.idx.msk [tilespmem:v12+s31+$0x0], $0xffff;
	v2 =	vadd.f32 v6, v2  }
0x253: {  	v6 =	vld.idx.msk [tilespmem:v10+s31+$0x0], $0xffff;
	v1 =	vadd.f32 v9, v1  }
0x254: {  	v9 =	vld.idx.msk [tilespmem:v11+s31+$0x0], $0xffff;
	v2 =	vadd.f32 v4, v2  }
0x255: {  	v4 =	vld.idx.msk [tilespmem:v8+s31+$0x0], $0xffff;
	v1 =	vadd.f32 v5, v1  }
0x256: {  	v2 =	vadd.f32 v7, v2  }
0x257: {  	v1 =	vadd.f32 v3, v1  }
0x258: {  	v2 =	vadd.f32 v6, v2  }
0x259: {  	v1 =	vadd.f32 v9, v1  }
0x25a: {  	v2 =	vadd.f32 v4, v2  }
0x25b: {  	[tilespmem:$0x12CE0] =	vst v1  }
0x25c: {  	[tilespmem:$0x12CF0] =	vst v2  }
0x25d: {  	_ =	swait.ge [sflag:s12], $0x1900  }
0x25e: {  	[sflag:s12] =	ssyncset.done $0x0  }
0x25f: {  	[sflag:s12] =	ssyncadd.s32 $0xFFFFE700  }
0x260: {  	_ =	swait.ge [sflag:s30], $0x1900  }
0x261: {  	s19 =	simm.s32 $0xC80;
	[sflag:s30] =	ssyncset.done $0x0  }
0x262: {  	s18 =	simm.s32 $0x0;
	v2 =	vadd.s32 s19, v0;
	s19 =	simm.s32 $0xC81;
	[sflag:s30] =	ssyncadd.s32 $0xFFFFE700  }
0x263: {  	v1 =	vadd.s32 s18, v0;
	[tilespmem:s31], [sflag:$0x8] =	stream.indirect.gather [hbm4b:s3+s22], $0x1, s22, s22, $0xb8;
	[tilespmem:$0x12E00] =	vst v63  }
0x264: {  	v4 =	vadd.s32 s19, v0;
	s19 =	simm.s32 $0xC82;
	s20 =	rddreg [dreg:$0x11]  }
0x265: {  	[tilespmem:s23], [sflag:$0x3] =	stream.linear.gather [hbm4b:s20+s18], $0x1900, $0x38;
	[tilespmem:$0x12E00] =	vst v63  }
0x266: {  	v6 =	vadd.s32 s19, v0;
	s20 =	simm.s32 $0x1  }
0x267: {  	v3 =	vadd.s32 s20, v0;
	s20 =	simm.s32 $0x2  }
0x268: {  	s19 =	simm.s32 $0xC83;
	v1 =	vld.idx.msk [tilespmem:v1+s0+$0x0], $0xffff;
	v5 =	vadd.s32 s20, v0;
	s20 =	simm.s32 $0x3  }
0x269: {  	v8 =	vadd.s32 s19, v0;
	v7 =	vld.idx.msk [tilespmem:v2+s0+$0x0], $0xffff;
	v2 =	vadd.s32 s20, v0;
	s20 =	simm.s32 $0x4  }
0x26a: {  	v10 =	vld.idx.msk [tilespmem:v4+s0+$0x0], $0xffff;
	v9 =	vadd.s32 s20, v0  }
0x26b: {  	v6 =	vld.idx.msk [tilespmem:v6+s0+$0x0], $0xffff;
	s20 =	simm.s32 $0x5  }
0x26c: {  	s19 =	simm.s32 $0xC84;
	v13 =	vadd.s32 s20, v0;
	v3 =	vld.idx.msk [tilespmem:v3+s0+$0x0], $0xffff  }
0x26d: {  	v4 =	vimm.f32 $0.0e+00;
	v12 =	vld.idx.msk [tilespmem:v5+s0+$0x0], $0xffff;
	v5 =	vadd.s32 s19, v0;
	s19 =	simm.s32 $0xC85  }
0x26e: {  	s20 =	simm.s32 $0x6;
	v11 =	vadd.f32 v1, v4;
	v7 =	vadd.f32 v7, v4;
	v4 =	vld.idx.msk [tilespmem:v8+s0+$0x0], $0xffff;
	v14 =	vadd.s32 s19, v0  }
0x26f: {  	s18 =	simm.s32 $0xC86;
	v1 =	vld.idx.msk [tilespmem:v9+s0+$0x0], $0xffff;
	v9 =	vadd.s32 s20, v0  }
0x270: {  	v2 =	vld.idx.msk [tilespmem:v2+s0+$0x0], $0xffff;
	s19 =	simm.s32 $0x7;
	v16 =	vadd.f32 v10, v7;
	v10 =	vadd.s32 s18, v0  }
0x271: {  	s20 =	simm.s32 $0xC87;
	v15 =	vadd.f32 v3, v11;
	v11 =	vadd.s32 s19, v0;
	v3 =	vld.idx.msk [tilespmem:v13+s0+$0x0], $0xffff  }
0x272: {  	s18 =	simm.s32 $0x8;
	v8 =	vadd.s32 s20, v0;
	v5 =	vld.idx.msk [tilespmem:v5+s0+$0x0], $0xffff  }
0x273: {  	v7 =	vadd.s32 s18, v0;
	s20 =	simm.s32 $0xC88;
	s19 =	simm.s32 $0x10;
	v13 =	vadd.f32 v12, v15;
	v12 =	vadd.f32 v6, v16;
	v6 =	vld.idx.msk [tilespmem:v14+s0+$0x0], $0xffff  }
.LBB2_18:
0x274: {  	p0 =	sne.s32 s19, $0xC0;
	v14 =	vadd.s32 s20, v0;
	s20 =	sadd.s32 $0x1, s18;
	v9 =	vld.idx.msk [tilespmem:v9+s0+$0x0], $0xffff  }
0x275: {  	v15 =	vadd.s32 s20, v0;
	s20 =	sadd.s32 $0xC81, s18;
	v2 =	vadd.f32 v2, v13;
	v4 =	vadd.f32 v4, v12;
	v10 =	vld.idx.msk [tilespmem:v10+s0+$0x0], $0xffff  }
0x276: {  	v12 =	vadd.s32 s20, v0;
	s20 =	sadd.s32 $0x2, s18;
	v11 =	vld.idx.msk [tilespmem:v11+s0+$0x0], $0xffff  }
0x277: {  	v13 =	vadd.s32 s20, v0;
	s20 =	sadd.s32 $0xC82, s18;
	v1 =	vadd.f32 v1, v2;
	v2 =	vadd.f32 v5, v4;
	v4 =	vld.idx.msk [tilespmem:v8+s0+$0x0], $0xffff  }
0x278: {  	v5 =	vld.idx.msk [tilespmem:v7+s0+$0x0], $0xffff;
	v7 =	vadd.s32 s20, v0;
	s20 =	sadd.s32 $0x3, s18  }
0x279: {  	v8 =	vld.idx.msk [tilespmem:v14+s0+$0x0], $0xffff;
	v14 =	vadd.s32 s20, v0;
	s20 =	sadd.s32 $0xC83, s18;
	v1 =	vadd.f32 v3, v1;
	v2 =	vadd.f32 v6, v2  }
0x27a: {  	v3 =	vld.idx.msk [tilespmem:v15+s0+$0x0], $0xffff;
	v6 =	vadd.s32 s20, v0;
	s20 =	sadd.s32 $0x4, s18  }
0x27b: {  	v12 =	vld.idx.msk [tilespmem:v12+s0+$0x0], $0xffff;
	v15 =	vadd.s32 s20, v0;
	s20 =	sadd.s32 $0xC84, s18;
	v1 =	vadd.f32 v9, v1;
	v2 =	vadd.f32 v10, v2  }
0x27c: {  	v13 =	vld.idx.msk [tilespmem:v13+s0+$0x0], $0xffff;
	v16 =	vadd.s32 s20, v0;
	s20 =	sadd.s32 $0x5, s18  }
0x27d: {  	v17 =	vld.idx.msk [tilespmem:v7+s0+$0x0], $0xffff;
	v7 =	vadd.s32 s20, v0;
	s20 =	sadd.s32 $0xC85, s18;
	v1 =	vadd.f32 v11, v1;
	v4 =	vadd.f32 v4, v2  }
0x27e: {  	v2 =	vld.idx.msk [tilespmem:v14+s0+$0x0], $0xffff;
	v14 =	vadd.s32 s20, v0;
	s20 =	sadd.s32 $0x6, s18  }
.Ltmp8:
0x27f: {  	v5 =	vadd.f32 v5, v1;
	v8 =	vadd.f32 v8, v4;
	v4 =	vld.idx.msk [tilespmem:v6+s0+$0x0], $0xffff;
	v9 =	vadd.s32 s20, v0;
	s20 =	sadd.s32 $0xC86, s18;
	(pc) =	sbr.rel @p0 .LBB2_18-.Ltmp8, $4  }
0x280: {  	v1 =	vld.idx.msk [tilespmem:v15+s0+$0x0], $0xffff;
	v10 =	vadd.s32 s20, v0;
	s20 =	sadd.s32 $0x7, s18  }
0x281: {  	v6 =	vadd.f32 v3, v5;
	v12 =	vadd.f32 v12, v8;
	v5 =	vld.idx.msk [tilespmem:v16+s0+$0x0], $0xffff;
	v11 =	vadd.s32 s20, v0;
	s20 =	sadd.s32 $0xC87, s18;
	s18 =	smov.u32 s19  }
0x282: {  	v3 =	vld.idx.msk [tilespmem:v7+s0+$0x0], $0xffff;
	v8 =	vadd.s32 s20, v0  }
0x283: {  	s19 =	sadd.s32 $0x8, s19;
	v7 =	vadd.s32 s18, v0;
	s20 =	sadd.s32 $0xC80, s18;
	v13 =	vadd.f32 v13, v6;
	v12 =	vadd.f32 v17, v12;
	v6 =	vld.idx.msk [tilespmem:v14+s0+$0x0], $0xffff  }
0x284: {  	_ =	sdelay $0x2  }
0x285: {  	v2 =	vadd.f32 v2, v13  }
0x286: {  	s19 =	sadd.s32 $0x1, s18;
	v9 =	vld.idx.msk [tilespmem:v9+s0+$0x0], $0xffff;
	v13 =	vadd.s32 s20, v0;
	v4 =	vadd.f32 v4, v12  }
0x287: {  	v10 =	vld.idx.msk [tilespmem:v10+s0+$0x0], $0xffff;
	v12 =	vadd.s32 s19, v0;
	s20 =	sadd.s32 $0xC81, s18;
	v1 =	vadd.f32 v1, v2  }
0x288: {  	v11 =	vld.idx.msk [tilespmem:v11+s0+$0x0], $0xffff;
	v2 =	vadd.s32 s20, v0;
	s20 =	sadd.s32 $0x2, s18;
	v4 =	vadd.f32 v5, v4  }
0x289: {  	v8 =	vld.idx.msk [tilespmem:v8+s0+$0x0], $0xffff;
	v5 =	vadd.s32 s20, v0;
	s20 =	sadd.s32 $0xC82, s18;
	v1 =	vadd.f32 v3, v1  }
0x28a: {  	v3 =	vld.idx.msk [tilespmem:v7+s0+$0x0], $0xffff;
	v7 =	vadd.s32 s20, v0;
	s20 =	sadd.s32 $0x3, s18;
	v4 =	vadd.f32 v6, v4  }
0x28b: {  	v6 =	vld.idx.msk [tilespmem:v13+s0+$0x0], $0xffff;
	v13 =	vadd.s32 s20, v0;
	s20 =	sadd.s32 $0xC83, s18;
	v1 =	vadd.f32 v9, v1  }
0x28c: {  	v9 =	vld.idx.msk [tilespmem:v12+s0+$0x0], $0xffff;
	v12 =	vadd.s32 s20, v0;
	s20 =	sadd.s32 $0x4, s18;
	v4 =	vadd.f32 v10, v4  }
0x28d: {  	v2 =	vld.idx.msk [tilespmem:v2+s0+$0x0], $0xffff;
	v10 =	vadd.s32 s20, v0;
	s20 =	sadd.s32 $0xC84, s18;
	v1 =	vadd.f32 v11, v1  }
0x28e: {  	v5 =	vld.idx.msk [tilespmem:v5+s0+$0x0], $0xffff;
	v11 =	vadd.s32 s20, v0;
	s20 =	sadd.s32 $0x5, s18;
	v4 =	vadd.f32 v8, v4  }
0x28f: {  	v7 =	vld.idx.msk [tilespmem:v7+s0+$0x0], $0xffff;
	v8 =	vadd.s32 s20, v0;
	s20 =	sadd.s32 $0xC85, s18;
	v1 =	vadd.f32 v3, v1  }
0x290: {  	v3 =	vld.idx.msk [tilespmem:v13+s0+$0x0], $0xffff;
	v13 =	vadd.s32 s20, v0;
	s20 =	sadd.s32 $0x6, s18;
	v4 =	vadd.f32 v6, v4  }
0x291: {  	v6 =	vld.idx.msk [tilespmem:v12+s0+$0x0], $0xffff;
	v12 =	vadd.s32 s20, v0;
	s20 =	sadd.s32 $0xC86, s18;
	v1 =	vadd.f32 v9, v1  }
0x292: {  	v9 =	vld.idx.msk [tilespmem:v10+s0+$0x0], $0xffff;
	v10 =	vadd.s32 s20, v0;
	s20 =	sadd.s32 $0x7, s18;
	v2 =	vadd.f32 v2, v4  }
0x293: {  	s19 =	sadd.s32 $0xC87, s18;
	v4 =	vld.idx.msk [tilespmem:v11+s0+$0x0], $0xffff;
	v11 =	vadd.s32 s20, v0;
	v1 =	vadd.f32 v5, v1  }
0x294: {  	v5 =	vld.idx.msk [tilespmem:v8+s0+$0x0], $0xffff;
	v8 =	vadd.s32 s19, v0;
	v2 =	vadd.f32 v7, v2  }
0x295: {  	v7 =	vld.idx.msk [tilespmem:v13+s0+$0x0], $0xffff;
	v1 =	vadd.f32 v3, v1  }
0x296: {  	v3 =	vld.idx.msk [tilespmem:v12+s0+$0x0], $0xffff;
	v2 =	vadd.f32 v6, v2  }
0x297: {  	v6 =	vld.idx.msk [tilespmem:v10+s0+$0x0], $0xffff;
	v1 =	vadd.f32 v9, v1  }
0x298: {  	v9 =	vld.idx.msk [tilespmem:v11+s0+$0x0], $0xffff;
	v2 =	vadd.f32 v4, v2  }
0x299: {  	v4 =	vld.idx.msk [tilespmem:v8+s0+$0x0], $0xffff;
	v1 =	vadd.f32 v5, v1  }
0x29a: {  	v2 =	vadd.f32 v7, v2  }
0x29b: {  	v1 =	vadd.f32 v3, v1  }
0x29c: {  	v2 =	vadd.f32 v6, v2  }
0x29d: {  	v1 =	vadd.f32 v9, v1  }
0x29e: {  	v2 =	vadd.f32 v4, v2  }
0x29f: {  	[tilespmem:$0x12D00] =	vst v1  }
0x2a0: {  	[tilespmem:$0x12D10] =	vst v2  }
0x2a1: {  	_ =	swait.ge [sflag:s13], $0x1900  }
0x2a2: {  	[sflag:s13] =	ssyncset.done $0x0  }
0x2a3: {  	[sflag:s13] =	ssyncadd.s32 $0xFFFFE700  }
0x2a4: {  	_ =	swait.ge [sflag:s1], $0x1900  }
0x2a5: {  	s19 =	simm.s32 $0xC80;
	[sflag:s1] =	ssyncset.done $0x0  }
0x2a6: {  	s18 =	simm.s32 $0x0;
	v2 =	vadd.s32 s19, v0;
	s19 =	simm.s32 $0xC81;
	[sflag:s1] =	ssyncadd.s32 $0xFFFFE700  }
0x2a7: {  	v1 =	vadd.s32 s18, v0;
	[tilespmem:s0], [sflag:$0x9] =	stream.indirect.gather [hbm4b:s3+s22], $0x1, s23, s22, $0xb8;
	[tilespmem:$0x12E00] =	vst v63  }
0x2a8: {  	v4 =	vadd.s32 s19, v0;
	s19 =	simm.s32 $0xC82;
	s20 =	rddreg [dreg:$0x12]  }
0x2a9: {  	[tilespmem:s24], [sflag:$0x4] =	stream.linear.gather [hbm4b:s20+s18], $0x1900, $0x38;
	[tilespmem:$0x12E00] =	vst v63  }
0x2aa: {  	v6 =	vadd.s32 s19, v0;
	s20 =	simm.s32 $0x1  }
0x2ab: {  	v3 =	vadd.s32 s20, v0;
	s20 =	simm.s32 $0x2  }
0x2ac: {  	s19 =	simm.s32 $0xC83;
	v1 =	vld.idx.msk [tilespmem:v1+s5+$0x0], $0xffff;
	v5 =	vadd.s32 s20, v0;
	s20 =	simm.s32 $0x3  }
0x2ad: {  	v8 =	vadd.s32 s19, v0;
	v7 =	vld.idx.msk [tilespmem:v2+s5+$0x0], $0xffff;
	v2 =	vadd.s32 s20, v0;
	s20 =	simm.s32 $0x4  }
0x2ae: {  	v10 =	vld.idx.msk [tilespmem:v4+s5+$0x0], $0xffff;
	v9 =	vadd.s32 s20, v0  }
0x2af: {  	v6 =	vld.idx.msk [tilespmem:v6+s5+$0x0], $0xffff;
	s20 =	simm.s32 $0x5  }
0x2b0: {  	s19 =	simm.s32 $0xC84;
	v13 =	vadd.s32 s20, v0;
	v3 =	vld.idx.msk [tilespmem:v3+s5+$0x0], $0xffff  }
0x2b1: {  	v4 =	vimm.f32 $0.0e+00;
	v12 =	vld.idx.msk [tilespmem:v5+s5+$0x0], $0xffff;
	v5 =	vadd.s32 s19, v0;
	s19 =	simm.s32 $0xC85  }
0x2b2: {  	s20 =	simm.s32 $0x6;
	v11 =	vadd.f32 v1, v4;
	v7 =	vadd.f32 v7, v4;
	v4 =	vld.idx.msk [tilespmem:v8+s5+$0x0], $0xffff;
	v14 =	vadd.s32 s19, v0  }
0x2b3: {  	s18 =	simm.s32 $0xC86;
	v1 =	vld.idx.msk [tilespmem:v9+s5+$0x0], $0xffff;
	v9 =	vadd.s32 s20, v0  }
0x2b4: {  	v2 =	vld.idx.msk [tilespmem:v2+s5+$0x0], $0xffff;
	s19 =	simm.s32 $0x7;
	v16 =	vadd.f32 v10, v7;
	v10 =	vadd.s32 s18, v0  }
0x2b5: {  	s20 =	simm.s32 $0xC87;
	v15 =	vadd.f32 v3, v11;
	v11 =	vadd.s32 s19, v0;
	v3 =	vld.idx.msk [tilespmem:v13+s5+$0x0], $0xffff  }
0x2b6: {  	s18 =	simm.s32 $0x8;
	v8 =	vadd.s32 s20, v0;
	v5 =	vld.idx.msk [tilespmem:v5+s5+$0x0], $0xffff  }
0x2b7: {  	v7 =	vadd.s32 s18, v0;
	s20 =	simm.s32 $0xC88;
	s19 =	simm.s32 $0x10;
	v13 =	vadd.f32 v12, v15;
	v12 =	vadd.f32 v6, v16;
	v6 =	vld.idx.msk [tilespmem:v14+s5+$0x0], $0xffff  }
.LBB2_20:
0x2b8: {  	p0 =	sne.s32 s19, $0xC0;
	v14 =	vadd.s32 s20, v0;
	s20 =	sadd.s32 $0x1, s18;
	v9 =	vld.idx.msk [tilespmem:v9+s5+$0x0], $0xffff  }
0x2b9: {  	v15 =	vadd.s32 s20, v0;
	s20 =	sadd.s32 $0xC81, s18;
	v2 =	vadd.f32 v2, v13;
	v4 =	vadd.f32 v4, v12;
	v10 =	vld.idx.msk [tilespmem:v10+s5+$0x0], $0xffff  }
0x2ba: {  	v12 =	vadd.s32 s20, v0;
	s20 =	sadd.s32 $0x2, s18;
	v11 =	vld.idx.msk [tilespmem:v11+s5+$0x0], $0xffff  }
0x2bb: {  	v13 =	vadd.s32 s20, v0;
	s20 =	sadd.s32 $0xC82, s18;
	v1 =	vadd.f32 v1, v2;
	v2 =	vadd.f32 v5, v4;
	v4 =	vld.idx.msk [tilespmem:v8+s5+$0x0], $0xffff  }
0x2bc: {  	v5 =	vld.idx.msk [tilespmem:v7+s5+$0x0], $0xffff;
	v7 =	vadd.s32 s20, v0;
	s20 =	sadd.s32 $0x3, s18  }
0x2bd: {  	v8 =	vld.idx.msk [tilespmem:v14+s5+$0x0], $0xffff;
	v14 =	vadd.s32 s20, v0;
	s20 =	sadd.s32 $0xC83, s18;
	v1 =	vadd.f32 v3, v1;
	v2 =	vadd.f32 v6, v2  }
0x2be: {  	v3 =	vld.idx.msk [tilespmem:v15+s5+$0x0], $0xffff;
	v6 =	vadd.s32 s20, v0;
	s20 =	sadd.s32 $0x4, s18  }
0x2bf: {  	v12 =	vld.idx.msk [tilespmem:v12+s5+$0x0], $0xffff;
	v15 =	vadd.s32 s20, v0;
	s20 =	sadd.s32 $0xC84, s18;
	v1 =	vadd.f32 v9, v1;
	v2 =	vadd.f32 v10, v2  }
0x2c0: {  	v13 =	vld.idx.msk [tilespmem:v13+s5+$0x0], $0xffff;
	v16 =	vadd.s32 s20, v0;
	s20 =	sadd.s32 $0x5, s18  }
0x2c1: {  	v17 =	vld.idx.msk [tilespmem:v7+s5+$0x0], $0xffff;
	v7 =	vadd.s32 s20, v0;
	s20 =	sadd.s32 $0xC85, s18;
	v1 =	vadd.f32 v11, v1;
	v4 =	vadd.f32 v4, v2  }
0x2c2: {  	v2 =	vld.idx.msk [tilespmem:v14+s5+$0x0], $0xffff;
	v14 =	vadd.s32 s20, v0;
	s20 =	sadd.s32 $0x6, s18  }
.Ltmp9:
0x2c3: {  	v5 =	vadd.f32 v5, v1;
	v8 =	vadd.f32 v8, v4;
	v4 =	vld.idx.msk [tilespmem:v6+s5+$0x0], $0xffff;
	v9 =	vadd.s32 s20, v0;
	s20 =	sadd.s32 $0xC86, s18;
	(pc) =	sbr.rel @p0 .LBB2_20-.Ltmp9, $4  }
0x2c4: {  	v1 =	vld.idx.msk [tilespmem:v15+s5+$0x0], $0xffff;
	v10 =	vadd.s32 s20, v0;
	s20 =	sadd.s32 $0x7, s18  }
0x2c5: {  	v6 =	vadd.f32 v3, v5;
	v12 =	vadd.f32 v12, v8;
	v5 =	vld.idx.msk [tilespmem:v16+s5+$0x0], $0xffff;
	v11 =	vadd.s32 s20, v0;
	s20 =	sadd.s32 $0xC87, s18;
	s18 =	smov.u32 s19  }
0x2c6: {  	v3 =	vld.idx.msk [tilespmem:v7+s5+$0x0], $0xffff;
	v8 =	vadd.s32 s20, v0  }
0x2c7: {  	s19 =	sadd.s32 $0x8, s19;
	v7 =	vadd.s32 s18, v0;
	s20 =	sadd.s32 $0xC80, s18;
	v13 =	vadd.f32 v13, v6;
	v12 =	vadd.f32 v17, v12;
	v6 =	vld.idx.msk [tilespmem:v14+s5+$0x0], $0xffff  }
0x2c8: {  	_ =	sdelay $0x2  }
0x2c9: {  	v2 =	vadd.f32 v2, v13  }
0x2ca: {  	s19 =	sadd.s32 $0x1, s18;
	v9 =	vld.idx.msk [tilespmem:v9+s5+$0x0], $0xffff;
	v13 =	vadd.s32 s20, v0;
	v4 =	vadd.f32 v4, v12  }
0x2cb: {  	v10 =	vld.idx.msk [tilespmem:v10+s5+$0x0], $0xffff;
	v12 =	vadd.s32 s19, v0;
	s20 =	sadd.s32 $0xC81, s18;
	v1 =	vadd.f32 v1, v2  }
0x2cc: {  	v11 =	vld.idx.msk [tilespmem:v11+s5+$0x0], $0xffff;
	v2 =	vadd.s32 s20, v0;
	s20 =	sadd.s32 $0x2, s18;
	v4 =	vadd.f32 v5, v4  }
0x2cd: {  	v8 =	vld.idx.msk [tilespmem:v8+s5+$0x0], $0xffff;
	v5 =	vadd.s32 s20, v0;
	s20 =	sadd.s32 $0xC82, s18;
	v1 =	vadd.f32 v3, v1  }
0x2ce: {  	v3 =	vld.idx.msk [tilespmem:v7+s5+$0x0], $0xffff;
	v7 =	vadd.s32 s20, v0;
	s20 =	sadd.s32 $0x3, s18;
	v4 =	vadd.f32 v6, v4  }
0x2cf: {  	v6 =	vld.idx.msk [tilespmem:v13+s5+$0x0], $0xffff;
	v13 =	vadd.s32 s20, v0;
	s20 =	sadd.s32 $0xC83, s18;
	v1 =	vadd.f32 v9, v1  }
0x2d0: {  	v9 =	vld.idx.msk [tilespmem:v12+s5+$0x0], $0xffff;
	v12 =	vadd.s32 s20, v0;
	s20 =	sadd.s32 $0x4, s18;
	v4 =	vadd.f32 v10, v4  }
0x2d1: {  	v2 =	vld.idx.msk [tilespmem:v2+s5+$0x0], $0xffff;
	v10 =	vadd.s32 s20, v0;
	s20 =	sadd.s32 $0xC84, s18;
	v1 =	vadd.f32 v11, v1  }
0x2d2: {  	v5 =	vld.idx.msk [tilespmem:v5+s5+$0x0], $0xffff;
	v11 =	vadd.s32 s20, v0;
	s20 =	sadd.s32 $0x5, s18;
	v4 =	vadd.f32 v8, v4  }
0x2d3: {  	v7 =	vld.idx.msk [tilespmem:v7+s5+$0x0], $0xffff;
	v8 =	vadd.s32 s20, v0;
	s20 =	sadd.s32 $0xC85, s18;
	v1 =	vadd.f32 v3, v1  }
0x2d4: {  	v3 =	vld.idx.msk [tilespmem:v13+s5+$0x0], $0xffff;
	v13 =	vadd.s32 s20, v0;
	s20 =	sadd.s32 $0x6, s18;
	v4 =	vadd.f32 v6, v4  }
0x2d5: {  	v6 =	vld.idx.msk [tilespmem:v12+s5+$0x0], $0xffff;
	v12 =	vadd.s32 s20, v0;
	s20 =	sadd.s32 $0xC86, s18;
	v1 =	vadd.f32 v9, v1  }
0x2d6: {  	v9 =	vld.idx.msk [tilespmem:v10+s5+$0x0], $0xffff;
	v10 =	vadd.s32 s20, v0;
	s20 =	sadd.s32 $0x7, s18;
	v2 =	vadd.f32 v2, v4  }
0x2d7: {  	s19 =	sadd.s32 $0xC87, s18;
	v4 =	vld.idx.msk [tilespmem:v11+s5+$0x0], $0xffff;
	v11 =	vadd.s32 s20, v0;
	v1 =	vadd.f32 v5, v1  }
0x2d8: {  	v5 =	vld.idx.msk [tilespmem:v8+s5+$0x0], $0xffff;
	v8 =	vadd.s32 s19, v0;
	v2 =	vadd.f32 v7, v2  }
0x2d9: {  	v7 =	vld.idx.msk [tilespmem:v13+s5+$0x0], $0xffff;
	v1 =	vadd.f32 v3, v1  }
0x2da: {  	v3 =	vld.idx.msk [tilespmem:v12+s5+$0x0], $0xffff;
	v2 =	vadd.f32 v6, v2  }
0x2db: {  	v6 =	vld.idx.msk [tilespmem:v10+s5+$0x0], $0xffff;
	v1 =	vadd.f32 v9, v1  }
0x2dc: {  	v9 =	vld.idx.msk [tilespmem:v11+s5+$0x0], $0xffff;
	v2 =	vadd.f32 v4, v2  }
0x2dd: {  	v4 =	vld.idx.msk [tilespmem:v8+s5+$0x0], $0xffff;
	v1 =	vadd.f32 v5, v1  }
0x2de: {  	v2 =	vadd.f32 v7, v2  }
0x2df: {  	v1 =	vadd.f32 v3, v1  }
0x2e0: {  	v2 =	vadd.f32 v6, v2  }
0x2e1: {  	v1 =	vadd.f32 v9, v1  }
0x2e2: {  	v2 =	vadd.f32 v4, v2  }
0x2e3: {  	[tilespmem:$0x12D20] =	vst v1  }
0x2e4: {  	[tilespmem:$0x12D30] =	vst v2  }
0x2e5: {  	_ =	swait.ge [sflag:s14], $0x1900  }
0x2e6: {  	s20 =	simm.s32 $0x0;
	[sflag:s14] =	ssyncset.done $0x0  }
0x2e7: {  	s19 =	simm.s32 $0xC80;
	v1 =	vadd.s32 s20, v0;
	[sflag:s14] =	ssyncadd.s32 $0xFFFFE700  }
0x2e8: {  	v2 =	vadd.s32 s19, v0;
	s20 =	simm.s32 $0x1;
	_ =	swait.ge [sflag:s4], $0x1900  }
0x2e9: {  	s19 =	simm.s32 $0xC81;
	v3 =	vadd.s32 s20, v0;
	[sflag:s4] =	ssyncset.done $0x0  }
0x2ea: {  	v4 =	vadd.s32 s19, v0;
	s20 =	simm.s32 $0x2;
	s19 =	simm.s32 $0xC82;
	[sflag:s4] =	ssyncadd.s32 $0xFFFFE700  }
0x2eb: {  	v5 =	vadd.s32 s20, v0;
	[tilespmem:s5], [sflag:$0xA] =	stream.indirect.gather [hbm4b:s3+s22], $0x1, s24, s22, $0xb8;
	[tilespmem:$0x12E00] =	vst v63  }
0x2ec: {  	v6 =	vadd.s32 s19, v0;
	s20 =	simm.s32 $0x3;
	v1 =	vld.idx.msk [tilespmem:v1+s7+$0x0], $0xffff  }
0x2ed: {  	v7 =	vld.idx.msk [tilespmem:v2+s7+$0x0], $0xffff;
	v2 =	vadd.s32 s20, v0;
	s20 =	simm.s32 $0x4  }
0x2ee: {  	s19 =	simm.s32 $0xC83;
	v3 =	vld.idx.msk [tilespmem:v3+s7+$0x0], $0xffff;
	v9 =	vadd.s32 s20, v0  }
0x2ef: {  	v8 =	vadd.s32 s19, v0;
	s19 =	simm.s32 $0xC84;
	v10 =	vld.idx.msk [tilespmem:v4+s7+$0x0], $0xffff  }
0x2f0: {  	v12 =	vld.idx.msk [tilespmem:v5+s7+$0x0], $0xffff;
	v5 =	vadd.s32 s19, v0;
	s20 =	simm.s32 $0x5  }
0x2f1: {  	v6 =	vld.idx.msk [tilespmem:v6+s7+$0x0], $0xffff;
	s19 =	simm.s32 $0xC85;
	v4 =	vimm.f32 $0.0e+00;
	v13 =	vadd.s32 s20, v0  }
0x2f2: {  	v14 =	vadd.s32 s19, v0;
	s20 =	simm.s32 $0x6;
	v2 =	vld.idx.msk [tilespmem:v2+s7+$0x0], $0xffff;
	v7 =	vadd.f32 v7, v4  }
0x2f3: {  	s18 =	simm.s32 $0xC86;
	v11 =	vadd.f32 v1, v4;
	v1 =	vld.idx.msk [tilespmem:v9+s7+$0x0], $0xffff;
	v9 =	vadd.s32 s20, v0  }
0x2f4: {  	s19 =	simm.s32 $0x7;
	v4 =	vld.idx.msk [tilespmem:v8+s7+$0x0], $0xffff;
	v16 =	vadd.f32 v10, v7;
	v10 =	vadd.s32 s18, v0  }
0x2f5: {  	v5 =	vld.idx.msk [tilespmem:v5+s7+$0x0], $0xffff;
	s20 =	simm.s32 $0xC87;
	v15 =	vadd.f32 v3, v11;
	v11 =	vadd.s32 s19, v0  }
0x2f6: {  	s18 =	simm.s32 $0x8;
	v3 =	vld.idx.msk [tilespmem:v13+s7+$0x0], $0xffff;
	v8 =	vadd.s32 s20, v0  }
0x2f7: {  	s20 =	simm.s32 $0xC88;
	s19 =	simm.s32 $0x10;
	v7 =	vadd.s32 s18, v0;
	v13 =	vadd.f32 v12, v15;
	v12 =	vadd.f32 v6, v16;
	v6 =	vld.idx.msk [tilespmem:v14+s7+$0x0], $0xffff  }
.LBB2_22:
0x2f8: {  	p0 =	sne.s32 s19, $0xC0;
	v14 =	vadd.s32 s20, v0;
	s20 =	sadd.s32 $0x1, s18;
	v9 =	vld.idx.msk [tilespmem:v9+s7+$0x0], $0xffff  }
0x2f9: {  	v15 =	vadd.s32 s20, v0;
	s20 =	sadd.s32 $0xC81, s18;
	v2 =	vadd.f32 v2, v13;
	v4 =	vadd.f32 v4, v12;
	v10 =	vld.idx.msk [tilespmem:v10+s7+$0x0], $0xffff  }
0x2fa: {  	v12 =	vadd.s32 s20, v0;
	s20 =	sadd.s32 $0x2, s18;
	v11 =	vld.idx.msk [tilespmem:v11+s7+$0x0], $0xffff  }
0x2fb: {  	v13 =	vadd.s32 s20, v0;
	s20 =	sadd.s32 $0xC82, s18;
	v1 =	vadd.f32 v1, v2;
	v2 =	vadd.f32 v5, v4;
	v4 =	vld.idx.msk [tilespmem:v8+s7+$0x0], $0xffff  }
0x2fc: {  	v5 =	vld.idx.msk [tilespmem:v7+s7+$0x0], $0xffff;
	v7 =	vadd.s32 s20, v0;
	s20 =	sadd.s32 $0x3, s18  }
0x2fd: {  	v8 =	vld.idx.msk [tilespmem:v14+s7+$0x0], $0xffff;
	v14 =	vadd.s32 s20, v0;
	s20 =	sadd.s32 $0xC83, s18;
	v1 =	vadd.f32 v3, v1;
	v2 =	vadd.f32 v6, v2  }
0x2fe: {  	v3 =	vld.idx.msk [tilespmem:v15+s7+$0x0], $0xffff;
	v6 =	vadd.s32 s20, v0;
	s20 =	sadd.s32 $0x4, s18  }
0x2ff: {  	v12 =	vld.idx.msk [tilespmem:v12+s7+$0x0], $0xffff;
	v15 =	vadd.s32 s20, v0;
	s20 =	sadd.s32 $0xC84, s18;
	v1 =	vadd.f32 v9, v1;
	v2 =	vadd.f32 v10, v2  }
0x300: {  	v13 =	vld.idx.msk [tilespmem:v13+s7+$0x0], $0xffff;
	v16 =	vadd.s32 s20, v0;
	s20 =	sadd.s32 $0x5, s18  }
0x301: {  	v17 =	vld.idx.msk [tilespmem:v7+s7+$0x0], $0xffff;
	v7 =	vadd.s32 s20, v0;
	s20 =	sadd.s32 $0xC85, s18;
	v1 =	vadd.f32 v11, v1;
	v4 =	vadd.f32 v4, v2  }
0x302: {  	v2 =	vld.idx.msk [tilespmem:v14+s7+$0x0], $0xffff;
	v14 =	vadd.s32 s20, v0;
	s20 =	sadd.s32 $0x6, s18  }
.Ltmp10:
0x303: {  	v5 =	vadd.f32 v5, v1;
	v8 =	vadd.f32 v8, v4;
	v4 =	vld.idx.msk [tilespmem:v6+s7+$0x0], $0xffff;
	v9 =	vadd.s32 s20, v0;
	s20 =	sadd.s32 $0xC86, s18;
	(pc) =	sbr.rel @p0 .LBB2_22-.Ltmp10, $4  }
0x304: {  	v1 =	vld.idx.msk [tilespmem:v15+s7+$0x0], $0xffff;
	v10 =	vadd.s32 s20, v0;
	s20 =	sadd.s32 $0x7, s18  }
0x305: {  	v6 =	vadd.f32 v3, v5;
	v12 =	vadd.f32 v12, v8;
	v5 =	vld.idx.msk [tilespmem:v16+s7+$0x0], $0xffff;
	v11 =	vadd.s32 s20, v0;
	s20 =	sadd.s32 $0xC87, s18;
	s18 =	smov.u32 s19  }
0x306: {  	v3 =	vld.idx.msk [tilespmem:v7+s7+$0x0], $0xffff;
	v8 =	vadd.s32 s20, v0  }
0x307: {  	s19 =	sadd.s32 $0x8, s19;
	v7 =	vadd.s32 s18, v0;
	s20 =	sadd.s32 $0xC80, s18;
	v13 =	vadd.f32 v13, v6;
	v12 =	vadd.f32 v17, v12;
	v6 =	vld.idx.msk [tilespmem:v14+s7+$0x0], $0xffff  }
0x308: {  	_ =	sdelay $0x2  }
0x309: {  	v2 =	vadd.f32 v2, v13  }
0x30a: {  	s19 =	sadd.s32 $0x1, s18;
	v9 =	vld.idx.msk [tilespmem:v9+s7+$0x0], $0xffff;
	v13 =	vadd.s32 s20, v0;
	v4 =	vadd.f32 v4, v12  }
0x30b: {  	v10 =	vld.idx.msk [tilespmem:v10+s7+$0x0], $0xffff;
	v12 =	vadd.s32 s19, v0;
	s20 =	sadd.s32 $0xC81, s18;
	v1 =	vadd.f32 v1, v2  }
0x30c: {  	v11 =	vld.idx.msk [tilespmem:v11+s7+$0x0], $0xffff;
	v2 =	vadd.s32 s20, v0;
	s20 =	sadd.s32 $0x2, s18;
	v4 =	vadd.f32 v5, v4  }
0x30d: {  	v8 =	vld.idx.msk [tilespmem:v8+s7+$0x0], $0xffff;
	v5 =	vadd.s32 s20, v0;
	s20 =	sadd.s32 $0xC82, s18;
	v1 =	vadd.f32 v3, v1  }
0x30e: {  	v3 =	vld.idx.msk [tilespmem:v7+s7+$0x0], $0xffff;
	v7 =	vadd.s32 s20, v0;
	s20 =	sadd.s32 $0x3, s18;
	v4 =	vadd.f32 v6, v4  }
0x30f: {  	v6 =	vld.idx.msk [tilespmem:v13+s7+$0x0], $0xffff;
	v13 =	vadd.s32 s20, v0;
	s20 =	sadd.s32 $0xC83, s18;
	v1 =	vadd.f32 v9, v1  }
0x310: {  	v9 =	vld.idx.msk [tilespmem:v12+s7+$0x0], $0xffff;
	v12 =	vadd.s32 s20, v0;
	s20 =	sadd.s32 $0x4, s18;
	v4 =	vadd.f32 v10, v4  }
0x311: {  	v2 =	vld.idx.msk [tilespmem:v2+s7+$0x0], $0xffff;
	v10 =	vadd.s32 s20, v0;
	s20 =	sadd.s32 $0xC84, s18;
	v1 =	vadd.f32 v11, v1  }
0x312: {  	v5 =	vld.idx.msk [tilespmem:v5+s7+$0x0], $0xffff;
	v11 =	vadd.s32 s20, v0;
	s20 =	sadd.s32 $0x5, s18;
	v4 =	vadd.f32 v8, v4  }
0x313: {  	v7 =	vld.idx.msk [tilespmem:v7+s7+$0x0], $0xffff;
	v8 =	vadd.s32 s20, v0;
	s20 =	sadd.s32 $0xC85, s18;
	v1 =	vadd.f32 v3, v1  }
0x314: {  	v3 =	vld.idx.msk [tilespmem:v13+s7+$0x0], $0xffff;
	v13 =	vadd.s32 s20, v0;
	s20 =	sadd.s32 $0x6, s18;
	v4 =	vadd.f32 v6, v4  }
0x315: {  	v6 =	vld.idx.msk [tilespmem:v12+s7+$0x0], $0xffff;
	v12 =	vadd.s32 s20, v0;
	s20 =	sadd.s32 $0xC86, s18;
	v1 =	vadd.f32 v9, v1  }
0x316: {  	v9 =	vld.idx.msk [tilespmem:v10+s7+$0x0], $0xffff;
	v10 =	vadd.s32 s20, v0;
	s20 =	sadd.s32 $0x7, s18;
	v2 =	vadd.f32 v2, v4  }
0x317: {  	s19 =	sadd.s32 $0xC87, s18;
	v4 =	vld.idx.msk [tilespmem:v11+s7+$0x0], $0xffff;
	v11 =	vadd.s32 s20, v0;
	v1 =	vadd.f32 v5, v1  }
0x318: {  	v5 =	vld.idx.msk [tilespmem:v8+s7+$0x0], $0xffff;
	v8 =	vadd.s32 s19, v0;
	v2 =	vadd.f32 v7, v2  }
0x319: {  	v7 =	vld.idx.msk [tilespmem:v13+s7+$0x0], $0xffff;
	v1 =	vadd.f32 v3, v1  }
0x31a: {  	v3 =	vld.idx.msk [tilespmem:v12+s7+$0x0], $0xffff;
	v2 =	vadd.f32 v6, v2  }
0x31b: {  	v6 =	vld.idx.msk [tilespmem:v10+s7+$0x0], $0xffff;
	v1 =	vadd.f32 v9, v1  }
0x31c: {  	v9 =	vld.idx.msk [tilespmem:v11+s7+$0x0], $0xffff;
	v2 =	vadd.f32 v4, v2  }
0x31d: {  	v4 =	vld.idx.msk [tilespmem:v8+s7+$0x0], $0xffff;
	v1 =	vadd.f32 v5, v1  }
0x31e: {  	v2 =	vadd.f32 v7, v2  }
0x31f: {  	v1 =	vadd.f32 v3, v1  }
0x320: {  	v2 =	vadd.f32 v6, v2  }
0x321: {  	v1 =	vadd.f32 v9, v1  }
0x322: {  	s20 =	simm.s32 $0x0;
	v2 =	vadd.f32 v4, v2  }
0x323: {  	s19 =	simm.s32 $0xC80;
	[tilespmem:$0x12D40] =	vst v1;
	v1 =	vadd.s32 s20, v0  }
0x324: {  	[tilespmem:$0x12D50] =	vst v2;
	v2 =	vadd.s32 s19, v0;
	s20 =	simm.s32 $0x1  }
0x325: {  	s19 =	simm.s32 $0xC81;
	_ =	swait.ge [sflag:s15], $0x1900;
	v3 =	vadd.s32 s20, v0  }
0x326: {  	v4 =	vadd.s32 s19, v0;
	s20 =	simm.s32 $0x2;
	[sflag:s15] =	ssyncset.done $0x0  }
0x327: {  	s19 =	simm.s32 $0xC82;
	v5 =	vadd.s32 s20, v0;
	[sflag:s15] =	ssyncadd.s32 $0xFFFFE700  }
0x328: {  	v6 =	vadd.s32 s19, v0;
	s20 =	simm.s32 $0x3;
	v1 =	vld.idx.msk [tilespmem:v1+s10+$0x0], $0xffff  }
0x329: {  	v7 =	vld.idx.msk [tilespmem:v2+s10+$0x0], $0xffff;
	v2 =	vadd.s32 s20, v0;
	s20 =	simm.s32 $0x4  }
0x32a: {  	s19 =	simm.s32 $0xC83;
	v3 =	vld.idx.msk [tilespmem:v3+s10+$0x0], $0xffff;
	v9 =	vadd.s32 s20, v0  }
0x32b: {  	v8 =	vadd.s32 s19, v0;
	s19 =	simm.s32 $0xC84;
	v10 =	vld.idx.msk [tilespmem:v4+s10+$0x0], $0xffff  }
0x32c: {  	s20 =	simm.s32 $0x5;
	v12 =	vld.idx.msk [tilespmem:v5+s10+$0x0], $0xffff;
	v5 =	vadd.s32 s19, v0  }
0x32d: {  	v4 =	vimm.f32 $0.0e+00;
	v6 =	vld.idx.msk [tilespmem:v6+s10+$0x0], $0xffff;
	v13 =	vadd.s32 s20, v0;
	s19 =	simm.s32 $0xC85  }
0x32e: {  	s20 =	simm.s32 $0x6;
	v14 =	vadd.s32 s19, v0;
	v2 =	vld.idx.msk [tilespmem:v2+s10+$0x0], $0xffff;
	v7 =	vadd.f32 v7, v4  }
0x32f: {  	s18 =	simm.s32 $0xC86;
	v11 =	vadd.f32 v1, v4;
	v1 =	vld.idx.msk [tilespmem:v9+s10+$0x0], $0xffff;
	v9 =	vadd.s32 s20, v0  }
0x330: {  	s19 =	simm.s32 $0x7;
	v4 =	vld.idx.msk [tilespmem:v8+s10+$0x0], $0xffff;
	v16 =	vadd.f32 v10, v7;
	v10 =	vadd.s32 s18, v0  }
0x331: {  	s20 =	simm.s32 $0xC87;
	v15 =	vadd.f32 v3, v11;
	v5 =	vld.idx.msk [tilespmem:v5+s10+$0x0], $0xffff;
	v11 =	vadd.s32 s19, v0  }
0x332: {  	s18 =	simm.s32 $0x8;
	v3 =	vld.idx.msk [tilespmem:v13+s10+$0x0], $0xffff;
	v8 =	vadd.s32 s20, v0  }
0x333: {  	s20 =	simm.s32 $0xC88;
	s19 =	simm.s32 $0x10;
	v7 =	vadd.s32 s18, v0;
	v13 =	vadd.f32 v12, v15;
	v12 =	vadd.f32 v6, v16;
	v6 =	vld.idx.msk [tilespmem:v14+s10+$0x0], $0xffff  }
.LBB2_24:
0x334: {  	p0 =	sne.s32 s19, $0xC0;
	v14 =	vadd.s32 s20, v0;
	s20 =	sadd.s32 $0x1, s18;
	v9 =	vld.idx.msk [tilespmem:v9+s10+$0x0], $0xffff  }
0x335: {  	v15 =	vadd.s32 s20, v0;
	s20 =	sadd.s32 $0xC81, s18;
	v2 =	vadd.f32 v2, v13;
	v4 =	vadd.f32 v4, v12;
	v10 =	vld.idx.msk [tilespmem:v10+s10+$0x0], $0xffff  }
0x336: {  	v12 =	vadd.s32 s20, v0;
	s20 =	sadd.s32 $0x2, s18;
	v11 =	vld.idx.msk [tilespmem:v11+s10+$0x0], $0xffff  }
0x337: {  	v13 =	vadd.s32 s20, v0;
	s20 =	sadd.s32 $0xC82, s18;
	v1 =	vadd.f32 v1, v2;
	v2 =	vadd.f32 v5, v4;
	v4 =	vld.idx.msk [tilespmem:v8+s10+$0x0], $0xffff  }
0x338: {  	v5 =	vld.idx.msk [tilespmem:v7+s10+$0x0], $0xffff;
	v7 =	vadd.s32 s20, v0;
	s20 =	sadd.s32 $0x3, s18  }
0x339: {  	v8 =	vld.idx.msk [tilespmem:v14+s10+$0x0], $0xffff;
	v14 =	vadd.s32 s20, v0;
	s20 =	sadd.s32 $0xC83, s18;
	v1 =	vadd.f32 v3, v1;
	v2 =	vadd.f32 v6, v2  }
0x33a: {  	v3 =	vld.idx.msk [tilespmem:v15+s10+$0x0], $0xffff;
	v6 =	vadd.s32 s20, v0;
	s20 =	sadd.s32 $0x4, s18  }
0x33b: {  	v12 =	vld.idx.msk [tilespmem:v12+s10+$0x0], $0xffff;
	v15 =	vadd.s32 s20, v0;
	s20 =	sadd.s32 $0xC84, s18;
	v1 =	vadd.f32 v9, v1;
	v2 =	vadd.f32 v10, v2  }
0x33c: {  	v13 =	vld.idx.msk [tilespmem:v13+s10+$0x0], $0xffff;
	v16 =	vadd.s32 s20, v0;
	s20 =	sadd.s32 $0x5, s18  }
0x33d: {  	v17 =	vld.idx.msk [tilespmem:v7+s10+$0x0], $0xffff;
	v7 =	vadd.s32 s20, v0;
	s20 =	sadd.s32 $0xC85, s18;
	v1 =	vadd.f32 v11, v1;
	v4 =	vadd.f32 v4, v2  }
0x33e: {  	v2 =	vld.idx.msk [tilespmem:v14+s10+$0x0], $0xffff;
	v14 =	vadd.s32 s20, v0;
	s20 =	sadd.s32 $0x6, s18  }
.Ltmp11:
0x33f: {  	v5 =	vadd.f32 v5, v1;
	v8 =	vadd.f32 v8, v4;
	v4 =	vld.idx.msk [tilespmem:v6+s10+$0x0], $0xffff;
	v9 =	vadd.s32 s20, v0;
	s20 =	sadd.s32 $0xC86, s18;
	(pc) =	sbr.rel @p0 .LBB2_24-.Ltmp11, $4  }
0x340: {  	v1 =	vld.idx.msk [tilespmem:v15+s10+$0x0], $0xffff;
	v10 =	vadd.s32 s20, v0;
	s20 =	sadd.s32 $0x7, s18  }
0x341: {  	v6 =	vadd.f32 v3, v5;
	v12 =	vadd.f32 v12, v8;
	v5 =	vld.idx.msk [tilespmem:v16+s10+$0x0], $0xffff;
	v11 =	vadd.s32 s20, v0;
	s20 =	sadd.s32 $0xC87, s18;
	s18 =	smov.u32 s19  }
0x342: {  	v3 =	vld.idx.msk [tilespmem:v7+s10+$0x0], $0xffff;
	v8 =	vadd.s32 s20, v0  }
0x343: {  	s19 =	sadd.s32 $0x8, s19;
	v7 =	vadd.s32 s18, v0;
	s20 =	sadd.s32 $0xC80, s18;
	v13 =	vadd.f32 v13, v6;
	v12 =	vadd.f32 v17, v12;
	v6 =	vld.idx.msk [tilespmem:v14+s10+$0x0], $0xffff  }
0x344: {  	_ =	sdelay $0x2  }
0x345: {  	v2 =	vadd.f32 v2, v13  }
0x346: {  	s19 =	sadd.s32 $0x1, s18;
	v9 =	vld.idx.msk [tilespmem:v9+s10+$0x0], $0xffff;
	v13 =	vadd.s32 s20, v0;
	v4 =	vadd.f32 v4, v12  }
0x347: {  	v10 =	vld.idx.msk [tilespmem:v10+s10+$0x0], $0xffff;
	v12 =	vadd.s32 s19, v0;
	s20 =	sadd.s32 $0xC81, s18;
	v1 =	vadd.f32 v1, v2  }
0x348: {  	v11 =	vld.idx.msk [tilespmem:v11+s10+$0x0], $0xffff;
	v2 =	vadd.s32 s20, v0;
	s20 =	sadd.s32 $0x2, s18;
	v4 =	vadd.f32 v5, v4  }
0x349: {  	v8 =	vld.idx.msk [tilespmem:v8+s10+$0x0], $0xffff;
	v5 =	vadd.s32 s20, v0;
	s20 =	sadd.s32 $0xC82, s18;
	v1 =	vadd.f32 v3, v1  }
0x34a: {  	v3 =	vld.idx.msk [tilespmem:v7+s10+$0x0], $0xffff;
	v7 =	vadd.s32 s20, v0;
	s20 =	sadd.s32 $0x3, s18;
	v4 =	vadd.f32 v6, v4  }
0x34b: {  	v6 =	vld.idx.msk [tilespmem:v13+s10+$0x0], $0xffff;
	v13 =	vadd.s32 s20, v0;
	s20 =	sadd.s32 $0xC83, s18;
	v1 =	vadd.f32 v9, v1  }
0x34c: {  	v9 =	vld.idx.msk [tilespmem:v12+s10+$0x0], $0xffff;
	v12 =	vadd.s32 s20, v0;
	s20 =	sadd.s32 $0x4, s18;
	v4 =	vadd.f32 v10, v4  }
0x34d: {  	v2 =	vld.idx.msk [tilespmem:v2+s10+$0x0], $0xffff;
	v10 =	vadd.s32 s20, v0;
	s20 =	sadd.s32 $0xC84, s18;
	v1 =	vadd.f32 v11, v1  }
0x34e: {  	v5 =	vld.idx.msk [tilespmem:v5+s10+$0x0], $0xffff;
	v11 =	vadd.s32 s20, v0;
	s20 =	sadd.s32 $0x5, s18;
	v4 =	vadd.f32 v8, v4  }
0x34f: {  	v7 =	vld.idx.msk [tilespmem:v7+s10+$0x0], $0xffff;
	v8 =	vadd.s32 s20, v0;
	s20 =	sadd.s32 $0xC85, s18;
	v1 =	vadd.f32 v3, v1  }
0x350: {  	v3 =	vld.idx.msk [tilespmem:v13+s10+$0x0], $0xffff;
	v13 =	vadd.s32 s20, v0;
	s20 =	sadd.s32 $0x6, s18;
	v4 =	vadd.f32 v6, v4  }
0x351: {  	v6 =	vld.idx.msk [tilespmem:v12+s10+$0x0], $0xffff;
	v12 =	vadd.s32 s20, v0;
	s20 =	sadd.s32 $0xC86, s18;
	v1 =	vadd.f32 v9, v1  }
0x352: {  	v9 =	vld.idx.msk [tilespmem:v10+s10+$0x0], $0xffff;
	v10 =	vadd.s32 s20, v0;
	s20 =	sadd.s32 $0x7, s18;
	v2 =	vadd.f32 v2, v4  }
0x353: {  	s19 =	sadd.s32 $0xC87, s18;
	v4 =	vld.idx.msk [tilespmem:v11+s10+$0x0], $0xffff;
	v11 =	vadd.s32 s20, v0;
	v1 =	vadd.f32 v5, v1  }
0x354: {  	v5 =	vld.idx.msk [tilespmem:v8+s10+$0x0], $0xffff;
	v8 =	vadd.s32 s19, v0;
	v2 =	vadd.f32 v7, v2  }
0x355: {  	v7 =	vld.idx.msk [tilespmem:v13+s10+$0x0], $0xffff;
	v1 =	vadd.f32 v3, v1  }
0x356: {  	v3 =	vld.idx.msk [tilespmem:v12+s10+$0x0], $0xffff;
	v2 =	vadd.f32 v6, v2  }
0x357: {  	v6 =	vld.idx.msk [tilespmem:v10+s10+$0x0], $0xffff;
	v1 =	vadd.f32 v9, v1  }
0x358: {  	v9 =	vld.idx.msk [tilespmem:v11+s10+$0x0], $0xffff;
	v2 =	vadd.f32 v4, v2  }
0x359: {  	v4 =	vld.idx.msk [tilespmem:v8+s10+$0x0], $0xffff;
	v1 =	vadd.f32 v5, v1  }
0x35a: {  	v2 =	vadd.f32 v7, v2  }
0x35b: {  	v1 =	vadd.f32 v3, v1  }
0x35c: {  	v2 =	vadd.f32 v6, v2  }
0x35d: {  	v1 =	vadd.f32 v9, v1  }
0x35e: {  	s20 =	simm.s32 $0x0;
	v2 =	vadd.f32 v4, v2  }
0x35f: {  	s19 =	simm.s32 $0xC80;
	[tilespmem:$0x12D60] =	vst v1;
	v1 =	vadd.s32 s20, v0  }
0x360: {  	[tilespmem:$0x12D70] =	vst v2;
	v2 =	vadd.s32 s19, v0;
	s20 =	simm.s32 $0x1  }
0x361: {  	s19 =	simm.s32 $0xC81;
	_ =	swait.ge [sflag:s8], $0x1900;
	v3 =	vadd.s32 s20, v0  }
0x362: {  	v4 =	vadd.s32 s19, v0;
	s20 =	simm.s32 $0x2;
	[sflag:s8] =	ssyncset.done $0x0  }
0x363: {  	s19 =	simm.s32 $0xC82;
	v5 =	vadd.s32 s20, v0;
	[sflag:s8] =	ssyncadd.s32 $0xFFFFE700  }
0x364: {  	v6 =	vadd.s32 s19, v0;
	s20 =	simm.s32 $0x3;
	v1 =	vld.idx.msk [tilespmem:v1+s29+$0x0], $0xffff  }
0x365: {  	v7 =	vld.idx.msk [tilespmem:v2+s29+$0x0], $0xffff;
	v2 =	vadd.s32 s20, v0;
	s20 =	simm.s32 $0x4  }
0x366: {  	s19 =	simm.s32 $0xC83;
	v3 =	vld.idx.msk [tilespmem:v3+s29+$0x0], $0xffff;
	v9 =	vadd.s32 s20, v0  }
0x367: {  	v8 =	vadd.s32 s19, v0;
	s19 =	simm.s32 $0xC84;
	v10 =	vld.idx.msk [tilespmem:v4+s29+$0x0], $0xffff  }
0x368: {  	s20 =	simm.s32 $0x5;
	v12 =	vld.idx.msk [tilespmem:v5+s29+$0x0], $0xffff;
	v5 =	vadd.s32 s19, v0  }
0x369: {  	v4 =	vimm.f32 $0.0e+00;
	v6 =	vld.idx.msk [tilespmem:v6+s29+$0x0], $0xffff;
	v13 =	vadd.s32 s20, v0;
	s19 =	simm.s32 $0xC85  }
0x36a: {  	s20 =	simm.s32 $0x6;
	v14 =	vadd.s32 s19, v0;
	v2 =	vld.idx.msk [tilespmem:v2+s29+$0x0], $0xffff;
	v7 =	vadd.f32 v7, v4  }
0x36b: {  	s18 =	simm.s32 $0xC86;
	v11 =	vadd.f32 v1, v4;
	v1 =	vld.idx.msk [tilespmem:v9+s29+$0x0], $0xffff;
	v9 =	vadd.s32 s20, v0  }
0x36c: {  	s19 =	simm.s32 $0x7;
	v4 =	vld.idx.msk [tilespmem:v8+s29+$0x0], $0xffff;
	v16 =	vadd.f32 v10, v7;
	v10 =	vadd.s32 s18, v0  }
0x36d: {  	s20 =	simm.s32 $0xC87;
	v15 =	vadd.f32 v3, v11;
	v5 =	vld.idx.msk [tilespmem:v5+s29+$0x0], $0xffff;
	v11 =	vadd.s32 s19, v0  }
0x36e: {  	s18 =	simm.s32 $0x8;
	v3 =	vld.idx.msk [tilespmem:v13+s29+$0x0], $0xffff;
	v8 =	vadd.s32 s20, v0  }
0x36f: {  	s20 =	simm.s32 $0xC88;
	s19 =	simm.s32 $0x10;
	v7 =	vadd.s32 s18, v0;
	v13 =	vadd.f32 v12, v15;
	v12 =	vadd.f32 v6, v16;
	v6 =	vld.idx.msk [tilespmem:v14+s29+$0x0], $0xffff  }
.LBB2_26:
0x370: {  	p0 =	sne.s32 s19, $0xC0;
	v14 =	vadd.s32 s20, v0;
	s20 =	sadd.s32 $0x1, s18;
	v9 =	vld.idx.msk [tilespmem:v9+s29+$0x0], $0xffff  }
0x371: {  	v15 =	vadd.s32 s20, v0;
	s20 =	sadd.s32 $0xC81, s18;
	v2 =	vadd.f32 v2, v13;
	v4 =	vadd.f32 v4, v12;
	v10 =	vld.idx.msk [tilespmem:v10+s29+$0x0], $0xffff  }
0x372: {  	v12 =	vadd.s32 s20, v0;
	s20 =	sadd.s32 $0x2, s18;
	v11 =	vld.idx.msk [tilespmem:v11+s29+$0x0], $0xffff  }
0x373: {  	v13 =	vadd.s32 s20, v0;
	s20 =	sadd.s32 $0xC82, s18;
	v1 =	vadd.f32 v1, v2;
	v2 =	vadd.f32 v5, v4;
	v4 =	vld.idx.msk [tilespmem:v8+s29+$0x0], $0xffff  }
0x374: {  	v5 =	vld.idx.msk [tilespmem:v7+s29+$0x0], $0xffff;
	v7 =	vadd.s32 s20, v0;
	s20 =	sadd.s32 $0x3, s18  }
0x375: {  	v8 =	vld.idx.msk [tilespmem:v14+s29+$0x0], $0xffff;
	v14 =	vadd.s32 s20, v0;
	s20 =	sadd.s32 $0xC83, s18;
	v1 =	vadd.f32 v3, v1;
	v2 =	vadd.f32 v6, v2  }
0x376: {  	v3 =	vld.idx.msk [tilespmem:v15+s29+$0x0], $0xffff;
	v6 =	vadd.s32 s20, v0;
	s20 =	sadd.s32 $0x4, s18  }
0x377: {  	v12 =	vld.idx.msk [tilespmem:v12+s29+$0x0], $0xffff;
	v15 =	vadd.s32 s20, v0;
	s20 =	sadd.s32 $0xC84, s18;
	v1 =	vadd.f32 v9, v1;
	v2 =	vadd.f32 v10, v2  }
0x378: {  	v13 =	vld.idx.msk [tilespmem:v13+s29+$0x0], $0xffff;
	v16 =	vadd.s32 s20, v0;
	s20 =	sadd.s32 $0x5, s18  }
0x379: {  	v17 =	vld.idx.msk [tilespmem:v7+s29+$0x0], $0xffff;
	v7 =	vadd.s32 s20, v0;
	s20 =	sadd.s32 $0xC85, s18;
	v1 =	vadd.f32 v11, v1;
	v4 =	vadd.f32 v4, v2  }
0x37a: {  	v2 =	vld.idx.msk [tilespmem:v14+s29+$0x0], $0xffff;
	v14 =	vadd.s32 s20, v0;
	s20 =	sadd.s32 $0x6, s18  }
.Ltmp12:
0x37b: {  	v5 =	vadd.f32 v5, v1;
	v8 =	vadd.f32 v8, v4;
	v4 =	vld.idx.msk [tilespmem:v6+s29+$0x0], $0xffff;
	v9 =	vadd.s32 s20, v0;
	s20 =	sadd.s32 $0xC86, s18;
	(pc) =	sbr.rel @p0 .LBB2_26-.Ltmp12, $4  }
0x37c: {  	v1 =	vld.idx.msk [tilespmem:v15+s29+$0x0], $0xffff;
	v10 =	vadd.s32 s20, v0;
	s20 =	sadd.s32 $0x7, s18  }
0x37d: {  	v6 =	vadd.f32 v3, v5;
	v12 =	vadd.f32 v12, v8;
	v5 =	vld.idx.msk [tilespmem:v16+s29+$0x0], $0xffff;
	v11 =	vadd.s32 s20, v0;
	s20 =	sadd.s32 $0xC87, s18;
	s18 =	smov.u32 s19  }
0x37e: {  	v3 =	vld.idx.msk [tilespmem:v7+s29+$0x0], $0xffff;
	v8 =	vadd.s32 s20, v0  }
0x37f: {  	s19 =	sadd.s32 $0x8, s19;
	v7 =	vadd.s32 s18, v0;
	s20 =	sadd.s32 $0xC80, s18;
	v13 =	vadd.f32 v13, v6;
	v12 =	vadd.f32 v17, v12;
	v6 =	vld.idx.msk [tilespmem:v14+s29+$0x0], $0xffff  }
0x380: {  	_ =	sdelay $0x2  }
0x381: {  	v2 =	vadd.f32 v2, v13  }
0x382: {  	s19 =	sadd.s32 $0x1, s18;
	v9 =	vld.idx.msk [tilespmem:v9+s29+$0x0], $0xffff;
	v13 =	vadd.s32 s20, v0;
	v4 =	vadd.f32 v4, v12  }
0x383: {  	v10 =	vld.idx.msk [tilespmem:v10+s29+$0x0], $0xffff;
	v12 =	vadd.s32 s19, v0;
	s20 =	sadd.s32 $0xC81, s18;
	v1 =	vadd.f32 v1, v2  }
0x384: {  	v11 =	vld.idx.msk [tilespmem:v11+s29+$0x0], $0xffff;
	v2 =	vadd.s32 s20, v0;
	s20 =	sadd.s32 $0x2, s18;
	v4 =	vadd.f32 v5, v4  }
0x385: {  	v8 =	vld.idx.msk [tilespmem:v8+s29+$0x0], $0xffff;
	v5 =	vadd.s32 s20, v0;
	s20 =	sadd.s32 $0xC82, s18;
	v1 =	vadd.f32 v3, v1  }
0x386: {  	v3 =	vld.idx.msk [tilespmem:v7+s29+$0x0], $0xffff;
	v7 =	vadd.s32 s20, v0;
	s20 =	sadd.s32 $0x3, s18;
	v4 =	vadd.f32 v6, v4  }
0x387: {  	v6 =	vld.idx.msk [tilespmem:v13+s29+$0x0], $0xffff;
	v13 =	vadd.s32 s20, v0;
	s20 =	sadd.s32 $0xC83, s18;
	v1 =	vadd.f32 v9, v1  }
0x388: {  	v9 =	vld.idx.msk [tilespmem:v12+s29+$0x0], $0xffff;
	v12 =	vadd.s32 s20, v0;
	s20 =	sadd.s32 $0x4, s18;
	v4 =	vadd.f32 v10, v4  }
0x389: {  	v2 =	vld.idx.msk [tilespmem:v2+s29+$0x0], $0xffff;
	v10 =	vadd.s32 s20, v0;
	s20 =	sadd.s32 $0xC84, s18;
	v1 =	vadd.f32 v11, v1  }
0x38a: {  	v5 =	vld.idx.msk [tilespmem:v5+s29+$0x0], $0xffff;
	v11 =	vadd.s32 s20, v0;
	s20 =	sadd.s32 $0x5, s18;
	v4 =	vadd.f32 v8, v4  }
0x38b: {  	v7 =	vld.idx.msk [tilespmem:v7+s29+$0x0], $0xffff;
	v8 =	vadd.s32 s20, v0;
	s20 =	sadd.s32 $0xC85, s18;
	v1 =	vadd.f32 v3, v1  }
0x38c: {  	v3 =	vld.idx.msk [tilespmem:v13+s29+$0x0], $0xffff;
	v13 =	vadd.s32 s20, v0;
	s20 =	sadd.s32 $0x6, s18;
	v4 =	vadd.f32 v6, v4  }
0x38d: {  	v6 =	vld.idx.msk [tilespmem:v12+s29+$0x0], $0xffff;
	v12 =	vadd.s32 s20, v0;
	s20 =	sadd.s32 $0xC86, s18;
	v1 =	vadd.f32 v9, v1  }
0x38e: {  	v9 =	vld.idx.msk [tilespmem:v10+s29+$0x0], $0xffff;
	v10 =	vadd.s32 s20, v0;
	s20 =	sadd.s32 $0x7, s18;
	v2 =	vadd.f32 v2, v4  }
0x38f: {  	s19 =	sadd.s32 $0xC87, s18;
	v4 =	vld.idx.msk [tilespmem:v11+s29+$0x0], $0xffff;
	v11 =	vadd.s32 s20, v0;
	v1 =	vadd.f32 v5, v1  }
0x390: {  	v5 =	vld.idx.msk [tilespmem:v8+s29+$0x0], $0xffff;
	v8 =	vadd.s32 s19, v0;
	v2 =	vadd.f32 v7, v2  }
0x391: {  	v7 =	vld.idx.msk [tilespmem:v13+s29+$0x0], $0xffff;
	v1 =	vadd.f32 v3, v1  }
0x392: {  	v3 =	vld.idx.msk [tilespmem:v12+s29+$0x0], $0xffff;
	v2 =	vadd.f32 v6, v2  }
0x393: {  	v6 =	vld.idx.msk [tilespmem:v10+s29+$0x0], $0xffff;
	v1 =	vadd.f32 v9, v1  }
0x394: {  	v9 =	vld.idx.msk [tilespmem:v11+s29+$0x0], $0xffff;
	v2 =	vadd.f32 v4, v2  }
0x395: {  	v4 =	vld.idx.msk [tilespmem:v8+s29+$0x0], $0xffff;
	v1 =	vadd.f32 v5, v1  }
0x396: {  	v2 =	vadd.f32 v7, v2  }
0x397: {  	v1 =	vadd.f32 v3, v1  }
0x398: {  	v2 =	vadd.f32 v6, v2  }
0x399: {  	v1 =	vadd.f32 v9, v1  }
0x39a: {  	s20 =	simm.s32 $0x0;
	v2 =	vadd.f32 v4, v2  }
0x39b: {  	s19 =	simm.s32 $0xC80;
	[tilespmem:$0x12D80] =	vst v1;
	v1 =	vadd.s32 s20, v0  }
0x39c: {  	[tilespmem:$0x12D90] =	vst v2;
	v2 =	vadd.s32 s19, v0;
	s20 =	simm.s32 $0x1  }
0x39d: {  	s19 =	simm.s32 $0xC81;
	_ =	swait.ge [sflag:s11], $0x1900;
	v3 =	vadd.s32 s20, v0  }
0x39e: {  	v4 =	vadd.s32 s19, v0;
	s20 =	simm.s32 $0x2;
	[sflag:s11] =	ssyncset.done $0x0  }
0x39f: {  	s19 =	simm.s32 $0xC82;
	v5 =	vadd.s32 s20, v0;
	[sflag:s11] =	ssyncadd.s32 $0xFFFFE700  }
0x3a0: {  	v6 =	vadd.s32 s19, v0;
	s20 =	simm.s32 $0x3;
	v1 =	vld.idx.msk [tilespmem:v1+s31+$0x0], $0xffff  }
0x3a1: {  	v7 =	vld.idx.msk [tilespmem:v2+s31+$0x0], $0xffff;
	v2 =	vadd.s32 s20, v0;
	s20 =	simm.s32 $0x4  }
0x3a2: {  	s19 =	simm.s32 $0xC83;
	v3 =	vld.idx.msk [tilespmem:v3+s31+$0x0], $0xffff;
	v9 =	vadd.s32 s20, v0  }
0x3a3: {  	v8 =	vadd.s32 s19, v0;
	s19 =	simm.s32 $0xC84;
	v10 =	vld.idx.msk [tilespmem:v4+s31+$0x0], $0xffff  }
0x3a4: {  	s20 =	simm.s32 $0x5;
	v12 =	vld.idx.msk [tilespmem:v5+s31+$0x0], $0xffff;
	v5 =	vadd.s32 s19, v0  }
0x3a5: {  	v4 =	vimm.f32 $0.0e+00;
	v6 =	vld.idx.msk [tilespmem:v6+s31+$0x0], $0xffff;
	v13 =	vadd.s32 s20, v0;
	s19 =	simm.s32 $0xC85  }
0x3a6: {  	s20 =	simm.s32 $0x6;
	v14 =	vadd.s32 s19, v0;
	v2 =	vld.idx.msk [tilespmem:v2+s31+$0x0], $0xffff;
	v7 =	vadd.f32 v7, v4  }
0x3a7: {  	s18 =	simm.s32 $0xC86;
	v11 =	vadd.f32 v1, v4;
	v1 =	vld.idx.msk [tilespmem:v9+s31+$0x0], $0xffff;
	v9 =	vadd.s32 s20, v0  }
0x3a8: {  	s19 =	simm.s32 $0x7;
	v4 =	vld.idx.msk [tilespmem:v8+s31+$0x0], $0xffff;
	v16 =	vadd.f32 v10, v7;
	v10 =	vadd.s32 s18, v0  }
0x3a9: {  	s20 =	simm.s32 $0xC87;
	v15 =	vadd.f32 v3, v11;
	v5 =	vld.idx.msk [tilespmem:v5+s31+$0x0], $0xffff;
	v11 =	vadd.s32 s19, v0  }
0x3aa: {  	s18 =	simm.s32 $0x8;
	v3 =	vld.idx.msk [tilespmem:v13+s31+$0x0], $0xffff;
	v8 =	vadd.s32 s20, v0  }
0x3ab: {  	s20 =	simm.s32 $0xC88;
	s19 =	simm.s32 $0x10;
	v7 =	vadd.s32 s18, v0;
	v13 =	vadd.f32 v12, v15;
	v12 =	vadd.f32 v6, v16;
	v6 =	vld.idx.msk [tilespmem:v14+s31+$0x0], $0xffff  }
.LBB2_28:
0x3ac: {  	p0 =	sne.s32 s19, $0xC0;
	v14 =	vadd.s32 s20, v0;
	s20 =	sadd.s32 $0x1, s18;
	v9 =	vld.idx.msk [tilespmem:v9+s31+$0x0], $0xffff  }
0x3ad: {  	v15 =	vadd.s32 s20, v0;
	s20 =	sadd.s32 $0xC81, s18;
	v2 =	vadd.f32 v2, v13;
	v4 =	vadd.f32 v4, v12;
	v10 =	vld.idx.msk [tilespmem:v10+s31+$0x0], $0xffff  }
0x3ae: {  	v12 =	vadd.s32 s20, v0;
	s20 =	sadd.s32 $0x2, s18;
	v11 =	vld.idx.msk [tilespmem:v11+s31+$0x0], $0xffff  }
0x3af: {  	v13 =	vadd.s32 s20, v0;
	s20 =	sadd.s32 $0xC82, s18;
	v1 =	vadd.f32 v1, v2;
	v2 =	vadd.f32 v5, v4;
	v4 =	vld.idx.msk [tilespmem:v8+s31+$0x0], $0xffff  }
0x3b0: {  	v5 =	vld.idx.msk [tilespmem:v7+s31+$0x0], $0xffff;
	v7 =	vadd.s32 s20, v0;
	s20 =	sadd.s32 $0x3, s18  }
0x3b1: {  	v8 =	vld.idx.msk [tilespmem:v14+s31+$0x0], $0xffff;
	v14 =	vadd.s32 s20, v0;
	s20 =	sadd.s32 $0xC83, s18;
	v1 =	vadd.f32 v3, v1;
	v2 =	vadd.f32 v6, v2  }
0x3b2: {  	v3 =	vld.idx.msk [tilespmem:v15+s31+$0x0], $0xffff;
	v6 =	vadd.s32 s20, v0;
	s20 =	sadd.s32 $0x4, s18  }
0x3b3: {  	v12 =	vld.idx.msk [tilespmem:v12+s31+$0x0], $0xffff;
	v15 =	vadd.s32 s20, v0;
	s20 =	sadd.s32 $0xC84, s18;
	v1 =	vadd.f32 v9, v1;
	v2 =	vadd.f32 v10, v2  }
0x3b4: {  	v13 =	vld.idx.msk [tilespmem:v13+s31+$0x0], $0xffff;
	v16 =	vadd.s32 s20, v0;
	s20 =	sadd.s32 $0x5, s18  }
0x3b5: {  	v17 =	vld.idx.msk [tilespmem:v7+s31+$0x0], $0xffff;
	v7 =	vadd.s32 s20, v0;
	s20 =	sadd.s32 $0xC85, s18;
	v1 =	vadd.f32 v11, v1;
	v4 =	vadd.f32 v4, v2  }
0x3b6: {  	v2 =	vld.idx.msk [tilespmem:v14+s31+$0x0], $0xffff;
	v14 =	vadd.s32 s20, v0;
	s20 =	sadd.s32 $0x6, s18  }
.Ltmp13:
0x3b7: {  	v5 =	vadd.f32 v5, v1;
	v8 =	vadd.f32 v8, v4;
	v4 =	vld.idx.msk [tilespmem:v6+s31+$0x0], $0xffff;
	v9 =	vadd.s32 s20, v0;
	s20 =	sadd.s32 $0xC86, s18;
	(pc) =	sbr.rel @p0 .LBB2_28-.Ltmp13, $4  }
0x3b8: {  	v1 =	vld.idx.msk [tilespmem:v15+s31+$0x0], $0xffff;
	v10 =	vadd.s32 s20, v0;
	s20 =	sadd.s32 $0x7, s18  }
0x3b9: {  	v6 =	vadd.f32 v3, v5;
	v12 =	vadd.f32 v12, v8;
	v5 =	vld.idx.msk [tilespmem:v16+s31+$0x0], $0xffff;
	v11 =	vadd.s32 s20, v0;
	s20 =	sadd.s32 $0xC87, s18;
	s18 =	smov.u32 s19  }
0x3ba: {  	v3 =	vld.idx.msk [tilespmem:v7+s31+$0x0], $0xffff;
	v8 =	vadd.s32 s20, v0  }
0x3bb: {  	s19 =	sadd.s32 $0x8, s19;
	v7 =	vadd.s32 s18, v0;
	s20 =	sadd.s32 $0xC80, s18;
	v13 =	vadd.f32 v13, v6;
	v12 =	vadd.f32 v17, v12;
	v6 =	vld.idx.msk [tilespmem:v14+s31+$0x0], $0xffff  }
0x3bc: {  	_ =	sdelay $0x2  }
0x3bd: {  	v2 =	vadd.f32 v2, v13  }
0x3be: {  	s19 =	sadd.s32 $0x1, s18;
	v9 =	vld.idx.msk [tilespmem:v9+s31+$0x0], $0xffff;
	v13 =	vadd.s32 s20, v0;
	v4 =	vadd.f32 v4, v12  }
0x3bf: {  	v10 =	vld.idx.msk [tilespmem:v10+s31+$0x0], $0xffff;
	v12 =	vadd.s32 s19, v0;
	s20 =	sadd.s32 $0xC81, s18;
	v1 =	vadd.f32 v1, v2  }
0x3c0: {  	v11 =	vld.idx.msk [tilespmem:v11+s31+$0x0], $0xffff;
	v2 =	vadd.s32 s20, v0;
	s20 =	sadd.s32 $0x2, s18;
	v4 =	vadd.f32 v5, v4  }
0x3c1: {  	v8 =	vld.idx.msk [tilespmem:v8+s31+$0x0], $0xffff;
	v5 =	vadd.s32 s20, v0;
	s20 =	sadd.s32 $0xC82, s18;
	v1 =	vadd.f32 v3, v1  }
0x3c2: {  	v3 =	vld.idx.msk [tilespmem:v7+s31+$0x0], $0xffff;
	v7 =	vadd.s32 s20, v0;
	s20 =	sadd.s32 $0x3, s18;
	v4 =	vadd.f32 v6, v4  }
0x3c3: {  	v6 =	vld.idx.msk [tilespmem:v13+s31+$0x0], $0xffff;
	v13 =	vadd.s32 s20, v0;
	s20 =	sadd.s32 $0xC83, s18;
	v1 =	vadd.f32 v9, v1  }
0x3c4: {  	v9 =	vld.idx.msk [tilespmem:v12+s31+$0x0], $0xffff;
	v12 =	vadd.s32 s20, v0;
	s20 =	sadd.s32 $0x4, s18;
	v4 =	vadd.f32 v10, v4  }
0x3c5: {  	v2 =	vld.idx.msk [tilespmem:v2+s31+$0x0], $0xffff;
	v10 =	vadd.s32 s20, v0;
	s20 =	sadd.s32 $0xC84, s18;
	v1 =	vadd.f32 v11, v1  }
0x3c6: {  	v5 =	vld.idx.msk [tilespmem:v5+s31+$0x0], $0xffff;
	v11 =	vadd.s32 s20, v0;
	s20 =	sadd.s32 $0x5, s18;
	v4 =	vadd.f32 v8, v4  }
0x3c7: {  	v7 =	vld.idx.msk [tilespmem:v7+s31+$0x0], $0xffff;
	v8 =	vadd.s32 s20, v0;
	s20 =	sadd.s32 $0xC85, s18;
	v1 =	vadd.f32 v3, v1  }
0x3c8: {  	v3 =	vld.idx.msk [tilespmem:v13+s31+$0x0], $0xffff;
	v13 =	vadd.s32 s20, v0;
	s20 =	sadd.s32 $0x6, s18;
	v4 =	vadd.f32 v6, v4  }
0x3c9: {  	v6 =	vld.idx.msk [tilespmem:v12+s31+$0x0], $0xffff;
	v12 =	vadd.s32 s20, v0;
	s20 =	sadd.s32 $0xC86, s18;
	v1 =	vadd.f32 v9, v1  }
0x3ca: {  	v9 =	vld.idx.msk [tilespmem:v10+s31+$0x0], $0xffff;
	v10 =	vadd.s32 s20, v0;
	s20 =	sadd.s32 $0x7, s18;
	v2 =	vadd.f32 v2, v4  }
0x3cb: {  	s19 =	sadd.s32 $0xC87, s18;
	v4 =	vld.idx.msk [tilespmem:v11+s31+$0x0], $0xffff;
	v11 =	vadd.s32 s20, v0;
	v1 =	vadd.f32 v5, v1  }
0x3cc: {  	v5 =	vld.idx.msk [tilespmem:v8+s31+$0x0], $0xffff;
	v8 =	vadd.s32 s19, v0;
	v2 =	vadd.f32 v7, v2  }
0x3cd: {  	v7 =	vld.idx.msk [tilespmem:v13+s31+$0x0], $0xffff;
	v1 =	vadd.f32 v3, v1  }
0x3ce: {  	v3 =	vld.idx.msk [tilespmem:v12+s31+$0x0], $0xffff;
	v2 =	vadd.f32 v6, v2  }
0x3cf: {  	v6 =	vld.idx.msk [tilespmem:v10+s31+$0x0], $0xffff;
	v1 =	vadd.f32 v9, v1  }
0x3d0: {  	v9 =	vld.idx.msk [tilespmem:v11+s31+$0x0], $0xffff;
	v2 =	vadd.f32 v4, v2  }
0x3d1: {  	v4 =	vld.idx.msk [tilespmem:v8+s31+$0x0], $0xffff;
	v1 =	vadd.f32 v5, v1  }
0x3d2: {  	v2 =	vadd.f32 v7, v2  }
0x3d3: {  	v1 =	vadd.f32 v3, v1  }
0x3d4: {  	v2 =	vadd.f32 v6, v2  }
0x3d5: {  	v1 =	vadd.f32 v9, v1  }
0x3d6: {  	s20 =	simm.s32 $0x0;
	v2 =	vadd.f32 v4, v2  }
0x3d7: {  	s19 =	simm.s32 $0xC80;
	[tilespmem:$0x12DA0] =	vst v1;
	v1 =	vadd.s32 s20, v0  }
0x3d8: {  	[tilespmem:$0x12DB0] =	vst v2;
	v2 =	vadd.s32 s19, v0;
	s20 =	simm.s32 $0x1  }
0x3d9: {  	s19 =	simm.s32 $0xC81;
	_ =	swait.ge [sflag:s12], $0x1900;
	v3 =	vadd.s32 s20, v0  }
0x3da: {  	v4 =	vadd.s32 s19, v0;
	s20 =	simm.s32 $0x2;
	[sflag:s12] =	ssyncset.done $0x0  }
0x3db: {  	s19 =	simm.s32 $0xC82;
	v5 =	vadd.s32 s20, v0;
	[sflag:s12] =	ssyncadd.s32 $0xFFFFE700  }
0x3dc: {  	v6 =	vadd.s32 s19, v0;
	s20 =	simm.s32 $0x3;
	v1 =	vld.idx.msk [tilespmem:v1+s0+$0x0], $0xffff  }
0x3dd: {  	v7 =	vld.idx.msk [tilespmem:v2+s0+$0x0], $0xffff;
	v2 =	vadd.s32 s20, v0;
	s20 =	simm.s32 $0x4  }
0x3de: {  	s19 =	simm.s32 $0xC83;
	v3 =	vld.idx.msk [tilespmem:v3+s0+$0x0], $0xffff;
	v9 =	vadd.s32 s20, v0  }
0x3df: {  	v8 =	vadd.s32 s19, v0;
	s19 =	simm.s32 $0xC84;
	v10 =	vld.idx.msk [tilespmem:v4+s0+$0x0], $0xffff  }
0x3e0: {  	s20 =	simm.s32 $0x5;
	v12 =	vld.idx.msk [tilespmem:v5+s0+$0x0], $0xffff;
	v5 =	vadd.s32 s19, v0  }
0x3e1: {  	v4 =	vimm.f32 $0.0e+00;
	v6 =	vld.idx.msk [tilespmem:v6+s0+$0x0], $0xffff;
	v13 =	vadd.s32 s20, v0;
	s19 =	simm.s32 $0xC85  }
0x3e2: {  	s20 =	simm.s32 $0x6;
	v14 =	vadd.s32 s19, v0;
	v2 =	vld.idx.msk [tilespmem:v2+s0+$0x0], $0xffff;
	v7 =	vadd.f32 v7, v4  }
0x3e3: {  	s18 =	simm.s32 $0xC86;
	v11 =	vadd.f32 v1, v4;
	v1 =	vld.idx.msk [tilespmem:v9+s0+$0x0], $0xffff;
	v9 =	vadd.s32 s20, v0  }
0x3e4: {  	s19 =	simm.s32 $0x7;
	v4 =	vld.idx.msk [tilespmem:v8+s0+$0x0], $0xffff;
	v16 =	vadd.f32 v10, v7;
	v10 =	vadd.s32 s18, v0  }
0x3e5: {  	s20 =	simm.s32 $0xC87;
	v15 =	vadd.f32 v3, v11;
	v5 =	vld.idx.msk [tilespmem:v5+s0+$0x0], $0xffff;
	v11 =	vadd.s32 s19, v0  }
0x3e6: {  	s18 =	simm.s32 $0x8;
	v3 =	vld.idx.msk [tilespmem:v13+s0+$0x0], $0xffff;
	v8 =	vadd.s32 s20, v0  }
0x3e7: {  	s20 =	simm.s32 $0xC88;
	s19 =	simm.s32 $0x10;
	v7 =	vadd.s32 s18, v0;
	v13 =	vadd.f32 v12, v15;
	v12 =	vadd.f32 v6, v16;
	v6 =	vld.idx.msk [tilespmem:v14+s0+$0x0], $0xffff  }
.LBB2_30:
0x3e8: {  	p0 =	sne.s32 s19, $0xC0;
	v14 =	vadd.s32 s20, v0;
	s20 =	sadd.s32 $0x1, s18;
	v9 =	vld.idx.msk [tilespmem:v9+s0+$0x0], $0xffff  }
0x3e9: {  	v15 =	vadd.s32 s20, v0;
	s20 =	sadd.s32 $0xC81, s18;
	v2 =	vadd.f32 v2, v13;
	v4 =	vadd.f32 v4, v12;
	v10 =	vld.idx.msk [tilespmem:v10+s0+$0x0], $0xffff  }
0x3ea: {  	v12 =	vadd.s32 s20, v0;
	s20 =	sadd.s32 $0x2, s18;
	v11 =	vld.idx.msk [tilespmem:v11+s0+$0x0], $0xffff  }
0x3eb: {  	v13 =	vadd.s32 s20, v0;
	s20 =	sadd.s32 $0xC82, s18;
	v1 =	vadd.f32 v1, v2;
	v2 =	vadd.f32 v5, v4;
	v4 =	vld.idx.msk [tilespmem:v8+s0+$0x0], $0xffff  }
0x3ec: {  	v5 =	vld.idx.msk [tilespmem:v7+s0+$0x0], $0xffff;
	v7 =	vadd.s32 s20, v0;
	s20 =	sadd.s32 $0x3, s18  }
0x3ed: {  	v8 =	vld.idx.msk [tilespmem:v14+s0+$0x0], $0xffff;
	v14 =	vadd.s32 s20, v0;
	s20 =	sadd.s32 $0xC83, s18;
	v1 =	vadd.f32 v3, v1;
	v2 =	vadd.f32 v6, v2  }
0x3ee: {  	v3 =	vld.idx.msk [tilespmem:v15+s0+$0x0], $0xffff;
	v6 =	vadd.s32 s20, v0;
	s20 =	sadd.s32 $0x4, s18  }
0x3ef: {  	v12 =	vld.idx.msk [tilespmem:v12+s0+$0x0], $0xffff;
	v15 =	vadd.s32 s20, v0;
	s20 =	sadd.s32 $0xC84, s18;
	v1 =	vadd.f32 v9, v1;
	v2 =	vadd.f32 v10, v2  }
0x3f0: {  	v13 =	vld.idx.msk [tilespmem:v13+s0+$0x0], $0xffff;
	v16 =	vadd.s32 s20, v0;
	s20 =	sadd.s32 $0x5, s18  }
0x3f1: {  	v17 =	vld.idx.msk [tilespmem:v7+s0+$0x0], $0xffff;
	v7 =	vadd.s32 s20, v0;
	s20 =	sadd.s32 $0xC85, s18;
	v1 =	vadd.f32 v11, v1;
	v4 =	vadd.f32 v4, v2  }
0x3f2: {  	v2 =	vld.idx.msk [tilespmem:v14+s0+$0x0], $0xffff;
	v14 =	vadd.s32 s20, v0;
	s20 =	sadd.s32 $0x6, s18  }
.Ltmp14:
0x3f3: {  	v5 =	vadd.f32 v5, v1;
	v8 =	vadd.f32 v8, v4;
	v4 =	vld.idx.msk [tilespmem:v6+s0+$0x0], $0xffff;
	v9 =	vadd.s32 s20, v0;
	s20 =	sadd.s32 $0xC86, s18;
	(pc) =	sbr.rel @p0 .LBB2_30-.Ltmp14, $4  }
0x3f4: {  	v1 =	vld.idx.msk [tilespmem:v15+s0+$0x0], $0xffff;
	v10 =	vadd.s32 s20, v0;
	s20 =	sadd.s32 $0x7, s18  }
0x3f5: {  	v6 =	vadd.f32 v3, v5;
	v12 =	vadd.f32 v12, v8;
	v5 =	vld.idx.msk [tilespmem:v16+s0+$0x0], $0xffff;
	v11 =	vadd.s32 s20, v0;
	s20 =	sadd.s32 $0xC87, s18;
	s18 =	smov.u32 s19  }
0x3f6: {  	v3 =	vld.idx.msk [tilespmem:v7+s0+$0x0], $0xffff;
	v8 =	vadd.s32 s20, v0  }
0x3f7: {  	s19 =	sadd.s32 $0x8, s19;
	v7 =	vadd.s32 s18, v0;
	s20 =	sadd.s32 $0xC80, s18;
	v13 =	vadd.f32 v13, v6;
	v12 =	vadd.f32 v17, v12;
	v6 =	vld.idx.msk [tilespmem:v14+s0+$0x0], $0xffff  }
0x3f8: {  	_ =	sdelay $0x2  }
0x3f9: {  	v2 =	vadd.f32 v2, v13  }
0x3fa: {  	s19 =	sadd.s32 $0x1, s18;
	v9 =	vld.idx.msk [tilespmem:v9+s0+$0x0], $0xffff;
	v13 =	vadd.s32 s20, v0;
	v4 =	vadd.f32 v4, v12  }
0x3fb: {  	v10 =	vld.idx.msk [tilespmem:v10+s0+$0x0], $0xffff;
	v12 =	vadd.s32 s19, v0;
	s20 =	sadd.s32 $0xC81, s18;
	v1 =	vadd.f32 v1, v2  }
0x3fc: {  	v11 =	vld.idx.msk [tilespmem:v11+s0+$0x0], $0xffff;
	v2 =	vadd.s32 s20, v0;
	s20 =	sadd.s32 $0x2, s18;
	v4 =	vadd.f32 v5, v4  }
0x3fd: {  	v8 =	vld.idx.msk [tilespmem:v8+s0+$0x0], $0xffff;
	v5 =	vadd.s32 s20, v0;
	s20 =	sadd.s32 $0xC82, s18;
	v1 =	vadd.f32 v3, v1  }
0x3fe: {  	v3 =	vld.idx.msk [tilespmem:v7+s0+$0x0], $0xffff;
	v7 =	vadd.s32 s20, v0;
	s20 =	sadd.s32 $0x3, s18;
	v4 =	vadd.f32 v6, v4  }
0x3ff: {  	v6 =	vld.idx.msk [tilespmem:v13+s0+$0x0], $0xffff;
	v13 =	vadd.s32 s20, v0;
	s20 =	sadd.s32 $0xC83, s18;
	v1 =	vadd.f32 v9, v1  }
0x400: {  	v9 =	vld.idx.msk [tilespmem:v12+s0+$0x0], $0xffff;
	v12 =	vadd.s32 s20, v0;
	s20 =	sadd.s32 $0x4, s18;
	v4 =	vadd.f32 v10, v4  }
0x401: {  	v2 =	vld.idx.msk [tilespmem:v2+s0+$0x0], $0xffff;
	v10 =	vadd.s32 s20, v0;
	s20 =	sadd.s32 $0xC84, s18;
	v1 =	vadd.f32 v11, v1  }
0x402: {  	v5 =	vld.idx.msk [tilespmem:v5+s0+$0x0], $0xffff;
	v11 =	vadd.s32 s20, v0;
	s20 =	sadd.s32 $0x5, s18;
	v4 =	vadd.f32 v8, v4  }
0x403: {  	v7 =	vld.idx.msk [tilespmem:v7+s0+$0x0], $0xffff;
	v8 =	vadd.s32 s20, v0;
	s20 =	sadd.s32 $0xC85, s18;
	v1 =	vadd.f32 v3, v1  }
0x404: {  	v3 =	vld.idx.msk [tilespmem:v13+s0+$0x0], $0xffff;
	v13 =	vadd.s32 s20, v0;
	s20 =	sadd.s32 $0x6, s18;
	v4 =	vadd.f32 v6, v4  }
0x405: {  	v6 =	vld.idx.msk [tilespmem:v12+s0+$0x0], $0xffff;
	v12 =	vadd.s32 s20, v0;
	s20 =	sadd.s32 $0xC86, s18;
	v1 =	vadd.f32 v9, v1  }
0x406: {  	v9 =	vld.idx.msk [tilespmem:v10+s0+$0x0], $0xffff;
	v10 =	vadd.s32 s20, v0;
	s20 =	sadd.s32 $0x7, s18;
	v2 =	vadd.f32 v2, v4  }
0x407: {  	s19 =	sadd.s32 $0xC87, s18;
	v4 =	vld.idx.msk [tilespmem:v11+s0+$0x0], $0xffff;
	v11 =	vadd.s32 s20, v0;
	v1 =	vadd.f32 v5, v1  }
0x408: {  	v5 =	vld.idx.msk [tilespmem:v8+s0+$0x0], $0xffff;
	v8 =	vadd.s32 s19, v0;
	v2 =	vadd.f32 v7, v2  }
0x409: {  	v7 =	vld.idx.msk [tilespmem:v13+s0+$0x0], $0xffff;
	v1 =	vadd.f32 v3, v1  }
0x40a: {  	v3 =	vld.idx.msk [tilespmem:v12+s0+$0x0], $0xffff;
	v2 =	vadd.f32 v6, v2  }
0x40b: {  	v6 =	vld.idx.msk [tilespmem:v10+s0+$0x0], $0xffff;
	v1 =	vadd.f32 v9, v1  }
0x40c: {  	v9 =	vld.idx.msk [tilespmem:v11+s0+$0x0], $0xffff;
	v2 =	vadd.f32 v4, v2  }
0x40d: {  	v4 =	vld.idx.msk [tilespmem:v8+s0+$0x0], $0xffff;
	v1 =	vadd.f32 v5, v1  }
0x40e: {  	v2 =	vadd.f32 v7, v2  }
0x40f: {  	v1 =	vadd.f32 v3, v1  }
0x410: {  	v2 =	vadd.f32 v6, v2  }
0x411: {  	v1 =	vadd.f32 v9, v1  }
0x412: {  	s20 =	simm.s32 $0x0;
	v2 =	vadd.f32 v4, v2  }
0x413: {  	s19 =	simm.s32 $0xC80;
	[tilespmem:$0x12DC0] =	vst v1;
	v1 =	vadd.s32 s20, v0  }
0x414: {  	[tilespmem:$0x12DD0] =	vst v2;
	v2 =	vadd.s32 s19, v0;
	s20 =	simm.s32 $0x1  }
0x415: {  	s19 =	simm.s32 $0xC81;
	_ =	swait.ge [sflag:s13], $0x1900;
	v3 =	vadd.s32 s20, v0  }
0x416: {  	v4 =	vadd.s32 s19, v0;
	s20 =	simm.s32 $0x2;
	[sflag:s13] =	ssyncset.done $0x0  }
0x417: {  	s19 =	simm.s32 $0xC82;
	v5 =	vadd.s32 s20, v0;
	[sflag:s13] =	ssyncadd.s32 $0xFFFFE700  }
0x418: {  	v6 =	vadd.s32 s19, v0;
	s20 =	simm.s32 $0x3;
	v1 =	vld.idx.msk [tilespmem:v1+s5+$0x0], $0xffff  }
0x419: {  	v7 =	vld.idx.msk [tilespmem:v2+s5+$0x0], $0xffff;
	v2 =	vadd.s32 s20, v0;
	s20 =	simm.s32 $0x4  }
0x41a: {  	s19 =	simm.s32 $0xC83;
	v3 =	vld.idx.msk [tilespmem:v3+s5+$0x0], $0xffff;
	v9 =	vadd.s32 s20, v0  }
0x41b: {  	v8 =	vadd.s32 s19, v0;
	s19 =	simm.s32 $0xC84;
	v10 =	vld.idx.msk [tilespmem:v4+s5+$0x0], $0xffff  }
0x41c: {  	s20 =	simm.s32 $0x5;
	v12 =	vld.idx.msk [tilespmem:v5+s5+$0x0], $0xffff;
	v5 =	vadd.s32 s19, v0  }
0x41d: {  	v4 =	vimm.f32 $0.0e+00;
	v6 =	vld.idx.msk [tilespmem:v6+s5+$0x0], $0xffff;
	v13 =	vadd.s32 s20, v0;
	s19 =	simm.s32 $0xC85  }
0x41e: {  	s20 =	simm.s32 $0x6;
	v14 =	vadd.s32 s19, v0;
	v2 =	vld.idx.msk [tilespmem:v2+s5+$0x0], $0xffff;
	v7 =	vadd.f32 v7, v4  }
0x41f: {  	s18 =	simm.s32 $0xC86;
	v11 =	vadd.f32 v1, v4;
	v1 =	vld.idx.msk [tilespmem:v9+s5+$0x0], $0xffff;
	v9 =	vadd.s32 s20, v0  }
0x420: {  	s19 =	simm.s32 $0x7;
	v4 =	vld.idx.msk [tilespmem:v8+s5+$0x0], $0xffff;
	v16 =	vadd.f32 v10, v7;
	v10 =	vadd.s32 s18, v0  }
0x421: {  	s20 =	simm.s32 $0xC87;
	v15 =	vadd.f32 v3, v11;
	v5 =	vld.idx.msk [tilespmem:v5+s5+$0x0], $0xffff;
	v11 =	vadd.s32 s19, v0  }
0x422: {  	s18 =	simm.s32 $0x8;
	v3 =	vld.idx.msk [tilespmem:v13+s5+$0x0], $0xffff;
	v8 =	vadd.s32 s20, v0  }
0x423: {  	s20 =	simm.s32 $0xC88;
	s19 =	simm.s32 $0x10;
	v7 =	vadd.s32 s18, v0;
	v13 =	vadd.f32 v12, v15;
	v12 =	vadd.f32 v6, v16;
	v6 =	vld.idx.msk [tilespmem:v14+s5+$0x0], $0xffff  }
.LBB2_32:
0x424: {  	p0 =	sne.s32 s19, $0xC0;
	v14 =	vadd.s32 s20, v0;
	s20 =	sadd.s32 $0x1, s18;
	v9 =	vld.idx.msk [tilespmem:v9+s5+$0x0], $0xffff  }
0x425: {  	v15 =	vadd.s32 s20, v0;
	s20 =	sadd.s32 $0xC81, s18;
	v2 =	vadd.f32 v2, v13;
	v4 =	vadd.f32 v4, v12;
	v10 =	vld.idx.msk [tilespmem:v10+s5+$0x0], $0xffff  }
0x426: {  	v12 =	vadd.s32 s20, v0;
	s20 =	sadd.s32 $0x2, s18;
	v11 =	vld.idx.msk [tilespmem:v11+s5+$0x0], $0xffff  }
0x427: {  	v13 =	vadd.s32 s20, v0;
	s20 =	sadd.s32 $0xC82, s18;
	v1 =	vadd.f32 v1, v2;
	v2 =	vadd.f32 v5, v4;
	v4 =	vld.idx.msk [tilespmem:v8+s5+$0x0], $0xffff  }
0x428: {  	v5 =	vld.idx.msk [tilespmem:v7+s5+$0x0], $0xffff;
	v7 =	vadd.s32 s20, v0;
	s20 =	sadd.s32 $0x3, s18  }
0x429: {  	v8 =	vld.idx.msk [tilespmem:v14+s5+$0x0], $0xffff;
	v14 =	vadd.s32 s20, v0;
	s20 =	sadd.s32 $0xC83, s18;
	v1 =	vadd.f32 v3, v1;
	v2 =	vadd.f32 v6, v2  }
0x42a: {  	v3 =	vld.idx.msk [tilespmem:v15+s5+$0x0], $0xffff;
	v6 =	vadd.s32 s20, v0;
	s20 =	sadd.s32 $0x4, s18  }
0x42b: {  	v12 =	vld.idx.msk [tilespmem:v12+s5+$0x0], $0xffff;
	v15 =	vadd.s32 s20, v0;
	s20 =	sadd.s32 $0xC84, s18;
	v1 =	vadd.f32 v9, v1;
	v2 =	vadd.f32 v10, v2  }
0x42c: {  	v13 =	vld.idx.msk [tilespmem:v13+s5+$0x0], $0xffff;
	v16 =	vadd.s32 s20, v0;
	s20 =	sadd.s32 $0x5, s18  }
0x42d: {  	v17 =	vld.idx.msk [tilespmem:v7+s5+$0x0], $0xffff;
	v7 =	vadd.s32 s20, v0;
	s20 =	sadd.s32 $0xC85, s18;
	v1 =	vadd.f32 v11, v1;
	v4 =	vadd.f32 v4, v2  }
0x42e: {  	v2 =	vld.idx.msk [tilespmem:v14+s5+$0x0], $0xffff;
	v14 =	vadd.s32 s20, v0;
	s20 =	sadd.s32 $0x6, s18  }
.Ltmp15:
0x42f: {  	v5 =	vadd.f32 v5, v1;
	v8 =	vadd.f32 v8, v4;
	v4 =	vld.idx.msk [tilespmem:v6+s5+$0x0], $0xffff;
	v9 =	vadd.s32 s20, v0;
	s20 =	sadd.s32 $0xC86, s18;
	(pc) =	sbr.rel @p0 .LBB2_32-.Ltmp15, $4  }
0x430: {  	v1 =	vld.idx.msk [tilespmem:v15+s5+$0x0], $0xffff;
	v10 =	vadd.s32 s20, v0;
	s20 =	sadd.s32 $0x7, s18  }
0x431: {  	v6 =	vadd.f32 v3, v5;
	v12 =	vadd.f32 v12, v8;
	v5 =	vld.idx.msk [tilespmem:v16+s5+$0x0], $0xffff;
	v11 =	vadd.s32 s20, v0;
	s20 =	sadd.s32 $0xC87, s18;
	s18 =	smov.u32 s19  }
0x432: {  	v3 =	vld.idx.msk [tilespmem:v7+s5+$0x0], $0xffff;
	v8 =	vadd.s32 s20, v0  }
0x433: {  	s19 =	sadd.s32 $0x8, s19;
	v7 =	vadd.s32 s18, v0;
	s20 =	sadd.s32 $0xC80, s18;
	v13 =	vadd.f32 v13, v6;
	v12 =	vadd.f32 v17, v12;
	v6 =	vld.idx.msk [tilespmem:v14+s5+$0x0], $0xffff  }
0x434: {  	_ =	sdelay $0x2  }
0x435: {  	v2 =	vadd.f32 v2, v13  }
0x436: {  	v40 =	vadd.s32 s20, v0;
	s19 =	sadd.s32 $0x1, s18;
	v9 =	vld.idx.msk [tilespmem:v9+s5+$0x0], $0xffff;
	v4 =	vadd.f32 v4, v12  }
0x437: {  	s20 =	sadd.s32 $0xC81, s18;
	v10 =	vld.idx.msk [tilespmem:v10+s5+$0x0], $0xffff;
	v41 =	vadd.s32 s19, v0;
	v1 =	vadd.f32 v1, v2  }
0x438: {  	v11 =	vld.idx.msk [tilespmem:v11+s5+$0x0], $0xffff;
	v2 =	vadd.s32 s20, v0;
	s20 =	sadd.s32 $0x2, s18;
	v4 =	vadd.f32 v5, v4  }
0x439: {  	v8 =	vld.idx.msk [tilespmem:v8+s5+$0x0], $0xffff;
	v42 =	vadd.s32 s20, v0;
	s20 =	sadd.s32 $0xC82, s18;
	v1 =	vadd.f32 v3, v1  }
0x43a: {  	v3 =	vld.idx.msk [tilespmem:v7+s5+$0x0], $0xffff;
	v43 =	vadd.s32 s20, v0;
	s20 =	sadd.s32 $0x3, s18;
	v4 =	vadd.f32 v6, v4  }
0x43b: {  	v44 =	vld.idx.msk [tilespmem:v40+s5+$0x0], $0xffff;
	v45 =	vadd.s32 s20, v0;
	s20 =	sadd.s32 $0xC83, s18;
	v1 =	vadd.f32 v9, v1  }
0x43c: {  	v46 =	vld.idx.msk [tilespmem:v41+s5+$0x0], $0xffff;
	v47 =	vadd.s32 s20, v0;
	s20 =	sadd.s32 $0x4, s18;
	v4 =	vadd.f32 v10, v4  }
0x43d: {  	v2 =	vld.idx.msk [tilespmem:v2+s5+$0x0], $0xffff;
	v48 =	vadd.s32 s20, v0;
	s20 =	sadd.s32 $0xC84, s18;
	v1 =	vadd.f32 v11, v1  }
0x43e: {  	v5 =	vld.idx.msk [tilespmem:v42+s5+$0x0], $0xffff;
	v49 =	vadd.s32 s20, v0;
	s20 =	sadd.s32 $0x5, s18;
	v4 =	vadd.f32 v8, v4  }
0x43f: {  	v7 =	vld.idx.msk [tilespmem:v43+s5+$0x0], $0xffff;
	v50 =	vadd.s32 s20, v0;
	s20 =	sadd.s32 $0xC85, s18;
	v1 =	vadd.f32 v3, v1  }
0x440: {  	v3 =	vld.idx.msk [tilespmem:v45+s5+$0x0], $0xffff;
	v51 =	vadd.s32 s20, v0;
	s20 =	sadd.s32 $0x6, s18;
	v4 =	vadd.f32 v44, v4  }
0x441: {  	v52 =	vld.idx.msk [tilespmem:v47+s5+$0x0], $0xffff;
	v53 =	vadd.s32 s20, v0;
	s20 =	sadd.s32 $0xC86, s18;
	v1 =	vadd.f32 v46, v1  }
0x442: {  	v54 =	vld.idx.msk [tilespmem:v48+s5+$0x0], $0xffff;
	v55 =	vadd.s32 s20, v0;
	s20 =	sadd.s32 $0x7, s18;
	v2 =	vadd.f32 v2, v4  }
0x443: {  	v56 =	vld.idx.msk [tilespmem:v49+s5+$0x0], $0xffff;
	v57 =	vadd.s32 s20, v0;
	s20 =	sadd.s32 $0xC87, s18;
	v1 =	vadd.f32 v5, v1  }
0x444: {  	v58 =	vld.idx.msk [tilespmem:v50+s5+$0x0], $0xffff;
	v59 =	vadd.s32 s20, v0;
	v2 =	vadd.f32 v7, v2  }
0x445: {  	v60 =	vld.idx.msk [tilespmem:v51+s5+$0x0], $0xffff;
	v1 =	vadd.f32 v3, v1  }
0x446: {  	v3 =	vld.idx.msk [tilespmem:v53+s5+$0x0], $0xffff;
	v2 =	vadd.f32 v52, v2  }
0x447: {  	v61 =	vld.idx.msk [tilespmem:v55+s5+$0x0], $0xffff;
	v1 =	vadd.f32 v54, v1  }
0x448: {  	v62 =	vld.idx.msk [tilespmem:v57+s5+$0x0], $0xffff;
	v2 =	vadd.f32 v56, v2  }
0x449: {  	v63 =	vld.idx.msk [tilespmem:v59+s5+$0x0], $0xffff;
	v1 =	vadd.f32 v58, v1  }
0x44a: {  	v2 =	vadd.f32 v60, v2  }
0x44b: {  	v1 =	vadd.f32 v3, v1  }
0x44c: {  	v2 =	vadd.f32 v61, v2  }
0x44d: {  	v1 =	vadd.f32 v62, v1  }
0x44e: {  	s17 =	sadd.s32 $0x1, s17;
	v2 =	vadd.f32 v63, v2  }
0x44f: {  	p0 =	sne.s32 s17, s21;
	[tilespmem:$0x12DE0] =	vst v1  }
.Ltmp16:
0x450: {  	s19 =	rddreg [dreg:$0x13];
	s20 =	simm.s32 $0x12C00;
	[tilespmem:$0x12DF0] =	vst v2;
	(pc) =	sbr.rel @p0 .LBB2_1-.Ltmp16, $4  }
0x451: {  	[hbm4b:s19+s2] =	stream.linear.scatter [tilespmem:s20], [sflag:$0xD], $0x200, $0x38;
	[tilespmem:$0x12E00] =	vst v63  }
0x452: {  	_ =	swait.ge [sflag:s16], $0x200  }
0x453: {  	[sflag:s16] =	ssyncset.done $0x0  }
0x454: {  	[sflag:s16] =	ssyncadd.s32 $0xFFFFFE00  }
0x455: {  	_ =	sfence.sel $0x180000  }
0x456: {  	[bflag:$0x0] =	sbarrier.arrive $0xFFFF  }
0x457: {  	_ =	strace $0x90000047  }
0x458: {  	s0 =	stileid.u32;
	[bflag:$0x2] =	sbarrier.arrive $0xFFFF  }
0x459: {  	p0 =	sne.s32 s0, $0x0;
	s0 =	rddreg [dreg:$0x2]  }
0x45a: {  	s0 =	sadd.s32 @!p0 $0x100000, s0  }
0x45b: {  	[sflag:s0] =	ssyncadd.tile.s32 @!p0 $0x1;
	_ =	shalt  }
.Lfunc_end2:
_tile_overlayer_lowered:
.L_overlay_start_2:
0x45c: {  	(tag) =	ssettag $0x2  }
0x45d: {  	s0 =	rddreg [dreg:$0x0];
	s2 =	stileid.u32  }
0x45e: {  	s1 =	rddreg [dreg:$0x1];
	p0 =	sne.s32 s2, $0x0  }
0x45f: {  	s3 =	rddreg [dreg:$0x2];
	[bflag:$0x3] =	sbarrier.arrive $0xFFFF;
	s2 =	simm.s32 @!p0 $0x1C0D  }
0x460: {  	[timem:s3], [sflag:s2] =	dma.local @!p0 [hbm:s0], s1  }
0x461: {  	s0 =	simm.s32 @!p0 $0xD  }
0x462: {  	_ =	swait.ge @!p0 [sflag:s0], s1  }
0x463: {  	s1 =	ssub.s32 @!p0 $0x0, s1;
	[sflag:s0] =	ssyncset.done @!p0 $0x0  }
0x464: {  	[sflag:s0] =	ssyncadd.s32 @!p0 s1  }
0x465: {  	[bflag:$0x3] =	sbarrier.arrive $0xFFFF  }
0x466: {  	_ =	shalt  }

</sc_bundles>
